<compile_context>
chip_gen: v7x
topology: tpu7x:2x2x1
jax: 0.10.2.dev20260603
libtpu: 0.0.44.dev20260713+nightly
codegen_flags: <defaults>
</compile_context>

<pallas_src>
import jax
import jax.numpy as jnp
from jax import lax
from jax.experimental import pallas as pl
from jax.experimental.pallas import tpu as pltpu
from jax.experimental.pallas import tpu_sc as plsc

COUNT_DIM = 100
N_EMBD = 64
BATCH = 16384
NVALS = 100

L = 16
NC = 2
NS = 16
NW = NC * NS
CB = 512
NCHUNK = BATCH // CB
ITEMS = COUNT_DIM * NCHUNK
IPW = ITEMS // NW
TSTRIDE = N_EMBD + 1


def _sc_body(cntT_hbm, val_hbm, bit_hbm, out_hbm,
             val_v, bit_v, tab_v, cb0, cb1, ob0, ob1,
             sem0, sem1, csem0, csem1):
    wid = lax.axis_index("s") * NC + lax.axis_index("c")

    pltpu.sync_copy(val_hbm, val_v)
    pltpu.sync_copy(bit_hbm, bit_v)

    def cnt_slice(t):
        item = wid * IPW + t
        d = item // NCHUNK
        b0 = (item - d * NCHUNK) * CB
        return cntT_hbm.at[d, pl.ds(b0, CB)]

    pltpu.async_copy(cnt_slice(0), cb0, csem0)

    def do_item(t, cnt_v, csem, pf_t, pf_cb, pf_csem, ob, sem, first):
        item = wid * IPW + t
        d = item // NCHUNK
        ch = item - d * NCHUNK
        b0 = ch * CB

        pltpu.make_async_copy(cnt_slice(t), cnt_v, csem).wait()
        pltpu.async_copy(cnt_slice(pf_t), pf_cb, pf_csem)

        @pl.when(jnp.logical_or(ch == 0, t == 0))
        def _build():
            brow = [bit_v[pl.ds(d * N_EMBD + L * j, L)] for j in range(4)]

            @plsc.parallel_loop(0, NVALS, unroll=4)
            def build_body(v):
                for j in range(4):
                    tab_v[pl.ds(v * TSTRIDE + L * j, L)] = (
                        val_v[pl.ds(v * N_EMBD + L * j, L)] + brow[j])

        @pl.when(jnp.logical_not(first))
        def _drain():
            pltpu.make_async_copy(ob, out_hbm.at[0, :, pl.ds(0, CB)], sem).wait()

        @plsc.parallel_loop(0, CB // L, unroll=2)
        def group_body(g):
            cbase = cnt_v[pl.ds(g * L, L)] * TSTRIDE
            for e in range(N_EMBD):
                ob[e, pl.ds(g * L, L)] = plsc.load_gather(tab_v, [cbase + e])

        pltpu.async_copy(ob, out_hbm.at[d, :, pl.ds(b0, CB)], sem)

    def pair_body(t2, carry):
        ta = 2 * t2
        tb = 2 * t2 + 1
        tb_pf = jnp.minimum(tb + 1, IPW - 1)
        do_item(ta, cb0, csem0, tb, cb1, csem1, ob0, sem0, t2 == 0)
        do_item(tb, cb1, csem1, tb_pf, cb0, csem0, ob1, sem1, t2 == 0)
        return carry

    lax.fori_loop(0, IPW // 2, pair_body, 0, unroll=False)

    pltpu.make_async_copy(cnt_slice(0), cb0, csem0).wait()
    pltpu.make_async_copy(ob0, out_hbm.at[0, :, pl.ds(0, CB)], sem0).wait()
    pltpu.make_async_copy(ob1, out_hbm.at[0, :, pl.ds(0, CB)], sem1).wait()


def kernel(count, val_emb, bit_emb):
    cnt_t = count.astype(jnp.int32).T
    val_flat = val_emb.reshape(-1)
    bit_flat = bit_emb.reshape(-1)

    mesh = plsc.VectorSubcoreMesh(core_axis_name="c", subcore_axis_name="s")
    f = pl.kernel(
        _sc_body,
        mesh=mesh,
        compiler_params=pltpu.CompilerParams(needs_layout_passes=False),
        out_type=jax.ShapeDtypeStruct((COUNT_DIM, N_EMBD, BATCH), jnp.float32),
        scratch_types=[
            pltpu.VMEM((NVALS * N_EMBD,), jnp.float32),
            pltpu.VMEM((COUNT_DIM * N_EMBD,), jnp.float32),
            pltpu.VMEM((NVALS * TSTRIDE,), jnp.float32),
            pltpu.VMEM((CB,), jnp.int32),
            pltpu.VMEM((CB,), jnp.int32),
            pltpu.VMEM((N_EMBD, CB), jnp.float32),
            pltpu.VMEM((N_EMBD, CB), jnp.float32),
            pltpu.SemaphoreType.DMA,
            pltpu.SemaphoreType.DMA,
            pltpu.SemaphoreType.DMA,
            pltpu.SemaphoreType.DMA,
        ],
    )
    out3 = f(cnt_t, val_flat, bit_flat)
    return jnp.transpose(out3, (2, 0, 1))

# --- scband reference (transcript-rebuilt; emitter-appended) ---
"""Pipeline reference for scband-count-embedding-37306085933185 (READ-ONLY COPY).

The authoritative reference and input builder live on the scoring server;
editing this copy changes nothing except your own understanding.
"""

import jax, jax.numpy as jnp
import numpy as np

COUNT_DIM = 100
N_EMBD = 64
BATCH = 16384

def setup_inputs(seed: int = 0) -> dict:
    key = jax.random.key(seed)
    k1, k2, k3 = jax.random.split(key, 3)
    count = jax.random.randint(k1, (BATCH, COUNT_DIM), 0, 100, dtype=jnp.int64 if jax.config.jax_enable_x64 else jnp.int32)
    val_emb = jax.random.normal(k2, (100, N_EMBD), dtype=jnp.float32)
    bit_emb = jax.random.normal(k3, (COUNT_DIM, N_EMBD), dtype=jnp.float32)
    return {"count": count, "val_emb": val_emb, "bit_emb": bit_emb}

def reference(count, val_emb, bit_emb):
    # embed = val_emb(count)  -> gather rows of val_emb by count values
    embed = jnp.take(val_emb, count.astype(jnp.int32), axis=0)  # [B, count_dim, n_embd]
    # embed += bit_emb(arange(count_dim)).unsqueeze(0)
    pos = jnp.take(bit_emb, jnp.arange(COUNT_DIM), axis=0)  # [count_dim, n_embd]
    embed = embed + pos[None, :, :]
    return embed

if __name__ == "__main__":
    import jax
    _d = setup_inputs()
    print(jax.jit(kernel)(*tuple(_d.values())))

</pallas_src>

<mosaic_0001>
#map = affine_map<(d0, d1) -> (0, 0)>
#map1 = affine_map<(d0, d1) -> (0)>
#map2 = affine_map<(d0, d1) -> (0, 0, 0)>
module attributes {stable_mosaic.version = 14 : i64} {
  func.func @_sc_body(%arg0: i32, %arg1: i32, %arg2: memref<100x16384xi32, #tpu.memory_space<hbm>>, %arg3: memref<6400xf32, #tpu.memory_space<hbm>>, %arg4: memref<6400xf32, #tpu.memory_space<hbm>>, %arg5: memref<100x64x16384xf32, #tpu.memory_space<hbm>>, %arg6: memref<6400xf32, #tpu.memory_space<vmem>>, %arg7: memref<6400xf32, #tpu.memory_space<vmem>>, %arg8: memref<6500xf32, #tpu.memory_space<vmem>>, %arg9: memref<512xi32, #tpu.memory_space<vmem>>, %arg10: memref<512xi32, #tpu.memory_space<vmem>>, %arg11: memref<64x512xf32, #tpu.memory_space<vmem>>, %arg12: memref<64x512xf32, #tpu.memory_space<vmem>>, %arg13: memref<!tpu.dma_semaphore, #tpu.memory_space<semaphore_mem>>, %arg14: memref<!tpu.dma_semaphore, #tpu.memory_space<semaphore_mem>>, %arg15: memref<!tpu.dma_semaphore, #tpu.memory_space<semaphore_mem>>, %arg16: memref<!tpu.dma_semaphore, #tpu.memory_space<semaphore_mem>>) attributes {dimension_semantics = [#tpu.dimension_semantics<core_parallel>, #tpu.dimension_semantics<subcore_parallel>], iteration_bounds = array<i64: 2, 16>, scalar_prefetch = 0 : i64, scratch_operands = 11 : i64, tpu.core_type = #tpu.core_type<sc_vector_subcore>, window_params = [{transform_indices = #map}, {transform_indices = #map1}, {transform_indices = #map1}, {transform_indices = #map2}]} {
    %mul3A = arith.constant 2 : i32
    %mul3A_0 = arith.muli %arg1, %mul3A : i32
    %add3A = arith.addi %mul3A_0, %arg0 : i32
    "tpu.region"() ({
      %run_scoped3A = tpu.sem_alloc : memref<!tpu.dma_semaphore, #tpu.memory_space<semaphore_mem>>
      tpu.enqueue_dma source(%arg3 : memref<6400xf32, #tpu.memory_space<hbm>>) target(%arg6 : memref<6400xf32, #tpu.memory_space<vmem>>) target_semaphore(%run_scoped3A : memref<!tpu.dma_semaphore, #tpu.memory_space<semaphore_mem>>)
      tpu.wait_dma2 semaphore(%run_scoped3A : memref<!tpu.dma_semaphore, #tpu.memory_space<semaphore_mem>>) src(%arg3 : memref<6400xf32, #tpu.memory_space<hbm>>) dst(%arg6 : memref<6400xf32, #tpu.memory_space<vmem>>)
      tpu.yield
    }) : () -> ()
    "tpu.region"() ({
      %run_scoped3A = tpu.sem_alloc : memref<!tpu.dma_semaphore, #tpu.memory_space<semaphore_mem>>
      tpu.enqueue_dma source(%arg4 : memref<6400xf32, #tpu.memory_space<hbm>>) target(%arg7 : memref<6400xf32, #tpu.memory_space<vmem>>) target_semaphore(%run_scoped3A : memref<!tpu.dma_semaphore, #tpu.memory_space<semaphore_mem>>)
      tpu.wait_dma2 semaphore(%run_scoped3A : memref<!tpu.dma_semaphore, #tpu.memory_space<semaphore_mem>>) src(%arg4 : memref<6400xf32, #tpu.memory_space<hbm>>) dst(%arg7 : memref<6400xf32, #tpu.memory_space<vmem>>)
      tpu.yield
    }) : () -> ()
    %mul3A_1 = arith.constant 100 : i32
    %mul3A_2 = arith.muli %add3A, %mul3A_1 : i32
    %add3A_3 = arith.constant 0 : i32
    %add3A_4 = arith.addi %mul3A_2, %add3A_3 : i32
    %jit3A = arith.constant 32 : i32
    %div3A = arith.divsi %add3A_4, %jit3A : i32
    %sign3A = arith.constant 0 : i32
    %sign3A_5 = arith.cmpi sgt, %add3A_4, %sign3A : i32
    %sign3A_6 = arith.extui %sign3A_5 : i1 to i32
    %sign3A_7 = arith.constant 0 : i32
    %sign3A_8 = arith.cmpi slt, %add3A_4, %sign3A_7 : i32
    %sign3A_9 = arith.extui %sign3A_8 : i1 to i32
    %sign3A_10 = arith.subi %sign3A_6, %sign3A_9 : i32
    %sign3A_11 = arith.constant 0 : i32
    %sign3A_12 = arith.cmpi sgt, %jit3A, %sign3A_11 : i32
    %sign3A_13 = arith.extui %sign3A_12 : i1 to i32
    %sign3A_14 = arith.constant 0 : i32
    %sign3A_15 = arith.cmpi slt, %jit3A, %sign3A_14 : i32
    %sign3A_16 = arith.extui %sign3A_15 : i1 to i32
    %sign3A_17 = arith.subi %sign3A_13, %sign3A_16 : i32
    %ne3A = arith.cmpi ne, %sign3A_10, %sign3A_17 : i32
    %rem3A = arith.remsi %add3A_4, %jit3A : i32
    %ne3A_18 = arith.constant 0 : i32
    %ne3A_19 = arith.cmpi ne, %rem3A, %ne3A_18 : i32
    %and3A = arith.andi %ne3A, %ne3A_19 : i1
    %sub3A = arith.constant 1 : i32
    %sub3A_20 = arith.subi %div3A, %sub3A : i32
    %select_n3A = arith.select %and3A, %sub3A_20, %div3A : i32
    %mul3A_21 = arith.constant 32 : i32
    %mul3A_22 = arith.muli %select_n3A, %mul3A_21 : i32
    %sub3A_23 = arith.subi %add3A_4, %mul3A_22 : i32
    %mul3A_24 = arith.constant 512 : i32
    %mul3A_25 = arith.muli %sub3A_23, %mul3A_24 : i32
    %dma_start3A = tpu.memref_slice %arg2[%select_n3A, %mul3A_25] : memref<100x16384xi32, #tpu.memory_space<hbm>> -> memref<1x512xi32, #tpu.memory_space<hbm>>
    %dma_start3A_26 = tpu.memref_squeeze %dma_start3A : memref<1x512xi32, #tpu.memory_space<hbm>> -> memref<512xi32, #tpu.memory_space<hbm>>
    %dma_start3A_27 = tpu.memref_slice %arg2[%select_n3A, %mul3A_25] : memref<100x16384xi32, #tpu.memory_space<hbm>> -> memref<1x512xi32, #tpu.memory_space<hbm>>
    %dma_start3A_28 = tpu.memref_squeeze %dma_start3A_27 : memref<1x512xi32, #tpu.memory_space<hbm>> -> memref<512xi32, #tpu.memory_space<hbm>>
    tpu.enqueue_dma source(%dma_start3A_28 : memref<512xi32, #tpu.memory_space<hbm>>) target(%arg9 : memref<512xi32, #tpu.memory_space<vmem>>) target_semaphore(%arg15 : memref<!tpu.dma_semaphore, #tpu.memory_space<semaphore_mem>>)
    %scan3A = arith.constant 0 : i32
    %scan3A_29 = arith.constant 0 : i32
    %scan3A_30 = arith.constant 50 : i32
    %scan3A_31 = arith.addi %scan3A_29, %scan3A_30 : i32
    %scan3A_32 = arith.constant 1 : i32
    scf.for %scan3A_88 = %scan3A_29 to %scan3A_31 step %scan3A_32  : i32 {
      %mul3A_89 = arith.constant 2 : i32
      %mul3A_90 = arith.muli %mul3A_89, %scan3A_88 : i32
      %mul3A_91 = arith.constant 2 : i32
      %mul3A_92 = arith.muli %mul3A_91, %scan3A_88 : i32
      %add3A_93 = arith.constant 1 : i32
      %add3A_94 = arith.addi %mul3A_92, %add3A_93 : i32
      %add3A_95 = arith.constant 1 : i32
      %add3A_96 = arith.addi %add3A_94, %add3A_95 : i32
      %min3A = arith.constant 99 : i32
      %min3A_97 = arith.minsi %add3A_96, %min3A : i32
      %eq3A = arith.constant 0 : i32
      %eq3A_98 = arith.cmpi eq, %scan3A_88, %eq3A : i32
      %mul3A_99 = arith.constant 100 : i32
      %mul3A_100 = arith.muli %add3A, %mul3A_99 : i32
      %add3A_101 = arith.addi %mul3A_100, %mul3A_90 : i32
      %jit3A_102 = arith.constant 32 : i32
      %div3A_103 = arith.divsi %add3A_101, %jit3A_102 : i32
      %sign3A_104 = arith.constant 0 : i32
      %sign3A_105 = arith.cmpi sgt, %add3A_101, %sign3A_104 : i32
      %sign3A_106 = arith.extui %sign3A_105 : i1 to i32
      %sign3A_107 = arith.constant 0 : i32
      %sign3A_108 = arith.cmpi slt, %add3A_101, %sign3A_107 : i32
      %sign3A_109 = arith.extui %sign3A_108 : i1 to i32
      %sign3A_110 = arith.subi %sign3A_106, %sign3A_109 : i32
      %sign3A_111 = arith.constant 0 : i32
      %sign3A_112 = arith.cmpi sgt, %jit3A_102, %sign3A_111 : i32
      %sign3A_113 = arith.extui %sign3A_112 : i1 to i32
      %sign3A_114 = arith.constant 0 : i32
      %sign3A_115 = arith.cmpi slt, %jit3A_102, %sign3A_114 : i32
      %sign3A_116 = arith.extui %sign3A_115 : i1 to i32
      %sign3A_117 = arith.subi %sign3A_113, %sign3A_116 : i32
      %ne3A_118 = arith.cmpi ne, %sign3A_110, %sign3A_117 : i32
      %rem3A_119 = arith.remsi %add3A_101, %jit3A_102 : i32
      %ne3A_120 = arith.constant 0 : i32
      %ne3A_121 = arith.cmpi ne, %rem3A_119, %ne3A_120 : i32
      %and3A_122 = arith.andi %ne3A_118, %ne3A_121 : i1
      %sub3A_123 = arith.constant 1 : i32
      %sub3A_124 = arith.subi %div3A_103, %sub3A_123 : i32
      %select_n3A_125 = arith.select %and3A_122, %sub3A_124, %div3A_103 : i32
      %mul3A_126 = arith.constant 32 : i32
      %mul3A_127 = arith.muli %select_n3A_125, %mul3A_126 : i32
      %sub3A_128 = arith.subi %add3A_101, %mul3A_127 : i32
      %mul3A_129 = arith.constant 512 : i32
      %mul3A_130 = arith.muli %sub3A_128, %mul3A_129 : i32
      %mul3A_131 = arith.constant 100 : i32
      %mul3A_132 = arith.muli %add3A, %mul3A_131 : i32
      %add3A_133 = arith.addi %mul3A_132, %mul3A_90 : i32
      %jit3A_134 = arith.constant 32 : i32
      %div3A_135 = arith.divsi %add3A_133, %jit3A_134 : i32
      %sign3A_136 = arith.constant 0 : i32
      %sign3A_137 = arith.cmpi sgt, %add3A_133, %sign3A_136 : i32
      %sign3A_138 = arith.extui %sign3A_137 : i1 to i32
      %sign3A_139 = arith.constant 0 : i32
      %sign3A_140 = arith.cmpi slt, %add3A_133, %sign3A_139 : i32
      %sign3A_141 = arith.extui %sign3A_140 : i1 to i32
      %sign3A_142 = arith.subi %sign3A_138, %sign3A_141 : i32
      %sign3A_143 = arith.constant 0 : i32
      %sign3A_144 = arith.cmpi sgt, %jit3A_134, %sign3A_143 : i32
      %sign3A_145 = arith.extui %sign3A_144 : i1 to i32
      %sign3A_146 = arith.constant 0 : i32
      %sign3A_147 = arith.cmpi slt, %jit3A_134, %sign3A_146 : i32
      %sign3A_148 = arith.extui %sign3A_147 : i1 to i32
      %sign3A_149 = arith.subi %sign3A_145, %sign3A_148 : i32
      %ne3A_150 = arith.cmpi ne, %sign3A_142, %sign3A_149 : i32
      %rem3A_151 = arith.remsi %add3A_133, %jit3A_134 : i32
      %ne3A_152 = arith.constant 0 : i32
      %ne3A_153 = arith.cmpi ne, %rem3A_151, %ne3A_152 : i32
      %and3A_154 = arith.andi %ne3A_150, %ne3A_153 : i1
      %sub3A_155 = arith.constant 1 : i32
      %sub3A_156 = arith.subi %div3A_135, %sub3A_155 : i32
      %select_n3A_157 = arith.select %and3A_154, %sub3A_156, %div3A_135 : i32
      %mul3A_158 = arith.constant 32 : i32
      %mul3A_159 = arith.muli %select_n3A_157, %mul3A_158 : i32
      %sub3A_160 = arith.subi %add3A_133, %mul3A_159 : i32
      %mul3A_161 = arith.constant 512 : i32
      %mul3A_162 = arith.muli %sub3A_160, %mul3A_161 : i32
      %dma_wait3A_163 = tpu.memref_slice %arg2[%select_n3A_157, %mul3A_162] : memref<100x16384xi32, #tpu.memory_space<hbm>> -> memref<1x512xi32, #tpu.memory_space<hbm>>
      %dma_wait3A_164 = tpu.memref_squeeze %dma_wait3A_163 : memref<1x512xi32, #tpu.memory_space<hbm>> -> memref<512xi32, #tpu.memory_space<hbm>>
      %dma_wait3A_165 = tpu.memref_slice %arg2[%select_n3A_157, %mul3A_162] : memref<100x16384xi32, #tpu.memory_space<hbm>> -> memref<1x512xi32, #tpu.memory_space<hbm>>
      %dma_wait3A_166 = tpu.memref_squeeze %dma_wait3A_165 : memref<1x512xi32, #tpu.memory_space<hbm>> -> memref<512xi32, #tpu.memory_space<hbm>>
      tpu.wait_dma2 semaphore(%arg15 : memref<!tpu.dma_semaphore, #tpu.memory_space<semaphore_mem>>) src(%dma_wait3A_166 : memref<512xi32, #tpu.memory_space<hbm>>) dst(%arg9 : memref<512xi32, #tpu.memory_space<vmem>>)
      %mul3A_167 = arith.constant 100 : i32
      %mul3A_168 = arith.muli %add3A, %mul3A_167 : i32
      %add3A_169 = arith.addi %mul3A_168, %add3A_94 : i32
      %jit3A_170 = arith.constant 32 : i32
      %div3A_171 = arith.divsi %add3A_169, %jit3A_170 : i32
      %sign3A_172 = arith.constant 0 : i32
      %sign3A_173 = arith.cmpi sgt, %add3A_169, %sign3A_172 : i32
      %sign3A_174 = arith.extui %sign3A_173 : i1 to i32
      %sign3A_175 = arith.constant 0 : i32
      %sign3A_176 = arith.cmpi slt, %add3A_169, %sign3A_175 : i32
      %sign3A_177 = arith.extui %sign3A_176 : i1 to i32
      %sign3A_178 = arith.subi %sign3A_174, %sign3A_177 : i32
      %sign3A_179 = arith.constant 0 : i32
      %sign3A_180 = arith.cmpi sgt, %jit3A_170, %sign3A_179 : i32
      %sign3A_181 = arith.extui %sign3A_180 : i1 to i32
      %sign3A_182 = arith.constant 0 : i32
      %sign3A_183 = arith.cmpi slt, %jit3A_170, %sign3A_182 : i32
      %sign3A_184 = arith.extui %sign3A_183 : i1 to i32
      %sign3A_185 = arith.subi %sign3A_181, %sign3A_184 : i32
      %ne3A_186 = arith.cmpi ne, %sign3A_178, %sign3A_185 : i32
      %rem3A_187 = arith.remsi %add3A_169, %jit3A_170 : i32
      %ne3A_188 = arith.constant 0 : i32
      %ne3A_189 = arith.cmpi ne, %rem3A_187, %ne3A_188 : i32
      %and3A_190 = arith.andi %ne3A_186, %ne3A_189 : i1
      %sub3A_191 = arith.constant 1 : i32
      %sub3A_192 = arith.subi %div3A_171, %sub3A_191 : i32
      %select_n3A_193 = arith.select %and3A_190, %sub3A_192, %div3A_171 : i32
      %mul3A_194 = arith.constant 32 : i32
      %mul3A_195 = arith.muli %select_n3A_193, %mul3A_194 : i32
      %sub3A_196 = arith.subi %add3A_169, %mul3A_195 : i32
      %mul3A_197 = arith.constant 512 : i32
      %mul3A_198 = arith.muli %sub3A_196, %mul3A_197 : i32
      %dma_start3A_199 = tpu.memref_slice %arg2[%select_n3A_193, %mul3A_198] : memref<100x16384xi32, #tpu.memory_space<hbm>> -> memref<1x512xi32, #tpu.memory_space<hbm>>
      %dma_start3A_200 = tpu.memref_squeeze %dma_start3A_199 : memref<1x512xi32, #tpu.memory_space<hbm>> -> memref<512xi32, #tpu.memory_space<hbm>>
      %dma_start3A_201 = tpu.memref_slice %arg2[%select_n3A_193, %mul3A_198] : memref<100x16384xi32, #tpu.memory_space<hbm>> -> memref<1x512xi32, #tpu.memory_space<hbm>>
      %dma_start3A_202 = tpu.memref_squeeze %dma_start3A_201 : memref<1x512xi32, #tpu.memory_space<hbm>> -> memref<512xi32, #tpu.memory_space<hbm>>
      tpu.enqueue_dma source(%dma_start3A_202 : memref<512xi32, #tpu.memory_space<hbm>>) target(%arg10 : memref<512xi32, #tpu.memory_space<vmem>>) target_semaphore(%arg16 : memref<!tpu.dma_semaphore, #tpu.memory_space<semaphore_mem>>)
      %eq3A_203 = arith.constant 0 : i32
      %eq3A_204 = arith.cmpi eq, %sub3A_128, %eq3A_203 : i32
      %eq3A_205 = arith.constant 0 : i32
      %eq3A_206 = arith.cmpi eq, %mul3A_90, %eq3A_205 : i32
      %or3A = arith.ori %eq3A_204, %eq3A_206 : i1
      %convert_element_type3A = arith.extui %or3A : i1 to i32
      %cond3A = arith.constant 0 : i32
      %cond3A_207 = arith.cmpi ne, %convert_element_type3A, %cond3A : i32
      scf.if %cond3A_207 {
        %mul3A_348 = arith.constant 64 : i32
        %mul3A_349 = arith.muli %select_n3A_125, %mul3A_348 : i32
        %add3A_350 = arith.constant 0 : i32
        %add3A_351 = arith.addi %mul3A_349, %add3A_350 : i32
        %get3A = arith.index_cast %add3A_351 : i32 to index
        %get3A_352 = tpu.vector_load %arg7[%get3A] {strides = array<i32>} : memref<6400xf32, #tpu.memory_space<vmem>>, vector<16xf32>,
        %mul3A_353 = arith.constant 64 : i32
        %mul3A_354 = arith.muli %select_n3A_125, %mul3A_353 : i32
        %add3A_355 = arith.constant 16 : i32
        %add3A_356 = arith.addi %mul3A_354, %add3A_355 : i32
        %get3A_357 = arith.index_cast %add3A_356 : i32 to index
        %get3A_358 = tpu.vector_load %arg7[%get3A_357] {strides = array<i32>} : memref<6400xf32, #tpu.memory_space<vmem>>, vector<16xf32>,
        %mul3A_359 = arith.constant 64 : i32
        %mul3A_360 = arith.muli %select_n3A_125, %mul3A_359 : i32
        %add3A_361 = arith.constant 32 : i32
        %add3A_362 = arith.addi %mul3A_360, %add3A_361 : i32
        %get3A_363 = arith.index_cast %add3A_362 : i32 to index
        %get3A_364 = tpu.vector_load %arg7[%get3A_363] {strides = array<i32>} : memref<6400xf32, #tpu.memory_space<vmem>>, vector<16xf32>,
        %mul3A_365 = arith.constant 64 : i32
        %mul3A_366 = arith.muli %select_n3A_125, %mul3A_365 : i32
        %add3A_367 = arith.constant 48 : i32
        %add3A_368 = arith.addi %mul3A_366, %add3A_367 : i32
        %get3A_369 = arith.index_cast %add3A_368 : i32 to index
        %get3A_370 = tpu.vector_load %arg7[%get3A_369] {strides = array<i32>} : memref<6400xf32, #tpu.memory_space<vmem>>, vector<16xf32>,
        %parallel_loop3A_371 = arith.constant 0 : i32
        %parallel_loop3A_372 = arith.constant 100 : i32
        %parallel_loop3A_373 = arith.constant 1 : i32
        scf.for %parallel_loop3A_374 = %parallel_loop3A_371 to %parallel_loop3A_372 step %parallel_loop3A_373  : i32 {
          %parallel_loop3A_375 = arith.constant 64 : i32
          %parallel_loop3A_376 = arith.muli %parallel_loop3A_374, %parallel_loop3A_375 : i32
          %parallel_loop3A_377 = arith.constant 0 : i32
          %parallel_loop3A_378 = arith.addi %parallel_loop3A_376, %parallel_loop3A_377 : i32
          %parallel_loop3A_379 = arith.index_cast %parallel_loop3A_378 : i32 to index
          %parallel_loop3A_380 = tpu.vector_load %arg6[%parallel_loop3A_379] {strides = array<i32>} : memref<6400xf32, #tpu.memory_space<vmem>>, vector<16xf32>,
          %parallel_loop3A_381 = arith.addf %parallel_loop3A_380, %get3A_352 : vector<16xf32>
          %parallel_loop3A_382 = arith.constant 65 : i32
          %parallel_loop3A_383 = arith.muli %parallel_loop3A_374, %parallel_loop3A_382 : i32
          %parallel_loop3A_384 = arith.constant 0 : i32
          %parallel_loop3A_385 = arith.addi %parallel_loop3A_383, %parallel_loop3A_384 : i32
          %parallel_loop3A_386 = arith.index_cast %parallel_loop3A_385 : i32 to index
          %parallel_loop3A_387 = tpu.vector_load %arg8[%parallel_loop3A_386] {strides = array<i32>} : memref<6500xf32, #tpu.memory_space<vmem>>, vector<16xf32>,
          tpu.vector_store %arg8[%parallel_loop3A_386], %parallel_loop3A_381 {strides = array<i32>} : memref<6500xf32, #tpu.memory_space<vmem>>, vector<16xf32>,
          %parallel_loop3A_388 = arith.constant 64 : i32
          %parallel_loop3A_389 = arith.muli %parallel_loop3A_374, %parallel_loop3A_388 : i32
          %parallel_loop3A_390 = arith.constant 16 : i32
          %parallel_loop3A_391 = arith.addi %parallel_loop3A_389, %parallel_loop3A_390 : i32
          %parallel_loop3A_392 = arith.index_cast %parallel_loop3A_391 : i32 to index
          %parallel_loop3A_393 = tpu.vector_load %arg6[%parallel_loop3A_392] {strides = array<i32>} : memref<6400xf32, #tpu.memory_space<vmem>>, vector<16xf32>,
          %parallel_loop3A_394 = arith.addf %parallel_loop3A_393, %get3A_358 : vector<16xf32>
          %parallel_loop3A_395 = arith.constant 65 : i32
          %parallel_loop3A_396 = arith.muli %parallel_loop3A_374, %parallel_loop3A_395 : i32
          %parallel_loop3A_397 = arith.constant 16 : i32
          %parallel_loop3A_398 = arith.addi %parallel_loop3A_396, %parallel_loop3A_397 : i32
          %parallel_loop3A_399 = arith.index_cast %parallel_loop3A_398 : i32 to index
          %parallel_loop3A_400 = tpu.vector_load %arg8[%parallel_loop3A_399] {strides = array<i32>} : memref<6500xf32, #tpu.memory_space<vmem>>, vector<16xf32>,
          tpu.vector_store %arg8[%parallel_loop3A_399], %parallel_loop3A_394 {strides = array<i32>} : memref<6500xf32, #tpu.memory_space<vmem>>, vector<16xf32>,
          %parallel_loop3A_401 = arith.constant 64 : i32
          %parallel_loop3A_402 = arith.muli %parallel_loop3A_374, %parallel_loop3A_401 : i32
          %parallel_loop3A_403 = arith.constant 32 : i32
          %parallel_loop3A_404 = arith.addi %parallel_loop3A_402, %parallel_loop3A_403 : i32
          %parallel_loop3A_405 = arith.index_cast %parallel_loop3A_404 : i32 to index
          %parallel_loop3A_406 = tpu.vector_load %arg6[%parallel_loop3A_405] {strides = array<i32>} : memref<6400xf32, #tpu.memory_space<vmem>>, vector<16xf32>,
          %parallel_loop3A_407 = arith.addf %parallel_loop3A_406, %get3A_364 : vector<16xf32>
          %parallel_loop3A_408 = arith.constant 65 : i32
          %parallel_loop3A_409 = arith.muli %parallel_loop3A_374, %parallel_loop3A_408 : i32
          %parallel_loop3A_410 = arith.constant 32 : i32
          %parallel_loop3A_411 = arith.addi %parallel_loop3A_409, %parallel_loop3A_410 : i32
          %parallel_loop3A_412 = arith.index_cast %parallel_loop3A_411 : i32 to index
          %parallel_loop3A_413 = tpu.vector_load %arg8[%parallel_loop3A_412] {strides = array<i32>} : memref<6500xf32, #tpu.memory_space<vmem>>, vector<16xf32>,
          tpu.vector_store %arg8[%parallel_loop3A_412], %parallel_loop3A_407 {strides = array<i32>} : memref<6500xf32, #tpu.memory_space<vmem>>, vector<16xf32>,
          %parallel_loop3A_414 = arith.constant 64 : i32
          %parallel_loop3A_415 = arith.muli %parallel_loop3A_374, %parallel_loop3A_414 : i32
          %parallel_loop3A_416 = arith.constant 48 : i32
          %parallel_loop3A_417 = arith.addi %parallel_loop3A_415, %parallel_loop3A_416 : i32
          %parallel_loop3A_418 = arith.index_cast %parallel_loop3A_417 : i32 to index
          %parallel_loop3A_419 = tpu.vector_load %arg6[%parallel_loop3A_418] {strides = array<i32>} : memref<6400xf32, #tpu.memory_space<vmem>>, vector<16xf32>,
          %parallel_loop3A_420 = arith.addf %parallel_loop3A_419, %get3A_370 : vector<16xf32>
          %parallel_loop3A_421 = arith.constant 65 : i32
          %parallel_loop3A_422 = arith.muli %parallel_loop3A_374, %parallel_loop3A_421 : i32
          %parallel_loop3A_423 = arith.constant 48 : i32
          %parallel_loop3A_424 = arith.addi %parallel_loop3A_422, %parallel_loop3A_423 : i32
          %parallel_loop3A_425 = arith.index_cast %parallel_loop3A_424 : i32 to index
          %parallel_loop3A_426 = tpu.vector_load %arg8[%parallel_loop3A_425] {strides = array<i32>} : memref<6500xf32, #tpu.memory_space<vmem>>, vector<16xf32>,
          tpu.vector_store %arg8[%parallel_loop3A_425], %parallel_loop3A_420 {strides = array<i32>} : memref<6500xf32, #tpu.memory_space<vmem>>, vector<16xf32>,
        } {sc.loop_unroll_factor = 4 : i64, sc.parallel_access}
      } else {
      }
      %not3A = arith.constant true
      %not3A_208 = arith.xori %eq3A_98, %not3A : i1
      %convert_element_type3A_209 = arith.extui %not3A_208 : i1 to i32
      %cond3A_210 = arith.constant 0 : i32
      %cond3A_211 = arith.cmpi ne, %convert_element_type3A_209, %cond3A_210 : i32
      scf.if %cond3A_211 {
        %dma_wait3A_348 = arith.constant 0 : i32
        %dma_wait3A_349 = arith.constant 0 : i32
        %dma_wait3A_350 = arith.constant 0 : i32
        %dma_wait3A_351 = tpu.memref_slice %arg5[%dma_wait3A_348, %dma_wait3A_349, %dma_wait3A_350] : memref<100x64x16384xf32, #tpu.memory_space<hbm>> -> memref<1x64x512xf32, #tpu.memory_space<hbm>>
        %dma_wait3A_352 = tpu.memref_squeeze %dma_wait3A_351 : memref<1x64x512xf32, #tpu.memory_space<hbm>> -> memref<64x512xf32, #tpu.memory_space<hbm>>
        %dma_wait3A_353 = arith.constant 0 : i32
        %dma_wait3A_354 = arith.constant 0 : i32
        %dma_wait3A_355 = tpu.memref_slice %arg5[%dma_wait3A_348, %dma_wait3A_353, %dma_wait3A_354] : memref<100x64x16384xf32, #tpu.memory_space<hbm>> -> memref<1x64x512xf32, #tpu.memory_space<hbm>>
        %dma_wait3A_356 = tpu.memref_squeeze %dma_wait3A_355 : memref<1x64x512xf32, #tpu.memory_space<hbm>> -> memref<64x512xf32, #tpu.memory_space<hbm>>
        tpu.wait_dma2 semaphore(%arg13 : memref<!tpu.dma_semaphore, #tpu.memory_space<semaphore_mem>>) src(%arg11 : memref<64x512xf32, #tpu.memory_space<vmem>>) dst(%dma_wait3A_356 : memref<64x512xf32, #tpu.memory_space<hbm>>)
      } else {
      }
      %parallel_loop3A = arith.constant 0 : i32
      %parallel_loop3A_212 = arith.constant 32 : i32
      %parallel_loop3A_213 = arith.constant 1 : i32
      scf.for %parallel_loop3A_348 = %parallel_loop3A to %parallel_loop3A_212 step %parallel_loop3A_213  : i32 {
        %parallel_loop3A_349 = arith.constant 16 : i32
        %parallel_loop3A_350 = arith.muli %parallel_loop3A_348, %parallel_loop3A_349 : i32
        %parallel_loop3A_351 = arith.index_cast %parallel_loop3A_350 : i32 to index
        %parallel_loop3A_352 = tpu.vector_load %arg9[%parallel_loop3A_351] {strides = array<i32>} : memref<512xi32, #tpu.memory_space<vmem>>, vector<16xi32>,
        %parallel_loop3A_353 = arith.constant 65 : i32
        %parallel_loop3A_354 = vector.broadcast %parallel_loop3A_353 : i32 to vector<16xi32>
        %parallel_loop3A_355 = arith.muli %parallel_loop3A_352, %parallel_loop3A_354 : vector<16xi32>
        %parallel_loop3A_356 = arith.constant 0 : i32
        %parallel_loop3A_357 = vector.broadcast %parallel_loop3A_356 : i32 to vector<16xi32>
        %parallel_loop3A_358 = arith.addi %parallel_loop3A_355, %parallel_loop3A_357 : vector<16xi32>
        %parallel_loop3A_359 = tpu.vector_load_idx %arg8[%parallel_loop3A_358] : memref<6500xf32, #tpu.memory_space<vmem>>[vector<16xi32>], vector<16xf32>,
        %parallel_loop3A_360 = arith.constant 16 : i32
        %parallel_loop3A_361 = arith.muli %parallel_loop3A_348, %parallel_loop3A_360 : i32
        %parallel_loop3A_362 = arith.constant 0 : i32
        %parallel_loop3A_363 = arith.index_cast %parallel_loop3A_362 : i32 to index
        %parallel_loop3A_364 = arith.index_cast %parallel_loop3A_361 : i32 to index
        %parallel_loop3A_365 = tpu.vector_load %arg11[%parallel_loop3A_363, %parallel_loop3A_364] {strides = array<i32>} : memref<64x512xf32, #tpu.memory_space<vmem>>, vector<16xf32>,
        tpu.vector_store %arg11[%parallel_loop3A_363, %parallel_loop3A_364], %parallel_loop3A_359 {strides = array<i32>} : memref<64x512xf32, #tpu.memory_space<vmem>>, vector<16xf32>,
        %parallel_loop3A_366 = arith.constant 1 : i32
        %parallel_loop3A_367 = vector.broadcast %parallel_loop3A_366 : i32 to vector<16xi32>
        %parallel_loop3A_368 = arith.addi %parallel_loop3A_355, %parallel_loop3A_367 : vector<16xi32>
        %parallel_loop3A_369 = tpu.vector_load_idx %arg8[%parallel_loop3A_368] : memref<6500xf32, #tpu.memory_space<vmem>>[vector<16xi32>], vector<16xf32>,
        %parallel_loop3A_370 = arith.constant 16 : i32
        %parallel_loop3A_371 = arith.muli %parallel_loop3A_348, %parallel_loop3A_370 : i32
        %parallel_loop3A_372 = arith.constant 1 : i32
        %parallel_loop3A_373 = arith.index_cast %parallel_loop3A_372 : i32 to index
        %parallel_loop3A_374 = arith.index_cast %parallel_loop3A_371 : i32 to index
        %parallel_loop3A_375 = tpu.vector_load %arg11[%parallel_loop3A_373, %parallel_loop3A_374] {strides = array<i32>} : memref<64x512xf32, #tpu.memory_space<vmem>>, vector<16xf32>,
        tpu.vector_store %arg11[%parallel_loop3A_373, %parallel_loop3A_374], %parallel_loop3A_369 {strides = array<i32>} : memref<64x512xf32, #tpu.memory_space<vmem>>, vector<16xf32>,
        %parallel_loop3A_376 = arith.constant 2 : i32
        %parallel_loop3A_377 = vector.broadcast %parallel_loop3A_376 : i32 to vector<16xi32>
        %parallel_loop3A_378 = arith.addi %parallel_loop3A_355, %parallel_loop3A_377 : vector<16xi32>
        %parallel_loop3A_379 = tpu.vector_load_idx %arg8[%parallel_loop3A_378] : memref<6500xf32, #tpu.memory_space<vmem>>[vector<16xi32>], vector<16xf32>,
        %parallel_loop3A_380 = arith.constant 16 : i32
        %parallel_loop3A_381 = arith.muli %parallel_loop3A_348, %parallel_loop3A_380 : i32
        %parallel_loop3A_382 = arith.constant 2 : i32
        %parallel_loop3A_383 = arith.index_cast %parallel_loop3A_382 : i32 to index
        %parallel_loop3A_384 = arith.index_cast %parallel_loop3A_381 : i32 to index
        %parallel_loop3A_385 = tpu.vector_load %arg11[%parallel_loop3A_383, %parallel_loop3A_384] {strides = array<i32>} : memref<64x512xf32, #tpu.memory_space<vmem>>, vector<16xf32>,
        tpu.vector_store %arg11[%parallel_loop3A_383, %parallel_loop3A_384], %parallel_loop3A_379 {strides = array<i32>} : memref<64x512xf32, #tpu.memory_space<vmem>>, vector<16xf32>,
        %parallel_loop3A_386 = arith.constant 3 : i32
        %parallel_loop3A_387 = vector.broadcast %parallel_loop3A_386 : i32 to vector<16xi32>
        %parallel_loop3A_388 = arith.addi %parallel_loop3A_355, %parallel_loop3A_387 : vector<16xi32>
        %parallel_loop3A_389 = tpu.vector_load_idx %arg8[%parallel_loop3A_388] : memref<6500xf32, #tpu.memory_space<vmem>>[vector<16xi32>], vector<16xf32>,
        %parallel_loop3A_390 = arith.constant 16 : i32
        %parallel_loop3A_391 = arith.muli %parallel_loop3A_348, %parallel_loop3A_390 : i32
        %parallel_loop3A_392 = arith.constant 3 : i32
        %parallel_loop3A_393 = arith.index_cast %parallel_loop3A_392 : i32 to index
        %parallel_loop3A_394 = arith.index_cast %parallel_loop3A_391 : i32 to index
        %parallel_loop3A_395 = tpu.vector_load %arg11[%parallel_loop3A_393, %parallel_loop3A_394] {strides = array<i32>} : memref<64x512xf32, #tpu.memory_space<vmem>>, vector<16xf32>,
        tpu.vector_store %arg11[%parallel_loop3A_393, %parallel_loop3A_394], %parallel_loop3A_389 {strides = array<i32>} : memref<64x512xf32, #tpu.memory_space<vmem>>, vector<16xf32>,
        %parallel_loop3A_396 = arith.constant 4 : i32
        %parallel_loop3A_397 = vector.broadcast %parallel_loop3A_396 : i32 to vector<16xi32>
        %parallel_loop3A_398 = arith.addi %parallel_loop3A_355, %parallel_loop3A_397 : vector<16xi32>
        %parallel_loop3A_399 = tpu.vector_load_idx %arg8[%parallel_loop3A_398] : memref<6500xf32, #tpu.memory_space<vmem>>[vector<16xi32>], vector<16xf32>,
        %parallel_loop3A_400 = arith.constant 16 : i32
        %parallel_loop3A_401 = arith.muli %parallel_loop3A_348, %parallel_loop3A_400 : i32
        %parallel_loop3A_402 = arith.constant 4 : i32
        %parallel_loop3A_403 = arith.index_cast %parallel_loop3A_402 : i32 to index
        %parallel_loop3A_404 = arith.index_cast %parallel_loop3A_401 : i32 to index
        %parallel_loop3A_405 = tpu.vector_load %arg11[%parallel_loop3A_403, %parallel_loop3A_404] {strides = array<i32>} : memref<64x512xf32, #tpu.memory_space<vmem>>, vector<16xf32>,
        tpu.vector_store %arg11[%parallel_loop3A_403, %parallel_loop3A_404], %parallel_loop3A_399 {strides = array<i32>} : memref<64x512xf32, #tpu.memory_space<vmem>>, vector<16xf32>,
        %parallel_loop3A_406 = arith.constant 5 : i32
        %parallel_loop3A_407 = vector.broadcast %parallel_loop3A_406 : i32 to vector<16xi32>
        %parallel_loop3A_408 = arith.addi %parallel_loop3A_355, %parallel_loop3A_407 : vector<16xi32>
        %parallel_loop3A_409 = tpu.vector_load_idx %arg8[%parallel_loop3A_408] : memref<6500xf32, #tpu.memory_space<vmem>>[vector<16xi32>], vector<16xf32>,
        %parallel_loop3A_410 = arith.constant 16 : i32
        %parallel_loop3A_411 = arith.muli %parallel_loop3A_348, %parallel_loop3A_410 : i32
        %parallel_loop3A_412 = arith.constant 5 : i32
        %parallel_loop3A_413 = arith.index_cast %parallel_loop3A_412 : i32 to index
        %parallel_loop3A_414 = arith.index_cast %parallel_loop3A_411 : i32 to index
        %parallel_loop3A_415 = tpu.vector_load %arg11[%parallel_loop3A_413, %parallel_loop3A_414] {strides = array<i32>} : memref<64x512xf32, #tpu.memory_space<vmem>>, vector<16xf32>,
        tpu.vector_store %arg11[%parallel_loop3A_413, %parallel_loop3A_414], %parallel_loop3A_409 {strides = array<i32>} : memref<64x512xf32, #tpu.memory_space<vmem>>, vector<16xf32>,
        %parallel_loop3A_416 = arith.constant 6 : i32
        %parallel_loop3A_417 = vector.broadcast %parallel_loop3A_416 : i32 to vector<16xi32>
        %parallel_loop3A_418 = arith.addi %parallel_loop3A_355, %parallel_loop3A_417 : vector<16xi32>
        %parallel_loop3A_419 = tpu.vector_load_idx %arg8[%parallel_loop3A_418] : memref<6500xf32, #tpu.memory_space<vmem>>[vector<16xi32>], vector<16xf32>,
        %parallel_loop3A_420 = arith.constant 16 : i32
        %parallel_loop3A_421 = arith.muli %parallel_loop3A_348, %parallel_loop3A_420 : i32
        %parallel_loop3A_422 = arith.constant 6 : i32
        %parallel_loop3A_423 = arith.index_cast %parallel_loop3A_422 : i32 to index
        %parallel_loop3A_424 = arith.index_cast %parallel_loop3A_421 : i32 to index
        %parallel_loop3A_425 = tpu.vector_load %arg11[%parallel_loop3A_423, %parallel_loop3A_424] {strides = array<i32>} : memref<64x512xf32, #tpu.memory_space<vmem>>, vector<16xf32>,
        tpu.vector_store %arg11[%parallel_loop3A_423, %parallel_loop3A_424], %parallel_loop3A_419 {strides = array<i32>} : memref<64x512xf32, #tpu.memory_space<vmem>>, vector<16xf32>,
        %parallel_loop3A_426 = arith.constant 7 : i32
        %parallel_loop3A_427 = vector.broadcast %parallel_loop3A_426 : i32 to vector<16xi32>
        %parallel_loop3A_428 = arith.addi %parallel_loop3A_355, %parallel_loop3A_427 : vector<16xi32>
        %parallel_loop3A_429 = tpu.vector_load_idx %arg8[%parallel_loop3A_428] : memref<6500xf32, #tpu.memory_space<vmem>>[vector<16xi32>], vector<16xf32>,
        %parallel_loop3A_430 = arith.constant 16 : i32
        %parallel_loop3A_431 = arith.muli %parallel_loop3A_348, %parallel_loop3A_430 : i32
        %parallel_loop3A_432 = arith.constant 7 : i32
        %parallel_loop3A_433 = arith.index_cast %parallel_loop3A_432 : i32 to index
        %parallel_loop3A_434 = arith.index_cast %parallel_loop3A_431 : i32 to index
        %parallel_loop3A_435 = tpu.vector_load %arg11[%parallel_loop3A_433, %parallel_loop3A_434] {strides = array<i32>} : memref<64x512xf32, #tpu.memory_space<vmem>>, vector<16xf32>,
        tpu.vector_store %arg11[%parallel_loop3A_433, %parallel_loop3A_434], %parallel_loop3A_429 {strides = array<i32>} : memref<64x512xf32, #tpu.memory_space<vmem>>, vector<16xf32>,
        %parallel_loop3A_436 = arith.constant 8 : i32
        %parallel_loop3A_437 = vector.broadcast %parallel_loop3A_436 : i32 to vector<16xi32>
        %parallel_loop3A_438 = arith.addi %parallel_loop3A_355, %parallel_loop3A_437 : vector<16xi32>
        %parallel_loop3A_439 = tpu.vector_load_idx %arg8[%parallel_loop3A_438] : memref<6500xf32, #tpu.memory_space<vmem>>[vector<16xi32>], vector<16xf32>,
        %parallel_loop3A_440 = arith.constant 16 : i32
        %parallel_loop3A_441 = arith.muli %parallel_loop3A_348, %parallel_loop3A_440 : i32
        %parallel_loop3A_442 = arith.constant 8 : i32
        %parallel_loop3A_443 = arith.index_cast %parallel_loop3A_442 : i32 to index
        %parallel_loop3A_444 = arith.index_cast %parallel_loop3A_441 : i32 to index
        %parallel_loop3A_445 = tpu.vector_load %arg11[%parallel_loop3A_443, %parallel_loop3A_444] {strides = array<i32>} : memref<64x512xf32, #tpu.memory_space<vmem>>, vector<16xf32>,
        tpu.vector_store %arg11[%parallel_loop3A_443, %parallel_loop3A_444], %parallel_loop3A_439 {strides = array<i32>} : memref<64x512xf32, #tpu.memory_space<vmem>>, vector<16xf32>,
        %parallel_loop3A_446 = arith.constant 9 : i32
        %parallel_loop3A_447 = vector.broadcast %parallel_loop3A_446 : i32 to vector<16xi32>
        %parallel_loop3A_448 = arith.addi %parallel_loop3A_355, %parallel_loop3A_447 : vector<16xi32>
        %parallel_loop3A_449 = tpu.vector_load_idx %arg8[%parallel_loop3A_448] : memref<6500xf32, #tpu.memory_space<vmem>>[vector<16xi32>], vector<16xf32>,
        %parallel_loop3A_450 = arith.constant 16 : i32
        %parallel_loop3A_451 = arith.muli %parallel_loop3A_348, %parallel_loop3A_450 : i32
        %parallel_loop3A_452 = arith.constant 9 : i32
        %parallel_loop3A_453 = arith.index_cast %parallel_loop3A_452 : i32 to index
        %parallel_loop3A_454 = arith.index_cast %parallel_loop3A_451 : i32 to index
        %parallel_loop3A_455 = tpu.vector_load %arg11[%parallel_loop3A_453, %parallel_loop3A_454] {strides = array<i32>} : memref<64x512xf32, #tpu.memory_space<vmem>>, vector<16xf32>,
        tpu.vector_store %arg11[%parallel_loop3A_453, %parallel_loop3A_454], %parallel_loop3A_449 {strides = array<i32>} : memref<64x512xf32, #tpu.memory_space<vmem>>, vector<16xf32>,
        %parallel_loop3A_456 = arith.constant 10 : i32
        %parallel_loop3A_457 = vector.broadcast %parallel_loop3A_456 : i32 to vector<16xi32>
        %parallel_loop3A_458 = arith.addi %parallel_loop3A_355, %parallel_loop3A_457 : vector<16xi32>
        %parallel_loop3A_459 = tpu.vector_load_idx %arg8[%parallel_loop3A_458] : memref<6500xf32, #tpu.memory_space<vmem>>[vector<16xi32>], vector<16xf32>,
        %parallel_loop3A_460 = arith.constant 16 : i32
        %parallel_loop3A_461 = arith.muli %parallel_loop3A_348, %parallel_loop3A_460 : i32
        %parallel_loop3A_462 = arith.constant 10 : i32
        %parallel_loop3A_463 = arith.index_cast %parallel_loop3A_462 : i32 to index
        %parallel_loop3A_464 = arith.index_cast %parallel_loop3A_461 : i32 to index
        %parallel_loop3A_465 = tpu.vector_load %arg11[%parallel_loop3A_463, %parallel_loop3A_464] {strides = array<i32>} : memref<64x512xf32, #tpu.memory_space<vmem>>, vector<16xf32>,
        tpu.vector_store %arg11[%parallel_loop3A_463, %parallel_loop3A_464], %parallel_loop3A_459 {strides = array<i32>} : memref<64x512xf32, #tpu.memory_space<vmem>>, vector<16xf32>,
        %parallel_loop3A_466 = arith.constant 11 : i32
        %parallel_loop3A_467 = vector.broadcast %parallel_loop3A_466 : i32 to vector<16xi32>
        %parallel_loop3A_468 = arith.addi %parallel_loop3A_355, %parallel_loop3A_467 : vector<16xi32>
        %parallel_loop3A_469 = tpu.vector_load_idx %arg8[%parallel_loop3A_468] : memref<6500xf32, #tpu.memory_space<vmem>>[vector<16xi32>], vector<16xf32>,
        %parallel_loop3A_470 = arith.constant 16 : i32
        %parallel_loop3A_471 = arith.muli %parallel_loop3A_348, %parallel_loop3A_470 : i32
        %parallel_loop3A_472 = arith.constant 11 : i32
        %parallel_loop3A_473 = arith.index_cast %parallel_loop3A_472 : i32 to index
        %parallel_loop3A_474 = arith.index_cast %parallel_loop3A_471 : i32 to index
        %parallel_loop3A_475 = tpu.vector_load %arg11[%parallel_loop3A_473, %parallel_loop3A_474] {strides = array<i32>} : memref<64x512xf32, #tpu.memory_space<vmem>>, vector<16xf32>,
        tpu.vector_store %arg11[%parallel_loop3A_473, %parallel_loop3A_474], %parallel_loop3A_469 {strides = array<i32>} : memref<64x512xf32, #tpu.memory_space<vmem>>, vector<16xf32>,
        %parallel_loop3A_476 = arith.constant 12 : i32
        %parallel_loop3A_477 = vector.broadcast %parallel_loop3A_476 : i32 to vector<16xi32>
        %parallel_loop3A_478 = arith.addi %parallel_loop3A_355, %parallel_loop3A_477 : vector<16xi32>
        %parallel_loop3A_479 = tpu.vector_load_idx %arg8[%parallel_loop3A_478] : memref<6500xf32, #tpu.memory_space<vmem>>[vector<16xi32>], vector<16xf32>,
        %parallel_loop3A_480 = arith.constant 16 : i32
        %parallel_loop3A_481 = arith.muli %parallel_loop3A_348, %parallel_loop3A_480 : i32
        %parallel_loop3A_482 = arith.constant 12 : i32
        %parallel_loop3A_483 = arith.index_cast %parallel_loop3A_482 : i32 to index
        %parallel_loop3A_484 = arith.index_cast %parallel_loop3A_481 : i32 to index
        %parallel_loop3A_485 = tpu.vector_load %arg11[%parallel_loop3A_483, %parallel_loop3A_484] {strides = array<i32>} : memref<64x512xf32, #tpu.memory_space<vmem>>, vector<16xf32>,
        tpu.vector_store %arg11[%parallel_loop3A_483, %parallel_loop3A_484], %parallel_loop3A_479 {strides = array<i32>} : memref<64x512xf32, #tpu.memory_space<vmem>>, vector<16xf32>,
        %parallel_loop3A_486 = arith.constant 13 : i32
        %parallel_loop3A_487 = vector.broadcast %parallel_loop3A_486 : i32 to vector<16xi32>
        %parallel_loop3A_488 = arith.addi %parallel_loop3A_355, %parallel_loop3A_487 : vector<16xi32>
        %parallel_loop3A_489 = tpu.vector_load_idx %arg8[%parallel_loop3A_488] : memref<6500xf32, #tpu.memory_space<vmem>>[vector<16xi32>], vector<16xf32>,
        %parallel_loop3A_490 = arith.constant 16 : i32
        %parallel_loop3A_491 = arith.muli %parallel_loop3A_348, %parallel_loop3A_490 : i32
        %parallel_loop3A_492 = arith.constant 13 : i32
        %parallel_loop3A_493 = arith.index_cast %parallel_loop3A_492 : i32 to index
        %parallel_loop3A_494 = arith.index_cast %parallel_loop3A_491 : i32 to index
        %parallel_loop3A_495 = tpu.vector_load %arg11[%parallel_loop3A_493, %parallel_loop3A_494] {strides = array<i32>} : memref<64x512xf32, #tpu.memory_space<vmem>>, vector<16xf32>,
        tpu.vector_store %arg11[%parallel_loop3A_493, %parallel_loop3A_494], %parallel_loop3A_489 {strides = array<i32>} : memref<64x512xf32, #tpu.memory_space<vmem>>, vector<16xf32>,
        %parallel_loop3A_496 = arith.constant 14 : i32
        %parallel_loop3A_497 = vector.broadcast %parallel_loop3A_496 : i32 to vector<16xi32>
        %parallel_loop3A_498 = arith.addi %parallel_loop3A_355, %parallel_loop3A_497 : vector<16xi32>
        %parallel_loop3A_499 = tpu.vector_load_idx %arg8[%parallel_loop3A_498] : memref<6500xf32, #tpu.memory_space<vmem>>[vector<16xi32>], vector<16xf32>,
        %parallel_loop3A_500 = arith.constant 16 : i32
        %parallel_loop3A_501 = arith.muli %parallel_loop3A_348, %parallel_loop3A_500 : i32
        %parallel_loop3A_502 = arith.constant 14 : i32
        %parallel_loop3A_503 = arith.index_cast %parallel_loop3A_502 : i32 to index
        %parallel_loop3A_504 = arith.index_cast %parallel_loop3A_501 : i32 to index
        %parallel_loop3A_505 = tpu.vector_load %arg11[%parallel_loop3A_503, %parallel_loop3A_504] {strides = array<i32>} : memref<64x512xf32, #tpu.memory_space<vmem>>, vector<16xf32>,
        tpu.vector_store %arg11[%parallel_loop3A_503, %parallel_loop3A_504], %parallel_loop3A_499 {strides = array<i32>} : memref<64x512xf32, #tpu.memory_space<vmem>>, vector<16xf32>,
        %parallel_loop3A_506 = arith.constant 15 : i32
        %parallel_loop3A_507 = vector.broadcast %parallel_loop3A_506 : i32 to vector<16xi32>
        %parallel_loop3A_508 = arith.addi %parallel_loop3A_355, %parallel_loop3A_507 : vector<16xi32>
        %parallel_loop3A_509 = tpu.vector_load_idx %arg8[%parallel_loop3A_508] : memref<6500xf32, #tpu.memory_space<vmem>>[vector<16xi32>], vector<16xf32>,
        %parallel_loop3A_510 = arith.constant 16 : i32
        %parallel_loop3A_511 = arith.muli %parallel_loop3A_348, %parallel_loop3A_510 : i32
        %parallel_loop3A_512 = arith.constant 15 : i32
        %parallel_loop3A_513 = arith.index_cast %parallel_loop3A_512 : i32 to index
        %parallel_loop3A_514 = arith.index_cast %parallel_loop3A_511 : i32 to index
        %parallel_loop3A_515 = tpu.vector_load %arg11[%parallel_loop3A_513, %parallel_loop3A_514] {strides = array<i32>} : memref<64x512xf32, #tpu.memory_space<vmem>>, vector<16xf32>,
        tpu.vector_store %arg11[%parallel_loop3A_513, %parallel_loop3A_514], %parallel_loop3A_509 {strides = array<i32>} : memref<64x512xf32, #tpu.memory_space<vmem>>, vector<16xf32>,
        %parallel_loop3A_516 = arith.constant 16 : i32
        %parallel_loop3A_517 = vector.broadcast %parallel_loop3A_516 : i32 to vector<16xi32>
        %parallel_loop3A_518 = arith.addi %parallel_loop3A_355, %parallel_loop3A_517 : vector<16xi32>
        %parallel_loop3A_519 = tpu.vector_load_idx %arg8[%parallel_loop3A_518] : memref<6500xf32, #tpu.memory_space<vmem>>[vector<16xi32>], vector<16xf32>,
        %parallel_loop3A_520 = arith.constant 16 : i32
        %parallel_loop3A_521 = arith.muli %parallel_loop3A_348, %parallel_loop3A_520 : i32
        %parallel_loop3A_522 = arith.constant 16 : i32
        %parallel_loop3A_523 = arith.index_cast %parallel_loop3A_522 : i32 to index
        %parallel_loop3A_524 = arith.index_cast %parallel_loop3A_521 : i32 to index
        %parallel_loop3A_525 = tpu.vector_load %arg11[%parallel_loop3A_523, %parallel_loop3A_524] {strides = array<i32>} : memref<64x512xf32, #tpu.memory_space<vmem>>, vector<16xf32>,
        tpu.vector_store %arg11[%parallel_loop3A_523, %parallel_loop3A_524], %parallel_loop3A_519 {strides = array<i32>} : memref<64x512xf32, #tpu.memory_space<vmem>>, vector<16xf32>,
        %parallel_loop3A_526 = arith.constant 17 : i32
        %parallel_loop3A_527 = vector.broadcast %parallel_loop3A_526 : i32 to vector<16xi32>
        %parallel_loop3A_528 = arith.addi %parallel_loop3A_355, %parallel_loop3A_527 : vector<16xi32>
        %parallel_loop3A_529 = tpu.vector_load_idx %arg8[%parallel_loop3A_528] : memref<6500xf32, #tpu.memory_space<vmem>>[vector<16xi32>], vector<16xf32>,
        %parallel_loop3A_530 = arith.constant 16 : i32
        %parallel_loop3A_531 = arith.muli %parallel_loop3A_348, %parallel_loop3A_530 : i32
        %parallel_loop3A_532 = arith.constant 17 : i32
        %parallel_loop3A_533 = arith.index_cast %parallel_loop3A_532 : i32 to index
        %parallel_loop3A_534 = arith.index_cast %parallel_loop3A_531 : i32 to index
        %parallel_loop3A_535 = tpu.vector_load %arg11[%parallel_loop3A_533, %parallel_loop3A_534] {strides = array<i32>} : memref<64x512xf32, #tpu.memory_space<vmem>>, vector<16xf32>,
        tpu.vector_store %arg11[%parallel_loop3A_533, %parallel_loop3A_534], %parallel_loop3A_529 {strides = array<i32>} : memref<64x512xf32, #tpu.memory_space<vmem>>, vector<16xf32>,
        %parallel_loop3A_536 = arith.constant 18 : i32
        %parallel_loop3A_537 = vector.broadcast %parallel_loop3A_536 : i32 to vector<16xi32>
        %parallel_loop3A_538 = arith.addi %parallel_loop3A_355, %parallel_loop3A_537 : vector<16xi32>
        %parallel_loop3A_539 = tpu.vector_load_idx %arg8[%parallel_loop3A_538] : memref<6500xf32, #tpu.memory_space<vmem>>[vector<16xi32>], vector<16xf32>,
        %parallel_loop3A_540 = arith.constant 16 : i32
        %parallel_loop3A_541 = arith.muli %parallel_loop3A_348, %parallel_loop3A_540 : i32
        %parallel_loop3A_542 = arith.constant 18 : i32
        %parallel_loop3A_543 = arith.index_cast %parallel_loop3A_542 : i32 to index
        %parallel_loop3A_544 = arith.index_cast %parallel_loop3A_541 : i32 to index
        %parallel_loop3A_545 = tpu.vector_load %arg11[%parallel_loop3A_543, %parallel_loop3A_544] {strides = array<i32>} : memref<64x512xf32, #tpu.memory_space<vmem>>, vector<16xf32>,
        tpu.vector_store %arg11[%parallel_loop3A_543, %parallel_loop3A_544], %parallel_loop3A_539 {strides = array<i32>} : memref<64x512xf32, #tpu.memory_space<vmem>>, vector<16xf32>,
        %parallel_loop3A_546 = arith.constant 19 : i32
        %parallel_loop3A_547 = vector.broadcast %parallel_loop3A_546 : i32 to vector<16xi32>
        %parallel_loop3A_548 = arith.addi %parallel_loop3A_355, %parallel_loop3A_547 : vector<16xi32>
        %parallel_loop3A_549 = tpu.vector_load_idx %arg8[%parallel_loop3A_548] : memref<6500xf32, #tpu.memory_space<vmem>>[vector<16xi32>], vector<16xf32>,
        %parallel_loop3A_550 = arith.constant 16 : i32
        %parallel_loop3A_551 = arith.muli %parallel_loop3A_348, %parallel_loop3A_550 : i32
        %parallel_loop3A_552 = arith.constant 19 : i32
        %parallel_loop3A_553 = arith.index_cast %parallel_loop3A_552 : i32 to index
        %parallel_loop3A_554 = arith.index_cast %parallel_loop3A_551 : i32 to index
        %parallel_loop3A_555 = tpu.vector_load %arg11[%parallel_loop3A_553, %parallel_loop3A_554] {strides = array<i32>} : memref<64x512xf32, #tpu.memory_space<vmem>>, vector<16xf32>,
        tpu.vector_store %arg11[%parallel_loop3A_553, %parallel_loop3A_554], %parallel_loop3A_549 {strides = array<i32>} : memref<64x512xf32, #tpu.memory_space<vmem>>, vector<16xf32>,
        %parallel_loop3A_556 = arith.constant 20 : i32
        %parallel_loop3A_557 = vector.broadcast %parallel_loop3A_556 : i32 to vector<16xi32>
        %parallel_loop3A_558 = arith.addi %parallel_loop3A_355, %parallel_loop3A_557 : vector<16xi32>
        %parallel_loop3A_559 = tpu.vector_load_idx %arg8[%parallel_loop3A_558] : memref<6500xf32, #tpu.memory_space<vmem>>[vector<16xi32>], vector<16xf32>,
        %parallel_loop3A_560 = arith.constant 16 : i32
        %parallel_loop3A_561 = arith.muli %parallel_loop3A_348, %parallel_loop3A_560 : i32
        %parallel_loop3A_562 = arith.constant 20 : i32
        %parallel_loop3A_563 = arith.index_cast %parallel_loop3A_562 : i32 to index
        %parallel_loop3A_564 = arith.index_cast %parallel_loop3A_561 : i32 to index
        %parallel_loop3A_565 = tpu.vector_load %arg11[%parallel_loop3A_563, %parallel_loop3A_564] {strides = array<i32>} : memref<64x512xf32, #tpu.memory_space<vmem>>, vector<16xf32>,
        tpu.vector_store %arg11[%parallel_loop3A_563, %parallel_loop3A_564], %parallel_loop3A_559 {strides = array<i32>} : memref<64x512xf32, #tpu.memory_space<vmem>>, vector<16xf32>,
        %parallel_loop3A_566 = arith.constant 21 : i32
        %parallel_loop3A_567 = vector.broadcast %parallel_loop3A_566 : i32 to vector<16xi32>
        %parallel_loop3A_568 = arith.addi %parallel_loop3A_355, %parallel_loop3A_567 : vector<16xi32>
        %parallel_loop3A_569 = tpu.vector_load_idx %arg8[%parallel_loop3A_568] : memref<6500xf32, #tpu.memory_space<vmem>>[vector<16xi32>], vector<16xf32>,
        %parallel_loop3A_570 = arith.constant 16 : i32
        %parallel_loop3A_571 = arith.muli %parallel_loop3A_348, %parallel_loop3A_570 : i32
        %parallel_loop3A_572 = arith.constant 21 : i32
        %parallel_loop3A_573 = arith.index_cast %parallel_loop3A_572 : i32 to index
        %parallel_loop3A_574 = arith.index_cast %parallel_loop3A_571 : i32 to index
        %parallel_loop3A_575 = tpu.vector_load %arg11[%parallel_loop3A_573, %parallel_loop3A_574] {strides = array<i32>} : memref<64x512xf32, #tpu.memory_space<vmem>>, vector<16xf32>,
        tpu.vector_store %arg11[%parallel_loop3A_573, %parallel_loop3A_574], %parallel_loop3A_569 {strides = array<i32>} : memref<64x512xf32, #tpu.memory_space<vmem>>, vector<16xf32>,
        %parallel_loop3A_576 = arith.constant 22 : i32
        %parallel_loop3A_577 = vector.broadcast %parallel_loop3A_576 : i32 to vector<16xi32>
        %parallel_loop3A_578 = arith.addi %parallel_loop3A_355, %parallel_loop3A_577 : vector<16xi32>
        %parallel_loop3A_579 = tpu.vector_load_idx %arg8[%parallel_loop3A_578] : memref<6500xf32, #tpu.memory_space<vmem>>[vector<16xi32>], vector<16xf32>,
        %parallel_loop3A_580 = arith.constant 16 : i32
        %parallel_loop3A_581 = arith.muli %parallel_loop3A_348, %parallel_loop3A_580 : i32
        %parallel_loop3A_582 = arith.constant 22 : i32
        %parallel_loop3A_583 = arith.index_cast %parallel_loop3A_582 : i32 to index
        %parallel_loop3A_584 = arith.index_cast %parallel_loop3A_581 : i32 to index
        %parallel_loop3A_585 = tpu.vector_load %arg11[%parallel_loop3A_583, %parallel_loop3A_584] {strides = array<i32>} : memref<64x512xf32, #tpu.memory_space<vmem>>, vector<16xf32>,
        tpu.vector_store %arg11[%parallel_loop3A_583, %parallel_loop3A_584], %parallel_loop3A_579 {strides = array<i32>} : memref<64x512xf32, #tpu.memory_space<vmem>>, vector<16xf32>,
        %parallel_loop3A_586 = arith.constant 23 : i32
        %parallel_loop3A_587 = vector.broadcast %parallel_loop3A_586 : i32 to vector<16xi32>
        %parallel_loop3A_588 = arith.addi %parallel_loop3A_355, %parallel_loop3A_587 : vector<16xi32>
        %parallel_loop3A_589 = tpu.vector_load_idx %arg8[%parallel_loop3A_588] : memref<6500xf32, #tpu.memory_space<vmem>>[vector<16xi32>], vector<16xf32>,
        %parallel_loop3A_590 = arith.constant 16 : i32
        %parallel_loop3A_591 = arith.muli %parallel_loop3A_348, %parallel_loop3A_590 : i32
        %parallel_loop3A_592 = arith.constant 23 : i32
        %parallel_loop3A_593 = arith.index_cast %parallel_loop3A_592 : i32 to index
        %parallel_loop3A_594 = arith.index_cast %parallel_loop3A_591 : i32 to index
        %parallel_loop3A_595 = tpu.vector_load %arg11[%parallel_loop3A_593, %parallel_loop3A_594] {strides = array<i32>} : memref<64x512xf32, #tpu.memory_space<vmem>>, vector<16xf32>,
        tpu.vector_store %arg11[%parallel_loop3A_593, %parallel_loop3A_594], %parallel_loop3A_589 {strides = array<i32>} : memref<64x512xf32, #tpu.memory_space<vmem>>, vector<16xf32>,
        %parallel_loop3A_596 = arith.constant 24 : i32
        %parallel_loop3A_597 = vector.broadcast %parallel_loop3A_596 : i32 to vector<16xi32>
        %parallel_loop3A_598 = arith.addi %parallel_loop3A_355, %parallel_loop3A_597 : vector<16xi32>
        %parallel_loop3A_599 = tpu.vector_load_idx %arg8[%parallel_loop3A_598] : memref<6500xf32, #tpu.memory_space<vmem>>[vector<16xi32>], vector<16xf32>,
        %parallel_loop3A_600 = arith.constant 16 : i32
        %parallel_loop3A_601 = arith.muli %parallel_loop3A_348, %parallel_loop3A_600 : i32
        %parallel_loop3A_602 = arith.constant 24 : i32
        %parallel_loop3A_603 = arith.index_cast %parallel_loop3A_602 : i32 to index
        %parallel_loop3A_604 = arith.index_cast %parallel_loop3A_601 : i32 to index
        %parallel_loop3A_605 = tpu.vector_load %arg11[%parallel_loop3A_603, %parallel_loop3A_604] {strides = array<i32>} : memref<64x512xf32, #tpu.memory_space<vmem>>, vector<16xf32>,
        tpu.vector_store %arg11[%parallel_loop3A_603, %parallel_loop3A_604], %parallel_loop3A_599 {strides = array<i32>} : memref<64x512xf32, #tpu.memory_space<vmem>>, vector<16xf32>,
        %parallel_loop3A_606 = arith.constant 25 : i32
        %parallel_loop3A_607 = vector.broadcast %parallel_loop3A_606 : i32 to vector<16xi32>
        %parallel_loop3A_608 = arith.addi %parallel_loop3A_355, %parallel_loop3A_607 : vector<16xi32>
        %parallel_loop3A_609 = tpu.vector_load_idx %arg8[%parallel_loop3A_608] : memref<6500xf32, #tpu.memory_space<vmem>>[vector<16xi32>], vector<16xf32>,
        %parallel_loop3A_610 = arith.constant 16 : i32
        %parallel_loop3A_611 = arith.muli %parallel_loop3A_348, %parallel_loop3A_610 : i32
        %parallel_loop3A_612 = arith.constant 25 : i32
        %parallel_loop3A_613 = arith.index_cast %parallel_loop3A_612 : i32 to index
        %parallel_loop3A_614 = arith.index_cast %parallel_loop3A_611 : i32 to index
        %parallel_loop3A_615 = tpu.vector_load %arg11[%parallel_loop3A_613, %parallel_loop3A_614] {strides = array<i32>} : memref<64x512xf32, #tpu.memory_space<vmem>>, vector<16xf32>,
        tpu.vector_store %arg11[%parallel_loop3A_613, %parallel_loop3A_614], %parallel_loop3A_609 {strides = array<i32>} : memref<64x512xf32, #tpu.memory_space<vmem>>, vector<16xf32>,
        %parallel_loop3A_616 = arith.constant 26 : i32
        %parallel_loop3A_617 = vector.broadcast %parallel_loop3A_616 : i32 to vector<16xi32>
        %parallel_loop3A_618 = arith.addi %parallel_loop3A_355, %parallel_loop3A_617 : vector<16xi32>
        %parallel_loop3A_619 = tpu.vector_load_idx %arg8[%parallel_loop3A_618] : memref<6500xf32, #tpu.memory_space<vmem>>[vector<16xi32>], vector<16xf32>,
        %parallel_loop3A_620 = arith.constant 16 : i32
        %parallel_loop3A_621 = arith.muli %parallel_loop3A_348, %parallel_loop3A_620 : i32
        %parallel_loop3A_622 = arith.constant 26 : i32
        %parallel_loop3A_623 = arith.index_cast %parallel_loop3A_622 : i32 to index
        %parallel_loop3A_624 = arith.index_cast %parallel_loop3A_621 : i32 to index
        %parallel_loop3A_625 = tpu.vector_load %arg11[%parallel_loop3A_623, %parallel_loop3A_624] {strides = array<i32>} : memref<64x512xf32, #tpu.memory_space<vmem>>, vector<16xf32>,
        tpu.vector_store %arg11[%parallel_loop3A_623, %parallel_loop3A_624], %parallel_loop3A_619 {strides = array<i32>} : memref<64x512xf32, #tpu.memory_space<vmem>>, vector<16xf32>,
        %parallel_loop3A_626 = arith.constant 27 : i32
        %parallel_loop3A_627 = vector.broadcast %parallel_loop3A_626 : i32 to vector<16xi32>
        %parallel_loop3A_628 = arith.addi %parallel_loop3A_355, %parallel_loop3A_627 : vector<16xi32>
        %parallel_loop3A_629 = tpu.vector_load_idx %arg8[%parallel_loop3A_628] : memref<6500xf32, #tpu.memory_space<vmem>>[vector<16xi32>], vector<16xf32>,
        %parallel_loop3A_630 = arith.constant 16 : i32
        %parallel_loop3A_631 = arith.muli %parallel_loop3A_348, %parallel_loop3A_630 : i32
        %parallel_loop3A_632 = arith.constant 27 : i32
        %parallel_loop3A_633 = arith.index_cast %parallel_loop3A_632 : i32 to index
        %parallel_loop3A_634 = arith.index_cast %parallel_loop3A_631 : i32 to index
        %parallel_loop3A_635 = tpu.vector_load %arg11[%parallel_loop3A_633, %parallel_loop3A_634] {strides = array<i32>} : memref<64x512xf32, #tpu.memory_space<vmem>>, vector<16xf32>,
        tpu.vector_store %arg11[%parallel_loop3A_633, %parallel_loop3A_634], %parallel_loop3A_629 {strides = array<i32>} : memref<64x512xf32, #tpu.memory_space<vmem>>, vector<16xf32>,
        %parallel_loop3A_636 = arith.constant 28 : i32
        %parallel_loop3A_637 = vector.broadcast %parallel_loop3A_636 : i32 to vector<16xi32>
        %parallel_loop3A_638 = arith.addi %parallel_loop3A_355, %parallel_loop3A_637 : vector<16xi32>
        %parallel_loop3A_639 = tpu.vector_load_idx %arg8[%parallel_loop3A_638] : memref<6500xf32, #tpu.memory_space<vmem>>[vector<16xi32>], vector<16xf32>,
        %parallel_loop3A_640 = arith.constant 16 : i32
        %parallel_loop3A_641 = arith.muli %parallel_loop3A_348, %parallel_loop3A_640 : i32
        %parallel_loop3A_642 = arith.constant 28 : i32
        %parallel_loop3A_643 = arith.index_cast %parallel_loop3A_642 : i32 to index
        %parallel_loop3A_644 = arith.index_cast %parallel_loop3A_641 : i32 to index
        %parallel_loop3A_645 = tpu.vector_load %arg11[%parallel_loop3A_643, %parallel_loop3A_644] {strides = array<i32>} : memref<64x512xf32, #tpu.memory_space<vmem>>, vector<16xf32>,
        tpu.vector_store %arg11[%parallel_loop3A_643, %parallel_loop3A_644], %parallel_loop3A_639 {strides = array<i32>} : memref<64x512xf32, #tpu.memory_space<vmem>>, vector<16xf32>,
        %parallel_loop3A_646 = arith.constant 29 : i32
        %parallel_loop3A_647 = vector.broadcast %parallel_loop3A_646 : i32 to vector<16xi32>
        %parallel_loop3A_648 = arith.addi %parallel_loop3A_355, %parallel_loop3A_647 : vector<16xi32>
        %parallel_loop3A_649 = tpu.vector_load_idx %arg8[%parallel_loop3A_648] : memref<6500xf32, #tpu.memory_space<vmem>>[vector<16xi32>], vector<16xf32>,
        %parallel_loop3A_650 = arith.constant 16 : i32
        %parallel_loop3A_651 = arith.muli %parallel_loop3A_348, %parallel_loop3A_650 : i32
        %parallel_loop3A_652 = arith.constant 29 : i32
        %parallel_loop3A_653 = arith.index_cast %parallel_loop3A_652 : i32 to index
        %parallel_loop3A_654 = arith.index_cast %parallel_loop3A_651 : i32 to index
        %parallel_loop3A_655 = tpu.vector_load %arg11[%parallel_loop3A_653, %parallel_loop3A_654] {strides = array<i32>} : memref<64x512xf32, #tpu.memory_space<vmem>>, vector<16xf32>,
        tpu.vector_store %arg11[%parallel_loop3A_653, %parallel_loop3A_654], %parallel_loop3A_649 {strides = array<i32>} : memref<64x512xf32, #tpu.memory_space<vmem>>, vector<16xf32>,
        %parallel_loop3A_656 = arith.constant 30 : i32
        %parallel_loop3A_657 = vector.broadcast %parallel_loop3A_656 : i32 to vector<16xi32>
        %parallel_loop3A_658 = arith.addi %parallel_loop3A_355, %parallel_loop3A_657 : vector<16xi32>
        %parallel_loop3A_659 = tpu.vector_load_idx %arg8[%parallel_loop3A_658] : memref<6500xf32, #tpu.memory_space<vmem>>[vector<16xi32>], vector<16xf32>,
        %parallel_loop3A_660 = arith.constant 16 : i32
        %parallel_loop3A_661 = arith.muli %parallel_loop3A_348, %parallel_loop3A_660 : i32
        %parallel_loop3A_662 = arith.constant 30 : i32
        %parallel_loop3A_663 = arith.index_cast %parallel_loop3A_662 : i32 to index
        %parallel_loop3A_664 = arith.index_cast %parallel_loop3A_661 : i32 to index
        %parallel_loop3A_665 = tpu.vector_load %arg11[%parallel_loop3A_663, %parallel_loop3A_664] {strides = array<i32>} : memref<64x512xf32, #tpu.memory_space<vmem>>, vector<16xf32>,
        tpu.vector_store %arg11[%parallel_loop3A_663, %parallel_loop3A_664], %parallel_loop3A_659 {strides = array<i32>} : memref<64x512xf32, #tpu.memory_space<vmem>>, vector<16xf32>,
        %parallel_loop3A_666 = arith.constant 31 : i32
        %parallel_loop3A_667 = vector.broadcast %parallel_loop3A_666 : i32 to vector<16xi32>
        %parallel_loop3A_668 = arith.addi %parallel_loop3A_355, %parallel_loop3A_667 : vector<16xi32>
        %parallel_loop3A_669 = tpu.vector_load_idx %arg8[%parallel_loop3A_668] : memref<6500xf32, #tpu.memory_space<vmem>>[vector<16xi32>], vector<16xf32>,
        %parallel_loop3A_670 = arith.constant 16 : i32
        %parallel_loop3A_671 = arith.muli %parallel_loop3A_348, %parallel_loop3A_670 : i32
        %parallel_loop3A_672 = arith.constant 31 : i32
        %parallel_loop3A_673 = arith.index_cast %parallel_loop3A_672 : i32 to index
        %parallel_loop3A_674 = arith.index_cast %parallel_loop3A_671 : i32 to index
        %parallel_loop3A_675 = tpu.vector_load %arg11[%parallel_loop3A_673, %parallel_loop3A_674] {strides = array<i32>} : memref<64x512xf32, #tpu.memory_space<vmem>>, vector<16xf32>,
        tpu.vector_store %arg11[%parallel_loop3A_673, %parallel_loop3A_674], %parallel_loop3A_669 {strides = array<i32>} : memref<64x512xf32, #tpu.memory_space<vmem>>, vector<16xf32>,
        %parallel_loop3A_676 = arith.constant 32 : i32
        %parallel_loop3A_677 = vector.broadcast %parallel_loop3A_676 : i32 to vector<16xi32>
        %parallel_loop3A_678 = arith.addi %parallel_loop3A_355, %parallel_loop3A_677 : vector<16xi32>
        %parallel_loop3A_679 = tpu.vector_load_idx %arg8[%parallel_loop3A_678] : memref<6500xf32, #tpu.memory_space<vmem>>[vector<16xi32>], vector<16xf32>,
        %parallel_loop3A_680 = arith.constant 16 : i32
        %parallel_loop3A_681 = arith.muli %parallel_loop3A_348, %parallel_loop3A_680 : i32
        %parallel_loop3A_682 = arith.constant 32 : i32
        %parallel_loop3A_683 = arith.index_cast %parallel_loop3A_682 : i32 to index
        %parallel_loop3A_684 = arith.index_cast %parallel_loop3A_681 : i32 to index
        %parallel_loop3A_685 = tpu.vector_load %arg11[%parallel_loop3A_683, %parallel_loop3A_684] {strides = array<i32>} : memref<64x512xf32, #tpu.memory_space<vmem>>, vector<16xf32>,
        tpu.vector_store %arg11[%parallel_loop3A_683, %parallel_loop3A_684], %parallel_loop3A_679 {strides = array<i32>} : memref<64x512xf32, #tpu.memory_space<vmem>>, vector<16xf32>,
        %parallel_loop3A_686 = arith.constant 33 : i32
        %parallel_loop3A_687 = vector.broadcast %parallel_loop3A_686 : i32 to vector<16xi32>
        %parallel_loop3A_688 = arith.addi %parallel_loop3A_355, %parallel_loop3A_687 : vector<16xi32>
        %parallel_loop3A_689 = tpu.vector_load_idx %arg8[%parallel_loop3A_688] : memref<6500xf32, #tpu.memory_space<vmem>>[vector<16xi32>], vector<16xf32>,
        %parallel_loop3A_690 = arith.constant 16 : i32
        %parallel_loop3A_691 = arith.muli %parallel_loop3A_348, %parallel_loop3A_690 : i32
        %parallel_loop3A_692 = arith.constant 33 : i32
        %parallel_loop3A_693 = arith.index_cast %parallel_loop3A_692 : i32 to index
        %parallel_loop3A_694 = arith.index_cast %parallel_loop3A_691 : i32 to index
        %parallel_loop3A_695 = tpu.vector_load %arg11[%parallel_loop3A_693, %parallel_loop3A_694] {strides = array<i32>} : memref<64x512xf32, #tpu.memory_space<vmem>>, vector<16xf32>,
        tpu.vector_store %arg11[%parallel_loop3A_693, %parallel_loop3A_694], %parallel_loop3A_689 {strides = array<i32>} : memref<64x512xf32, #tpu.memory_space<vmem>>, vector<16xf32>,
        %parallel_loop3A_696 = arith.constant 34 : i32
        %parallel_loop3A_697 = vector.broadcast %parallel_loop3A_696 : i32 to vector<16xi32>
        %parallel_loop3A_698 = arith.addi %parallel_loop3A_355, %parallel_loop3A_697 : vector<16xi32>
        %parallel_loop3A_699 = tpu.vector_load_idx %arg8[%parallel_loop3A_698] : memref<6500xf32, #tpu.memory_space<vmem>>[vector<16xi32>], vector<16xf32>,
        %parallel_loop3A_700 = arith.constant 16 : i32
        %parallel_loop3A_701 = arith.muli %parallel_loop3A_348, %parallel_loop3A_700 : i32
        %parallel_loop3A_702 = arith.constant 34 : i32
        %parallel_loop3A_703 = arith.index_cast %parallel_loop3A_702 : i32 to index
        %parallel_loop3A_704 = arith.index_cast %parallel_loop3A_701 : i32 to index
        %parallel_loop3A_705 = tpu.vector_load %arg11[%parallel_loop3A_703, %parallel_loop3A_704] {strides = array<i32>} : memref<64x512xf32, #tpu.memory_space<vmem>>, vector<16xf32>,
        tpu.vector_store %arg11[%parallel_loop3A_703, %parallel_loop3A_704], %parallel_loop3A_699 {strides = array<i32>} : memref<64x512xf32, #tpu.memory_space<vmem>>, vector<16xf32>,
        %parallel_loop3A_706 = arith.constant 35 : i32
        %parallel_loop3A_707 = vector.broadcast %parallel_loop3A_706 : i32 to vector<16xi32>
        %parallel_loop3A_708 = arith.addi %parallel_loop3A_355, %parallel_loop3A_707 : vector<16xi32>
        %parallel_loop3A_709 = tpu.vector_load_idx %arg8[%parallel_loop3A_708] : memref<6500xf32, #tpu.memory_space<vmem>>[vector<16xi32>], vector<16xf32>,
        %parallel_loop3A_710 = arith.constant 16 : i32
        %parallel_loop3A_711 = arith.muli %parallel_loop3A_348, %parallel_loop3A_710 : i32
        %parallel_loop3A_712 = arith.constant 35 : i32
        %parallel_loop3A_713 = arith.index_cast %parallel_loop3A_712 : i32 to index
        %parallel_loop3A_714 = arith.index_cast %parallel_loop3A_711 : i32 to index
        %parallel_loop3A_715 = tpu.vector_load %arg11[%parallel_loop3A_713, %parallel_loop3A_714] {strides = array<i32>} : memref<64x512xf32, #tpu.memory_space<vmem>>, vector<16xf32>,
        tpu.vector_store %arg11[%parallel_loop3A_713, %parallel_loop3A_714], %parallel_loop3A_709 {strides = array<i32>} : memref<64x512xf32, #tpu.memory_space<vmem>>, vector<16xf32>,
        %parallel_loop3A_716 = arith.constant 36 : i32
        %parallel_loop3A_717 = vector.broadcast %parallel_loop3A_716 : i32 to vector<16xi32>
        %parallel_loop3A_718 = arith.addi %parallel_loop3A_355, %parallel_loop3A_717 : vector<16xi32>
        %parallel_loop3A_719 = tpu.vector_load_idx %arg8[%parallel_loop3A_718] : memref<6500xf32, #tpu.memory_space<vmem>>[vector<16xi32>], vector<16xf32>,
        %parallel_loop3A_720 = arith.constant 16 : i32
        %parallel_loop3A_721 = arith.muli %parallel_loop3A_348, %parallel_loop3A_720 : i32
        %parallel_loop3A_722 = arith.constant 36 : i32
        %parallel_loop3A_723 = arith.index_cast %parallel_loop3A_722 : i32 to index
        %parallel_loop3A_724 = arith.index_cast %parallel_loop3A_721 : i32 to index
        %parallel_loop3A_725 = tpu.vector_load %arg11[%parallel_loop3A_723, %parallel_loop3A_724] {strides = array<i32>} : memref<64x512xf32, #tpu.memory_space<vmem>>, vector<16xf32>,
        tpu.vector_store %arg11[%parallel_loop3A_723, %parallel_loop3A_724], %parallel_loop3A_719 {strides = array<i32>} : memref<64x512xf32, #tpu.memory_space<vmem>>, vector<16xf32>,
        %parallel_loop3A_726 = arith.constant 37 : i32
        %parallel_loop3A_727 = vector.broadcast %parallel_loop3A_726 : i32 to vector<16xi32>
        %parallel_loop3A_728 = arith.addi %parallel_loop3A_355, %parallel_loop3A_727 : vector<16xi32>
        %parallel_loop3A_729 = tpu.vector_load_idx %arg8[%parallel_loop3A_728] : memref<6500xf32, #tpu.memory_space<vmem>>[vector<16xi32>], vector<16xf32>,
        %parallel_loop3A_730 = arith.constant 16 : i32
        %parallel_loop3A_731 = arith.muli %parallel_loop3A_348, %parallel_loop3A_730 : i32
        %parallel_loop3A_732 = arith.constant 37 : i32
        %parallel_loop3A_733 = arith.index_cast %parallel_loop3A_732 : i32 to index
        %parallel_loop3A_734 = arith.index_cast %parallel_loop3A_731 : i32 to index
        %parallel_loop3A_735 = tpu.vector_load %arg11[%parallel_loop3A_733, %parallel_loop3A_734] {strides = array<i32>} : memref<64x512xf32, #tpu.memory_space<vmem>>, vector<16xf32>,
        tpu.vector_store %arg11[%parallel_loop3A_733, %parallel_loop3A_734], %parallel_loop3A_729 {strides = array<i32>} : memref<64x512xf32, #tpu.memory_space<vmem>>, vector<16xf32>,
        %parallel_loop3A_736 = arith.constant 38 : i32
        %parallel_loop3A_737 = vector.broadcast %parallel_loop3A_736 : i32 to vector<16xi32>
        %parallel_loop3A_738 = arith.addi %parallel_loop3A_355, %parallel_loop3A_737 : vector<16xi32>
        %parallel_loop3A_739 = tpu.vector_load_idx %arg8[%parallel_loop3A_738] : memref<6500xf32, #tpu.memory_space<vmem>>[vector<16xi32>], vector<16xf32>,
        %parallel_loop3A_740 = arith.constant 16 : i32
        %parallel_loop3A_741 = arith.muli %parallel_loop3A_348, %parallel_loop3A_740 : i32
        %parallel_loop3A_742 = arith.constant 38 : i32
        %parallel_loop3A_743 = arith.index_cast %parallel_loop3A_742 : i32 to index
        %parallel_loop3A_744 = arith.index_cast %parallel_loop3A_741 : i32 to index
        %parallel_loop3A_745 = tpu.vector_load %arg11[%parallel_loop3A_743, %parallel_loop3A_744] {strides = array<i32>} : memref<64x512xf32, #tpu.memory_space<vmem>>, vector<16xf32>,
        tpu.vector_store %arg11[%parallel_loop3A_743, %parallel_loop3A_744], %parallel_loop3A_739 {strides = array<i32>} : memref<64x512xf32, #tpu.memory_space<vmem>>, vector<16xf32>,
        %parallel_loop3A_746 = arith.constant 39 : i32
        %parallel_loop3A_747 = vector.broadcast %parallel_loop3A_746 : i32 to vector<16xi32>
        %parallel_loop3A_748 = arith.addi %parallel_loop3A_355, %parallel_loop3A_747 : vector<16xi32>
        %parallel_loop3A_749 = tpu.vector_load_idx %arg8[%parallel_loop3A_748] : memref<6500xf32, #tpu.memory_space<vmem>>[vector<16xi32>], vector<16xf32>,
        %parallel_loop3A_750 = arith.constant 16 : i32
        %parallel_loop3A_751 = arith.muli %parallel_loop3A_348, %parallel_loop3A_750 : i32
        %parallel_loop3A_752 = arith.constant 39 : i32
        %parallel_loop3A_753 = arith.index_cast %parallel_loop3A_752 : i32 to index
        %parallel_loop3A_754 = arith.index_cast %parallel_loop3A_751 : i32 to index
        %parallel_loop3A_755 = tpu.vector_load %arg11[%parallel_loop3A_753, %parallel_loop3A_754] {strides = array<i32>} : memref<64x512xf32, #tpu.memory_space<vmem>>, vector<16xf32>,
        tpu.vector_store %arg11[%parallel_loop3A_753, %parallel_loop3A_754], %parallel_loop3A_749 {strides = array<i32>} : memref<64x512xf32, #tpu.memory_space<vmem>>, vector<16xf32>,
        %parallel_loop3A_756 = arith.constant 40 : i32
        %parallel_loop3A_757 = vector.broadcast %parallel_loop3A_756 : i32 to vector<16xi32>
        %parallel_loop3A_758 = arith.addi %parallel_loop3A_355, %parallel_loop3A_757 : vector<16xi32>
        %parallel_loop3A_759 = tpu.vector_load_idx %arg8[%parallel_loop3A_758] : memref<6500xf32, #tpu.memory_space<vmem>>[vector<16xi32>], vector<16xf32>,
        %parallel_loop3A_760 = arith.constant 16 : i32
        %parallel_loop3A_761 = arith.muli %parallel_loop3A_348, %parallel_loop3A_760 : i32
        %parallel_loop3A_762 = arith.constant 40 : i32
        %parallel_loop3A_763 = arith.index_cast %parallel_loop3A_762 : i32 to index
        %parallel_loop3A_764 = arith.index_cast %parallel_loop3A_761 : i32 to index
        %parallel_loop3A_765 = tpu.vector_load %arg11[%parallel_loop3A_763, %parallel_loop3A_764] {strides = array<i32>} : memref<64x512xf32, #tpu.memory_space<vmem>>, vector<16xf32>,
        tpu.vector_store %arg11[%parallel_loop3A_763, %parallel_loop3A_764], %parallel_loop3A_759 {strides = array<i32>} : memref<64x512xf32, #tpu.memory_space<vmem>>, vector<16xf32>,
        %parallel_loop3A_766 = arith.constant 41 : i32
        %parallel_loop3A_767 = vector.broadcast %parallel_loop3A_766 : i32 to vector<16xi32>
        %parallel_loop3A_768 = arith.addi %parallel_loop3A_355, %parallel_loop3A_767 : vector<16xi32>
        %parallel_loop3A_769 = tpu.vector_load_idx %arg8[%parallel_loop3A_768] : memref<6500xf32, #tpu.memory_space<vmem>>[vector<16xi32>], vector<16xf32>,
        %parallel_loop3A_770 = arith.constant 16 : i32
        %parallel_loop3A_771 = arith.muli %parallel_loop3A_348, %parallel_loop3A_770 : i32
        %parallel_loop3A_772 = arith.constant 41 : i32
        %parallel_loop3A_773 = arith.index_cast %parallel_loop3A_772 : i32 to index
        %parallel_loop3A_774 = arith.index_cast %parallel_loop3A_771 : i32 to index
        %parallel_loop3A_775 = tpu.vector_load %arg11[%parallel_loop3A_773, %parallel_loop3A_774] {strides = array<i32>} : memref<64x512xf32, #tpu.memory_space<vmem>>, vector<16xf32>,
        tpu.vector_store %arg11[%parallel_loop3A_773, %parallel_loop3A_774], %parallel_loop3A_769 {strides = array<i32>} : memref<64x512xf32, #tpu.memory_space<vmem>>, vector<16xf32>,
        %parallel_loop3A_776 = arith.constant 42 : i32
        %parallel_loop3A_777 = vector.broadcast %parallel_loop3A_776 : i32 to vector<16xi32>
        %parallel_loop3A_778 = arith.addi %parallel_loop3A_355, %parallel_loop3A_777 : vector<16xi32>
        %parallel_loop3A_779 = tpu.vector_load_idx %arg8[%parallel_loop3A_778] : memref<6500xf32, #tpu.memory_space<vmem>>[vector<16xi32>], vector<16xf32>,
        %parallel_loop3A_780 = arith.constant 16 : i32
        %parallel_loop3A_781 = arith.muli %parallel_loop3A_348, %parallel_loop3A_780 : i32
        %parallel_loop3A_782 = arith.constant 42 : i32
        %parallel_loop3A_783 = arith.index_cast %parallel_loop3A_782 : i32 to index
        %parallel_loop3A_784 = arith.index_cast %parallel_loop3A_781 : i32 to index
        %parallel_loop3A_785 = tpu.vector_load %arg11[%parallel_loop3A_783, %parallel_loop3A_784] {strides = array<i32>} : memref<64x512xf32, #tpu.memory_space<vmem>>, vector<16xf32>,
        tpu.vector_store %arg11[%parallel_loop3A_783, %parallel_loop3A_784], %parallel_loop3A_779 {strides = array<i32>} : memref<64x512xf32, #tpu.memory_space<vmem>>, vector<16xf32>,
        %parallel_loop3A_786 = arith.constant 43 : i32
        %parallel_loop3A_787 = vector.broadcast %parallel_loop3A_786 : i32 to vector<16xi32>
        %parallel_loop3A_788 = arith.addi %parallel_loop3A_355, %parallel_loop3A_787 : vector<16xi32>
        %parallel_loop3A_789 = tpu.vector_load_idx %arg8[%parallel_loop3A_788] : memref<6500xf32, #tpu.memory_space<vmem>>[vector<16xi32>], vector<16xf32>,
        %parallel_loop3A_790 = arith.constant 16 : i32
        %parallel_loop3A_791 = arith.muli %parallel_loop3A_348, %parallel_loop3A_790 : i32
        %parallel_loop3A_792 = arith.constant 43 : i32
        %parallel_loop3A_793 = arith.index_cast %parallel_loop3A_792 : i32 to index
        %parallel_loop3A_794 = arith.index_cast %parallel_loop3A_791 : i32 to index
        %parallel_loop3A_795 = tpu.vector_load %arg11[%parallel_loop3A_793, %parallel_loop3A_794] {strides = array<i32>} : memref<64x512xf32, #tpu.memory_space<vmem>>, vector<16xf32>,
        tpu.vector_store %arg11[%parallel_loop3A_793, %parallel_loop3A_794], %parallel_loop3A_789 {strides = array<i32>} : memref<64x512xf32, #tpu.memory_space<vmem>>, vector<16xf32>,
        %parallel_loop3A_796 = arith.constant 44 : i32
        %parallel_loop3A_797 = vector.broadcast %parallel_loop3A_796 : i32 to vector<16xi32>
        %parallel_loop3A_798 = arith.addi %parallel_loop3A_355, %parallel_loop3A_797 : vector<16xi32>
        %parallel_loop3A_799 = tpu.vector_load_idx %arg8[%parallel_loop3A_798] : memref<6500xf32, #tpu.memory_space<vmem>>[vector<16xi32>], vector<16xf32>,
        %parallel_loop3A_800 = arith.constant 16 : i32
        %parallel_loop3A_801 = arith.muli %parallel_loop3A_348, %parallel_loop3A_800 : i32
        %parallel_loop3A_802 = arith.constant 44 : i32
        %parallel_loop3A_803 = arith.index_cast %parallel_loop3A_802 : i32 to index
        %parallel_loop3A_804 = arith.index_cast %parallel_loop3A_801 : i32 to index
        %parallel_loop3A_805 = tpu.vector_load %arg11[%parallel_loop3A_803, %parallel_loop3A_804] {strides = array<i32>} : memref<64x512xf32, #tpu.memory_space<vmem>>, vector<16xf32>,
        tpu.vector_store %arg11[%parallel_loop3A_803, %parallel_loop3A_804], %parallel_loop3A_799 {strides = array<i32>} : memref<64x512xf32, #tpu.memory_space<vmem>>, vector<16xf32>,
        %parallel_loop3A_806 = arith.constant 45 : i32
        %parallel_loop3A_807 = vector.broadcast %parallel_loop3A_806 : i32 to vector<16xi32>
        %parallel_loop3A_808 = arith.addi %parallel_loop3A_355, %parallel_loop3A_807 : vector<16xi32>
        %parallel_loop3A_809 = tpu.vector_load_idx %arg8[%parallel_loop3A_808] : memref<6500xf32, #tpu.memory_space<vmem>>[vector<16xi32>], vector<16xf32>,
        %parallel_loop3A_810 = arith.constant 16 : i32
        %parallel_loop3A_811 = arith.muli %parallel_loop3A_348, %parallel_loop3A_810 : i32
        %parallel_loop3A_812 = arith.constant 45 : i32
        %parallel_loop3A_813 = arith.index_cast %parallel_loop3A_812 : i32 to index
        %parallel_loop3A_814 = arith.index_cast %parallel_loop3A_811 : i32 to index
        %parallel_loop3A_815 = tpu.vector_load %arg11[%parallel_loop3A_813, %parallel_loop3A_814] {strides = array<i32>} : memref<64x512xf32, #tpu.memory_space<vmem>>, vector<16xf32>,
        tpu.vector_store %arg11[%parallel_loop3A_813, %parallel_loop3A_814], %parallel_loop3A_809 {strides = array<i32>} : memref<64x512xf32, #tpu.memory_space<vmem>>, vector<16xf32>,
        %parallel_loop3A_816 = arith.constant 46 : i32
        %parallel_loop3A_817 = vector.broadcast %parallel_loop3A_816 : i32 to vector<16xi32>
        %parallel_loop3A_818 = arith.addi %parallel_loop3A_355, %parallel_loop3A_817 : vector<16xi32>
        %parallel_loop3A_819 = tpu.vector_load_idx %arg8[%parallel_loop3A_818] : memref<6500xf32, #tpu.memory_space<vmem>>[vector<16xi32>], vector<16xf32>,
        %parallel_loop3A_820 = arith.constant 16 : i32
        %parallel_loop3A_821 = arith.muli %parallel_loop3A_348, %parallel_loop3A_820 : i32
        %parallel_loop3A_822 = arith.constant 46 : i32
        %parallel_loop3A_823 = arith.index_cast %parallel_loop3A_822 : i32 to index
        %parallel_loop3A_824 = arith.index_cast %parallel_loop3A_821 : i32 to index
        %parallel_loop3A_825 = tpu.vector_load %arg11[%parallel_loop3A_823, %parallel_loop3A_824] {strides = array<i32>} : memref<64x512xf32, #tpu.memory_space<vmem>>, vector<16xf32>,
        tpu.vector_store %arg11[%parallel_loop3A_823, %parallel_loop3A_824], %parallel_loop3A_819 {strides = array<i32>} : memref<64x512xf32, #tpu.memory_space<vmem>>, vector<16xf32>,
        %parallel_loop3A_826 = arith.constant 47 : i32
        %parallel_loop3A_827 = vector.broadcast %parallel_loop3A_826 : i32 to vector<16xi32>
        %parallel_loop3A_828 = arith.addi %parallel_loop3A_355, %parallel_loop3A_827 : vector<16xi32>
        %parallel_loop3A_829 = tpu.vector_load_idx %arg8[%parallel_loop3A_828] : memref<6500xf32, #tpu.memory_space<vmem>>[vector<16xi32>], vector<16xf32>,
        %parallel_loop3A_830 = arith.constant 16 : i32
        %parallel_loop3A_831 = arith.muli %parallel_loop3A_348, %parallel_loop3A_830 : i32
        %parallel_loop3A_832 = arith.constant 47 : i32
        %parallel_loop3A_833 = arith.index_cast %parallel_loop3A_832 : i32 to index
        %parallel_loop3A_834 = arith.index_cast %parallel_loop3A_831 : i32 to index
        %parallel_loop3A_835 = tpu.vector_load %arg11[%parallel_loop3A_833, %parallel_loop3A_834] {strides = array<i32>} : memref<64x512xf32, #tpu.memory_space<vmem>>, vector<16xf32>,
        tpu.vector_store %arg11[%parallel_loop3A_833, %parallel_loop3A_834], %parallel_loop3A_829 {strides = array<i32>} : memref<64x512xf32, #tpu.memory_space<vmem>>, vector<16xf32>,
        %parallel_loop3A_836 = arith.constant 48 : i32
        %parallel_loop3A_837 = vector.broadcast %parallel_loop3A_836 : i32 to vector<16xi32>
        %parallel_loop3A_838 = arith.addi %parallel_loop3A_355, %parallel_loop3A_837 : vector<16xi32>
        %parallel_loop3A_839 = tpu.vector_load_idx %arg8[%parallel_loop3A_838] : memref<6500xf32, #tpu.memory_space<vmem>>[vector<16xi32>], vector<16xf32>,
        %parallel_loop3A_840 = arith.constant 16 : i32
        %parallel_loop3A_841 = arith.muli %parallel_loop3A_348, %parallel_loop3A_840 : i32
        %parallel_loop3A_842 = arith.constant 48 : i32
        %parallel_loop3A_843 = arith.index_cast %parallel_loop3A_842 : i32 to index
        %parallel_loop3A_844 = arith.index_cast %parallel_loop3A_841 : i32 to index
        %parallel_loop3A_845 = tpu.vector_load %arg11[%parallel_loop3A_843, %parallel_loop3A_844] {strides = array<i32>} : memref<64x512xf32, #tpu.memory_space<vmem>>, vector<16xf32>,
        tpu.vector_store %arg11[%parallel_loop3A_843, %parallel_loop3A_844], %parallel_loop3A_839 {strides = array<i32>} : memref<64x512xf32, #tpu.memory_space<vmem>>, vector<16xf32>,
        %parallel_loop3A_846 = arith.constant 49 : i32
        %parallel_loop3A_847 = vector.broadcast %parallel_loop3A_846 : i32 to vector<16xi32>
        %parallel_loop3A_848 = arith.addi %parallel_loop3A_355, %parallel_loop3A_847 : vector<16xi32>
        %parallel_loop3A_849 = tpu.vector_load_idx %arg8[%parallel_loop3A_848] : memref<6500xf32, #tpu.memory_space<vmem>>[vector<16xi32>], vector<16xf32>,
        %parallel_loop3A_850 = arith.constant 16 : i32
        %parallel_loop3A_851 = arith.muli %parallel_loop3A_348, %parallel_loop3A_850 : i32
        %parallel_loop3A_852 = arith.constant 49 : i32
        %parallel_loop3A_853 = arith.index_cast %parallel_loop3A_852 : i32 to index
        %parallel_loop3A_854 = arith.index_cast %parallel_loop3A_851 : i32 to index
        %parallel_loop3A_855 = tpu.vector_load %arg11[%parallel_loop3A_853, %parallel_loop3A_854] {strides = array<i32>} : memref<64x512xf32, #tpu.memory_space<vmem>>, vector<16xf32>,
        tpu.vector_store %arg11[%parallel_loop3A_853, %parallel_loop3A_854], %parallel_loop3A_849 {strides = array<i32>} : memref<64x512xf32, #tpu.memory_space<vmem>>, vector<16xf32>,
        %parallel_loop3A_856 = arith.constant 50 : i32
        %parallel_loop3A_857 = vector.broadcast %parallel_loop3A_856 : i32 to vector<16xi32>
        %parallel_loop3A_858 = arith.addi %parallel_loop3A_355, %parallel_loop3A_857 : vector<16xi32>
        %parallel_loop3A_859 = tpu.vector_load_idx %arg8[%parallel_loop3A_858] : memref<6500xf32, #tpu.memory_space<vmem>>[vector<16xi32>], vector<16xf32>,
        %parallel_loop3A_860 = arith.constant 16 : i32
        %parallel_loop3A_861 = arith.muli %parallel_loop3A_348, %parallel_loop3A_860 : i32
        %parallel_loop3A_862 = arith.constant 50 : i32
        %parallel_loop3A_863 = arith.index_cast %parallel_loop3A_862 : i32 to index
        %parallel_loop3A_864 = arith.index_cast %parallel_loop3A_861 : i32 to index
        %parallel_loop3A_865 = tpu.vector_load %arg11[%parallel_loop3A_863, %parallel_loop3A_864] {strides = array<i32>} : memref<64x512xf32, #tpu.memory_space<vmem>>, vector<16xf32>,
        tpu.vector_store %arg11[%parallel_loop3A_863, %parallel_loop3A_864], %parallel_loop3A_859 {strides = array<i32>} : memref<64x512xf32, #tpu.memory_space<vmem>>, vector<16xf32>,
        %parallel_loop3A_866 = arith.constant 51 : i32
        %parallel_loop3A_867 = vector.broadcast %parallel_loop3A_866 : i32 to vector<16xi32>
        %parallel_loop3A_868 = arith.addi %parallel_loop3A_355, %parallel_loop3A_867 : vector<16xi32>
        %parallel_loop3A_869 = tpu.vector_load_idx %arg8[%parallel_loop3A_868] : memref<6500xf32, #tpu.memory_space<vmem>>[vector<16xi32>], vector<16xf32>,
        %parallel_loop3A_870 = arith.constant 16 : i32
        %parallel_loop3A_871 = arith.muli %parallel_loop3A_348, %parallel_loop3A_870 : i32
        %parallel_loop3A_872 = arith.constant 51 : i32
        %parallel_loop3A_873 = arith.index_cast %parallel_loop3A_872 : i32 to index
        %parallel_loop3A_874 = arith.index_cast %parallel_loop3A_871 : i32 to index
        %parallel_loop3A_875 = tpu.vector_load %arg11[%parallel_loop3A_873, %parallel_loop3A_874] {strides = array<i32>} : memref<64x512xf32, #tpu.memory_space<vmem>>, vector<16xf32>,
        tpu.vector_store %arg11[%parallel_loop3A_873, %parallel_loop3A_874], %parallel_loop3A_869 {strides = array<i32>} : memref<64x512xf32, #tpu.memory_space<vmem>>, vector<16xf32>,
        %parallel_loop3A_876 = arith.constant 52 : i32
        %parallel_loop3A_877 = vector.broadcast %parallel_loop3A_876 : i32 to vector<16xi32>
        %parallel_loop3A_878 = arith.addi %parallel_loop3A_355, %parallel_loop3A_877 : vector<16xi32>
        %parallel_loop3A_879 = tpu.vector_load_idx %arg8[%parallel_loop3A_878] : memref<6500xf32, #tpu.memory_space<vmem>>[vector<16xi32>], vector<16xf32>,
        %parallel_loop3A_880 = arith.constant 16 : i32
        %parallel_loop3A_881 = arith.muli %parallel_loop3A_348, %parallel_loop3A_880 : i32
        %parallel_loop3A_882 = arith.constant 52 : i32
        %parallel_loop3A_883 = arith.index_cast %parallel_loop3A_882 : i32 to index
        %parallel_loop3A_884 = arith.index_cast %parallel_loop3A_881 : i32 to index
        %parallel_loop3A_885 = tpu.vector_load %arg11[%parallel_loop3A_883, %parallel_loop3A_884] {strides = array<i32>} : memref<64x512xf32, #tpu.memory_space<vmem>>, vector<16xf32>,
        tpu.vector_store %arg11[%parallel_loop3A_883, %parallel_loop3A_884], %parallel_loop3A_879 {strides = array<i32>} : memref<64x512xf32, #tpu.memory_space<vmem>>, vector<16xf32>,
        %parallel_loop3A_886 = arith.constant 53 : i32
        %parallel_loop3A_887 = vector.broadcast %parallel_loop3A_886 : i32 to vector<16xi32>
        %parallel_loop3A_888 = arith.addi %parallel_loop3A_355, %parallel_loop3A_887 : vector<16xi32>
        %parallel_loop3A_889 = tpu.vector_load_idx %arg8[%parallel_loop3A_888] : memref<6500xf32, #tpu.memory_space<vmem>>[vector<16xi32>], vector<16xf32>,
        %parallel_loop3A_890 = arith.constant 16 : i32
        %parallel_loop3A_891 = arith.muli %parallel_loop3A_348, %parallel_loop3A_890 : i32
        %parallel_loop3A_892 = arith.constant 53 : i32
        %parallel_loop3A_893 = arith.index_cast %parallel_loop3A_892 : i32 to index
        %parallel_loop3A_894 = arith.index_cast %parallel_loop3A_891 : i32 to index
        %parallel_loop3A_895 = tpu.vector_load %arg11[%parallel_loop3A_893, %parallel_loop3A_894] {strides = array<i32>} : memref<64x512xf32, #tpu.memory_space<vmem>>, vector<16xf32>,
        tpu.vector_store %arg11[%parallel_loop3A_893, %parallel_loop3A_894], %parallel_loop3A_889 {strides = array<i32>} : memref<64x512xf32, #tpu.memory_space<vmem>>, vector<16xf32>,
        %parallel_loop3A_896 = arith.constant 54 : i32
        %parallel_loop3A_897 = vector.broadcast %parallel_loop3A_896 : i32 to vector<16xi32>
        %parallel_loop3A_898 = arith.addi %parallel_loop3A_355, %parallel_loop3A_897 : vector<16xi32>
        %parallel_loop3A_899 = tpu.vector_load_idx %arg8[%parallel_loop3A_898] : memref<6500xf32, #tpu.memory_space<vmem>>[vector<16xi32>], vector<16xf32>,
        %parallel_loop3A_900 = arith.constant 16 : i32
        %parallel_loop3A_901 = arith.muli %parallel_loop3A_348, %parallel_loop3A_900 : i32
        %parallel_loop3A_902 = arith.constant 54 : i32
        %parallel_loop3A_903 = arith.index_cast %parallel_loop3A_902 : i32 to index
        %parallel_loop3A_904 = arith.index_cast %parallel_loop3A_901 : i32 to index
        %parallel_loop3A_905 = tpu.vector_load %arg11[%parallel_loop3A_903, %parallel_loop3A_904] {strides = array<i32>} : memref<64x512xf32, #tpu.memory_space<vmem>>, vector<16xf32>,
        tpu.vector_store %arg11[%parallel_loop3A_903, %parallel_loop3A_904], %parallel_loop3A_899 {strides = array<i32>} : memref<64x512xf32, #tpu.memory_space<vmem>>, vector<16xf32>,
        %parallel_loop3A_906 = arith.constant 55 : i32
        %parallel_loop3A_907 = vector.broadcast %parallel_loop3A_906 : i32 to vector<16xi32>
        %parallel_loop3A_908 = arith.addi %parallel_loop3A_355, %parallel_loop3A_907 : vector<16xi32>
        %parallel_loop3A_909 = tpu.vector_load_idx %arg8[%parallel_loop3A_908] : memref<6500xf32, #tpu.memory_space<vmem>>[vector<16xi32>], vector<16xf32>,
        %parallel_loop3A_910 = arith.constant 16 : i32
        %parallel_loop3A_911 = arith.muli %parallel_loop3A_348, %parallel_loop3A_910 : i32
        %parallel_loop3A_912 = arith.constant 55 : i32
        %parallel_loop3A_913 = arith.index_cast %parallel_loop3A_912 : i32 to index
        %parallel_loop3A_914 = arith.index_cast %parallel_loop3A_911 : i32 to index
        %parallel_loop3A_915 = tpu.vector_load %arg11[%parallel_loop3A_913, %parallel_loop3A_914] {strides = array<i32>} : memref<64x512xf32, #tpu.memory_space<vmem>>, vector<16xf32>,
        tpu.vector_store %arg11[%parallel_loop3A_913, %parallel_loop3A_914], %parallel_loop3A_909 {strides = array<i32>} : memref<64x512xf32, #tpu.memory_space<vmem>>, vector<16xf32>,
        %parallel_loop3A_916 = arith.constant 56 : i32
        %parallel_loop3A_917 = vector.broadcast %parallel_loop3A_916 : i32 to vector<16xi32>
        %parallel_loop3A_918 = arith.addi %parallel_loop3A_355, %parallel_loop3A_917 : vector<16xi32>
        %parallel_loop3A_919 = tpu.vector_load_idx %arg8[%parallel_loop3A_918] : memref<6500xf32, #tpu.memory_space<vmem>>[vector<16xi32>], vector<16xf32>,
        %parallel_loop3A_920 = arith.constant 16 : i32
        %parallel_loop3A_921 = arith.muli %parallel_loop3A_348, %parallel_loop3A_920 : i32
        %parallel_loop3A_922 = arith.constant 56 : i32
        %parallel_loop3A_923 = arith.index_cast %parallel_loop3A_922 : i32 to index
        %parallel_loop3A_924 = arith.index_cast %parallel_loop3A_921 : i32 to index
        %parallel_loop3A_925 = tpu.vector_load %arg11[%parallel_loop3A_923, %parallel_loop3A_924] {strides = array<i32>} : memref<64x512xf32, #tpu.memory_space<vmem>>, vector<16xf32>,
        tpu.vector_store %arg11[%parallel_loop3A_923, %parallel_loop3A_924], %parallel_loop3A_919 {strides = array<i32>} : memref<64x512xf32, #tpu.memory_space<vmem>>, vector<16xf32>,
        %parallel_loop3A_926 = arith.constant 57 : i32
        %parallel_loop3A_927 = vector.broadcast %parallel_loop3A_926 : i32 to vector<16xi32>
        %parallel_loop3A_928 = arith.addi %parallel_loop3A_355, %parallel_loop3A_927 : vector<16xi32>
        %parallel_loop3A_929 = tpu.vector_load_idx %arg8[%parallel_loop3A_928] : memref<6500xf32, #tpu.memory_space<vmem>>[vector<16xi32>], vector<16xf32>,
        %parallel_loop3A_930 = arith.constant 16 : i32
        %parallel_loop3A_931 = arith.muli %parallel_loop3A_348, %parallel_loop3A_930 : i32
        %parallel_loop3A_932 = arith.constant 57 : i32
        %parallel_loop3A_933 = arith.index_cast %parallel_loop3A_932 : i32 to index
        %parallel_loop3A_934 = arith.index_cast %parallel_loop3A_931 : i32 to index
        %parallel_loop3A_935 = tpu.vector_load %arg11[%parallel_loop3A_933, %parallel_loop3A_934] {strides = array<i32>} : memref<64x512xf32, #tpu.memory_space<vmem>>, vector<16xf32>,
        tpu.vector_store %arg11[%parallel_loop3A_933, %parallel_loop3A_934], %parallel_loop3A_929 {strides = array<i32>} : memref<64x512xf32, #tpu.memory_space<vmem>>, vector<16xf32>,
        %parallel_loop3A_936 = arith.constant 58 : i32
        %parallel_loop3A_937 = vector.broadcast %parallel_loop3A_936 : i32 to vector<16xi32>
        %parallel_loop3A_938 = arith.addi %parallel_loop3A_355, %parallel_loop3A_937 : vector<16xi32>
        %parallel_loop3A_939 = tpu.vector_load_idx %arg8[%parallel_loop3A_938] : memref<6500xf32, #tpu.memory_space<vmem>>[vector<16xi32>], vector<16xf32>,
        %parallel_loop3A_940 = arith.constant 16 : i32
        %parallel_loop3A_941 = arith.muli %parallel_loop3A_348, %parallel_loop3A_940 : i32
        %parallel_loop3A_942 = arith.constant 58 : i32
        %parallel_loop3A_943 = arith.index_cast %parallel_loop3A_942 : i32 to index
        %parallel_loop3A_944 = arith.index_cast %parallel_loop3A_941 : i32 to index
        %parallel_loop3A_945 = tpu.vector_load %arg11[%parallel_loop3A_943, %parallel_loop3A_944] {strides = array<i32>} : memref<64x512xf32, #tpu.memory_space<vmem>>, vector<16xf32>,
        tpu.vector_store %arg11[%parallel_loop3A_943, %parallel_loop3A_944], %parallel_loop3A_939 {strides = array<i32>} : memref<64x512xf32, #tpu.memory_space<vmem>>, vector<16xf32>,
        %parallel_loop3A_946 = arith.constant 59 : i32
        %parallel_loop3A_947 = vector.broadcast %parallel_loop3A_946 : i32 to vector<16xi32>
        %parallel_loop3A_948 = arith.addi %parallel_loop3A_355, %parallel_loop3A_947 : vector<16xi32>
        %parallel_loop3A_949 = tpu.vector_load_idx %arg8[%parallel_loop3A_948] : memref<6500xf32, #tpu.memory_space<vmem>>[vector<16xi32>], vector<16xf32>,
        %parallel_loop3A_950 = arith.constant 16 : i32
        %parallel_loop3A_951 = arith.muli %parallel_loop3A_348, %parallel_loop3A_950 : i32
        %parallel_loop3A_952 = arith.constant 59 : i32
        %parallel_loop3A_953 = arith.index_cast %parallel_loop3A_952 : i32 to index
        %parallel_loop3A_954 = arith.index_cast %parallel_loop3A_951 : i32 to index
        %parallel_loop3A_955 = tpu.vector_load %arg11[%parallel_loop3A_953, %parallel_loop3A_954] {strides = array<i32>} : memref<64x512xf32, #tpu.memory_space<vmem>>, vector<16xf32>,
        tpu.vector_store %arg11[%parallel_loop3A_953, %parallel_loop3A_954], %parallel_loop3A_949 {strides = array<i32>} : memref<64x512xf32, #tpu.memory_space<vmem>>, vector<16xf32>,
        %parallel_loop3A_956 = arith.constant 60 : i32
        %parallel_loop3A_957 = vector.broadcast %parallel_loop3A_956 : i32 to vector<16xi32>
        %parallel_loop3A_958 = arith.addi %parallel_loop3A_355, %parallel_loop3A_957 : vector<16xi32>
        %parallel_loop3A_959 = tpu.vector_load_idx %arg8[%parallel_loop3A_958] : memref<6500xf32, #tpu.memory_space<vmem>>[vector<16xi32>], vector<16xf32>,
        %parallel_loop3A_960 = arith.constant 16 : i32
        %parallel_loop3A_961 = arith.muli %parallel_loop3A_348, %parallel_loop3A_960 : i32
        %parallel_loop3A_962 = arith.constant 60 : i32
        %parallel_loop3A_963 = arith.index_cast %parallel_loop3A_962 : i32 to index
        %parallel_loop3A_964 = arith.index_cast %parallel_loop3A_961 : i32 to index
        %parallel_loop3A_965 = tpu.vector_load %arg11[%parallel_loop3A_963, %parallel_loop3A_964] {strides = array<i32>} : memref<64x512xf32, #tpu.memory_space<vmem>>, vector<16xf32>,
        tpu.vector_store %arg11[%parallel_loop3A_963, %parallel_loop3A_964], %parallel_loop3A_959 {strides = array<i32>} : memref<64x512xf32, #tpu.memory_space<vmem>>, vector<16xf32>,
        %parallel_loop3A_966 = arith.constant 61 : i32
        %parallel_loop3A_967 = vector.broadcast %parallel_loop3A_966 : i32 to vector<16xi32>
        %parallel_loop3A_968 = arith.addi %parallel_loop3A_355, %parallel_loop3A_967 : vector<16xi32>
        %parallel_loop3A_969 = tpu.vector_load_idx %arg8[%parallel_loop3A_968] : memref<6500xf32, #tpu.memory_space<vmem>>[vector<16xi32>], vector<16xf32>,
        %parallel_loop3A_970 = arith.constant 16 : i32
        %parallel_loop3A_971 = arith.muli %parallel_loop3A_348, %parallel_loop3A_970 : i32
        %parallel_loop3A_972 = arith.constant 61 : i32
        %parallel_loop3A_973 = arith.index_cast %parallel_loop3A_972 : i32 to index
        %parallel_loop3A_974 = arith.index_cast %parallel_loop3A_971 : i32 to index
        %parallel_loop3A_975 = tpu.vector_load %arg11[%parallel_loop3A_973, %parallel_loop3A_974] {strides = array<i32>} : memref<64x512xf32, #tpu.memory_space<vmem>>, vector<16xf32>,
        tpu.vector_store %arg11[%parallel_loop3A_973, %parallel_loop3A_974], %parallel_loop3A_969 {strides = array<i32>} : memref<64x512xf32, #tpu.memory_space<vmem>>, vector<16xf32>,
        %parallel_loop3A_976 = arith.constant 62 : i32
        %parallel_loop3A_977 = vector.broadcast %parallel_loop3A_976 : i32 to vector<16xi32>
        %parallel_loop3A_978 = arith.addi %parallel_loop3A_355, %parallel_loop3A_977 : vector<16xi32>
        %parallel_loop3A_979 = tpu.vector_load_idx %arg8[%parallel_loop3A_978] : memref<6500xf32, #tpu.memory_space<vmem>>[vector<16xi32>], vector<16xf32>,
        %parallel_loop3A_980 = arith.constant 16 : i32
        %parallel_loop3A_981 = arith.muli %parallel_loop3A_348, %parallel_loop3A_980 : i32
        %parallel_loop3A_982 = arith.constant 62 : i32
        %parallel_loop3A_983 = arith.index_cast %parallel_loop3A_982 : i32 to index
        %parallel_loop3A_984 = arith.index_cast %parallel_loop3A_981 : i32 to index
        %parallel_loop3A_985 = tpu.vector_load %arg11[%parallel_loop3A_983, %parallel_loop3A_984] {strides = array<i32>} : memref<64x512xf32, #tpu.memory_space<vmem>>, vector<16xf32>,
        tpu.vector_store %arg11[%parallel_loop3A_983, %parallel_loop3A_984], %parallel_loop3A_979 {strides = array<i32>} : memref<64x512xf32, #tpu.memory_space<vmem>>, vector<16xf32>,
        %parallel_loop3A_986 = arith.constant 63 : i32
        %parallel_loop3A_987 = vector.broadcast %parallel_loop3A_986 : i32 to vector<16xi32>
        %parallel_loop3A_988 = arith.addi %parallel_loop3A_355, %parallel_loop3A_987 : vector<16xi32>
        %parallel_loop3A_989 = tpu.vector_load_idx %arg8[%parallel_loop3A_988] : memref<6500xf32, #tpu.memory_space<vmem>>[vector<16xi32>], vector<16xf32>,
        %parallel_loop3A_990 = arith.constant 16 : i32
        %parallel_loop3A_991 = arith.muli %parallel_loop3A_348, %parallel_loop3A_990 : i32
        %parallel_loop3A_992 = arith.constant 63 : i32
        %parallel_loop3A_993 = arith.index_cast %parallel_loop3A_992 : i32 to index
        %parallel_loop3A_994 = arith.index_cast %parallel_loop3A_991 : i32 to index
        %parallel_loop3A_995 = tpu.vector_load %arg11[%parallel_loop3A_993, %parallel_loop3A_994] {strides = array<i32>} : memref<64x512xf32, #tpu.memory_space<vmem>>, vector<16xf32>,
        tpu.vector_store %arg11[%parallel_loop3A_993, %parallel_loop3A_994], %parallel_loop3A_989 {strides = array<i32>} : memref<64x512xf32, #tpu.memory_space<vmem>>, vector<16xf32>,
      } {sc.loop_unroll_factor = 2 : i64, sc.parallel_access}
      %dma_start3A_214 = arith.constant 0 : i32
      %dma_start3A_215 = tpu.memref_slice %arg5[%select_n3A_125, %dma_start3A_214, %mul3A_130] : memref<100x64x16384xf32, #tpu.memory_space<hbm>> -> memref<1x64x512xf32, #tpu.memory_space<hbm>>
      %dma_start3A_216 = tpu.memref_squeeze %dma_start3A_215 : memref<1x64x512xf32, #tpu.memory_space<hbm>> -> memref<64x512xf32, #tpu.memory_space<hbm>>
      %dma_start3A_217 = arith.constant 0 : i32
      %dma_start3A_218 = tpu.memref_slice %arg5[%select_n3A_125, %dma_start3A_217, %mul3A_130] : memref<100x64x16384xf32, #tpu.memory_space<hbm>> -> memref<1x64x512xf32, #tpu.memory_space<hbm>>
      %dma_start3A_219 = tpu.memref_squeeze %dma_start3A_218 : memref<1x64x512xf32, #tpu.memory_space<hbm>> -> memref<64x512xf32, #tpu.memory_space<hbm>>
      tpu.enqueue_dma source(%arg11 : memref<64x512xf32, #tpu.memory_space<vmem>>) target(%dma_start3A_219 : memref<64x512xf32, #tpu.memory_space<hbm>>) target_semaphore(%arg13 : memref<!tpu.dma_semaphore, #tpu.memory_space<semaphore_mem>>)
      %eq3A_220 = arith.constant 0 : i32
      %eq3A_221 = arith.cmpi eq, %scan3A_88, %eq3A_220 : i32
      %mul3A_222 = arith.constant 100 : i32
      %mul3A_223 = arith.muli %add3A, %mul3A_222 : i32
      %add3A_224 = arith.addi %mul3A_223, %add3A_94 : i32
      %jit3A_225 = arith.constant 32 : i32
      %div3A_226 = arith.divsi %add3A_224, %jit3A_225 : i32
      %sign3A_227 = arith.constant 0 : i32
      %sign3A_228 = arith.cmpi sgt, %add3A_224, %sign3A_227 : i32
      %sign3A_229 = arith.extui %sign3A_228 : i1 to i32
      %sign3A_230 = arith.constant 0 : i32
      %sign3A_231 = arith.cmpi slt, %add3A_224, %sign3A_230 : i32
      %sign3A_232 = arith.extui %sign3A_231 : i1 to i32
      %sign3A_233 = arith.subi %sign3A_229, %sign3A_232 : i32
      %sign3A_234 = arith.constant 0 : i32
      %sign3A_235 = arith.cmpi sgt, %jit3A_225, %sign3A_234 : i32
      %sign3A_236 = arith.extui %sign3A_235 : i1 to i32
      %sign3A_237 = arith.constant 0 : i32
      %sign3A_238 = arith.cmpi slt, %jit3A_225, %sign3A_237 : i32
      %sign3A_239 = arith.extui %sign3A_238 : i1 to i32
      %sign3A_240 = arith.subi %sign3A_236, %sign3A_239 : i32
      %ne3A_241 = arith.cmpi ne, %sign3A_233, %sign3A_240 : i32
      %rem3A_242 = arith.remsi %add3A_224, %jit3A_225 : i32
      %ne3A_243 = arith.constant 0 : i32
      %ne3A_244 = arith.cmpi ne, %rem3A_242, %ne3A_243 : i32
      %and3A_245 = arith.andi %ne3A_241, %ne3A_244 : i1
      %sub3A_246 = arith.constant 1 : i32
      %sub3A_247 = arith.subi %div3A_226, %sub3A_246 : i32
      %select_n3A_248 = arith.select %and3A_245, %sub3A_247, %div3A_226 : i32
      %mul3A_249 = arith.constant 32 : i32
      %mul3A_250 = arith.muli %select_n3A_248, %mul3A_249 : i32
      %sub3A_251 = arith.subi %add3A_224, %mul3A_250 : i32
      %mul3A_252 = arith.constant 512 : i32
      %mul3A_253 = arith.muli %sub3A_251, %mul3A_252 : i32
      %mul3A_254 = arith.constant 100 : i32
      %mul3A_255 = arith.muli %add3A, %mul3A_254 : i32
      %add3A_256 = arith.addi %mul3A_255, %add3A_94 : i32
      %jit3A_257 = arith.constant 32 : i32
      %div3A_258 = arith.divsi %add3A_256, %jit3A_257 : i32
      %sign3A_259 = arith.constant 0 : i32
      %sign3A_260 = arith.cmpi sgt, %add3A_256, %sign3A_259 : i32
      %sign3A_261 = arith.extui %sign3A_260 : i1 to i32
      %sign3A_262 = arith.constant 0 : i32
      %sign3A_263 = arith.cmpi slt, %add3A_256, %sign3A_262 : i32
      %sign3A_264 = arith.extui %sign3A_263 : i1 to i32
      %sign3A_265 = arith.subi %sign3A_261, %sign3A_264 : i32
      %sign3A_266 = arith.constant 0 : i32
      %sign3A_267 = arith.cmpi sgt, %jit3A_257, %sign3A_266 : i32
      %sign3A_268 = arith.extui %sign3A_267 : i1 to i32
      %sign3A_269 = arith.constant 0 : i32
      %sign3A_270 = arith.cmpi slt, %jit3A_257, %sign3A_269 : i32
      %sign3A_271 = arith.extui %sign3A_270 : i1 to i32
      %sign3A_272 = arith.subi %sign3A_268, %sign3A_271 : i32
      %ne3A_273 = arith.cmpi ne, %sign3A_265, %sign3A_272 : i32
      %rem3A_274 = arith.remsi %add3A_256, %jit3A_257 : i32
      %ne3A_275 = arith.constant 0 : i32
      %ne3A_276 = arith.cmpi ne, %rem3A_274, %ne3A_275 : i32
      %and3A_277 = arith.andi %ne3A_273, %ne3A_276 : i1
      %sub3A_278 = arith.constant 1 : i32
      %sub3A_279 = arith.subi %div3A_258, %sub3A_278 : i32
      %select_n3A_280 = arith.select %and3A_277, %sub3A_279, %div3A_258 : i32
      %mul3A_281 = arith.constant 32 : i32
      %mul3A_282 = arith.muli %select_n3A_280, %mul3A_281 : i32
      %sub3A_283 = arith.subi %add3A_256, %mul3A_282 : i32
      %mul3A_284 = arith.constant 512 : i32
      %mul3A_285 = arith.muli %sub3A_283, %mul3A_284 : i32
      %dma_wait3A_286 = tpu.memref_slice %arg2[%select_n3A_280, %mul3A_285] : memref<100x16384xi32, #tpu.memory_space<hbm>> -> memref<1x512xi32, #tpu.memory_space<hbm>>
      %dma_wait3A_287 = tpu.memref_squeeze %dma_wait3A_286 : memref<1x512xi32, #tpu.memory_space<hbm>> -> memref<512xi32, #tpu.memory_space<hbm>>
      %dma_wait3A_288 = tpu.memref_slice %arg2[%select_n3A_280, %mul3A_285] : memref<100x16384xi32, #tpu.memory_space<hbm>> -> memref<1x512xi32, #tpu.memory_space<hbm>>
      %dma_wait3A_289 = tpu.memref_squeeze %dma_wait3A_288 : memref<1x512xi32, #tpu.memory_space<hbm>> -> memref<512xi32, #tpu.memory_space<hbm>>
      tpu.wait_dma2 semaphore(%arg16 : memref<!tpu.dma_semaphore, #tpu.memory_space<semaphore_mem>>) src(%dma_wait3A_289 : memref<512xi32, #tpu.memory_space<hbm>>) dst(%arg10 : memref<512xi32, #tpu.memory_space<vmem>>)
      %mul3A_290 = arith.constant 100 : i32
      %mul3A_291 = arith.muli %add3A, %mul3A_290 : i32
      %add3A_292 = arith.addi %mul3A_291, %min3A_97 : i32
      %jit3A_293 = arith.constant 32 : i32
      %div3A_294 = arith.divsi %add3A_292, %jit3A_293 : i32
      %sign3A_295 = arith.constant 0 : i32
      %sign3A_296 = arith.cmpi sgt, %add3A_292, %sign3A_295 : i32
      %sign3A_297 = arith.extui %sign3A_296 : i1 to i32
      %sign3A_298 = arith.constant 0 : i32
      %sign3A_299 = arith.cmpi slt, %add3A_292, %sign3A_298 : i32
      %sign3A_300 = arith.extui %sign3A_299 : i1 to i32
      %sign3A_301 = arith.subi %sign3A_297, %sign3A_300 : i32
      %sign3A_302 = arith.constant 0 : i32
      %sign3A_303 = arith.cmpi sgt, %jit3A_293, %sign3A_302 : i32
      %sign3A_304 = arith.extui %sign3A_303 : i1 to i32
      %sign3A_305 = arith.constant 0 : i32
      %sign3A_306 = arith.cmpi slt, %jit3A_293, %sign3A_305 : i32
      %sign3A_307 = arith.extui %sign3A_306 : i1 to i32
      %sign3A_308 = arith.subi %sign3A_304, %sign3A_307 : i32
      %ne3A_309 = arith.cmpi ne, %sign3A_301, %sign3A_308 : i32
      %rem3A_310 = arith.remsi %add3A_292, %jit3A_293 : i32
      %ne3A_311 = arith.constant 0 : i32
      %ne3A_312 = arith.cmpi ne, %rem3A_310, %ne3A_311 : i32
      %and3A_313 = arith.andi %ne3A_309, %ne3A_312 : i1
      %sub3A_314 = arith.constant 1 : i32
      %sub3A_315 = arith.subi %div3A_294, %sub3A_314 : i32
      %select_n3A_316 = arith.select %and3A_313, %sub3A_315, %div3A_294 : i32
      %mul3A_317 = arith.constant 32 : i32
      %mul3A_318 = arith.muli %select_n3A_316, %mul3A_317 : i32
      %sub3A_319 = arith.subi %add3A_292, %mul3A_318 : i32
      %mul3A_320 = arith.constant 512 : i32
      %mul3A_321 = arith.muli %sub3A_319, %mul3A_320 : i32
      %dma_start3A_322 = tpu.memref_slice %arg2[%select_n3A_316, %mul3A_321] : memref<100x16384xi32, #tpu.memory_space<hbm>> -> memref<1x512xi32, #tpu.memory_space<hbm>>
      %dma_start3A_323 = tpu.memref_squeeze %dma_start3A_322 : memref<1x512xi32, #tpu.memory_space<hbm>> -> memref<512xi32, #tpu.memory_space<hbm>>
      %dma_start3A_324 = tpu.memref_slice %arg2[%select_n3A_316, %mul3A_321] : memref<100x16384xi32, #tpu.memory_space<hbm>> -> memref<1x512xi32, #tpu.memory_space<hbm>>
      %dma_start3A_325 = tpu.memref_squeeze %dma_start3A_324 : memref<1x512xi32, #tpu.memory_space<hbm>> -> memref<512xi32, #tpu.memory_space<hbm>>
      tpu.enqueue_dma source(%dma_start3A_325 : memref<512xi32, #tpu.memory_space<hbm>>) target(%arg9 : memref<512xi32, #tpu.memory_space<vmem>>) target_semaphore(%arg15 : memref<!tpu.dma_semaphore, #tpu.memory_space<semaphore_mem>>)
      %eq3A_326 = arith.constant 0 : i32
      %eq3A_327 = arith.cmpi eq, %sub3A_251, %eq3A_326 : i32
      %eq3A_328 = arith.constant 0 : i32
      %eq3A_329 = arith.cmpi eq, %add3A_94, %eq3A_328 : i32
      %or3A_330 = arith.ori %eq3A_327, %eq3A_329 : i1
      %convert_element_type3A_331 = arith.extui %or3A_330 : i1 to i32
      %cond3A_332 = arith.constant 0 : i32
      %cond3A_333 = arith.cmpi ne, %convert_element_type3A_331, %cond3A_332 : i32
      scf.if %cond3A_333 {
        %mul3A_348 = arith.constant 64 : i32
        %mul3A_349 = arith.muli %select_n3A_248, %mul3A_348 : i32
        %add3A_350 = arith.constant 0 : i32
        %add3A_351 = arith.addi %mul3A_349, %add3A_350 : i32
        %get3A = arith.index_cast %add3A_351 : i32 to index
        %get3A_352 = tpu.vector_load %arg7[%get3A] {strides = array<i32>} : memref<6400xf32, #tpu.memory_space<vmem>>, vector<16xf32>,
        %mul3A_353 = arith.constant 64 : i32
        %mul3A_354 = arith.muli %select_n3A_248, %mul3A_353 : i32
        %add3A_355 = arith.constant 16 : i32
        %add3A_356 = arith.addi %mul3A_354, %add3A_355 : i32
        %get3A_357 = arith.index_cast %add3A_356 : i32 to index
        %get3A_358 = tpu.vector_load %arg7[%get3A_357] {strides = array<i32>} : memref<6400xf32, #tpu.memory_space<vmem>>, vector<16xf32>,
        %mul3A_359 = arith.constant 64 : i32
        %mul3A_360 = arith.muli %select_n3A_248, %mul3A_359 : i32
        %add3A_361 = arith.constant 32 : i32
        %add3A_362 = arith.addi %mul3A_360, %add3A_361 : i32
        %get3A_363 = arith.index_cast %add3A_362 : i32 to index
        %get3A_364 = tpu.vector_load %arg7[%get3A_363] {strides = array<i32>} : memref<6400xf32, #tpu.memory_space<vmem>>, vector<16xf32>,
        %mul3A_365 = arith.constant 64 : i32
        %mul3A_366 = arith.muli %select_n3A_248, %mul3A_365 : i32
        %add3A_367 = arith.constant 48 : i32
        %add3A_368 = arith.addi %mul3A_366, %add3A_367 : i32
        %get3A_369 = arith.index_cast %add3A_368 : i32 to index
        %get3A_370 = tpu.vector_load %arg7[%get3A_369] {strides = array<i32>} : memref<6400xf32, #tpu.memory_space<vmem>>, vector<16xf32>,
        %parallel_loop3A_371 = arith.constant 0 : i32
        %parallel_loop3A_372 = arith.constant 100 : i32
        %parallel_loop3A_373 = arith.constant 1 : i32
        scf.for %parallel_loop3A_374 = %parallel_loop3A_371 to %parallel_loop3A_372 step %parallel_loop3A_373  : i32 {
          %parallel_loop3A_375 = arith.constant 64 : i32
          %parallel_loop3A_376 = arith.muli %parallel_loop3A_374, %parallel_loop3A_375 : i32
          %parallel_loop3A_377 = arith.constant 0 : i32
          %parallel_loop3A_378 = arith.addi %parallel_loop3A_376, %parallel_loop3A_377 : i32
          %parallel_loop3A_379 = arith.index_cast %parallel_loop3A_378 : i32 to index
          %parallel_loop3A_380 = tpu.vector_load %arg6[%parallel_loop3A_379] {strides = array<i32>} : memref<6400xf32, #tpu.memory_space<vmem>>, vector<16xf32>,
          %parallel_loop3A_381 = arith.addf %parallel_loop3A_380, %get3A_352 : vector<16xf32>
          %parallel_loop3A_382 = arith.constant 65 : i32
          %parallel_loop3A_383 = arith.muli %parallel_loop3A_374, %parallel_loop3A_382 : i32
          %parallel_loop3A_384 = arith.constant 0 : i32
          %parallel_loop3A_385 = arith.addi %parallel_loop3A_383, %parallel_loop3A_384 : i32
          %parallel_loop3A_386 = arith.index_cast %parallel_loop3A_385 : i32 to index
          %parallel_loop3A_387 = tpu.vector_load %arg8[%parallel_loop3A_386] {strides = array<i32>} : memref<6500xf32, #tpu.memory_space<vmem>>, vector<16xf32>,
          tpu.vector_store %arg8[%parallel_loop3A_386], %parallel_loop3A_381 {strides = array<i32>} : memref<6500xf32, #tpu.memory_space<vmem>>, vector<16xf32>,
          %parallel_loop3A_388 = arith.constant 64 : i32
          %parallel_loop3A_389 = arith.muli %parallel_loop3A_374, %parallel_loop3A_388 : i32
          %parallel_loop3A_390 = arith.constant 16 : i32
          %parallel_loop3A_391 = arith.addi %parallel_loop3A_389, %parallel_loop3A_390 : i32
          %parallel_loop3A_392 = arith.index_cast %parallel_loop3A_391 : i32 to index
          %parallel_loop3A_393 = tpu.vector_load %arg6[%parallel_loop3A_392] {strides = array<i32>} : memref<6400xf32, #tpu.memory_space<vmem>>, vector<16xf32>,
          %parallel_loop3A_394 = arith.addf %parallel_loop3A_393, %get3A_358 : vector<16xf32>
          %parallel_loop3A_395 = arith.constant 65 : i32
          %parallel_loop3A_396 = arith.muli %parallel_loop3A_374, %parallel_loop3A_395 : i32
          %parallel_loop3A_397 = arith.constant 16 : i32
          %parallel_loop3A_398 = arith.addi %parallel_loop3A_396, %parallel_loop3A_397 : i32
          %parallel_loop3A_399 = arith.index_cast %parallel_loop3A_398 : i32 to index
          %parallel_loop3A_400 = tpu.vector_load %arg8[%parallel_loop3A_399] {strides = array<i32>} : memref<6500xf32, #tpu.memory_space<vmem>>, vector<16xf32>,
          tpu.vector_store %arg8[%parallel_loop3A_399], %parallel_loop3A_394 {strides = array<i32>} : memref<6500xf32, #tpu.memory_space<vmem>>, vector<16xf32>,
          %parallel_loop3A_401 = arith.constant 64 : i32
          %parallel_loop3A_402 = arith.muli %parallel_loop3A_374, %parallel_loop3A_401 : i32
          %parallel_loop3A_403 = arith.constant 32 : i32
          %parallel_loop3A_404 = arith.addi %parallel_loop3A_402, %parallel_loop3A_403 : i32
          %parallel_loop3A_405 = arith.index_cast %parallel_loop3A_404 : i32 to index
          %parallel_loop3A_406 = tpu.vector_load %arg6[%parallel_loop3A_405] {strides = array<i32>} : memref<6400xf32, #tpu.memory_space<vmem>>, vector<16xf32>,
          %parallel_loop3A_407 = arith.addf %parallel_loop3A_406, %get3A_364 : vector<16xf32>
          %parallel_loop3A_408 = arith.constant 65 : i32
          %parallel_loop3A_409 = arith.muli %parallel_loop3A_374, %parallel_loop3A_408 : i32
          %parallel_loop3A_410 = arith.constant 32 : i32
          %parallel_loop3A_411 = arith.addi %parallel_loop3A_409, %parallel_loop3A_410 : i32
          %parallel_loop3A_412 = arith.index_cast %parallel_loop3A_411 : i32 to index
          %parallel_loop3A_413 = tpu.vector_load %arg8[%parallel_loop3A_412] {strides = array<i32>} : memref<6500xf32, #tpu.memory_space<vmem>>, vector<16xf32>,
          tpu.vector_store %arg8[%parallel_loop3A_412], %parallel_loop3A_407 {strides = array<i32>} : memref<6500xf32, #tpu.memory_space<vmem>>, vector<16xf32>,
          %parallel_loop3A_414 = arith.constant 64 : i32
          %parallel_loop3A_415 = arith.muli %parallel_loop3A_374, %parallel_loop3A_414 : i32
          %parallel_loop3A_416 = arith.constant 48 : i32
          %parallel_loop3A_417 = arith.addi %parallel_loop3A_415, %parallel_loop3A_416 : i32
          %parallel_loop3A_418 = arith.index_cast %parallel_loop3A_417 : i32 to index
          %parallel_loop3A_419 = tpu.vector_load %arg6[%parallel_loop3A_418] {strides = array<i32>} : memref<6400xf32, #tpu.memory_space<vmem>>, vector<16xf32>,
          %parallel_loop3A_420 = arith.addf %parallel_loop3A_419, %get3A_370 : vector<16xf32>
          %parallel_loop3A_421 = arith.constant 65 : i32
          %parallel_loop3A_422 = arith.muli %parallel_loop3A_374, %parallel_loop3A_421 : i32
          %parallel_loop3A_423 = arith.constant 48 : i32
          %parallel_loop3A_424 = arith.addi %parallel_loop3A_422, %parallel_loop3A_423 : i32
          %parallel_loop3A_425 = arith.index_cast %parallel_loop3A_424 : i32 to index
          %parallel_loop3A_426 = tpu.vector_load %arg8[%parallel_loop3A_425] {strides = array<i32>} : memref<6500xf32, #tpu.memory_space<vmem>>, vector<16xf32>,
          tpu.vector_store %arg8[%parallel_loop3A_425], %parallel_loop3A_420 {strides = array<i32>} : memref<6500xf32, #tpu.memory_space<vmem>>, vector<16xf32>,
        } {sc.loop_unroll_factor = 4 : i64, sc.parallel_access}
      } else {
      }
      %not3A_334 = arith.constant true
      %not3A_335 = arith.xori %eq3A_221, %not3A_334 : i1
      %convert_element_type3A_336 = arith.extui %not3A_335 : i1 to i32
      %cond3A_337 = arith.constant 0 : i32
      %cond3A_338 = arith.cmpi ne, %convert_element_type3A_336, %cond3A_337 : i32
      scf.if %cond3A_338 {
        %dma_wait3A_348 = arith.constant 0 : i32
        %dma_wait3A_349 = arith.constant 0 : i32
        %dma_wait3A_350 = arith.constant 0 : i32
        %dma_wait3A_351 = tpu.memref_slice %arg5[%dma_wait3A_348, %dma_wait3A_349, %dma_wait3A_350] : memref<100x64x16384xf32, #tpu.memory_space<hbm>> -> memref<1x64x512xf32, #tpu.memory_space<hbm>>
        %dma_wait3A_352 = tpu.memref_squeeze %dma_wait3A_351 : memref<1x64x512xf32, #tpu.memory_space<hbm>> -> memref<64x512xf32, #tpu.memory_space<hbm>>
        %dma_wait3A_353 = arith.constant 0 : i32
        %dma_wait3A_354 = arith.constant 0 : i32
        %dma_wait3A_355 = tpu.memref_slice %arg5[%dma_wait3A_348, %dma_wait3A_353, %dma_wait3A_354] : memref<100x64x16384xf32, #tpu.memory_space<hbm>> -> memref<1x64x512xf32, #tpu.memory_space<hbm>>
        %dma_wait3A_356 = tpu.memref_squeeze %dma_wait3A_355 : memref<1x64x512xf32, #tpu.memory_space<hbm>> -> memref<64x512xf32, #tpu.memory_space<hbm>>
        tpu.wait_dma2 semaphore(%arg14 : memref<!tpu.dma_semaphore, #tpu.memory_space<semaphore_mem>>) src(%arg12 : memref<64x512xf32, #tpu.memory_space<vmem>>) dst(%dma_wait3A_356 : memref<64x512xf32, #tpu.memory_space<hbm>>)
      } else {
      }
      %parallel_loop3A_339 = arith.constant 0 : i32
      %parallel_loop3A_340 = arith.constant 32 : i32
      %parallel_loop3A_341 = arith.constant 1 : i32
      scf.for %parallel_loop3A_348 = %parallel_loop3A_339 to %parallel_loop3A_340 step %parallel_loop3A_341  : i32 {
        %parallel_loop3A_349 = arith.constant 16 : i32
        %parallel_loop3A_350 = arith.muli %parallel_loop3A_348, %parallel_loop3A_349 : i32
        %parallel_loop3A_351 = arith.index_cast %parallel_loop3A_350 : i32 to index
        %parallel_loop3A_352 = tpu.vector_load %arg10[%parallel_loop3A_351] {strides = array<i32>} : memref<512xi32, #tpu.memory_space<vmem>>, vector<16xi32>,
        %parallel_loop3A_353 = arith.constant 65 : i32
        %parallel_loop3A_354 = vector.broadcast %parallel_loop3A_353 : i32 to vector<16xi32>
        %parallel_loop3A_355 = arith.muli %parallel_loop3A_352, %parallel_loop3A_354 : vector<16xi32>
        %parallel_loop3A_356 = arith.constant 0 : i32
        %parallel_loop3A_357 = vector.broadcast %parallel_loop3A_356 : i32 to vector<16xi32>
        %parallel_loop3A_358 = arith.addi %parallel_loop3A_355, %parallel_loop3A_357 : vector<16xi32>
        %parallel_loop3A_359 = tpu.vector_load_idx %arg8[%parallel_loop3A_358] : memref<6500xf32, #tpu.memory_space<vmem>>[vector<16xi32>], vector<16xf32>,
        %parallel_loop3A_360 = arith.constant 16 : i32
        %parallel_loop3A_361 = arith.muli %parallel_loop3A_348, %parallel_loop3A_360 : i32
        %parallel_loop3A_362 = arith.constant 0 : i32
        %parallel_loop3A_363 = arith.index_cast %parallel_loop3A_362 : i32 to index
        %parallel_loop3A_364 = arith.index_cast %parallel_loop3A_361 : i32 to index
        %parallel_loop3A_365 = tpu.vector_load %arg12[%parallel_loop3A_363, %parallel_loop3A_364] {strides = array<i32>} : memref<64x512xf32, #tpu.memory_space<vmem>>, vector<16xf32>,
        tpu.vector_store %arg12[%parallel_loop3A_363, %parallel_loop3A_364], %parallel_loop3A_359 {strides = array<i32>} : memref<64x512xf32, #tpu.memory_space<vmem>>, vector<16xf32>,
        %parallel_loop3A_366 = arith.constant 1 : i32
        %parallel_loop3A_367 = vector.broadcast %parallel_loop3A_366 : i32 to vector<16xi32>
        %parallel_loop3A_368 = arith.addi %parallel_loop3A_355, %parallel_loop3A_367 : vector<16xi32>
        %parallel_loop3A_369 = tpu.vector_load_idx %arg8[%parallel_loop3A_368] : memref<6500xf32, #tpu.memory_space<vmem>>[vector<16xi32>], vector<16xf32>,
        %parallel_loop3A_370 = arith.constant 16 : i32
        %parallel_loop3A_371 = arith.muli %parallel_loop3A_348, %parallel_loop3A_370 : i32
        %parallel_loop3A_372 = arith.constant 1 : i32
        %parallel_loop3A_373 = arith.index_cast %parallel_loop3A_372 : i32 to index
        %parallel_loop3A_374 = arith.index_cast %parallel_loop3A_371 : i32 to index
        %parallel_loop3A_375 = tpu.vector_load %arg12[%parallel_loop3A_373, %parallel_loop3A_374] {strides = array<i32>} : memref<64x512xf32, #tpu.memory_space<vmem>>, vector<16xf32>,
        tpu.vector_store %arg12[%parallel_loop3A_373, %parallel_loop3A_374], %parallel_loop3A_369 {strides = array<i32>} : memref<64x512xf32, #tpu.memory_space<vmem>>, vector<16xf32>,
        %parallel_loop3A_376 = arith.constant 2 : i32
        %parallel_loop3A_377 = vector.broadcast %parallel_loop3A_376 : i32 to vector<16xi32>
        %parallel_loop3A_378 = arith.addi %parallel_loop3A_355, %parallel_loop3A_377 : vector<16xi32>
        %parallel_loop3A_379 = tpu.vector_load_idx %arg8[%parallel_loop3A_378] : memref<6500xf32, #tpu.memory_space<vmem>>[vector<16xi32>], vector<16xf32>,
        %parallel_loop3A_380 = arith.constant 16 : i32
        %parallel_loop3A_381 = arith.muli %parallel_loop3A_348, %parallel_loop3A_380 : i32
        %parallel_loop3A_382 = arith.constant 2 : i32
        %parallel_loop3A_383 = arith.index_cast %parallel_loop3A_382 : i32 to index
        %parallel_loop3A_384 = arith.index_cast %parallel_loop3A_381 : i32 to index
        %parallel_loop3A_385 = tpu.vector_load %arg12[%parallel_loop3A_383, %parallel_loop3A_384] {strides = array<i32>} : memref<64x512xf32, #tpu.memory_space<vmem>>, vector<16xf32>,
        tpu.vector_store %arg12[%parallel_loop3A_383, %parallel_loop3A_384], %parallel_loop3A_379 {strides = array<i32>} : memref<64x512xf32, #tpu.memory_space<vmem>>, vector<16xf32>,
        %parallel_loop3A_386 = arith.constant 3 : i32
        %parallel_loop3A_387 = vector.broadcast %parallel_loop3A_386 : i32 to vector<16xi32>
        %parallel_loop3A_388 = arith.addi %parallel_loop3A_355, %parallel_loop3A_387 : vector<16xi32>
        %parallel_loop3A_389 = tpu.vector_load_idx %arg8[%parallel_loop3A_388] : memref<6500xf32, #tpu.memory_space<vmem>>[vector<16xi32>], vector<16xf32>,
        %parallel_loop3A_390 = arith.constant 16 : i32
        %parallel_loop3A_391 = arith.muli %parallel_loop3A_348, %parallel_loop3A_390 : i32
        %parallel_loop3A_392 = arith.constant 3 : i32
        %parallel_loop3A_393 = arith.index_cast %parallel_loop3A_392 : i32 to index
        %parallel_loop3A_394 = arith.index_cast %parallel_loop3A_391 : i32 to index
        %parallel_loop3A_395 = tpu.vector_load %arg12[%parallel_loop3A_393, %parallel_loop3A_394] {strides = array<i32>} : memref<64x512xf32, #tpu.memory_space<vmem>>, vector<16xf32>,
        tpu.vector_store %arg12[%parallel_loop3A_393, %parallel_loop3A_394], %parallel_loop3A_389 {strides = array<i32>} : memref<64x512xf32, #tpu.memory_space<vmem>>, vector<16xf32>,
        %parallel_loop3A_396 = arith.constant 4 : i32
        %parallel_loop3A_397 = vector.broadcast %parallel_loop3A_396 : i32 to vector<16xi32>
        %parallel_loop3A_398 = arith.addi %parallel_loop3A_355, %parallel_loop3A_397 : vector<16xi32>
        %parallel_loop3A_399 = tpu.vector_load_idx %arg8[%parallel_loop3A_398] : memref<6500xf32, #tpu.memory_space<vmem>>[vector<16xi32>], vector<16xf32>,
        %parallel_loop3A_400 = arith.constant 16 : i32
        %parallel_loop3A_401 = arith.muli %parallel_loop3A_348, %parallel_loop3A_400 : i32
        %parallel_loop3A_402 = arith.constant 4 : i32
        %parallel_loop3A_403 = arith.index_cast %parallel_loop3A_402 : i32 to index
        %parallel_loop3A_404 = arith.index_cast %parallel_loop3A_401 : i32 to index
        %parallel_loop3A_405 = tpu.vector_load %arg12[%parallel_loop3A_403, %parallel_loop3A_404] {strides = array<i32>} : memref<64x512xf32, #tpu.memory_space<vmem>>, vector<16xf32>,
        tpu.vector_store %arg12[%parallel_loop3A_403, %parallel_loop3A_404], %parallel_loop3A_399 {strides = array<i32>} : memref<64x512xf32, #tpu.memory_space<vmem>>, vector<16xf32>,
        %parallel_loop3A_406 = arith.constant 5 : i32
        %parallel_loop3A_407 = vector.broadcast %parallel_loop3A_406 : i32 to vector<16xi32>
        %parallel_loop3A_408 = arith.addi %parallel_loop3A_355, %parallel_loop3A_407 : vector<16xi32>
        %parallel_loop3A_409 = tpu.vector_load_idx %arg8[%parallel_loop3A_408] : memref<6500xf32, #tpu.memory_space<vmem>>[vector<16xi32>], vector<16xf32>,
        %parallel_loop3A_410 = arith.constant 16 : i32
        %parallel_loop3A_411 = arith.muli %parallel_loop3A_348, %parallel_loop3A_410 : i32
        %parallel_loop3A_412 = arith.constant 5 : i32
        %parallel_loop3A_413 = arith.index_cast %parallel_loop3A_412 : i32 to index
        %parallel_loop3A_414 = arith.index_cast %parallel_loop3A_411 : i32 to index
        %parallel_loop3A_415 = tpu.vector_load %arg12[%parallel_loop3A_413, %parallel_loop3A_414] {strides = array<i32>} : memref<64x512xf32, #tpu.memory_space<vmem>>, vector<16xf32>,
        tpu.vector_store %arg12[%parallel_loop3A_413, %parallel_loop3A_414], %parallel_loop3A_409 {strides = array<i32>} : memref<64x512xf32, #tpu.memory_space<vmem>>, vector<16xf32>,
        %parallel_loop3A_416 = arith.constant 6 : i32
        %parallel_loop3A_417 = vector.broadcast %parallel_loop3A_416 : i32 to vector<16xi32>
        %parallel_loop3A_418 = arith.addi %parallel_loop3A_355, %parallel_loop3A_417 : vector<16xi32>
        %parallel_loop3A_419 = tpu.vector_load_idx %arg8[%parallel_loop3A_418] : memref<6500xf32, #tpu.memory_space<vmem>>[vector<16xi32>], vector<16xf32>,
        %parallel_loop3A_420 = arith.constant 16 : i32
        %parallel_loop3A_421 = arith.muli %parallel_loop3A_348, %parallel_loop3A_420 : i32
        %parallel_loop3A_422 = arith.constant 6 : i32
        %parallel_loop3A_423 = arith.index_cast %parallel_loop3A_422 : i32 to index
        %parallel_loop3A_424 = arith.index_cast %parallel_loop3A_421 : i32 to index
        %parallel_loop3A_425 = tpu.vector_load %arg12[%parallel_loop3A_423, %parallel_loop3A_424] {strides = array<i32>} : memref<64x512xf32, #tpu.memory_space<vmem>>, vector<16xf32>,
        tpu.vector_store %arg12[%parallel_loop3A_423, %parallel_loop3A_424], %parallel_loop3A_419 {strides = array<i32>} : memref<64x512xf32, #tpu.memory_space<vmem>>, vector<16xf32>,
        %parallel_loop3A_426 = arith.constant 7 : i32
        %parallel_loop3A_427 = vector.broadcast %parallel_loop3A_426 : i32 to vector<16xi32>
        %parallel_loop3A_428 = arith.addi %parallel_loop3A_355, %parallel_loop3A_427 : vector<16xi32>
        %parallel_loop3A_429 = tpu.vector_load_idx %arg8[%parallel_loop3A_428] : memref<6500xf32, #tpu.memory_space<vmem>>[vector<16xi32>], vector<16xf32>,
        %parallel_loop3A_430 = arith.constant 16 : i32
        %parallel_loop3A_431 = arith.muli %parallel_loop3A_348, %parallel_loop3A_430 : i32
        %parallel_loop3A_432 = arith.constant 7 : i32
        %parallel_loop3A_433 = arith.index_cast %parallel_loop3A_432 : i32 to index
        %parallel_loop3A_434 = arith.index_cast %parallel_loop3A_431 : i32 to index
        %parallel_loop3A_435 = tpu.vector_load %arg12[%parallel_loop3A_433, %parallel_loop3A_434] {strides = array<i32>} : memref<64x512xf32, #tpu.memory_space<vmem>>, vector<16xf32>,
        tpu.vector_store %arg12[%parallel_loop3A_433, %parallel_loop3A_434], %parallel_loop3A_429 {strides = array<i32>} : memref<64x512xf32, #tpu.memory_space<vmem>>, vector<16xf32>,
        %parallel_loop3A_436 = arith.constant 8 : i32
        %parallel_loop3A_437 = vector.broadcast %parallel_loop3A_436 : i32 to vector<16xi32>
        %parallel_loop3A_438 = arith.addi %parallel_loop3A_355, %parallel_loop3A_437 : vector<16xi32>
        %parallel_loop3A_439 = tpu.vector_load_idx %arg8[%parallel_loop3A_438] : memref<6500xf32, #tpu.memory_space<vmem>>[vector<16xi32>], vector<16xf32>,
        %parallel_loop3A_440 = arith.constant 16 : i32
        %parallel_loop3A_441 = arith.muli %parallel_loop3A_348, %parallel_loop3A_440 : i32
        %parallel_loop3A_442 = arith.constant 8 : i32
        %parallel_loop3A_443 = arith.index_cast %parallel_loop3A_442 : i32 to index
        %parallel_loop3A_444 = arith.index_cast %parallel_loop3A_441 : i32 to index
        %parallel_loop3A_445 = tpu.vector_load %arg12[%parallel_loop3A_443, %parallel_loop3A_444] {strides = array<i32>} : memref<64x512xf32, #tpu.memory_space<vmem>>, vector<16xf32>,
        tpu.vector_store %arg12[%parallel_loop3A_443, %parallel_loop3A_444], %parallel_loop3A_439 {strides = array<i32>} : memref<64x512xf32, #tpu.memory_space<vmem>>, vector<16xf32>,
        %parallel_loop3A_446 = arith.constant 9 : i32
        %parallel_loop3A_447 = vector.broadcast %parallel_loop3A_446 : i32 to vector<16xi32>
        %parallel_loop3A_448 = arith.addi %parallel_loop3A_355, %parallel_loop3A_447 : vector<16xi32>
        %parallel_loop3A_449 = tpu.vector_load_idx %arg8[%parallel_loop3A_448] : memref<6500xf32, #tpu.memory_space<vmem>>[vector<16xi32>], vector<16xf32>,
        %parallel_loop3A_450 = arith.constant 16 : i32
        %parallel_loop3A_451 = arith.muli %parallel_loop3A_348, %parallel_loop3A_450 : i32
        %parallel_loop3A_452 = arith.constant 9 : i32
        %parallel_loop3A_453 = arith.index_cast %parallel_loop3A_452 : i32 to index
        %parallel_loop3A_454 = arith.index_cast %parallel_loop3A_451 : i32 to index
        %parallel_loop3A_455 = tpu.vector_load %arg12[%parallel_loop3A_453, %parallel_loop3A_454] {strides = array<i32>} : memref<64x512xf32, #tpu.memory_space<vmem>>, vector<16xf32>,
        tpu.vector_store %arg12[%parallel_loop3A_453, %parallel_loop3A_454], %parallel_loop3A_449 {strides = array<i32>} : memref<64x512xf32, #tpu.memory_space<vmem>>, vector<16xf32>,
        %parallel_loop3A_456 = arith.constant 10 : i32
        %parallel_loop3A_457 = vector.broadcast %parallel_loop3A_456 : i32 to vector<16xi32>
        %parallel_loop3A_458 = arith.addi %parallel_loop3A_355, %parallel_loop3A_457 : vector<16xi32>
        %parallel_loop3A_459 = tpu.vector_load_idx %arg8[%parallel_loop3A_458] : memref<6500xf32, #tpu.memory_space<vmem>>[vector<16xi32>], vector<16xf32>,
        %parallel_loop3A_460 = arith.constant 16 : i32
        %parallel_loop3A_461 = arith.muli %parallel_loop3A_348, %parallel_loop3A_460 : i32
        %parallel_loop3A_462 = arith.constant 10 : i32
        %parallel_loop3A_463 = arith.index_cast %parallel_loop3A_462 : i32 to index
        %parallel_loop3A_464 = arith.index_cast %parallel_loop3A_461 : i32 to index
        %parallel_loop3A_465 = tpu.vector_load %arg12[%parallel_loop3A_463, %parallel_loop3A_464] {strides = array<i32>} : memref<64x512xf32, #tpu.memory_space<vmem>>, vector<16xf32>,
        tpu.vector_store %arg12[%parallel_loop3A_463, %parallel_loop3A_464], %parallel_loop3A_459 {strides = array<i32>} : memref<64x512xf32, #tpu.memory_space<vmem>>, vector<16xf32>,
        %parallel_loop3A_466 = arith.constant 11 : i32
        %parallel_loop3A_467 = vector.broadcast %parallel_loop3A_466 : i32 to vector<16xi32>
        %parallel_loop3A_468 = arith.addi %parallel_loop3A_355, %parallel_loop3A_467 : vector<16xi32>
        %parallel_loop3A_469 = tpu.vector_load_idx %arg8[%parallel_loop3A_468] : memref<6500xf32, #tpu.memory_space<vmem>>[vector<16xi32>], vector<16xf32>,
        %parallel_loop3A_470 = arith.constant 16 : i32
        %parallel_loop3A_471 = arith.muli %parallel_loop3A_348, %parallel_loop3A_470 : i32
        %parallel_loop3A_472 = arith.constant 11 : i32
        %parallel_loop3A_473 = arith.index_cast %parallel_loop3A_472 : i32 to index
        %parallel_loop3A_474 = arith.index_cast %parallel_loop3A_471 : i32 to index
        %parallel_loop3A_475 = tpu.vector_load %arg12[%parallel_loop3A_473, %parallel_loop3A_474] {strides = array<i32>} : memref<64x512xf32, #tpu.memory_space<vmem>>, vector<16xf32>,
        tpu.vector_store %arg12[%parallel_loop3A_473, %parallel_loop3A_474], %parallel_loop3A_469 {strides = array<i32>} : memref<64x512xf32, #tpu.memory_space<vmem>>, vector<16xf32>,
        %parallel_loop3A_476 = arith.constant 12 : i32
        %parallel_loop3A_477 = vector.broadcast %parallel_loop3A_476 : i32 to vector<16xi32>
        %parallel_loop3A_478 = arith.addi %parallel_loop3A_355, %parallel_loop3A_477 : vector<16xi32>
        %parallel_loop3A_479 = tpu.vector_load_idx %arg8[%parallel_loop3A_478] : memref<6500xf32, #tpu.memory_space<vmem>>[vector<16xi32>], vector<16xf32>,
        %parallel_loop3A_480 = arith.constant 16 : i32
        %parallel_loop3A_481 = arith.muli %parallel_loop3A_348, %parallel_loop3A_480 : i32
        %parallel_loop3A_482 = arith.constant 12 : i32
        %parallel_loop3A_483 = arith.index_cast %parallel_loop3A_482 : i32 to index
        %parallel_loop3A_484 = arith.index_cast %parallel_loop3A_481 : i32 to index
        %parallel_loop3A_485 = tpu.vector_load %arg12[%parallel_loop3A_483, %parallel_loop3A_484] {strides = array<i32>} : memref<64x512xf32, #tpu.memory_space<vmem>>, vector<16xf32>,
        tpu.vector_store %arg12[%parallel_loop3A_483, %parallel_loop3A_484], %parallel_loop3A_479 {strides = array<i32>} : memref<64x512xf32, #tpu.memory_space<vmem>>, vector<16xf32>,
        %parallel_loop3A_486 = arith.constant 13 : i32
        %parallel_loop3A_487 = vector.broadcast %parallel_loop3A_486 : i32 to vector<16xi32>
        %parallel_loop3A_488 = arith.addi %parallel_loop3A_355, %parallel_loop3A_487 : vector<16xi32>
        %parallel_loop3A_489 = tpu.vector_load_idx %arg8[%parallel_loop3A_488] : memref<6500xf32, #tpu.memory_space<vmem>>[vector<16xi32>], vector<16xf32>,
        %parallel_loop3A_490 = arith.constant 16 : i32
        %parallel_loop3A_491 = arith.muli %parallel_loop3A_348, %parallel_loop3A_490 : i32
        %parallel_loop3A_492 = arith.constant 13 : i32
        %parallel_loop3A_493 = arith.index_cast %parallel_loop3A_492 : i32 to index
        %parallel_loop3A_494 = arith.index_cast %parallel_loop3A_491 : i32 to index
        %parallel_loop3A_495 = tpu.vector_load %arg12[%parallel_loop3A_493, %parallel_loop3A_494] {strides = array<i32>} : memref<64x512xf32, #tpu.memory_space<vmem>>, vector<16xf32>,
        tpu.vector_store %arg12[%parallel_loop3A_493, %parallel_loop3A_494], %parallel_loop3A_489 {strides = array<i32>} : memref<64x512xf32, #tpu.memory_space<vmem>>, vector<16xf32>,
        %parallel_loop3A_496 = arith.constant 14 : i32
        %parallel_loop3A_497 = vector.broadcast %parallel_loop3A_496 : i32 to vector<16xi32>
        %parallel_loop3A_498 = arith.addi %parallel_loop3A_355, %parallel_loop3A_497 : vector<16xi32>
        %parallel_loop3A_499 = tpu.vector_load_idx %arg8[%parallel_loop3A_498] : memref<6500xf32, #tpu.memory_space<vmem>>[vector<16xi32>], vector<16xf32>,
        %parallel_loop3A_500 = arith.constant 16 : i32
        %parallel_loop3A_501 = arith.muli %parallel_loop3A_348, %parallel_loop3A_500 : i32
        %parallel_loop3A_502 = arith.constant 14 : i32
        %parallel_loop3A_503 = arith.index_cast %parallel_loop3A_502 : i32 to index
        %parallel_loop3A_504 = arith.index_cast %parallel_loop3A_501 : i32 to index
        %parallel_loop3A_505 = tpu.vector_load %arg12[%parallel_loop3A_503, %parallel_loop3A_504] {strides = array<i32>} : memref<64x512xf32, #tpu.memory_space<vmem>>, vector<16xf32>,
        tpu.vector_store %arg12[%parallel_loop3A_503, %parallel_loop3A_504], %parallel_loop3A_499 {strides = array<i32>} : memref<64x512xf32, #tpu.memory_space<vmem>>, vector<16xf32>,
        %parallel_loop3A_506 = arith.constant 15 : i32
        %parallel_loop3A_507 = vector.broadcast %parallel_loop3A_506 : i32 to vector<16xi32>
        %parallel_loop3A_508 = arith.addi %parallel_loop3A_355, %parallel_loop3A_507 : vector<16xi32>
        %parallel_loop3A_509 = tpu.vector_load_idx %arg8[%parallel_loop3A_508] : memref<6500xf32, #tpu.memory_space<vmem>>[vector<16xi32>], vector<16xf32>,
        %parallel_loop3A_510 = arith.constant 16 : i32
        %parallel_loop3A_511 = arith.muli %parallel_loop3A_348, %parallel_loop3A_510 : i32
        %parallel_loop3A_512 = arith.constant 15 : i32
        %parallel_loop3A_513 = arith.index_cast %parallel_loop3A_512 : i32 to index
        %parallel_loop3A_514 = arith.index_cast %parallel_loop3A_511 : i32 to index
        %parallel_loop3A_515 = tpu.vector_load %arg12[%parallel_loop3A_513, %parallel_loop3A_514] {strides = array<i32>} : memref<64x512xf32, #tpu.memory_space<vmem>>, vector<16xf32>,
        tpu.vector_store %arg12[%parallel_loop3A_513, %parallel_loop3A_514], %parallel_loop3A_509 {strides = array<i32>} : memref<64x512xf32, #tpu.memory_space<vmem>>, vector<16xf32>,
        %parallel_loop3A_516 = arith.constant 16 : i32
        %parallel_loop3A_517 = vector.broadcast %parallel_loop3A_516 : i32 to vector<16xi32>
        %parallel_loop3A_518 = arith.addi %parallel_loop3A_355, %parallel_loop3A_517 : vector<16xi32>
        %parallel_loop3A_519 = tpu.vector_load_idx %arg8[%parallel_loop3A_518] : memref<6500xf32, #tpu.memory_space<vmem>>[vector<16xi32>], vector<16xf32>,
        %parallel_loop3A_520 = arith.constant 16 : i32
        %parallel_loop3A_521 = arith.muli %parallel_loop3A_348, %parallel_loop3A_520 : i32
        %parallel_loop3A_522 = arith.constant 16 : i32
        %parallel_loop3A_523 = arith.index_cast %parallel_loop3A_522 : i32 to index
        %parallel_loop3A_524 = arith.index_cast %parallel_loop3A_521 : i32 to index
        %parallel_loop3A_525 = tpu.vector_load %arg12[%parallel_loop3A_523, %parallel_loop3A_524] {strides = array<i32>} : memref<64x512xf32, #tpu.memory_space<vmem>>, vector<16xf32>,
        tpu.vector_store %arg12[%parallel_loop3A_523, %parallel_loop3A_524], %parallel_loop3A_519 {strides = array<i32>} : memref<64x512xf32, #tpu.memory_space<vmem>>, vector<16xf32>,
        %parallel_loop3A_526 = arith.constant 17 : i32
        %parallel_loop3A_527 = vector.broadcast %parallel_loop3A_526 : i32 to vector<16xi32>
        %parallel_loop3A_528 = arith.addi %parallel_loop3A_355, %parallel_loop3A_527 : vector<16xi32>
        %parallel_loop3A_529 = tpu.vector_load_idx %arg8[%parallel_loop3A_528] : memref<6500xf32, #tpu.memory_space<vmem>>[vector<16xi32>], vector<16xf32>,
        %parallel_loop3A_530 = arith.constant 16 : i32
        %parallel_loop3A_531 = arith.muli %parallel_loop3A_348, %parallel_loop3A_530 : i32
        %parallel_loop3A_532 = arith.constant 17 : i32
        %parallel_loop3A_533 = arith.index_cast %parallel_loop3A_532 : i32 to index
        %parallel_loop3A_534 = arith.index_cast %parallel_loop3A_531 : i32 to index
        %parallel_loop3A_535 = tpu.vector_load %arg12[%parallel_loop3A_533, %parallel_loop3A_534] {strides = array<i32>} : memref<64x512xf32, #tpu.memory_space<vmem>>, vector<16xf32>,
        tpu.vector_store %arg12[%parallel_loop3A_533, %parallel_loop3A_534], %parallel_loop3A_529 {strides = array<i32>} : memref<64x512xf32, #tpu.memory_space<vmem>>, vector<16xf32>,
        %parallel_loop3A_536 = arith.constant 18 : i32
        %parallel_loop3A_537 = vector.broadcast %parallel_loop3A_536 : i32 to vector<16xi32>
        %parallel_loop3A_538 = arith.addi %parallel_loop3A_355, %parallel_loop3A_537 : vector<16xi32>
        %parallel_loop3A_539 = tpu.vector_load_idx %arg8[%parallel_loop3A_538] : memref<6500xf32, #tpu.memory_space<vmem>>[vector<16xi32>], vector<16xf32>,
        %parallel_loop3A_540 = arith.constant 16 : i32
        %parallel_loop3A_541 = arith.muli %parallel_loop3A_348, %parallel_loop3A_540 : i32
        %parallel_loop3A_542 = arith.constant 18 : i32
        %parallel_loop3A_543 = arith.index_cast %parallel_loop3A_542 : i32 to index
        %parallel_loop3A_544 = arith.index_cast %parallel_loop3A_541 : i32 to index
        %parallel_loop3A_545 = tpu.vector_load %arg12[%parallel_loop3A_543, %parallel_loop3A_544] {strides = array<i32>} : memref<64x512xf32, #tpu.memory_space<vmem>>, vector<16xf32>,
        tpu.vector_store %arg12[%parallel_loop3A_543, %parallel_loop3A_544], %parallel_loop3A_539 {strides = array<i32>} : memref<64x512xf32, #tpu.memory_space<vmem>>, vector<16xf32>,
        %parallel_loop3A_546 = arith.constant 19 : i32
        %parallel_loop3A_547 = vector.broadcast %parallel_loop3A_546 : i32 to vector<16xi32>
        %parallel_loop3A_548 = arith.addi %parallel_loop3A_355, %parallel_loop3A_547 : vector<16xi32>
        %parallel_loop3A_549 = tpu.vector_load_idx %arg8[%parallel_loop3A_548] : memref<6500xf32, #tpu.memory_space<vmem>>[vector<16xi32>], vector<16xf32>,
        %parallel_loop3A_550 = arith.constant 16 : i32
        %parallel_loop3A_551 = arith.muli %parallel_loop3A_348, %parallel_loop3A_550 : i32
        %parallel_loop3A_552 = arith.constant 19 : i32
        %parallel_loop3A_553 = arith.index_cast %parallel_loop3A_552 : i32 to index
        %parallel_loop3A_554 = arith.index_cast %parallel_loop3A_551 : i32 to index
        %parallel_loop3A_555 = tpu.vector_load %arg12[%parallel_loop3A_553, %parallel_loop3A_554] {strides = array<i32>} : memref<64x512xf32, #tpu.memory_space<vmem>>, vector<16xf32>,
        tpu.vector_store %arg12[%parallel_loop3A_553, %parallel_loop3A_554], %parallel_loop3A_549 {strides = array<i32>} : memref<64x512xf32, #tpu.memory_space<vmem>>, vector<16xf32>,
        %parallel_loop3A_556 = arith.constant 20 : i32
        %parallel_loop3A_557 = vector.broadcast %parallel_loop3A_556 : i32 to vector<16xi32>
        %parallel_loop3A_558 = arith.addi %parallel_loop3A_355, %parallel_loop3A_557 : vector<16xi32>
        %parallel_loop3A_559 = tpu.vector_load_idx %arg8[%parallel_loop3A_558] : memref<6500xf32, #tpu.memory_space<vmem>>[vector<16xi32>], vector<16xf32>,
        %parallel_loop3A_560 = arith.constant 16 : i32
        %parallel_loop3A_561 = arith.muli %parallel_loop3A_348, %parallel_loop3A_560 : i32
        %parallel_loop3A_562 = arith.constant 20 : i32
        %parallel_loop3A_563 = arith.index_cast %parallel_loop3A_562 : i32 to index
        %parallel_loop3A_564 = arith.index_cast %parallel_loop3A_561 : i32 to index
        %parallel_loop3A_565 = tpu.vector_load %arg12[%parallel_loop3A_563, %parallel_loop3A_564] {strides = array<i32>} : memref<64x512xf32, #tpu.memory_space<vmem>>, vector<16xf32>,
        tpu.vector_store %arg12[%parallel_loop3A_563, %parallel_loop3A_564], %parallel_loop3A_559 {strides = array<i32>} : memref<64x512xf32, #tpu.memory_space<vmem>>, vector<16xf32>,
        %parallel_loop3A_566 = arith.constant 21 : i32
        %parallel_loop3A_567 = vector.broadcast %parallel_loop3A_566 : i32 to vector<16xi32>
        %parallel_loop3A_568 = arith.addi %parallel_loop3A_355, %parallel_loop3A_567 : vector<16xi32>
        %parallel_loop3A_569 = tpu.vector_load_idx %arg8[%parallel_loop3A_568] : memref<6500xf32, #tpu.memory_space<vmem>>[vector<16xi32>], vector<16xf32>,
        %parallel_loop3A_570 = arith.constant 16 : i32
        %parallel_loop3A_571 = arith.muli %parallel_loop3A_348, %parallel_loop3A_570 : i32
        %parallel_loop3A_572 = arith.constant 21 : i32
        %parallel_loop3A_573 = arith.index_cast %parallel_loop3A_572 : i32 to index
        %parallel_loop3A_574 = arith.index_cast %parallel_loop3A_571 : i32 to index
        %parallel_loop3A_575 = tpu.vector_load %arg12[%parallel_loop3A_573, %parallel_loop3A_574] {strides = array<i32>} : memref<64x512xf32, #tpu.memory_space<vmem>>, vector<16xf32>,
        tpu.vector_store %arg12[%parallel_loop3A_573, %parallel_loop3A_574], %parallel_loop3A_569 {strides = array<i32>} : memref<64x512xf32, #tpu.memory_space<vmem>>, vector<16xf32>,
        %parallel_loop3A_576 = arith.constant 22 : i32
        %parallel_loop3A_577 = vector.broadcast %parallel_loop3A_576 : i32 to vector<16xi32>
        %parallel_loop3A_578 = arith.addi %parallel_loop3A_355, %parallel_loop3A_577 : vector<16xi32>
        %parallel_loop3A_579 = tpu.vector_load_idx %arg8[%parallel_loop3A_578] : memref<6500xf32, #tpu.memory_space<vmem>>[vector<16xi32>], vector<16xf32>,
        %parallel_loop3A_580 = arith.constant 16 : i32
        %parallel_loop3A_581 = arith.muli %parallel_loop3A_348, %parallel_loop3A_580 : i32
        %parallel_loop3A_582 = arith.constant 22 : i32
        %parallel_loop3A_583 = arith.index_cast %parallel_loop3A_582 : i32 to index
        %parallel_loop3A_584 = arith.index_cast %parallel_loop3A_581 : i32 to index
        %parallel_loop3A_585 = tpu.vector_load %arg12[%parallel_loop3A_583, %parallel_loop3A_584] {strides = array<i32>} : memref<64x512xf32, #tpu.memory_space<vmem>>, vector<16xf32>,
        tpu.vector_store %arg12[%parallel_loop3A_583, %parallel_loop3A_584], %parallel_loop3A_579 {strides = array<i32>} : memref<64x512xf32, #tpu.memory_space<vmem>>, vector<16xf32>,
        %parallel_loop3A_586 = arith.constant 23 : i32
        %parallel_loop3A_587 = vector.broadcast %parallel_loop3A_586 : i32 to vector<16xi32>
        %parallel_loop3A_588 = arith.addi %parallel_loop3A_355, %parallel_loop3A_587 : vector<16xi32>
        %parallel_loop3A_589 = tpu.vector_load_idx %arg8[%parallel_loop3A_588] : memref<6500xf32, #tpu.memory_space<vmem>>[vector<16xi32>], vector<16xf32>,
        %parallel_loop3A_590 = arith.constant 16 : i32
        %parallel_loop3A_591 = arith.muli %parallel_loop3A_348, %parallel_loop3A_590 : i32
        %parallel_loop3A_592 = arith.constant 23 : i32
        %parallel_loop3A_593 = arith.index_cast %parallel_loop3A_592 : i32 to index
        %parallel_loop3A_594 = arith.index_cast %parallel_loop3A_591 : i32 to index
        %parallel_loop3A_595 = tpu.vector_load %arg12[%parallel_loop3A_593, %parallel_loop3A_594] {strides = array<i32>} : memref<64x512xf32, #tpu.memory_space<vmem>>, vector<16xf32>,
        tpu.vector_store %arg12[%parallel_loop3A_593, %parallel_loop3A_594], %parallel_loop3A_589 {strides = array<i32>} : memref<64x512xf32, #tpu.memory_space<vmem>>, vector<16xf32>,
        %parallel_loop3A_596 = arith.constant 24 : i32
        %parallel_loop3A_597 = vector.broadcast %parallel_loop3A_596 : i32 to vector<16xi32>
        %parallel_loop3A_598 = arith.addi %parallel_loop3A_355, %parallel_loop3A_597 : vector<16xi32>
        %parallel_loop3A_599 = tpu.vector_load_idx %arg8[%parallel_loop3A_598] : memref<6500xf32, #tpu.memory_space<vmem>>[vector<16xi32>], vector<16xf32>,
        %parallel_loop3A_600 = arith.constant 16 : i32
        %parallel_loop3A_601 = arith.muli %parallel_loop3A_348, %parallel_loop3A_600 : i32
        %parallel_loop3A_602 = arith.constant 24 : i32
        %parallel_loop3A_603 = arith.index_cast %parallel_loop3A_602 : i32 to index
        %parallel_loop3A_604 = arith.index_cast %parallel_loop3A_601 : i32 to index
        %parallel_loop3A_605 = tpu.vector_load %arg12[%parallel_loop3A_603, %parallel_loop3A_604] {strides = array<i32>} : memref<64x512xf32, #tpu.memory_space<vmem>>, vector<16xf32>,
        tpu.vector_store %arg12[%parallel_loop3A_603, %parallel_loop3A_604], %parallel_loop3A_599 {strides = array<i32>} : memref<64x512xf32, #tpu.memory_space<vmem>>, vector<16xf32>,
        %parallel_loop3A_606 = arith.constant 25 : i32
        %parallel_loop3A_607 = vector.broadcast %parallel_loop3A_606 : i32 to vector<16xi32>
        %parallel_loop3A_608 = arith.addi %parallel_loop3A_355, %parallel_loop3A_607 : vector<16xi32>
        %parallel_loop3A_609 = tpu.vector_load_idx %arg8[%parallel_loop3A_608] : memref<6500xf32, #tpu.memory_space<vmem>>[vector<16xi32>], vector<16xf32>,
        %parallel_loop3A_610 = arith.constant 16 : i32
        %parallel_loop3A_611 = arith.muli %parallel_loop3A_348, %parallel_loop3A_610 : i32
        %parallel_loop3A_612 = arith.constant 25 : i32
        %parallel_loop3A_613 = arith.index_cast %parallel_loop3A_612 : i32 to index
        %parallel_loop3A_614 = arith.index_cast %parallel_loop3A_611 : i32 to index
        %parallel_loop3A_615 = tpu.vector_load %arg12[%parallel_loop3A_613, %parallel_loop3A_614] {strides = array<i32>} : memref<64x512xf32, #tpu.memory_space<vmem>>, vector<16xf32>,
        tpu.vector_store %arg12[%parallel_loop3A_613, %parallel_loop3A_614], %parallel_loop3A_609 {strides = array<i32>} : memref<64x512xf32, #tpu.memory_space<vmem>>, vector<16xf32>,
        %parallel_loop3A_616 = arith.constant 26 : i32
        %parallel_loop3A_617 = vector.broadcast %parallel_loop3A_616 : i32 to vector<16xi32>
        %parallel_loop3A_618 = arith.addi %parallel_loop3A_355, %parallel_loop3A_617 : vector<16xi32>
        %parallel_loop3A_619 = tpu.vector_load_idx %arg8[%parallel_loop3A_618] : memref<6500xf32, #tpu.memory_space<vmem>>[vector<16xi32>], vector<16xf32>,
        %parallel_loop3A_620 = arith.constant 16 : i32
        %parallel_loop3A_621 = arith.muli %parallel_loop3A_348, %parallel_loop3A_620 : i32
        %parallel_loop3A_622 = arith.constant 26 : i32
        %parallel_loop3A_623 = arith.index_cast %parallel_loop3A_622 : i32 to index
        %parallel_loop3A_624 = arith.index_cast %parallel_loop3A_621 : i32 to index
        %parallel_loop3A_625 = tpu.vector_load %arg12[%parallel_loop3A_623, %parallel_loop3A_624] {strides = array<i32>} : memref<64x512xf32, #tpu.memory_space<vmem>>, vector<16xf32>,
        tpu.vector_store %arg12[%parallel_loop3A_623, %parallel_loop3A_624], %parallel_loop3A_619 {strides = array<i32>} : memref<64x512xf32, #tpu.memory_space<vmem>>, vector<16xf32>,
        %parallel_loop3A_626 = arith.constant 27 : i32
        %parallel_loop3A_627 = vector.broadcast %parallel_loop3A_626 : i32 to vector<16xi32>
        %parallel_loop3A_628 = arith.addi %parallel_loop3A_355, %parallel_loop3A_627 : vector<16xi32>
        %parallel_loop3A_629 = tpu.vector_load_idx %arg8[%parallel_loop3A_628] : memref<6500xf32, #tpu.memory_space<vmem>>[vector<16xi32>], vector<16xf32>,
        %parallel_loop3A_630 = arith.constant 16 : i32
        %parallel_loop3A_631 = arith.muli %parallel_loop3A_348, %parallel_loop3A_630 : i32
        %parallel_loop3A_632 = arith.constant 27 : i32
        %parallel_loop3A_633 = arith.index_cast %parallel_loop3A_632 : i32 to index
        %parallel_loop3A_634 = arith.index_cast %parallel_loop3A_631 : i32 to index
        %parallel_loop3A_635 = tpu.vector_load %arg12[%parallel_loop3A_633, %parallel_loop3A_634] {strides = array<i32>} : memref<64x512xf32, #tpu.memory_space<vmem>>, vector<16xf32>,
        tpu.vector_store %arg12[%parallel_loop3A_633, %parallel_loop3A_634], %parallel_loop3A_629 {strides = array<i32>} : memref<64x512xf32, #tpu.memory_space<vmem>>, vector<16xf32>,
        %parallel_loop3A_636 = arith.constant 28 : i32
        %parallel_loop3A_637 = vector.broadcast %parallel_loop3A_636 : i32 to vector<16xi32>
        %parallel_loop3A_638 = arith.addi %parallel_loop3A_355, %parallel_loop3A_637 : vector<16xi32>
        %parallel_loop3A_639 = tpu.vector_load_idx %arg8[%parallel_loop3A_638] : memref<6500xf32, #tpu.memory_space<vmem>>[vector<16xi32>], vector<16xf32>,
        %parallel_loop3A_640 = arith.constant 16 : i32
        %parallel_loop3A_641 = arith.muli %parallel_loop3A_348, %parallel_loop3A_640 : i32
        %parallel_loop3A_642 = arith.constant 28 : i32
        %parallel_loop3A_643 = arith.index_cast %parallel_loop3A_642 : i32 to index
        %parallel_loop3A_644 = arith.index_cast %parallel_loop3A_641 : i32 to index
        %parallel_loop3A_645 = tpu.vector_load %arg12[%parallel_loop3A_643, %parallel_loop3A_644] {strides = array<i32>} : memref<64x512xf32, #tpu.memory_space<vmem>>, vector<16xf32>,
        tpu.vector_store %arg12[%parallel_loop3A_643, %parallel_loop3A_644], %parallel_loop3A_639 {strides = array<i32>} : memref<64x512xf32, #tpu.memory_space<vmem>>, vector<16xf32>,
        %parallel_loop3A_646 = arith.constant 29 : i32
        %parallel_loop3A_647 = vector.broadcast %parallel_loop3A_646 : i32 to vector<16xi32>
        %parallel_loop3A_648 = arith.addi %parallel_loop3A_355, %parallel_loop3A_647 : vector<16xi32>
        %parallel_loop3A_649 = tpu.vector_load_idx %arg8[%parallel_loop3A_648] : memref<6500xf32, #tpu.memory_space<vmem>>[vector<16xi32>], vector<16xf32>,
        %parallel_loop3A_650 = arith.constant 16 : i32
        %parallel_loop3A_651 = arith.muli %parallel_loop3A_348, %parallel_loop3A_650 : i32
        %parallel_loop3A_652 = arith.constant 29 : i32
        %parallel_loop3A_653 = arith.index_cast %parallel_loop3A_652 : i32 to index
        %parallel_loop3A_654 = arith.index_cast %parallel_loop3A_651 : i32 to index
        %parallel_loop3A_655 = tpu.vector_load %arg12[%parallel_loop3A_653, %parallel_loop3A_654] {strides = array<i32>} : memref<64x512xf32, #tpu.memory_space<vmem>>, vector<16xf32>,
        tpu.vector_store %arg12[%parallel_loop3A_653, %parallel_loop3A_654], %parallel_loop3A_649 {strides = array<i32>} : memref<64x512xf32, #tpu.memory_space<vmem>>, vector<16xf32>,
        %parallel_loop3A_656 = arith.constant 30 : i32
        %parallel_loop3A_657 = vector.broadcast %parallel_loop3A_656 : i32 to vector<16xi32>
        %parallel_loop3A_658 = arith.addi %parallel_loop3A_355, %parallel_loop3A_657 : vector<16xi32>
        %parallel_loop3A_659 = tpu.vector_load_idx %arg8[%parallel_loop3A_658] : memref<6500xf32, #tpu.memory_space<vmem>>[vector<16xi32>], vector<16xf32>,
        %parallel_loop3A_660 = arith.constant 16 : i32
        %parallel_loop3A_661 = arith.muli %parallel_loop3A_348, %parallel_loop3A_660 : i32
        %parallel_loop3A_662 = arith.constant 30 : i32
        %parallel_loop3A_663 = arith.index_cast %parallel_loop3A_662 : i32 to index
        %parallel_loop3A_664 = arith.index_cast %parallel_loop3A_661 : i32 to index
        %parallel_loop3A_665 = tpu.vector_load %arg12[%parallel_loop3A_663, %parallel_loop3A_664] {strides = array<i32>} : memref<64x512xf32, #tpu.memory_space<vmem>>, vector<16xf32>,
        tpu.vector_store %arg12[%parallel_loop3A_663, %parallel_loop3A_664], %parallel_loop3A_659 {strides = array<i32>} : memref<64x512xf32, #tpu.memory_space<vmem>>, vector<16xf32>,
        %parallel_loop3A_666 = arith.constant 31 : i32
        %parallel_loop3A_667 = vector.broadcast %parallel_loop3A_666 : i32 to vector<16xi32>
        %parallel_loop3A_668 = arith.addi %parallel_loop3A_355, %parallel_loop3A_667 : vector<16xi32>
        %parallel_loop3A_669 = tpu.vector_load_idx %arg8[%parallel_loop3A_668] : memref<6500xf32, #tpu.memory_space<vmem>>[vector<16xi32>], vector<16xf32>,
        %parallel_loop3A_670 = arith.constant 16 : i32
        %parallel_loop3A_671 = arith.muli %parallel_loop3A_348, %parallel_loop3A_670 : i32
        %parallel_loop3A_672 = arith.constant 31 : i32
        %parallel_loop3A_673 = arith.index_cast %parallel_loop3A_672 : i32 to index
        %parallel_loop3A_674 = arith.index_cast %parallel_loop3A_671 : i32 to index
        %parallel_loop3A_675 = tpu.vector_load %arg12[%parallel_loop3A_673, %parallel_loop3A_674] {strides = array<i32>} : memref<64x512xf32, #tpu.memory_space<vmem>>, vector<16xf32>,
        tpu.vector_store %arg12[%parallel_loop3A_673, %parallel_loop3A_674], %parallel_loop3A_669 {strides = array<i32>} : memref<64x512xf32, #tpu.memory_space<vmem>>, vector<16xf32>,
        %parallel_loop3A_676 = arith.constant 32 : i32
        %parallel_loop3A_677 = vector.broadcast %parallel_loop3A_676 : i32 to vector<16xi32>
        %parallel_loop3A_678 = arith.addi %parallel_loop3A_355, %parallel_loop3A_677 : vector<16xi32>
        %parallel_loop3A_679 = tpu.vector_load_idx %arg8[%parallel_loop3A_678] : memref<6500xf32, #tpu.memory_space<vmem>>[vector<16xi32>], vector<16xf32>,
        %parallel_loop3A_680 = arith.constant 16 : i32
        %parallel_loop3A_681 = arith.muli %parallel_loop3A_348, %parallel_loop3A_680 : i32
        %parallel_loop3A_682 = arith.constant 32 : i32
        %parallel_loop3A_683 = arith.index_cast %parallel_loop3A_682 : i32 to index
        %parallel_loop3A_684 = arith.index_cast %parallel_loop3A_681 : i32 to index
        %parallel_loop3A_685 = tpu.vector_load %arg12[%parallel_loop3A_683, %parallel_loop3A_684] {strides = array<i32>} : memref<64x512xf32, #tpu.memory_space<vmem>>, vector<16xf32>,
        tpu.vector_store %arg12[%parallel_loop3A_683, %parallel_loop3A_684], %parallel_loop3A_679 {strides = array<i32>} : memref<64x512xf32, #tpu.memory_space<vmem>>, vector<16xf32>,
        %parallel_loop3A_686 = arith.constant 33 : i32
        %parallel_loop3A_687 = vector.broadcast %parallel_loop3A_686 : i32 to vector<16xi32>
        %parallel_loop3A_688 = arith.addi %parallel_loop3A_355, %parallel_loop3A_687 : vector<16xi32>
        %parallel_loop3A_689 = tpu.vector_load_idx %arg8[%parallel_loop3A_688] : memref<6500xf32, #tpu.memory_space<vmem>>[vector<16xi32>], vector<16xf32>,
        %parallel_loop3A_690 = arith.constant 16 : i32
        %parallel_loop3A_691 = arith.muli %parallel_loop3A_348, %parallel_loop3A_690 : i32
        %parallel_loop3A_692 = arith.constant 33 : i32
        %parallel_loop3A_693 = arith.index_cast %parallel_loop3A_692 : i32 to index
        %parallel_loop3A_694 = arith.index_cast %parallel_loop3A_691 : i32 to index
        %parallel_loop3A_695 = tpu.vector_load %arg12[%parallel_loop3A_693, %parallel_loop3A_694] {strides = array<i32>} : memref<64x512xf32, #tpu.memory_space<vmem>>, vector<16xf32>,
        tpu.vector_store %arg12[%parallel_loop3A_693, %parallel_loop3A_694], %parallel_loop3A_689 {strides = array<i32>} : memref<64x512xf32, #tpu.memory_space<vmem>>, vector<16xf32>,
        %parallel_loop3A_696 = arith.constant 34 : i32
        %parallel_loop3A_697 = vector.broadcast %parallel_loop3A_696 : i32 to vector<16xi32>
        %parallel_loop3A_698 = arith.addi %parallel_loop3A_355, %parallel_loop3A_697 : vector<16xi32>
        %parallel_loop3A_699 = tpu.vector_load_idx %arg8[%parallel_loop3A_698] : memref<6500xf32, #tpu.memory_space<vmem>>[vector<16xi32>], vector<16xf32>,
        %parallel_loop3A_700 = arith.constant 16 : i32
        %parallel_loop3A_701 = arith.muli %parallel_loop3A_348, %parallel_loop3A_700 : i32
        %parallel_loop3A_702 = arith.constant 34 : i32
        %parallel_loop3A_703 = arith.index_cast %parallel_loop3A_702 : i32 to index
        %parallel_loop3A_704 = arith.index_cast %parallel_loop3A_701 : i32 to index
        %parallel_loop3A_705 = tpu.vector_load %arg12[%parallel_loop3A_703, %parallel_loop3A_704] {strides = array<i32>} : memref<64x512xf32, #tpu.memory_space<vmem>>, vector<16xf32>,
        tpu.vector_store %arg12[%parallel_loop3A_703, %parallel_loop3A_704], %parallel_loop3A_699 {strides = array<i32>} : memref<64x512xf32, #tpu.memory_space<vmem>>, vector<16xf32>,
        %parallel_loop3A_706 = arith.constant 35 : i32
        %parallel_loop3A_707 = vector.broadcast %parallel_loop3A_706 : i32 to vector<16xi32>
        %parallel_loop3A_708 = arith.addi %parallel_loop3A_355, %parallel_loop3A_707 : vector<16xi32>
        %parallel_loop3A_709 = tpu.vector_load_idx %arg8[%parallel_loop3A_708] : memref<6500xf32, #tpu.memory_space<vmem>>[vector<16xi32>], vector<16xf32>,
        %parallel_loop3A_710 = arith.constant 16 : i32
        %parallel_loop3A_711 = arith.muli %parallel_loop3A_348, %parallel_loop3A_710 : i32
        %parallel_loop3A_712 = arith.constant 35 : i32
        %parallel_loop3A_713 = arith.index_cast %parallel_loop3A_712 : i32 to index
        %parallel_loop3A_714 = arith.index_cast %parallel_loop3A_711 : i32 to index
        %parallel_loop3A_715 = tpu.vector_load %arg12[%parallel_loop3A_713, %parallel_loop3A_714] {strides = array<i32>} : memref<64x512xf32, #tpu.memory_space<vmem>>, vector<16xf32>,
        tpu.vector_store %arg12[%parallel_loop3A_713, %parallel_loop3A_714], %parallel_loop3A_709 {strides = array<i32>} : memref<64x512xf32, #tpu.memory_space<vmem>>, vector<16xf32>,
        %parallel_loop3A_716 = arith.constant 36 : i32
        %parallel_loop3A_717 = vector.broadcast %parallel_loop3A_716 : i32 to vector<16xi32>
        %parallel_loop3A_718 = arith.addi %parallel_loop3A_355, %parallel_loop3A_717 : vector<16xi32>
        %parallel_loop3A_719 = tpu.vector_load_idx %arg8[%parallel_loop3A_718] : memref<6500xf32, #tpu.memory_space<vmem>>[vector<16xi32>], vector<16xf32>,
        %parallel_loop3A_720 = arith.constant 16 : i32
        %parallel_loop3A_721 = arith.muli %parallel_loop3A_348, %parallel_loop3A_720 : i32
        %parallel_loop3A_722 = arith.constant 36 : i32
        %parallel_loop3A_723 = arith.index_cast %parallel_loop3A_722 : i32 to index
        %parallel_loop3A_724 = arith.index_cast %parallel_loop3A_721 : i32 to index
        %parallel_loop3A_725 = tpu.vector_load %arg12[%parallel_loop3A_723, %parallel_loop3A_724] {strides = array<i32>} : memref<64x512xf32, #tpu.memory_space<vmem>>, vector<16xf32>,
        tpu.vector_store %arg12[%parallel_loop3A_723, %parallel_loop3A_724], %parallel_loop3A_719 {strides = array<i32>} : memref<64x512xf32, #tpu.memory_space<vmem>>, vector<16xf32>,
        %parallel_loop3A_726 = arith.constant 37 : i32
        %parallel_loop3A_727 = vector.broadcast %parallel_loop3A_726 : i32 to vector<16xi32>
        %parallel_loop3A_728 = arith.addi %parallel_loop3A_355, %parallel_loop3A_727 : vector<16xi32>
        %parallel_loop3A_729 = tpu.vector_load_idx %arg8[%parallel_loop3A_728] : memref<6500xf32, #tpu.memory_space<vmem>>[vector<16xi32>], vector<16xf32>,
        %parallel_loop3A_730 = arith.constant 16 : i32
        %parallel_loop3A_731 = arith.muli %parallel_loop3A_348, %parallel_loop3A_730 : i32
        %parallel_loop3A_732 = arith.constant 37 : i32
        %parallel_loop3A_733 = arith.index_cast %parallel_loop3A_732 : i32 to index
        %parallel_loop3A_734 = arith.index_cast %parallel_loop3A_731 : i32 to index
        %parallel_loop3A_735 = tpu.vector_load %arg12[%parallel_loop3A_733, %parallel_loop3A_734] {strides = array<i32>} : memref<64x512xf32, #tpu.memory_space<vmem>>, vector<16xf32>,
        tpu.vector_store %arg12[%parallel_loop3A_733, %parallel_loop3A_734], %parallel_loop3A_729 {strides = array<i32>} : memref<64x512xf32, #tpu.memory_space<vmem>>, vector<16xf32>,
        %parallel_loop3A_736 = arith.constant 38 : i32
        %parallel_loop3A_737 = vector.broadcast %parallel_loop3A_736 : i32 to vector<16xi32>
        %parallel_loop3A_738 = arith.addi %parallel_loop3A_355, %parallel_loop3A_737 : vector<16xi32>
        %parallel_loop3A_739 = tpu.vector_load_idx %arg8[%parallel_loop3A_738] : memref<6500xf32, #tpu.memory_space<vmem>>[vector<16xi32>], vector<16xf32>,
        %parallel_loop3A_740 = arith.constant 16 : i32
        %parallel_loop3A_741 = arith.muli %parallel_loop3A_348, %parallel_loop3A_740 : i32
        %parallel_loop3A_742 = arith.constant 38 : i32
        %parallel_loop3A_743 = arith.index_cast %parallel_loop3A_742 : i32 to index
        %parallel_loop3A_744 = arith.index_cast %parallel_loop3A_741 : i32 to index
        %parallel_loop3A_745 = tpu.vector_load %arg12[%parallel_loop3A_743, %parallel_loop3A_744] {strides = array<i32>} : memref<64x512xf32, #tpu.memory_space<vmem>>, vector<16xf32>,
        tpu.vector_store %arg12[%parallel_loop3A_743, %parallel_loop3A_744], %parallel_loop3A_739 {strides = array<i32>} : memref<64x512xf32, #tpu.memory_space<vmem>>, vector<16xf32>,
        %parallel_loop3A_746 = arith.constant 39 : i32
        %parallel_loop3A_747 = vector.broadcast %parallel_loop3A_746 : i32 to vector<16xi32>
        %parallel_loop3A_748 = arith.addi %parallel_loop3A_355, %parallel_loop3A_747 : vector<16xi32>
        %parallel_loop3A_749 = tpu.vector_load_idx %arg8[%parallel_loop3A_748] : memref<6500xf32, #tpu.memory_space<vmem>>[vector<16xi32>], vector<16xf32>,
        %parallel_loop3A_750 = arith.constant 16 : i32
        %parallel_loop3A_751 = arith.muli %parallel_loop3A_348, %parallel_loop3A_750 : i32
        %parallel_loop3A_752 = arith.constant 39 : i32
        %parallel_loop3A_753 = arith.index_cast %parallel_loop3A_752 : i32 to index
        %parallel_loop3A_754 = arith.index_cast %parallel_loop3A_751 : i32 to index
        %parallel_loop3A_755 = tpu.vector_load %arg12[%parallel_loop3A_753, %parallel_loop3A_754] {strides = array<i32>} : memref<64x512xf32, #tpu.memory_space<vmem>>, vector<16xf32>,
        tpu.vector_store %arg12[%parallel_loop3A_753, %parallel_loop3A_754], %parallel_loop3A_749 {strides = array<i32>} : memref<64x512xf32, #tpu.memory_space<vmem>>, vector<16xf32>,
        %parallel_loop3A_756 = arith.constant 40 : i32
        %parallel_loop3A_757 = vector.broadcast %parallel_loop3A_756 : i32 to vector<16xi32>
        %parallel_loop3A_758 = arith.addi %parallel_loop3A_355, %parallel_loop3A_757 : vector<16xi32>
        %parallel_loop3A_759 = tpu.vector_load_idx %arg8[%parallel_loop3A_758] : memref<6500xf32, #tpu.memory_space<vmem>>[vector<16xi32>], vector<16xf32>,
        %parallel_loop3A_760 = arith.constant 16 : i32
        %parallel_loop3A_761 = arith.muli %parallel_loop3A_348, %parallel_loop3A_760 : i32
        %parallel_loop3A_762 = arith.constant 40 : i32
        %parallel_loop3A_763 = arith.index_cast %parallel_loop3A_762 : i32 to index
        %parallel_loop3A_764 = arith.index_cast %parallel_loop3A_761 : i32 to index
        %parallel_loop3A_765 = tpu.vector_load %arg12[%parallel_loop3A_763, %parallel_loop3A_764] {strides = array<i32>} : memref<64x512xf32, #tpu.memory_space<vmem>>, vector<16xf32>,
        tpu.vector_store %arg12[%parallel_loop3A_763, %parallel_loop3A_764], %parallel_loop3A_759 {strides = array<i32>} : memref<64x512xf32, #tpu.memory_space<vmem>>, vector<16xf32>,
        %parallel_loop3A_766 = arith.constant 41 : i32
        %parallel_loop3A_767 = vector.broadcast %parallel_loop3A_766 : i32 to vector<16xi32>
        %parallel_loop3A_768 = arith.addi %parallel_loop3A_355, %parallel_loop3A_767 : vector<16xi32>
        %parallel_loop3A_769 = tpu.vector_load_idx %arg8[%parallel_loop3A_768] : memref<6500xf32, #tpu.memory_space<vmem>>[vector<16xi32>], vector<16xf32>,
        %parallel_loop3A_770 = arith.constant 16 : i32
        %parallel_loop3A_771 = arith.muli %parallel_loop3A_348, %parallel_loop3A_770 : i32
        %parallel_loop3A_772 = arith.constant 41 : i32
        %parallel_loop3A_773 = arith.index_cast %parallel_loop3A_772 : i32 to index
        %parallel_loop3A_774 = arith.index_cast %parallel_loop3A_771 : i32 to index
        %parallel_loop3A_775 = tpu.vector_load %arg12[%parallel_loop3A_773, %parallel_loop3A_774] {strides = array<i32>} : memref<64x512xf32, #tpu.memory_space<vmem>>, vector<16xf32>,
        tpu.vector_store %arg12[%parallel_loop3A_773, %parallel_loop3A_774], %parallel_loop3A_769 {strides = array<i32>} : memref<64x512xf32, #tpu.memory_space<vmem>>, vector<16xf32>,
        %parallel_loop3A_776 = arith.constant 42 : i32
        %parallel_loop3A_777 = vector.broadcast %parallel_loop3A_776 : i32 to vector<16xi32>
        %parallel_loop3A_778 = arith.addi %parallel_loop3A_355, %parallel_loop3A_777 : vector<16xi32>
        %parallel_loop3A_779 = tpu.vector_load_idx %arg8[%parallel_loop3A_778] : memref<6500xf32, #tpu.memory_space<vmem>>[vector<16xi32>], vector<16xf32>,
        %parallel_loop3A_780 = arith.constant 16 : i32
        %parallel_loop3A_781 = arith.muli %parallel_loop3A_348, %parallel_loop3A_780 : i32
        %parallel_loop3A_782 = arith.constant 42 : i32
        %parallel_loop3A_783 = arith.index_cast %parallel_loop3A_782 : i32 to index
        %parallel_loop3A_784 = arith.index_cast %parallel_loop3A_781 : i32 to index
        %parallel_loop3A_785 = tpu.vector_load %arg12[%parallel_loop3A_783, %parallel_loop3A_784] {strides = array<i32>} : memref<64x512xf32, #tpu.memory_space<vmem>>, vector<16xf32>,
        tpu.vector_store %arg12[%parallel_loop3A_783, %parallel_loop3A_784], %parallel_loop3A_779 {strides = array<i32>} : memref<64x512xf32, #tpu.memory_space<vmem>>, vector<16xf32>,
        %parallel_loop3A_786 = arith.constant 43 : i32
        %parallel_loop3A_787 = vector.broadcast %parallel_loop3A_786 : i32 to vector<16xi32>
        %parallel_loop3A_788 = arith.addi %parallel_loop3A_355, %parallel_loop3A_787 : vector<16xi32>
        %parallel_loop3A_789 = tpu.vector_load_idx %arg8[%parallel_loop3A_788] : memref<6500xf32, #tpu.memory_space<vmem>>[vector<16xi32>], vector<16xf32>,
        %parallel_loop3A_790 = arith.constant 16 : i32
        %parallel_loop3A_791 = arith.muli %parallel_loop3A_348, %parallel_loop3A_790 : i32
        %parallel_loop3A_792 = arith.constant 43 : i32
        %parallel_loop3A_793 = arith.index_cast %parallel_loop3A_792 : i32 to index
        %parallel_loop3A_794 = arith.index_cast %parallel_loop3A_791 : i32 to index
        %parallel_loop3A_795 = tpu.vector_load %arg12[%parallel_loop3A_793, %parallel_loop3A_794] {strides = array<i32>} : memref<64x512xf32, #tpu.memory_space<vmem>>, vector<16xf32>,
        tpu.vector_store %arg12[%parallel_loop3A_793, %parallel_loop3A_794], %parallel_loop3A_789 {strides = array<i32>} : memref<64x512xf32, #tpu.memory_space<vmem>>, vector<16xf32>,
        %parallel_loop3A_796 = arith.constant 44 : i32
        %parallel_loop3A_797 = vector.broadcast %parallel_loop3A_796 : i32 to vector<16xi32>
        %parallel_loop3A_798 = arith.addi %parallel_loop3A_355, %parallel_loop3A_797 : vector<16xi32>
        %parallel_loop3A_799 = tpu.vector_load_idx %arg8[%parallel_loop3A_798] : memref<6500xf32, #tpu.memory_space<vmem>>[vector<16xi32>], vector<16xf32>,
        %parallel_loop3A_800 = arith.constant 16 : i32
        %parallel_loop3A_801 = arith.muli %parallel_loop3A_348, %parallel_loop3A_800 : i32
        %parallel_loop3A_802 = arith.constant 44 : i32
        %parallel_loop3A_803 = arith.index_cast %parallel_loop3A_802 : i32 to index
        %parallel_loop3A_804 = arith.index_cast %parallel_loop3A_801 : i32 to index
        %parallel_loop3A_805 = tpu.vector_load %arg12[%parallel_loop3A_803, %parallel_loop3A_804] {strides = array<i32>} : memref<64x512xf32, #tpu.memory_space<vmem>>, vector<16xf32>,
        tpu.vector_store %arg12[%parallel_loop3A_803, %parallel_loop3A_804], %parallel_loop3A_799 {strides = array<i32>} : memref<64x512xf32, #tpu.memory_space<vmem>>, vector<16xf32>,
        %parallel_loop3A_806 = arith.constant 45 : i32
        %parallel_loop3A_807 = vector.broadcast %parallel_loop3A_806 : i32 to vector<16xi32>
        %parallel_loop3A_808 = arith.addi %parallel_loop3A_355, %parallel_loop3A_807 : vector<16xi32>
        %parallel_loop3A_809 = tpu.vector_load_idx %arg8[%parallel_loop3A_808] : memref<6500xf32, #tpu.memory_space<vmem>>[vector<16xi32>], vector<16xf32>,
        %parallel_loop3A_810 = arith.constant 16 : i32
        %parallel_loop3A_811 = arith.muli %parallel_loop3A_348, %parallel_loop3A_810 : i32
        %parallel_loop3A_812 = arith.constant 45 : i32
        %parallel_loop3A_813 = arith.index_cast %parallel_loop3A_812 : i32 to index
        %parallel_loop3A_814 = arith.index_cast %parallel_loop3A_811 : i32 to index
        %parallel_loop3A_815 = tpu.vector_load %arg12[%parallel_loop3A_813, %parallel_loop3A_814] {strides = array<i32>} : memref<64x512xf32, #tpu.memory_space<vmem>>, vector<16xf32>,
        tpu.vector_store %arg12[%parallel_loop3A_813, %parallel_loop3A_814], %parallel_loop3A_809 {strides = array<i32>} : memref<64x512xf32, #tpu.memory_space<vmem>>, vector<16xf32>,
        %parallel_loop3A_816 = arith.constant 46 : i32
        %parallel_loop3A_817 = vector.broadcast %parallel_loop3A_816 : i32 to vector<16xi32>
        %parallel_loop3A_818 = arith.addi %parallel_loop3A_355, %parallel_loop3A_817 : vector<16xi32>
        %parallel_loop3A_819 = tpu.vector_load_idx %arg8[%parallel_loop3A_818] : memref<6500xf32, #tpu.memory_space<vmem>>[vector<16xi32>], vector<16xf32>,
        %parallel_loop3A_820 = arith.constant 16 : i32
        %parallel_loop3A_821 = arith.muli %parallel_loop3A_348, %parallel_loop3A_820 : i32
        %parallel_loop3A_822 = arith.constant 46 : i32
        %parallel_loop3A_823 = arith.index_cast %parallel_loop3A_822 : i32 to index
        %parallel_loop3A_824 = arith.index_cast %parallel_loop3A_821 : i32 to index
        %parallel_loop3A_825 = tpu.vector_load %arg12[%parallel_loop3A_823, %parallel_loop3A_824] {strides = array<i32>} : memref<64x512xf32, #tpu.memory_space<vmem>>, vector<16xf32>,
        tpu.vector_store %arg12[%parallel_loop3A_823, %parallel_loop3A_824], %parallel_loop3A_819 {strides = array<i32>} : memref<64x512xf32, #tpu.memory_space<vmem>>, vector<16xf32>,
        %parallel_loop3A_826 = arith.constant 47 : i32
        %parallel_loop3A_827 = vector.broadcast %parallel_loop3A_826 : i32 to vector<16xi32>
        %parallel_loop3A_828 = arith.addi %parallel_loop3A_355, %parallel_loop3A_827 : vector<16xi32>
        %parallel_loop3A_829 = tpu.vector_load_idx %arg8[%parallel_loop3A_828] : memref<6500xf32, #tpu.memory_space<vmem>>[vector<16xi32>], vector<16xf32>,
        %parallel_loop3A_830 = arith.constant 16 : i32
        %parallel_loop3A_831 = arith.muli %parallel_loop3A_348, %parallel_loop3A_830 : i32
        %parallel_loop3A_832 = arith.constant 47 : i32
        %parallel_loop3A_833 = arith.index_cast %parallel_loop3A_832 : i32 to index
        %parallel_loop3A_834 = arith.index_cast %parallel_loop3A_831 : i32 to index
        %parallel_loop3A_835 = tpu.vector_load %arg12[%parallel_loop3A_833, %parallel_loop3A_834] {strides = array<i32>} : memref<64x512xf32, #tpu.memory_space<vmem>>, vector<16xf32>,
        tpu.vector_store %arg12[%parallel_loop3A_833, %parallel_loop3A_834], %parallel_loop3A_829 {strides = array<i32>} : memref<64x512xf32, #tpu.memory_space<vmem>>, vector<16xf32>,
        %parallel_loop3A_836 = arith.constant 48 : i32
        %parallel_loop3A_837 = vector.broadcast %parallel_loop3A_836 : i32 to vector<16xi32>
        %parallel_loop3A_838 = arith.addi %parallel_loop3A_355, %parallel_loop3A_837 : vector<16xi32>
        %parallel_loop3A_839 = tpu.vector_load_idx %arg8[%parallel_loop3A_838] : memref<6500xf32, #tpu.memory_space<vmem>>[vector<16xi32>], vector<16xf32>,
        %parallel_loop3A_840 = arith.constant 16 : i32
        %parallel_loop3A_841 = arith.muli %parallel_loop3A_348, %parallel_loop3A_840 : i32
        %parallel_loop3A_842 = arith.constant 48 : i32
        %parallel_loop3A_843 = arith.index_cast %parallel_loop3A_842 : i32 to index
        %parallel_loop3A_844 = arith.index_cast %parallel_loop3A_841 : i32 to index
        %parallel_loop3A_845 = tpu.vector_load %arg12[%parallel_loop3A_843, %parallel_loop3A_844] {strides = array<i32>} : memref<64x512xf32, #tpu.memory_space<vmem>>, vector<16xf32>,
        tpu.vector_store %arg12[%parallel_loop3A_843, %parallel_loop3A_844], %parallel_loop3A_839 {strides = array<i32>} : memref<64x512xf32, #tpu.memory_space<vmem>>, vector<16xf32>,
        %parallel_loop3A_846 = arith.constant 49 : i32
        %parallel_loop3A_847 = vector.broadcast %parallel_loop3A_846 : i32 to vector<16xi32>
        %parallel_loop3A_848 = arith.addi %parallel_loop3A_355, %parallel_loop3A_847 : vector<16xi32>
        %parallel_loop3A_849 = tpu.vector_load_idx %arg8[%parallel_loop3A_848] : memref<6500xf32, #tpu.memory_space<vmem>>[vector<16xi32>], vector<16xf32>,
        %parallel_loop3A_850 = arith.constant 16 : i32
        %parallel_loop3A_851 = arith.muli %parallel_loop3A_348, %parallel_loop3A_850 : i32
        %parallel_loop3A_852 = arith.constant 49 : i32
        %parallel_loop3A_853 = arith.index_cast %parallel_loop3A_852 : i32 to index
        %parallel_loop3A_854 = arith.index_cast %parallel_loop3A_851 : i32 to index
        %parallel_loop3A_855 = tpu.vector_load %arg12[%parallel_loop3A_853, %parallel_loop3A_854] {strides = array<i32>} : memref<64x512xf32, #tpu.memory_space<vmem>>, vector<16xf32>,
        tpu.vector_store %arg12[%parallel_loop3A_853, %parallel_loop3A_854], %parallel_loop3A_849 {strides = array<i32>} : memref<64x512xf32, #tpu.memory_space<vmem>>, vector<16xf32>,
        %parallel_loop3A_856 = arith.constant 50 : i32
        %parallel_loop3A_857 = vector.broadcast %parallel_loop3A_856 : i32 to vector<16xi32>
        %parallel_loop3A_858 = arith.addi %parallel_loop3A_355, %parallel_loop3A_857 : vector<16xi32>
        %parallel_loop3A_859 = tpu.vector_load_idx %arg8[%parallel_loop3A_858] : memref<6500xf32, #tpu.memory_space<vmem>>[vector<16xi32>], vector<16xf32>,
        %parallel_loop3A_860 = arith.constant 16 : i32
        %parallel_loop3A_861 = arith.muli %parallel_loop3A_348, %parallel_loop3A_860 : i32
        %parallel_loop3A_862 = arith.constant 50 : i32
        %parallel_loop3A_863 = arith.index_cast %parallel_loop3A_862 : i32 to index
        %parallel_loop3A_864 = arith.index_cast %parallel_loop3A_861 : i32 to index
        %parallel_loop3A_865 = tpu.vector_load %arg12[%parallel_loop3A_863, %parallel_loop3A_864] {strides = array<i32>} : memref<64x512xf32, #tpu.memory_space<vmem>>, vector<16xf32>,
        tpu.vector_store %arg12[%parallel_loop3A_863, %parallel_loop3A_864], %parallel_loop3A_859 {strides = array<i32>} : memref<64x512xf32, #tpu.memory_space<vmem>>, vector<16xf32>,
        %parallel_loop3A_866 = arith.constant 51 : i32
        %parallel_loop3A_867 = vector.broadcast %parallel_loop3A_866 : i32 to vector<16xi32>
        %parallel_loop3A_868 = arith.addi %parallel_loop3A_355, %parallel_loop3A_867 : vector<16xi32>
        %parallel_loop3A_869 = tpu.vector_load_idx %arg8[%parallel_loop3A_868] : memref<6500xf32, #tpu.memory_space<vmem>>[vector<16xi32>], vector<16xf32>,
        %parallel_loop3A_870 = arith.constant 16 : i32
        %parallel_loop3A_871 = arith.muli %parallel_loop3A_348, %parallel_loop3A_870 : i32
        %parallel_loop3A_872 = arith.constant 51 : i32
        %parallel_loop3A_873 = arith.index_cast %parallel_loop3A_872 : i32 to index
        %parallel_loop3A_874 = arith.index_cast %parallel_loop3A_871 : i32 to index
        %parallel_loop3A_875 = tpu.vector_load %arg12[%parallel_loop3A_873, %parallel_loop3A_874] {strides = array<i32>} : memref<64x512xf32, #tpu.memory_space<vmem>>, vector<16xf32>,
        tpu.vector_store %arg12[%parallel_loop3A_873, %parallel_loop3A_874], %parallel_loop3A_869 {strides = array<i32>} : memref<64x512xf32, #tpu.memory_space<vmem>>, vector<16xf32>,
        %parallel_loop3A_876 = arith.constant 52 : i32
        %parallel_loop3A_877 = vector.broadcast %parallel_loop3A_876 : i32 to vector<16xi32>
        %parallel_loop3A_878 = arith.addi %parallel_loop3A_355, %parallel_loop3A_877 : vector<16xi32>
        %parallel_loop3A_879 = tpu.vector_load_idx %arg8[%parallel_loop3A_878] : memref<6500xf32, #tpu.memory_space<vmem>>[vector<16xi32>], vector<16xf32>,
        %parallel_loop3A_880 = arith.constant 16 : i32
        %parallel_loop3A_881 = arith.muli %parallel_loop3A_348, %parallel_loop3A_880 : i32
        %parallel_loop3A_882 = arith.constant 52 : i32
        %parallel_loop3A_883 = arith.index_cast %parallel_loop3A_882 : i32 to index
        %parallel_loop3A_884 = arith.index_cast %parallel_loop3A_881 : i32 to index
        %parallel_loop3A_885 = tpu.vector_load %arg12[%parallel_loop3A_883, %parallel_loop3A_884] {strides = array<i32>} : memref<64x512xf32, #tpu.memory_space<vmem>>, vector<16xf32>,
        tpu.vector_store %arg12[%parallel_loop3A_883, %parallel_loop3A_884], %parallel_loop3A_879 {strides = array<i32>} : memref<64x512xf32, #tpu.memory_space<vmem>>, vector<16xf32>,
        %parallel_loop3A_886 = arith.constant 53 : i32
        %parallel_loop3A_887 = vector.broadcast %parallel_loop3A_886 : i32 to vector<16xi32>
        %parallel_loop3A_888 = arith.addi %parallel_loop3A_355, %parallel_loop3A_887 : vector<16xi32>
        %parallel_loop3A_889 = tpu.vector_load_idx %arg8[%parallel_loop3A_888] : memref<6500xf32, #tpu.memory_space<vmem>>[vector<16xi32>], vector<16xf32>,
        %parallel_loop3A_890 = arith.constant 16 : i32
        %parallel_loop3A_891 = arith.muli %parallel_loop3A_348, %parallel_loop3A_890 : i32
        %parallel_loop3A_892 = arith.constant 53 : i32
        %parallel_loop3A_893 = arith.index_cast %parallel_loop3A_892 : i32 to index
        %parallel_loop3A_894 = arith.index_cast %parallel_loop3A_891 : i32 to index
        %parallel_loop3A_895 = tpu.vector_load %arg12[%parallel_loop3A_893, %parallel_loop3A_894] {strides = array<i32>} : memref<64x512xf32, #tpu.memory_space<vmem>>, vector<16xf32>,
        tpu.vector_store %arg12[%parallel_loop3A_893, %parallel_loop3A_894], %parallel_loop3A_889 {strides = array<i32>} : memref<64x512xf32, #tpu.memory_space<vmem>>, vector<16xf32>,
        %parallel_loop3A_896 = arith.constant 54 : i32
        %parallel_loop3A_897 = vector.broadcast %parallel_loop3A_896 : i32 to vector<16xi32>
        %parallel_loop3A_898 = arith.addi %parallel_loop3A_355, %parallel_loop3A_897 : vector<16xi32>
        %parallel_loop3A_899 = tpu.vector_load_idx %arg8[%parallel_loop3A_898] : memref<6500xf32, #tpu.memory_space<vmem>>[vector<16xi32>], vector<16xf32>,
        %parallel_loop3A_900 = arith.constant 16 : i32
        %parallel_loop3A_901 = arith.muli %parallel_loop3A_348, %parallel_loop3A_900 : i32
        %parallel_loop3A_902 = arith.constant 54 : i32
        %parallel_loop3A_903 = arith.index_cast %parallel_loop3A_902 : i32 to index
        %parallel_loop3A_904 = arith.index_cast %parallel_loop3A_901 : i32 to index
        %parallel_loop3A_905 = tpu.vector_load %arg12[%parallel_loop3A_903, %parallel_loop3A_904] {strides = array<i32>} : memref<64x512xf32, #tpu.memory_space<vmem>>, vector<16xf32>,
        tpu.vector_store %arg12[%parallel_loop3A_903, %parallel_loop3A_904], %parallel_loop3A_899 {strides = array<i32>} : memref<64x512xf32, #tpu.memory_space<vmem>>, vector<16xf32>,
        %parallel_loop3A_906 = arith.constant 55 : i32
        %parallel_loop3A_907 = vector.broadcast %parallel_loop3A_906 : i32 to vector<16xi32>
        %parallel_loop3A_908 = arith.addi %parallel_loop3A_355, %parallel_loop3A_907 : vector<16xi32>
        %parallel_loop3A_909 = tpu.vector_load_idx %arg8[%parallel_loop3A_908] : memref<6500xf32, #tpu.memory_space<vmem>>[vector<16xi32>], vector<16xf32>,
        %parallel_loop3A_910 = arith.constant 16 : i32
        %parallel_loop3A_911 = arith.muli %parallel_loop3A_348, %parallel_loop3A_910 : i32
        %parallel_loop3A_912 = arith.constant 55 : i32
        %parallel_loop3A_913 = arith.index_cast %parallel_loop3A_912 : i32 to index
        %parallel_loop3A_914 = arith.index_cast %parallel_loop3A_911 : i32 to index
        %parallel_loop3A_915 = tpu.vector_load %arg12[%parallel_loop3A_913, %parallel_loop3A_914] {strides = array<i32>} : memref<64x512xf32, #tpu.memory_space<vmem>>, vector<16xf32>,
        tpu.vector_store %arg12[%parallel_loop3A_913, %parallel_loop3A_914], %parallel_loop3A_909 {strides = array<i32>} : memref<64x512xf32, #tpu.memory_space<vmem>>, vector<16xf32>,
        %parallel_loop3A_916 = arith.constant 56 : i32
        %parallel_loop3A_917 = vector.broadcast %parallel_loop3A_916 : i32 to vector<16xi32>
        %parallel_loop3A_918 = arith.addi %parallel_loop3A_355, %parallel_loop3A_917 : vector<16xi32>
        %parallel_loop3A_919 = tpu.vector_load_idx %arg8[%parallel_loop3A_918] : memref<6500xf32, #tpu.memory_space<vmem>>[vector<16xi32>], vector<16xf32>,
        %parallel_loop3A_920 = arith.constant 16 : i32
        %parallel_loop3A_921 = arith.muli %parallel_loop3A_348, %parallel_loop3A_920 : i32
        %parallel_loop3A_922 = arith.constant 56 : i32
        %parallel_loop3A_923 = arith.index_cast %parallel_loop3A_922 : i32 to index
        %parallel_loop3A_924 = arith.index_cast %parallel_loop3A_921 : i32 to index
        %parallel_loop3A_925 = tpu.vector_load %arg12[%parallel_loop3A_923, %parallel_loop3A_924] {strides = array<i32>} : memref<64x512xf32, #tpu.memory_space<vmem>>, vector<16xf32>,
        tpu.vector_store %arg12[%parallel_loop3A_923, %parallel_loop3A_924], %parallel_loop3A_919 {strides = array<i32>} : memref<64x512xf32, #tpu.memory_space<vmem>>, vector<16xf32>,
        %parallel_loop3A_926 = arith.constant 57 : i32
        %parallel_loop3A_927 = vector.broadcast %parallel_loop3A_926 : i32 to vector<16xi32>
        %parallel_loop3A_928 = arith.addi %parallel_loop3A_355, %parallel_loop3A_927 : vector<16xi32>
        %parallel_loop3A_929 = tpu.vector_load_idx %arg8[%parallel_loop3A_928] : memref<6500xf32, #tpu.memory_space<vmem>>[vector<16xi32>], vector<16xf32>,
        %parallel_loop3A_930 = arith.constant 16 : i32
        %parallel_loop3A_931 = arith.muli %parallel_loop3A_348, %parallel_loop3A_930 : i32
        %parallel_loop3A_932 = arith.constant 57 : i32
        %parallel_loop3A_933 = arith.index_cast %parallel_loop3A_932 : i32 to index
        %parallel_loop3A_934 = arith.index_cast %parallel_loop3A_931 : i32 to index
        %parallel_loop3A_935 = tpu.vector_load %arg12[%parallel_loop3A_933, %parallel_loop3A_934] {strides = array<i32>} : memref<64x512xf32, #tpu.memory_space<vmem>>, vector<16xf32>,
        tpu.vector_store %arg12[%parallel_loop3A_933, %parallel_loop3A_934], %parallel_loop3A_929 {strides = array<i32>} : memref<64x512xf32, #tpu.memory_space<vmem>>, vector<16xf32>,
        %parallel_loop3A_936 = arith.constant 58 : i32
        %parallel_loop3A_937 = vector.broadcast %parallel_loop3A_936 : i32 to vector<16xi32>
        %parallel_loop3A_938 = arith.addi %parallel_loop3A_355, %parallel_loop3A_937 : vector<16xi32>
        %parallel_loop3A_939 = tpu.vector_load_idx %arg8[%parallel_loop3A_938] : memref<6500xf32, #tpu.memory_space<vmem>>[vector<16xi32>], vector<16xf32>,
        %parallel_loop3A_940 = arith.constant 16 : i32
        %parallel_loop3A_941 = arith.muli %parallel_loop3A_348, %parallel_loop3A_940 : i32
        %parallel_loop3A_942 = arith.constant 58 : i32
        %parallel_loop3A_943 = arith.index_cast %parallel_loop3A_942 : i32 to index
        %parallel_loop3A_944 = arith.index_cast %parallel_loop3A_941 : i32 to index
        %parallel_loop3A_945 = tpu.vector_load %arg12[%parallel_loop3A_943, %parallel_loop3A_944] {strides = array<i32>} : memref<64x512xf32, #tpu.memory_space<vmem>>, vector<16xf32>,
        tpu.vector_store %arg12[%parallel_loop3A_943, %parallel_loop3A_944], %parallel_loop3A_939 {strides = array<i32>} : memref<64x512xf32, #tpu.memory_space<vmem>>, vector<16xf32>,
        %parallel_loop3A_946 = arith.constant 59 : i32
        %parallel_loop3A_947 = vector.broadcast %parallel_loop3A_946 : i32 to vector<16xi32>
        %parallel_loop3A_948 = arith.addi %parallel_loop3A_355, %parallel_loop3A_947 : vector<16xi32>
        %parallel_loop3A_949 = tpu.vector_load_idx %arg8[%parallel_loop3A_948] : memref<6500xf32, #tpu.memory_space<vmem>>[vector<16xi32>], vector<16xf32>,
        %parallel_loop3A_950 = arith.constant 16 : i32
        %parallel_loop3A_951 = arith.muli %parallel_loop3A_348, %parallel_loop3A_950 : i32
        %parallel_loop3A_952 = arith.constant 59 : i32
        %parallel_loop3A_953 = arith.index_cast %parallel_loop3A_952 : i32 to index
        %parallel_loop3A_954 = arith.index_cast %parallel_loop3A_951 : i32 to index
        %parallel_loop3A_955 = tpu.vector_load %arg12[%parallel_loop3A_953, %parallel_loop3A_954] {strides = array<i32>} : memref<64x512xf32, #tpu.memory_space<vmem>>, vector<16xf32>,
        tpu.vector_store %arg12[%parallel_loop3A_953, %parallel_loop3A_954], %parallel_loop3A_949 {strides = array<i32>} : memref<64x512xf32, #tpu.memory_space<vmem>>, vector<16xf32>,
        %parallel_loop3A_956 = arith.constant 60 : i32
        %parallel_loop3A_957 = vector.broadcast %parallel_loop3A_956 : i32 to vector<16xi32>
        %parallel_loop3A_958 = arith.addi %parallel_loop3A_355, %parallel_loop3A_957 : vector<16xi32>
        %parallel_loop3A_959 = tpu.vector_load_idx %arg8[%parallel_loop3A_958] : memref<6500xf32, #tpu.memory_space<vmem>>[vector<16xi32>], vector<16xf32>,
        %parallel_loop3A_960 = arith.constant 16 : i32
        %parallel_loop3A_961 = arith.muli %parallel_loop3A_348, %parallel_loop3A_960 : i32
        %parallel_loop3A_962 = arith.constant 60 : i32
        %parallel_loop3A_963 = arith.index_cast %parallel_loop3A_962 : i32 to index
        %parallel_loop3A_964 = arith.index_cast %parallel_loop3A_961 : i32 to index
        %parallel_loop3A_965 = tpu.vector_load %arg12[%parallel_loop3A_963, %parallel_loop3A_964] {strides = array<i32>} : memref<64x512xf32, #tpu.memory_space<vmem>>, vector<16xf32>,
        tpu.vector_store %arg12[%parallel_loop3A_963, %parallel_loop3A_964], %parallel_loop3A_959 {strides = array<i32>} : memref<64x512xf32, #tpu.memory_space<vmem>>, vector<16xf32>,
        %parallel_loop3A_966 = arith.constant 61 : i32
        %parallel_loop3A_967 = vector.broadcast %parallel_loop3A_966 : i32 to vector<16xi32>
        %parallel_loop3A_968 = arith.addi %parallel_loop3A_355, %parallel_loop3A_967 : vector<16xi32>
        %parallel_loop3A_969 = tpu.vector_load_idx %arg8[%parallel_loop3A_968] : memref<6500xf32, #tpu.memory_space<vmem>>[vector<16xi32>], vector<16xf32>,
        %parallel_loop3A_970 = arith.constant 16 : i32
        %parallel_loop3A_971 = arith.muli %parallel_loop3A_348, %parallel_loop3A_970 : i32
        %parallel_loop3A_972 = arith.constant 61 : i32
        %parallel_loop3A_973 = arith.index_cast %parallel_loop3A_972 : i32 to index
        %parallel_loop3A_974 = arith.index_cast %parallel_loop3A_971 : i32 to index
        %parallel_loop3A_975 = tpu.vector_load %arg12[%parallel_loop3A_973, %parallel_loop3A_974] {strides = array<i32>} : memref<64x512xf32, #tpu.memory_space<vmem>>, vector<16xf32>,
        tpu.vector_store %arg12[%parallel_loop3A_973, %parallel_loop3A_974], %parallel_loop3A_969 {strides = array<i32>} : memref<64x512xf32, #tpu.memory_space<vmem>>, vector<16xf32>,
        %parallel_loop3A_976 = arith.constant 62 : i32
        %parallel_loop3A_977 = vector.broadcast %parallel_loop3A_976 : i32 to vector<16xi32>
        %parallel_loop3A_978 = arith.addi %parallel_loop3A_355, %parallel_loop3A_977 : vector<16xi32>
        %parallel_loop3A_979 = tpu.vector_load_idx %arg8[%parallel_loop3A_978] : memref<6500xf32, #tpu.memory_space<vmem>>[vector<16xi32>], vector<16xf32>,
        %parallel_loop3A_980 = arith.constant 16 : i32
        %parallel_loop3A_981 = arith.muli %parallel_loop3A_348, %parallel_loop3A_980 : i32
        %parallel_loop3A_982 = arith.constant 62 : i32
        %parallel_loop3A_983 = arith.index_cast %parallel_loop3A_982 : i32 to index
        %parallel_loop3A_984 = arith.index_cast %parallel_loop3A_981 : i32 to index
        %parallel_loop3A_985 = tpu.vector_load %arg12[%parallel_loop3A_983, %parallel_loop3A_984] {strides = array<i32>} : memref<64x512xf32, #tpu.memory_space<vmem>>, vector<16xf32>,
        tpu.vector_store %arg12[%parallel_loop3A_983, %parallel_loop3A_984], %parallel_loop3A_979 {strides = array<i32>} : memref<64x512xf32, #tpu.memory_space<vmem>>, vector<16xf32>,
        %parallel_loop3A_986 = arith.constant 63 : i32
        %parallel_loop3A_987 = vector.broadcast %parallel_loop3A_986 : i32 to vector<16xi32>
        %parallel_loop3A_988 = arith.addi %parallel_loop3A_355, %parallel_loop3A_987 : vector<16xi32>
        %parallel_loop3A_989 = tpu.vector_load_idx %arg8[%parallel_loop3A_988] : memref<6500xf32, #tpu.memory_space<vmem>>[vector<16xi32>], vector<16xf32>,
        %parallel_loop3A_990 = arith.constant 16 : i32
        %parallel_loop3A_991 = arith.muli %parallel_loop3A_348, %parallel_loop3A_990 : i32
        %parallel_loop3A_992 = arith.constant 63 : i32
        %parallel_loop3A_993 = arith.index_cast %parallel_loop3A_992 : i32 to index
        %parallel_loop3A_994 = arith.index_cast %parallel_loop3A_991 : i32 to index
        %parallel_loop3A_995 = tpu.vector_load %arg12[%parallel_loop3A_993, %parallel_loop3A_994] {strides = array<i32>} : memref<64x512xf32, #tpu.memory_space<vmem>>, vector<16xf32>,
        tpu.vector_store %arg12[%parallel_loop3A_993, %parallel_loop3A_994], %parallel_loop3A_989 {strides = array<i32>} : memref<64x512xf32, #tpu.memory_space<vmem>>, vector<16xf32>,
      } {sc.loop_unroll_factor = 2 : i64, sc.parallel_access}
      %dma_start3A_342 = arith.constant 0 : i32
      %dma_start3A_343 = tpu.memref_slice %arg5[%select_n3A_248, %dma_start3A_342, %mul3A_253] : memref<100x64x16384xf32, #tpu.memory_space<hbm>> -> memref<1x64x512xf32, #tpu.memory_space<hbm>>
      %dma_start3A_344 = tpu.memref_squeeze %dma_start3A_343 : memref<1x64x512xf32, #tpu.memory_space<hbm>> -> memref<64x512xf32, #tpu.memory_space<hbm>>
      %dma_start3A_345 = arith.constant 0 : i32
      %dma_start3A_346 = tpu.memref_slice %arg5[%select_n3A_248, %dma_start3A_345, %mul3A_253] : memref<100x64x16384xf32, #tpu.memory_space<hbm>> -> memref<1x64x512xf32, #tpu.memory_space<hbm>>
      %dma_start3A_347 = tpu.memref_squeeze %dma_start3A_346 : memref<1x64x512xf32, #tpu.memory_space<hbm>> -> memref<64x512xf32, #tpu.memory_space<hbm>>
      tpu.enqueue_dma source(%arg12 : memref<64x512xf32, #tpu.memory_space<vmem>>) target(%dma_start3A_347 : memref<64x512xf32, #tpu.memory_space<hbm>>) target_semaphore(%arg14 : memref<!tpu.dma_semaphore, #tpu.memory_space<semaphore_mem>>)
    }
    %scan3A_33 = arith.constant 50 : i32
    %mul3A_34 = arith.constant 100 : i32
    %mul3A_35 = arith.muli %add3A, %mul3A_34 : i32
    %add3A_36 = arith.constant 0 : i32
    %add3A_37 = arith.addi %mul3A_35, %add3A_36 : i32
    %jit3A_38 = arith.constant 32 : i32
    %div3A_39 = arith.divsi %add3A_37, %jit3A_38 : i32
    %sign3A_40 = arith.constant 0 : i32
    %sign3A_41 = arith.cmpi sgt, %add3A_37, %sign3A_40 : i32
    %sign3A_42 = arith.extui %sign3A_41 : i1 to i32
    %sign3A_43 = arith.constant 0 : i32
    %sign3A_44 = arith.cmpi slt, %add3A_37, %sign3A_43 : i32
    %sign3A_45 = arith.extui %sign3A_44 : i1 to i32
    %sign3A_46 = arith.subi %sign3A_42, %sign3A_45 : i32
    %sign3A_47 = arith.constant 0 : i32
    %sign3A_48 = arith.cmpi sgt, %jit3A_38, %sign3A_47 : i32
    %sign3A_49 = arith.extui %sign3A_48 : i1 to i32
    %sign3A_50 = arith.constant 0 : i32
    %sign3A_51 = arith.cmpi slt, %jit3A_38, %sign3A_50 : i32
    %sign3A_52 = arith.extui %sign3A_51 : i1 to i32
    %sign3A_53 = arith.subi %sign3A_49, %sign3A_52 : i32
    %ne3A_54 = arith.cmpi ne, %sign3A_46, %sign3A_53 : i32
    %rem3A_55 = arith.remsi %add3A_37, %jit3A_38 : i32
    %ne3A_56 = arith.constant 0 : i32
    %ne3A_57 = arith.cmpi ne, %rem3A_55, %ne3A_56 : i32
    %and3A_58 = arith.andi %ne3A_54, %ne3A_57 : i1
    %sub3A_59 = arith.constant 1 : i32
    %sub3A_60 = arith.subi %div3A_39, %sub3A_59 : i32
    %select_n3A_61 = arith.select %and3A_58, %sub3A_60, %div3A_39 : i32
    %mul3A_62 = arith.constant 32 : i32
    %mul3A_63 = arith.muli %select_n3A_61, %mul3A_62 : i32
    %sub3A_64 = arith.subi %add3A_37, %mul3A_63 : i32
    %mul3A_65 = arith.constant 512 : i32
    %mul3A_66 = arith.muli %sub3A_64, %mul3A_65 : i32
    %dma_wait3A = tpu.memref_slice %arg2[%select_n3A_61, %mul3A_66] : memref<100x16384xi32, #tpu.memory_space<hbm>> -> memref<1x512xi32, #tpu.memory_space<hbm>>
    %dma_wait3A_67 = tpu.memref_squeeze %dma_wait3A : memref<1x512xi32, #tpu.memory_space<hbm>> -> memref<512xi32, #tpu.memory_space<hbm>>
    %dma_wait3A_68 = tpu.memref_slice %arg2[%select_n3A_61, %mul3A_66] : memref<100x16384xi32, #tpu.memory_space<hbm>> -> memref<1x512xi32, #tpu.memory_space<hbm>>
    %dma_wait3A_69 = tpu.memref_squeeze %dma_wait3A_68 : memref<1x512xi32, #tpu.memory_space<hbm>> -> memref<512xi32, #tpu.memory_space<hbm>>
    tpu.wait_dma2 semaphore(%arg15 : memref<!tpu.dma_semaphore, #tpu.memory_space<semaphore_mem>>) src(%dma_wait3A_69 : memref<512xi32, #tpu.memory_space<hbm>>) dst(%arg9 : memref<512xi32, #tpu.memory_space<vmem>>)
    %dma_wait3A_70 = arith.constant 0 : i32
    %dma_wait3A_71 = arith.constant 0 : i32
    %dma_wait3A_72 = arith.constant 0 : i32
    %dma_wait3A_73 = tpu.memref_slice %arg5[%dma_wait3A_70, %dma_wait3A_71, %dma_wait3A_72] : memref<100x64x16384xf32, #tpu.memory_space<hbm>> -> memref<1x64x512xf32, #tpu.memory_space<hbm>>
    %dma_wait3A_74 = tpu.memref_squeeze %dma_wait3A_73 : memref<1x64x512xf32, #tpu.memory_space<hbm>> -> memref<64x512xf32, #tpu.memory_space<hbm>>
    %dma_wait3A_75 = arith.constant 0 : i32
    %dma_wait3A_76 = arith.constant 0 : i32
    %dma_wait3A_77 = tpu.memref_slice %arg5[%dma_wait3A_70, %dma_wait3A_75, %dma_wait3A_76] : memref<100x64x16384xf32, #tpu.memory_space<hbm>> -> memref<1x64x512xf32, #tpu.memory_space<hbm>>
    %dma_wait3A_78 = tpu.memref_squeeze %dma_wait3A_77 : memref<1x64x512xf32, #tpu.memory_space<hbm>> -> memref<64x512xf32, #tpu.memory_space<hbm>>
    tpu.wait_dma2 semaphore(%arg13 : memref<!tpu.dma_semaphore, #tpu.memory_space<semaphore_mem>>) src(%arg11 : memref<64x512xf32, #tpu.memory_space<vmem>>) dst(%dma_wait3A_78 : memref<64x512xf32, #tpu.memory_space<hbm>>)
    %dma_wait3A_79 = arith.constant 0 : i32
    %dma_wait3A_80 = arith.constant 0 : i32
    %dma_wait3A_81 = arith.constant 0 : i32
    %dma_wait3A_82 = tpu.memref_slice %arg5[%dma_wait3A_79, %dma_wait3A_80, %dma_wait3A_81] : memref<100x64x16384xf32, #tpu.memory_space<hbm>> -> memref<1x64x512xf32, #tpu.memory_space<hbm>>
    %dma_wait3A_83 = tpu.memref_squeeze %dma_wait3A_82 : memref<1x64x512xf32, #tpu.memory_space<hbm>> -> memref<64x512xf32, #tpu.memory_space<hbm>>
    %dma_wait3A_84 = arith.constant 0 : i32
    %dma_wait3A_85 = arith.constant 0 : i32
    %dma_wait3A_86 = tpu.memref_slice %arg5[%dma_wait3A_79, %dma_wait3A_84, %dma_wait3A_85] : memref<100x64x16384xf32, #tpu.memory_space<hbm>> -> memref<1x64x512xf32, #tpu.memory_space<hbm>>
    %dma_wait3A_87 = tpu.memref_squeeze %dma_wait3A_86 : memref<1x64x512xf32, #tpu.memory_space<hbm>> -> memref<64x512xf32, #tpu.memory_space<hbm>>
    tpu.wait_dma2 semaphore(%arg14 : memref<!tpu.dma_semaphore, #tpu.memory_space<semaphore_mem>>) src(%arg12 : memref<64x512xf32, #tpu.memory_space<vmem>>) dst(%dma_wait3A_87 : memref<64x512xf32, #tpu.memory_space<hbm>>)
    return
  }
}

</mosaic_0001>

<sc_bundles>
// kernel: kernel.3.cloned.1.call-start
scs
__scs_entry_jumppad:
0x0: {  	(pc) =	sbr.rel $0x88, $3  }
0x1: {  	(tag) =	ssettag $0x0;
	lr =	simm.s32 $0x1  }
0x2: {  	[smem:$0x3F9E] =	sst lr;
	_ =	strace $0xD0000000  }
0x3: {  	_ = 	snop  }
0x4: {  	_ = 	snop  }
0x5: {  	_ = 	snop  }
0x6: {  	_ = 	snop  }
0x7: {  	_ = 	snop  }
__scs_overlays_trampoline_lowered:
0x8: {  	[smem:$0x3FAD] =	sst s0  }
0x9: {  	[smem:$0x3FAE] =	sst s1  }
0xa: {  	[smem:$0x3FAF] =	sst s2  }
0xb: {  	[smem:$0x3FB0] =	sst s3  }
0xc: {  	[smem:$0x3FB1] =	sst s4  }
0xd: {  	[smem:$0x3FB2] =	sst s5  }
0xe: {  	[smem:$0x3FB3] =	sst s6  }
0xf: {  	[smem:$0x3FB4] =	sst s7  }
0x10: {  	[smem:$0x3FB5] =	sst s8  }
0x11: {  	[smem:$0x3FB6] =	sst s9;
	s0 =	simm.s32 @!p0 $0x0  }
0x12: {  	s1 =	sld [smem:$0x3F9C];
	s0 =	simm.s32 @p0 $0x1  }
0x13: {  	[smem:$0x3FB7] =	sst s0;
	s0 =	simm.s32 @!p1 $0x0  }
0x14: {  	s2 =	sld [smem:$0x3F9B];
	s0 =	simm.s32 @p1 $0x1  }
0x15: {  	[smem:$0x3FB8] =	sst s0;
	s0 =	simm.s32 @!p2 $0x0  }
0x16: {  	s3 =	sld [smem:$0x3FDB];
	s0 =	simm.s32 @p2 $0x1  }
0x17: {  	s4 =	simm.s32 $0x1BF5;
	[smem:$0x3FBA] =	sst s0  }
0x18: {  	s0 =	sld [smem:$0x3F9D];
	_ =	swait.ge [sflag:s4], $0x0  }
0x19: {  	s7 =	sld [smem:$0x3F9E]  }
0x1a: {  	s8 =	sadd.s32 $0xFFFFE003, lr  }
0x1b: {  	s9 =	sadd.s32 $0xFFFFFEF7, lr;
	s5 =	simm.s32 $0xFFFFFFFF;
	p2 =	slt.u32 s8, $0xFFFFF086  }
0x1c: {  	p1 =	slt.u32 s9, $0xF7A;
	s5 =	simm.s32 @!p2 $0x0  }
0x1d: {  	s5 =	simm.s32 @p1 $0x1;
	p0 =	seq.s32 s7, s2  }
0x1e: {  	s7 =	smul.u32 @!p0 $0xF7A, s2;
	p2 =	seq.s32 @!p0 s5, $0x0  }
0x1f: {  	s9 =	smul.u32 $0xF7A, s1;
	s8 =	simm.s32 @!p0 $0x1BF5;
	p2 =	por !p2, p0  }
0x20: {  	[sflag:s8] =	ssyncset.s32 @!p0 $0xFFFFF086;
	s6 =	sadd.s32 @!p0 s3, s7;
	s7 =	simm.s32 @!p0 $0x108  }
0x21: {  	s3 =	sadd.s32 s3, s9;
	s6 =	sadd.s32 @!p0 $0x88, s6;
	s7 =	simm.s32 @p2 $0x1082  }
0x22: {  	[simem:s7], [sflag:s8] =	dma.local @!p0 [hbm:s6], $0xF7A  }
0x23: {  	s9 =	sor.u32 $0xD0000000, s2;
	s6 =	simm.s32 $0x108;
	_ =	swait.ge @!p0 [sflag:s8], $0x0  }
0x24: {  	s3 =	sadd.s32 $0x88, s3;
	s6 =	simm.s32 @!p1 $0x1082;
	[sflag:s4] =	ssyncset.s32 $0xFFFFF086  }
0x25: {  	[simem:s6], [sflag:s4] =	dma.local [hbm:s3], $0xF7A  }
0x26: {  	[smem:$0x3F9E] =	sst s1;
	(tag) =	ssettag s2;
	_ =	strace s9  }
0x27: {  	s1 =	sld [smem:$0x3FAE]  }
0x28: {  	s2 =	sld [smem:$0x3FAF]  }
0x29: {  	s4 =	sld [smem:$0x3FB1]  }
0x2a: {  	p0 =	seq.s32 s5, $0x0;
	s5 =	sld [smem:$0x3FB2]  }
0x2b: {  	s6 =	sld [smem:$0x3FB3]  }
0x2c: {  	s7 =	sld [smem:$0x3FB4]  }
0x2d: {  	s3 =	simm.s32 $0x108;
	s8 =	sld [smem:$0x3FB5]  }
0x2e: {  	s3 =	simm.s32 @!p0 $0x1082;
	s9 =	sld [smem:$0x3FB6]  }
0x2f: {  	lr =	sadd.s32 s0, s3;
	s0 =	sld [smem:$0x3FAD]  }
0x30: {  	s3 =	sld [smem:$0x3FB0]  }
0x31: {  	[smem:$0x3FB9] =	sst s10  }
0x32: {  	s10 =	sld [smem:$0x3FB7];
	_ =	sdelay $0x3  }
0x33: {  	p0 =	seq.s32 s10, $0x1;
	s10 =	sld [smem:$0x3FB9];
	_ =	sdelay $0x3  }
0x34: {  	[smem:$0x3FB9] =	sst s10  }
0x35: {  	s10 =	sld [smem:$0x3FB8];
	_ =	sdelay $0x3  }
0x36: {  	p1 =	seq.s32 s10, $0x1;
	s10 =	sld [smem:$0x3FB9];
	_ =	sdelay $0x3  }
0x37: {  	[smem:$0x3FB9] =	sst s10  }
0x38: {  	s10 =	sld [smem:$0x3FBA]  }
0x39: {  	_ = 	snop;
	(pc) =	sbr.ind lr, $3  }
0x3a: {  	_ = 	snop  }
0x3b: {  	_ = 	snop  }
0x3c: {  	p2 =	seq.s32 s10, $0x1;
	s10 =	sld [smem:$0x3FB9]  }
0x3d: {  	_ =	shalt  }
0x3e: {  	_ =	shalt  }
0x3f: {  	_ =	shalt  }
0x40: {  	_ =	shalt  }
0x41: {  	_ =	shalt  }
0x42: {  	_ =	shalt  }
0x43: {  	_ =	shalt  }
0x44: {  	_ =	shalt  }
0x45: {  	_ =	shalt  }
0x46: {  	_ =	shalt  }
0x47: {  	_ =	shalt  }
0x48: {  	_ =	shalt  }
0x49: {  	_ =	shalt  }
0x4a: {  	_ =	shalt  }
0x4b: {  	_ =	shalt  }
0x4c: {  	_ =	shalt  }
0x4d: {  	_ =	shalt  }
0x4e: {  	_ =	shalt  }
0x4f: {  	_ =	shalt  }
0x50: {  	_ =	shalt  }
0x51: {  	_ =	shalt  }
0x52: {  	_ =	shalt  }
0x53: {  	_ =	shalt  }
0x54: {  	_ =	shalt  }
0x55: {  	_ =	shalt  }
0x56: {  	_ =	shalt  }
0x57: {  	_ =	shalt  }
0x58: {  	_ =	shalt  }
0x59: {  	_ =	shalt  }
0x5a: {  	_ =	shalt  }
0x5b: {  	_ =	shalt  }
0x5c: {  	_ =	shalt  }
0x5d: {  	_ =	shalt  }
0x5e: {  	_ =	shalt  }
0x5f: {  	_ =	shalt  }
0x60: {  	_ =	shalt  }
0x61: {  	_ =	shalt  }
0x62: {  	_ =	shalt  }
0x63: {  	_ =	shalt  }
0x64: {  	_ =	shalt  }
0x65: {  	_ =	shalt  }
0x66: {  	_ =	shalt  }
0x67: {  	_ =	shalt  }
0x68: {  	_ =	shalt  }
0x69: {  	_ =	shalt  }
0x6a: {  	_ =	shalt  }
0x6b: {  	_ =	shalt  }
0x6c: {  	_ =	shalt  }
0x6d: {  	_ =	shalt  }
0x6e: {  	_ =	shalt  }
0x6f: {  	_ =	shalt  }
0x70: {  	_ =	shalt  }
0x71: {  	_ =	shalt  }
0x72: {  	_ =	shalt  }
0x73: {  	_ =	shalt  }
0x74: {  	_ =	shalt  }
0x75: {  	_ =	shalt  }
0x76: {  	_ =	shalt  }
0x77: {  	_ =	shalt  }
0x78: {  	_ =	shalt  }
0x79: {  	_ =	shalt  }
0x7a: {  	_ =	shalt  }
0x7b: {  	_ =	shalt  }
0x7c: {  	_ =	shalt  }
0x7d: {  	_ =	shalt  }
0x7e: {  	_ =	shalt  }
0x7f: {  	_ =	shalt  }
0x80: {  	_ =	shalt  }
0x81: {  	_ =	shalt  }
0x82: {  	_ =	shalt  }
0x83: {  	_ =	shalt  }
0x84: {  	_ =	shalt  }
0x85: {  	_ =	shalt  }
0x86: {  	_ =	shalt  }
0x87: {  	_ =	shalt  }
.Lfunc_end0:
.L_simem_size_0:
called_computation_lowered:
.L_overlay_start_0:
0x88: {  	s2 =	sld [smem:$0x3FD9]  }
0x89: {  	s3 =	sld [smem:$0x3FFE];
	_ =	sdelay $0x1  }
0x8a: {  	s1 =	srdreg.scid  }
0x8b: {  	s0 =	sand.u32 $0x1, s1  }
0x8c: {  	s17 =	sshll.u32 s0, $0xA;
	s2 =	sadd.s32 s3, s2  }
0x8d: {  	s2 =	sadd.s32 s2, s17  }
0x8e: {  	[smem:$0x3FC5] =	sst s2  }
0x8f: {  	_ = 	snop  }
0x90: {  	s2 =	sld [smem:$0x3FC9]  }
0x91: {  	s18 =	sld [smem:$0x3FD0];
	(tm) =	ssettm $0x1  }
0x92: {  	s4 =	sld [smem:$0x3FFB];
	_ =	sdelay $0x3  }
0x93: {  	_ =	strace s4  }
0x94: {  	s4 =	sld [smem:$0x3FFC];
	_ =	sdelay $0x3  }
0x95: {  	_ =	strace s4  }
0x96: {  	s4 =	sld [smem:$0x3FFD];
	_ =	sdelay $0x3  }
0x97: {  	_ =	strace s4  }
0x98: {  	_ =	strace $0x8FFFFFFF  }
0x99: {  	s19 =	sld [smem:$0x3FDB];
	_ =	sdelay $0x1  }
0x9a: {  	s5 =	simm.s32 $_scs_section_size  }
0x9b: {  	s6 =	simm.s32 $_size__tile_overlayer_lowered;
	s7 =	simm.s32 $_tile_overlayer_lowered  }
0x9c: {  	s22 =	simm.s32 $0x1BFF;
	s21 =	sshll.u32 s7, $0x1;
	s4 =	sadd.s32 s5, s19  }
0x9d: {  	s8 =	simm.s32 $0x0;
	s20 =	sshll.u32 s6, $0x1;
	s6 =	sadd.s32 s21, s4  }
0x9e: {  	[timem:s8], [sflag:s22] =	dma.local [hbm:s6], s20  }
0x9f: {  	_ =	swait.ge [sflag:s22], s20  }
0xa0: {  	s5 =	ssub.s32 $0x0, s20;
	[sflag:s22] =	ssyncset.done $0x0  }
0xa1: {  	[sflag:s22] =	ssyncadd.s32 s5;
	_ =	sdelay $0x1  }
0xa2: {  	s23 =	simm.s32 $0x1B8B  }
0xa3: {  	_ =	swait.ge [sflag:s23], $0x1  }
0xa4: {  	[sflag:s23] =	ssyncset.done $0x0  }
0xa5: {  	s25 =	simm.s32 $0x1B8E;
	s24 =	sld [smem:$0x3FFE];
	[sflag:s23] =	ssyncadd.s32 $0xFFFFFFFF  }
0xa6: {  	s26 =	simm.s32 $execute0_lowered;
	[smem:$0x3FD2] =	sst s25  }
0xa7: {  	s6 =	sshll.u32 s26, $0x1;
	_ =	strace $0x80000046;
	[dreg:$0x1] =	wrdreg $0xFFFFFFFF  }
0xa8: {  	s28 =	simm.s32 $_size_execute0_lowered;
	s4 =	sadd.s32 s4, s6;
	[dreg:$0x0] =	wrdreg $0x0  }
0xa9: {  	s6 =	sshll.u32 s28, $0x1;
	[dreg:$0x2] =	wrdreg s4  }
0xaa: {  	[dreg:$0x3] =	wrdreg s6  }
0xab: {  	[dreg:$0x4] =	wrdreg $0xC0  }
0xac: {  	_ =	task [dreg:s8], $0x5FFFF  }
0xad: {  	[dreg:$0x1] =	wrdreg $0xFFFFFFFF  }
0xae: {  	[dreg:$0x0] =	wrdreg $0x60  }
0xaf: {  	[dreg:$0x2] =	wrdreg s2  }
0xb0: {  	[dreg:$0x3] =	wrdreg s24  }
0xb1: {  	[dreg:$0x4] =	wrdreg s18  }
0xb2: {  	[dreg:$0x5] =	wrdreg $0x9  }
0xb3: {  	_ =	task.clear_ibuf [dreg:s8], $0x6FFFF;
	_ =	strace $0x90000046  }
0xb4: {  	s29 =	simm.s32 $0x9;
	_ =	strace $0x80000048  }
0xb5: {  	_ =	swait.ge [sflag:s29], $0x1  }
0xb6: {  	[sflag:s29] =	ssyncadd.s32 $0xFFFFFFFF  }
0xb7: {  	_ =	strace $0x90000048  }
0xb8: {  	_ =	sfence  }
0xb9: {  	s30 =	sld [smem:$0x0];
	_ =	sdelay $0x2  }
0xba: {  	s31 =	sshll.u32 s1, $0xD;
	s1 =	sshrl.u32 s1, $0x2  }
0xbb: {  	s3 =	sand.u32 $0x4000, s31;
	s1 =	sadd.s32 s1, s30  }
0xbc: {  	s0 =	sor.u32 s3, s0;
	s1 =	sshll.u32 s1, $0x11  }
0xbd: {  	s0 =	sor.u32 s1, s0  }
0xbe: {  	s0 =	sadd.s32 $0x8F2B, s0  }
0xbf: {  	[sflag:s0] =	ssyncadd.remote.s32 $0x1  }
0xc0: {  	_ =	sfence.sel $0xFFFF  }
0xc1: {  	[dreg:$0x0] =	wrdreg $0xFFFFFFFF;
	(pc) =	sbr.abs _section_cstart, $3  }
0xc2: {  	[dreg:$0x1] =	wrdreg $0xFFFFFFFF  }
0xc3: {  	_ =	task.clear_ibuf [dreg:s8], $0x2FFFF;
	_ =	strace $0x9FFFFFFF  }
0xc4: {  	(tm) =	ssettm $0x7FFFFFFF  }
0xc5: {  	_ =	shalt  }
tec
execute0_lowered:
.L_overlay_start_1:
0x0: {  	(tag) =	ssettag $0x1  }
0x1: {  	s0 =	srdreg.scid;
	s5 =	rddreg [dreg:$0x0]  }
0x2: {  	s1 =	stileid.u32;
	s2 =	rddreg [dreg:$0x1]  }
0x3: {  	s7 =	simm.s32 $0x0;
	s0 =	sand.u32 $0x1, s0;
	s1 =	sshll.u32 s1, $0x1  }
0x4: {  	[smem:$0x7FF] =	sst s7;
	s1 =	sor.u32 s0, s1  }
0x5: {  	s29 =	sadd.s32 $0x400, s2;
	s2 =	sadd.s32 $0x800, s2;
	s6 =	smul.u32 $0x64, s1  }
0x6: {  	_ =	strace $0x80000047;
	s0 =	ssub.s32 $0x2, s0;
	[dreg:$0x7] =	wrdreg s29  }
0x7: {  	[dreg:$0x8] =	wrdreg s2;
	s1 =	smul.u32 $0x64000, s1;
	s3 =	sshll.u32 s6, $0xC  }
0x8: {  	s30 =	sshrl.u32 s0, $0x1;
	s4 =	sshll.u32 s6, $0x9;
	s3 =	sand.u32 $0xFE0000, s3  }
0x9: {  	s28 =	sshll.u32 s6, $0x2;
	s4 =	sand.u32 $0x1E0000, s4;
	s1 =	ssub.s32 s1, s3  }
0xa: {  	s0 =	ssub.s32 s0, s30;
	s3 =	sand.u32 $0x380, s28;
	s1 =	sadd.s32 s4, s1  }
0xb: {  	[dreg:$0x6] =	wrdreg s6;
	s31 =	sor.u32 $0x2, s6;
	s1 =	sor.u32 s3, s1  }
0xc: {  	s0 =	smax.u32 s0, $0x1;
	[dreg:$0xa] =	wrdreg s31;
	s1 =	sshrl.u32 s1, $0x3  }
0xd: {  	[dreg:$0xb] =	wrdreg s0;
	s1 =	sadd.s32 s5, s1  }
0xe: {  	s18 =	simm.s32 $0x3200;
	s2 =	simm.s32 $0x0;
	[dreg:$0x9] =	wrdreg s1  }
.LBB2_1:
0xf: {  	[dreg:$0xc] =	wrdreg s2  }
0x10: {  	s0 =	simm.s32 $0x0;
	s1 =	rddreg [dreg:$0x7];
	s25 =	simm.s32 $0x5  }
0x11: {  	[tilespmem:s0], [sflag:$0x5] =	stream.linear.gather [hbm4b:s1+s0], $0x1900, $0x38;
	[tilespmem:$0x14F80] =	vst v63  }
0x12: {  	_ =	swait.ge [sflag:s25], $0x1900  }
0x13: {  	[sflag:s25] =	ssyncset.done $0x0  }
0x14: {  	s3 =	simm.s32 $0x1900;
	s26 =	rddreg [dreg:$0x8];
	[sflag:s25] =	ssyncadd.s32 $0xFFFFE700  }
0x15: {  	[tilespmem:s3], [sflag:$0x5] =	stream.linear.gather [hbm4b:s26+s0], $0x1900, $0x38;
	[tilespmem:$0x14F80] =	vst v63  }
0x16: {  	s29 =	simm.s32 $0x80;
	_ =	swait.ge [sflag:s25], $0x1900  }
0x17: {  	s30 =	simm.s32 $0x400;
	s31 =	simm.s32 $0x4B80;
	[sflag:s25] =	ssyncset.done $0x0  }
0x18: {  	s4 =	simm.s32 $0x0;
	s28 =	rddreg [dreg:$0x9];
	[sflag:s25] =	ssyncadd.s32 $0xFFFFE700  }
0x19: {  	[tilespmem:s31], [sflag:$0x3] =	stream.strided.gather [hbm4b:s28+s29], $0x200, s30, s29, $0x38;
	[tilespmem:$0x14F80] =	vst v63  }
.LBB2_2:
0x1a: {  	s10 =	sshll.u32 s4, $0x1;
	s0 =	rddreg [dreg:$0x6]  }
0x1b: {  	s5 =	sadd.s32 s0, s10  }
0x1c: {  	s0 =	sadd.s32 $0x1, s5  }
0x1d: {  	s1 =	sshrl.u32 s0, $0x5  }
0x1e: {  	s2 =	sshll.u32 s0, $0xC;
	[dreg:$0xe] =	wrdreg s1;
	s1 =	sshll.u32 s1, $0x11  }
0x1f: {  	s2 =	ssub.s32 s2, s1  }
0x20: {  	s26 =	simm.s32 $0x3;
	s3 =	sshll.u32 s0, $0x9;
	[dreg:$0xf] =	wrdreg s2  }
0x21: {  	s0 =	sshll.u32 s0, $0x2;
	s25 =	sand.u32 $0x7FFE0000, s3;
	_ =	swait.ge [sflag:s26], $0x200  }
0x22: {  	s0 =	sand.u32 $0x380, s0;
	s1 =	sadd.s32 s2, s25;
	[sflag:s26] =	ssyncset.done $0x0  }
0x23: {  	s0 =	sor.u32 s0, s1;
	[sflag:s26] =	ssyncadd.s32 $0xFFFFFE00  }
0x24: {  	s29 =	simm.s32 $0x80;
	s0 =	sshrl.u32 s0, $0x3;
	s28 =	rddreg [dreg:$0x0]  }
0x25: {  	s30 =	simm.s32 $0x400;
	s31 =	simm.s32 $0x4D80;
	s0 =	sadd.s32 s28, s0  }
0x26: {  	[tilespmem:s31], [sflag:$0x4] =	stream.strided.gather [hbm4b:s0+s29], $0x200, s30, s29, $0x38;
	[tilespmem:$0x14F80] =	vst v63  }
0x27: {  	p0 =	seq.s32 s4, $0x0;
	s0 =	sand.u32 $0x1E, s5  }
0x28: {  	p1 =	sne.s32 @!p0 s0, $0x0  }
0x29: {  	p1 =	por p0, !p1  }
.Ltmp0:
0x2a: {  	_ = 	snop;
	(pc) =	sbr.rel @!p1 .LBB2_6-.Ltmp0, $3  }
0x2b: {  	_ =	sdelay $0x1  }
0x2c: {  	[dreg:$0xd] =	wrdreg s4  }
0x2d: {  	s13 =	sshrl.u32 s5, $0x5;
	[dreg:$0x10] =	wrdreg s5  }
0x2e: {  	s0 =	sshll.u32 s13, $0x6;
	s7 =	simm.s32 $0x80  }
0x2f: {  	s0 =	sand.u32 $0x3FFFFFC0, s0;
	v4 =	vld [tilespmem:s7+$0x40]  }
0x30: {  	v3 =	vld [tilespmem:s0+$0x1900]  }
0x31: {  	v5 =	vld [tilespmem:s7+$0xFFFFFF80]  }
0x32: {  	v6 =	vld [tilespmem:s7+$0xFFFFFFC0]  }
0x33: {  	v7 =	vld [tilespmem:s7+$0x0]  }
0x34: {  	v2 =	vld [tilespmem:s0+$0x1910]  }
0x35: {  	v1 =	vld [tilespmem:s0+$0x1920];
	v4 =	vadd.f32 v4, v3  }
0x36: {  	s1 =	simm.s32 $0xC0;
	v0 =	vld [tilespmem:s0+$0x1930];
	s0 =	simm.s32 $0x3282  }
0x37: {  	s2 =	sor.u32 $0x50, s1;
	[tilespmem:s0+$0x41] =	vst v4  }
0x38: {  	v4 =	vld [tilespmem:s2+$0x0]  }
0x39: {  	v5 =	vadd.f32 v5, v3  }
0x3a: {  	v6 =	vadd.f32 v6, v3  }
0x3b: {  	s5 =	simm.s32 $0x40;
	v7 =	vadd.f32 v7, v3;
	[tilespmem:s0+$0xFFFFFF7E] =	vst v5  }
0x3c: {  	s28 =	sor.u32 $0x50, s5;
	[tilespmem:s0+$0xFFFFFFBF] =	vst v6;
	v5 =	vld [tilespmem:s7+$0xFFFFFF90]  }
0x3d: {  	[tilespmem:s0+$0x0] =	vst v7;
	v6 =	vld [tilespmem:s28+$0x0];
	v4 =	vadd.f32 v4, v2  }
0x3e: {  	v7 =	vld [tilespmem:s7+$0x10];
	s2 =	simm.s32 $0x180  }
0x3f: {  	s3 =	sor.u32 $0x60, s1;
	[tilespmem:s0+$0x51] =	vst v4;
	v4 =	vld [tilespmem:s2+$0x40]  }
0x40: {  	v8 =	vld [tilespmem:s3+$0x0]  }
0x41: {  	v9 =	vld [tilespmem:s2+$0xFFFFFFC0];
	v5 =	vadd.f32 v5, v2  }
0x42: {  	v10 =	vld [tilespmem:s2+$0x0];
	v6 =	vadd.f32 v6, v2  }
0x43: {  	v7 =	vadd.f32 v7, v2;
	[tilespmem:s0+$0xFFFFFF8E] =	vst v5;
	v5 =	vld [tilespmem:s2+$0xFFFFFF80]  }
0x44: {  	s29 =	sor.u32 $0x60, s5;
	[tilespmem:s0+$0xFFFFFFCF] =	vst v6;
	v6 =	vld [tilespmem:s7+$0xFFFFFFA0];
	v4 =	vadd.f32 v4, v3  }
0x45: {  	s4 =	simm.s32 $0x1C0;
	[tilespmem:s0+$0x10] =	vst v7;
	v11 =	vld [tilespmem:s29+$0x0];
	s3 =	simm.s32 $0x3386;
	v7 =	vadd.f32 v8, v1  }
0x46: {  	s6 =	sor.u32 $0x50, s4;
	v8 =	vadd.f32 v9, v3;
	[tilespmem:s3+$0x41] =	vst v4;
	v4 =	vld [tilespmem:s7+$0x20]  }
0x47: {  	s9 =	simm.s32 $0x140;
	s1 =	sor.u32 $0x70, s1;
	v9 =	vadd.f32 v10, v3;
	v10 =	vld [tilespmem:s6+$0x0];
	[tilespmem:s0+$0x61] =	vst v7  }
0x48: {  	s30 =	sor.u32 $0x50, s9;
	v5 =	vadd.f32 v5, v3;
	[tilespmem:s3+$0xFFFFFFBF] =	vst v8;
	v12 =	vld [tilespmem:s1+$0x0]  }
0x49: {  	v6 =	vadd.f32 v6, v1;
	[tilespmem:s3+$0x0] =	vst v9;
	v13 =	vld [tilespmem:s30+$0x0]  }
0x4a: {  	[tilespmem:s3+$0xFFFFFF7E] =	vst v5;
	v9 =	vadd.f32 v11, v1;
	v7 =	vld [tilespmem:s2+$0x10]  }
0x4b: {  	v8 =	vld [tilespmem:s2+$0xFFFFFF90];
	[tilespmem:s0+$0xFFFFFF9E] =	vst v6;
	v6 =	vadd.f32 v4, v1  }
0x4c: {  	s31 =	sor.u32 $0x70, s5;
	v5 =	vld [tilespmem:s7+$0xFFFFFFB0];
	[tilespmem:s0+$0xFFFFFFDF] =	vst v9;
	v11 =	vadd.f32 v10, v2  }
0x4d: {  	s8 =	sor.u32 $0x60, s9;
	s5 =	sor.u32 $0x70, s9;
	v4 =	vld [tilespmem:s31+$0x0];
	[tilespmem:s0+$0x20] =	vst v6;
	v9 =	vadd.f32 v12, v0  }
0x4e: {  	s9 =	simm.s32 $0x280;
	s6 =	simm.s32 $0x4;
	v10 =	vadd.f32 v13, v2;
	[tilespmem:s3+$0x51] =	vst v11;
	v6 =	vld [tilespmem:s7+$0x30];
	s7 =	simm.s32 $0x1C0  }
.LBB2_4:
0x4f: {  	v11 =	vld [tilespmem:s9+$0x40];
	v7 =	vadd.f32 v7, v2;
	s1 =	sor.u32 $0x60, s4;
	[tilespmem:s0+$0x71] =	vst v9  }
0x50: {  	s6 =	sadd.s32 $0x4, s6;
	v8 =	vadd.f32 v8, v2;
	[tilespmem:s3+$0xFFFFFFCF] =	vst v10;
	v9 =	vld [tilespmem:s1+$0x0]  }
0x51: {  	p1 =	slt.u32 s6, $0x60;
	v10 =	vld [tilespmem:s9+$0xFFFFFFC0];
	[tilespmem:s3+$0x10] =	vst v7;
	v5 =	vadd.f32 v5, v0  }
0x52: {  	v7 =	vld [tilespmem:s9+$0x0];
	[tilespmem:s3+$0xFFFFFF8E] =	vst v8;
	v4 =	vadd.f32 v4, v0  }
0x53: {  	v8 =	vld [tilespmem:s9+$0xFFFFFF80];
	[tilespmem:s0+$0xFFFFFFAE] =	vst v5;
	v5 =	vadd.f32 v6, v0  }
0x54: {  	v6 =	vadd.f32 v11, v3;
	v11 =	vld [tilespmem:s2+$0xFFFFFFA0];
	[tilespmem:s0+$0xFFFFFFEF] =	vst v4  }
0x55: {  	s4 =	sadd.s32 $0x100, s4;
	v4 =	vld [tilespmem:s8+$0x0];
	v9 =	vadd.f32 v9, v1;
	[tilespmem:s0+$0x30] =	vst v5;
	s0 =	smov.u32 s3;
	s3 =	sadd.s32 $0x104, s3  }
0x56: {  	s1 =	sadd.s32 $0xFFFFFF80, s4;
	s11 =	sor.u32 $0x50, s4;
	v5 =	vadd.f32 v10, v3;
	[tilespmem:s3+$0x41] =	vst v6;
	v6 =	vld [tilespmem:s2+$0x20]  }
0x57: {  	s7 =	sor.u32 $0x70, s7;
	s12 =	sor.u32 $0x50, s1;
	s8 =	sor.u32 $0x60, s1;
	v7 =	vadd.f32 v7, v3;
	v10 =	vld [tilespmem:s11+$0x0];
	[tilespmem:s0+$0x61] =	vst v9  }
0x58: {  	s1 =	sor.u32 $0x70, s1;
	v8 =	vadd.f32 v8, v3;
	[tilespmem:s3+$0xFFFFFFBF] =	vst v5;
	v9 =	vld [tilespmem:s7+$0x0];
	s7 =	smov.u32 s4  }
0x59: {  	v12 =	vld [tilespmem:s12+$0x0];
	[tilespmem:s3+$0x0] =	vst v7;
	v5 =	vadd.f32 v11, v1  }
.Ltmp1:
0x5a: {  	[tilespmem:s3+$0xFFFFFF7E] =	vst v8;
	v7 =	vld [tilespmem:s9+$0x10];
	v4 =	vadd.f32 v4, v1;
	(pc) =	sbr.rel @p1 .LBB2_4-.Ltmp1, $4  }
0x5b: {  	v8 =	vld [tilespmem:s9+$0xFFFFFF90];
	[tilespmem:s0+$0xFFFFFF9E] =	vst v5;
	v6 =	vadd.f32 v6, v1  }
0x5c: {  	v11 =	vadd.f32 v10, v2;
	v5 =	vld [tilespmem:s2+$0xFFFFFFB0];
	[tilespmem:s0+$0xFFFFFFDF] =	vst v4  }
0x5d: {  	v4 =	vld [tilespmem:s5+$0x0];
	[tilespmem:s0+$0x20] =	vst v6;
	v9 =	vadd.f32 v9, v0;
	s5 =	smov.u32 s1  }
0x5e: {  	v10 =	vadd.f32 v12, v2;
	[tilespmem:s3+$0x51] =	vst v11;
	v6 =	vld [tilespmem:s2+$0x30];
	s2 =	smov.u32 s9;
	s9 =	sadd.s32 $0x100, s9  }
0x5f: {  	s1 =	sor.u32 $0x60, s4;
	v50 =	vadd.f32 v7, v2  }
0x60: {  	v3 =	vadd.f32 v8, v2;
	v51 =	vld [tilespmem:s1+$0x0];
	[tilespmem:s3+$0xFFFFFFCF] =	vst v10  }
0x61: {  	[tilespmem:s3+$0x10] =	vst v50;
	v52 =	vld [tilespmem:s8+$0x0]  }
0x62: {  	[tilespmem:s3+$0xFFFFFF8E] =	vst v3;
	v53 =	vld [tilespmem:s2+$0x20]  }
0x63: {  	v3 =	vld [tilespmem:s2+$0xFFFFFFA0];
	_ =	sdelay $0x1  }
0x64: {  	v7 =	vadd.f32 v51, v1  }
0x65: {  	v2 =	vadd.f32 v52, v1  }
0x66: {  	s31 =	sor.u32 $0x70, s7;
	[tilespmem:s3+$0x61] =	vst v7;
	v54 =	vadd.f32 v53, v1  }
0x67: {  	v3 =	vadd.f32 v3, v1;
	v7 =	vld [tilespmem:s31+$0x0];
	[tilespmem:s3+$0xFFFFFFDF] =	vst v2  }
0x68: {  	v56 =	vld [tilespmem:s5+$0x0];
	[tilespmem:s3+$0x20] =	vst v54  }
0x69: {  	v55 =	vadd.f32 v5, v0;
	[tilespmem:s3+$0xFFFFFF9E] =	vst v3;
	v58 =	vld [tilespmem:s2+$0x30]  }
0x6a: {  	[tilespmem:s0+$0x71] =	vst v9;
	v57 =	vadd.f32 v4, v0;
	v3 =	vld [tilespmem:s2+$0xFFFFFFB0]  }
0x6b: {  	[tilespmem:s0+$0xFFFFFFAE] =	vst v55;
	v59 =	vadd.f32 v6, v0  }
0x6c: {  	[tilespmem:s0+$0xFFFFFFEF] =	vst v57;
	v60 =	vadd.f32 v7, v0  }
.Ltmp2:
0x6d: {  	[tilespmem:s0+$0x30] =	vst v59;
	v62 =	vadd.f32 v56, v0;
	(pc) =	sbr.rel @p0 .LBB2_7-.Ltmp2, $4  }
0x6e: {  	[tilespmem:s3+$0x71] =	vst v60;
	v63 =	vadd.f32 v58, v0  }
0x6f: {  	v61 =	vadd.f32 v3, v0;
	[tilespmem:s3+$0xFFFFFFEF] =	vst v62  }
0x70: {  	[tilespmem:s3+$0x30] =	vst v63  }
0x71: {  	[tilespmem:s3+$0xFFFFFFAE] =	vst v61  }
.LBB2_6:
0x72: {  	s0 =	simm.s32 $0x1  }
0x73: {  	_ =	swait.ge [sflag:s0], $0x8000  }
0x74: {  	[sflag:s0] =	ssyncset.done $0x0  }
0x75: {  	[sflag:s0] =	ssyncadd.s32 $0xFFFF8000  }
.LBB2_7:
0x76: {  	s0 =	simm.s32 $0x0  }
0x77: {  	s31 =	sand.u32 $0x60, s0  }
0x78: {  	s1 =	sand.u32 $0x180, s0;
	s21 =	sor.u32 $0x10, s31  }
0x79: {  	[dreg:$0x11] =	wrdreg s13;
	s1 =	sor.u32 s21, s1  }
0x7a: {  	s2 =	simm.s32 $0x4B80;
	v0 =	vld [tilespmem:s1+$0x4B80]  }
0x7b: {  	v1 =	vld [tilespmem:s2+$0x0];
	_ =	sdelay $0x3  }
0x7c: {  	v7 =	vmul.u32 $0x41, v0  }
0x7d: {  	v2 =	vmul.u32 $0x41, v1;
	_ =	sdelay $0x4  }
0x7e: {  	v0 =	vld.idx.msk [tilespmem:v7+s18+$0x0], $0xffff  }
0x7f: {  	v3 =	vadd.s32 $0x1, v7;
	v1 =	vld.idx.msk [tilespmem:v2+s18+$0x0], $0xffff  }
0x80: {  	s23 =	sand.u32 $0xC00, s0;
	v4 =	vadd.s32 $0x1, v2  }
0x81: {  	s4 =	sadd.s32 $0x4F80, s23  }
0x82: {  	s5 =	sor.u32 s21, s4  }
0x83: {  	s1 =	sor.u32 s31, s4;
	[tilespmem:s5+$0x0] =	vst v0  }
0x84: {  	[tilespmem:s1+$0x0] =	vst v1;
	v0 =	vld.idx.msk [tilespmem:v3+s18+$0x0], $0xffff  }
0x85: {  	v1 =	vld.idx.msk [tilespmem:v4+s18+$0x0], $0xffff;
	v3 =	vadd.s32 $0x2, v7  }
0x86: {  	v4 =	vadd.s32 $0x2, v2;
	_ =	sdelay $0x2  }
0x87: {  	[tilespmem:s5+$0x80] =	vst v0  }
0x88: {  	[tilespmem:s1+$0x80] =	vst v1;
	v0 =	vld.idx.msk [tilespmem:v3+s18+$0x0], $0xffff  }
0x89: {  	v1 =	vld.idx.msk [tilespmem:v4+s18+$0x0], $0xffff;
	v3 =	vadd.s32 $0x3, v7  }
0x8a: {  	v4 =	vadd.s32 $0x3, v2;
	_ =	sdelay $0x2  }
0x8b: {  	[tilespmem:s5+$0x100] =	vst v0  }
0x8c: {  	[tilespmem:s1+$0x100] =	vst v1;
	v0 =	vld.idx.msk [tilespmem:v3+s18+$0x0], $0xffff  }
0x8d: {  	v1 =	vld.idx.msk [tilespmem:v4+s18+$0x0], $0xffff;
	v3 =	vadd.s32 $0x4, v7  }
0x8e: {  	v4 =	vadd.s32 $0x4, v2;
	_ =	sdelay $0x2  }
0x8f: {  	[tilespmem:s5+$0x180] =	vst v0  }
0x90: {  	[tilespmem:s1+$0x180] =	vst v1;
	v0 =	vld.idx.msk [tilespmem:v3+s18+$0x0], $0xffff  }
0x91: {  	v1 =	vld.idx.msk [tilespmem:v4+s18+$0x0], $0xffff;
	v3 =	vadd.s32 $0x5, v7  }
0x92: {  	v4 =	vadd.s32 $0x5, v2;
	_ =	sdelay $0x2  }
0x93: {  	[tilespmem:s5+$0x200] =	vst v0  }
0x94: {  	[tilespmem:s1+$0x200] =	vst v1;
	v0 =	vld.idx.msk [tilespmem:v3+s18+$0x0], $0xffff  }
0x95: {  	v1 =	vld.idx.msk [tilespmem:v4+s18+$0x0], $0xffff;
	v3 =	vadd.s32 $0x6, v7  }
0x96: {  	v4 =	vadd.s32 $0x6, v2;
	_ =	sdelay $0x2  }
0x97: {  	[tilespmem:s5+$0x280] =	vst v0  }
0x98: {  	s6 =	sand.u32 $0x3, s0;
	[tilespmem:s1+$0x280] =	vst v1;
	v0 =	vld.idx.msk [tilespmem:v3+s18+$0x0], $0xffff  }
0x99: {  	s1 =	sshll.u32 s6, $0x5;
	v1 =	vld.idx.msk [tilespmem:v4+s18+$0x0], $0xffff;
	v3 =	vadd.s32 $0x7, v7  }
0x9a: {  	s1 =	sadd.s32 $0x0, s1;
	v4 =	vadd.s32 $0x7, v2  }
0x9b: {  	s7 =	sadd.s32 $0x10, s1  }
0x9c: {  	s3 =	sor.u32 $0x300, s7  }
0x9d: {  	s1 =	sor.u32 $0x300, s1;
	[tilespmem:s3+$0x4F80] =	vst v0  }
0x9e: {  	[tilespmem:s1+$0x4F80] =	vst v1;
	v0 =	vld.idx.msk [tilespmem:v3+s18+$0x0], $0xffff  }
0x9f: {  	v1 =	vld.idx.msk [tilespmem:v4+s18+$0x0], $0xffff;
	v3 =	vadd.s32 $0x8, v7  }
0xa0: {  	v4 =	vadd.s32 $0x8, v2;
	_ =	sdelay $0x1  }
0xa1: {  	s0 =	sor.u32 s0, s0;
	s8 =	sor.u32 $0x380, s7  }
0xa2: {  	s0 =	sor.u32 $0x380, s0;
	[tilespmem:s8+$0x4F80] =	vst v0  }
0xa3: {  	[tilespmem:s0+$0x4F80] =	vst v1;
	v0 =	vld.idx.msk [tilespmem:v3+s18+$0x0], $0xffff  }
0xa4: {  	v1 =	vld.idx.msk [tilespmem:v4+s18+$0x0], $0xffff;
	v3 =	vadd.s32 $0x9, v7  }
0xa5: {  	v4 =	vadd.s32 $0x9, v2  }
0xa6: {  	s9 =	sadd.s32 $0x5F80, s23  }
0xa7: {  	s11 =	sor.u32 s21, s9  }
0xa8: {  	s0 =	sor.u32 s31, s9;
	[tilespmem:s11+$0x0] =	vst v0  }
0xa9: {  	[tilespmem:s0+$0x0] =	vst v1;
	v0 =	vld.idx.msk [tilespmem:v3+s18+$0x0], $0xffff  }
0xaa: {  	v1 =	vld.idx.msk [tilespmem:v4+s18+$0x0], $0xffff;
	v3 =	vadd.s32 $0xA, v7  }
0xab: {  	v4 =	vadd.s32 $0xA, v2  }
0xac: {  	s12 =	sor.u32 $0x6000, s23  }
0xad: {  	s13 =	sor.u32 s21, s12  }
0xae: {  	s0 =	sor.u32 s31, s12;
	[tilespmem:s13+$0x0] =	vst v0  }
0xaf: {  	[tilespmem:s0+$0x0] =	vst v1;
	v0 =	vld.idx.msk [tilespmem:v3+s18+$0x0], $0xffff  }
0xb0: {  	v1 =	vld.idx.msk [tilespmem:v4+s18+$0x0], $0xffff;
	v3 =	vadd.s32 $0xB, v7  }
0xb1: {  	v4 =	vadd.s32 $0xB, v2  }
0xb2: {  	s14 =	sor.u32 $0x6080, s23  }
0xb3: {  	s15 =	sor.u32 s21, s14  }
0xb4: {  	s0 =	sor.u32 s31, s14;
	[tilespmem:s15+$0x0] =	vst v0  }
0xb5: {  	[tilespmem:s0+$0x0] =	vst v1;
	v0 =	vld.idx.msk [tilespmem:v3+s18+$0x0], $0xffff  }
0xb6: {  	v1 =	vld.idx.msk [tilespmem:v4+s18+$0x0], $0xffff;
	v3 =	vadd.s32 $0xC, v7  }
0xb7: {  	v4 =	vadd.s32 $0xC, v2  }
0xb8: {  	s16 =	sor.u32 $0x6100, s23  }
0xb9: {  	s17 =	sor.u32 s21, s16  }
0xba: {  	s0 =	sor.u32 s31, s16;
	[tilespmem:s17+$0x0] =	vst v0  }
0xbb: {  	[tilespmem:s0+$0x0] =	vst v1;
	v0 =	vld.idx.msk [tilespmem:v3+s18+$0x0], $0xffff  }
0xbc: {  	v1 =	vld.idx.msk [tilespmem:v4+s18+$0x0], $0xffff;
	v3 =	vadd.s32 $0xD, v7  }
0xbd: {  	v4 =	vadd.s32 $0xD, v2  }
0xbe: {  	s19 =	sor.u32 $0x6180, s23  }
0xbf: {  	s20 =	sor.u32 s21, s19  }
0xc0: {  	s0 =	sor.u32 s31, s19;
	[tilespmem:s20+$0x0] =	vst v0  }
0xc1: {  	[tilespmem:s0+$0x0] =	vst v1;
	v0 =	vld.idx.msk [tilespmem:v3+s18+$0x0], $0xffff  }
0xc2: {  	v1 =	vld.idx.msk [tilespmem:v4+s18+$0x0], $0xffff;
	v3 =	vadd.s32 $0xE, v7  }
0xc3: {  	v4 =	vadd.s32 $0xE, v2  }
0xc4: {  	s22 =	sor.u32 $0x6200, s23  }
0xc5: {  	s24 =	sor.u32 s21, s22  }
0xc6: {  	s0 =	sor.u32 s31, s22;
	[tilespmem:s24+$0x0] =	vst v0  }
0xc7: {  	[tilespmem:s0+$0x0] =	vst v1;
	v0 =	vld.idx.msk [tilespmem:v3+s18+$0x0], $0xffff  }
0xc8: {  	v1 =	vld.idx.msk [tilespmem:v4+s18+$0x0], $0xffff;
	v3 =	vadd.s32 $0xF, v7  }
0xc9: {  	v4 =	vadd.s32 $0xF, v2  }
0xca: {  	s25 =	sor.u32 $0x6280, s23  }
0xcb: {  	s26 =	sor.u32 s21, s25  }
0xcc: {  	s0 =	sor.u32 s31, s25;
	[tilespmem:s26+$0x0] =	vst v0  }
0xcd: {  	[tilespmem:s0+$0x0] =	vst v1;
	v0 =	vld.idx.msk [tilespmem:v3+s18+$0x0], $0xffff  }
0xce: {  	v1 =	vld.idx.msk [tilespmem:v4+s18+$0x0], $0xffff;
	v3 =	vadd.s32 $0x10, v7;
	_ =	sdelay $0x1  }
0xcf: {  	s1 =	sor.u32 $0x6300, s23  }
0xd0: {  	s2 =	sor.u32 s21, s1  }
0xd1: {  	s0 =	sor.u32 s31, s1;
	[tilespmem:s2+$0x0] =	vst v0  }
0xd2: {  	[tilespmem:s0+$0x0] =	vst v1;
	v1 =	vadd.s32 $0x10, v2;
	s2 =	simm.s32 $0x20;
	v3 =	vld.idx.msk [tilespmem:v3+s18+$0x0], $0xffff  }
0xd3: {  	v4 =	vadd.s32 $0x11, v7;
	s0 =	sand.u32 $0x60, s2  }
0xd4: {  	s3 =	simm.s32 $0x4BA0;
	s4 =	sand.u32 $0x180, s2;
	s12 =	sor.u32 $0x10, s0  }
0xd5: {  	s5 =	sadd.s32 $0x6F80, s23;
	v0 =	vld [tilespmem:s3+$0x0];
	s1 =	sor.u32 s12, s4  }
0xd6: {  	s6 =	sor.u32 s21, s5;
	v5 =	vld [tilespmem:s1+$0x4B80]  }
0xd7: {  	v6 =	vld.idx.msk [tilespmem:v1+s18+$0x0], $0xffff;
	[tilespmem:s6+$0x0] =	vst v3  }
0xd8: {  	v3 =	vadd.s32 $0x11, v2;
	v4 =	vld.idx.msk [tilespmem:v4+s18+$0x0], $0xffff  }
0xd9: {  	v8 =	vadd.s32 $0x12, v7;
	_ =	sdelay $0x1  }
0xda: {  	s7 =	sor.u32 s31, s5;
	s8 =	sor.u32 $0x7000, s23;
	v1 =	vmul.u32 $0x41, v5  }
0xdb: {  	s9 =	sor.u32 s21, s8;
	v0 =	vmul.u32 $0x41, v0;
	[tilespmem:s7+$0x0] =	vst v6  }
0xdc: {  	v3 =	vld.idx.msk [tilespmem:v3+s18+$0x0], $0xffff;
	[tilespmem:s9+$0x0] =	vst v4  }
0xdd: {  	v4 =	vadd.s32 $0x12, v2;
	v5 =	vld.idx.msk [tilespmem:v8+s18+$0x0], $0xffff  }
0xde: {  	v6 =	vadd.s32 $0x13, v7;
	_ =	sdelay $0x1  }
0xdf: {  	s11 =	sor.u32 s31, s8;
	s7 =	sor.u32 $0x7080, s23;
	v8 =	vld.idx.msk [tilespmem:v1+s18+$0x0], $0xffff  }
0xe0: {  	s3 =	simm.s32 $0x100;
	s13 =	sor.u32 s21, s7;
	v9 =	vld.idx.msk [tilespmem:v0+s18+$0x0], $0xffff;
	[tilespmem:s11+$0x0] =	vst v3;
	v3 =	vadd.s32 $0x1, v1  }
0xe1: {  	s5 =	sand.u32 $0xC00, s3;
	v4 =	vld.idx.msk [tilespmem:v4+s18+$0x0], $0xffff;
	[tilespmem:s13+$0x0] =	vst v5;
	v5 =	vadd.s32 $0x1, v0  }
0xe2: {  	v10 =	vadd.s32 $0x13, v2;
	s14 =	sadd.s32 $0x4F80, s5;
	v6 =	vld.idx.msk [tilespmem:v6+s18+$0x0], $0xffff  }
0xe3: {  	v11 =	vadd.s32 $0x14, v7;
	s6 =	sor.u32 s12, s14  }
0xe4: {  	s4 =	sor.u32 s0, s14;
	[tilespmem:s6+$0x0] =	vst v8  }
0xe5: {  	s16 =	sor.u32 $0x7100, s23;
	s15 =	sor.u32 s31, s7;
	[tilespmem:s4+$0x0] =	vst v9;
	v3 =	vld.idx.msk [tilespmem:v3+s18+$0x0], $0xffff  }
0xe6: {  	s17 =	sor.u32 s21, s16;
	[tilespmem:s15+$0x0] =	vst v4;
	v4 =	vld.idx.msk [tilespmem:v5+s18+$0x0], $0xffff;
	v5 =	vadd.s32 $0x2, v1  }
0xe7: {  	v8 =	vld.idx.msk [tilespmem:v10+s18+$0x0], $0xffff;
	[tilespmem:s17+$0x0] =	vst v6;
	v6 =	vadd.s32 $0x2, v0  }
0xe8: {  	v9 =	vadd.s32 $0x14, v2;
	v10 =	vld.idx.msk [tilespmem:v11+s18+$0x0], $0xffff  }
0xe9: {  	v11 =	vadd.s32 $0x15, v7  }
0xea: {  	[tilespmem:s6+$0x80] =	vst v3  }
0xeb: {  	s19 =	sor.u32 s31, s16;
	s20 =	sor.u32 $0x7180, s23;
	[tilespmem:s4+$0x80] =	vst v4;
	v3 =	vld.idx.msk [tilespmem:v5+s18+$0x0], $0xffff  }
0xec: {  	s22 =	sor.u32 s21, s20;
	[tilespmem:s19+$0x0] =	vst v8;
	v5 =	vadd.s32 $0x3, v1;
	v4 =	vld.idx.msk [tilespmem:v6+s18+$0x0], $0xffff  }
0xed: {  	v8 =	vadd.s32 $0x3, v0;
	v6 =	vld.idx.msk [tilespmem:v9+s18+$0x0], $0xffff;
	[tilespmem:s22+$0x0] =	vst v10  }
0xee: {  	v9 =	vadd.s32 $0x15, v2;
	v10 =	vld.idx.msk [tilespmem:v11+s18+$0x0], $0xffff  }
0xef: {  	v11 =	vadd.s32 $0x16, v7  }
0xf0: {  	[tilespmem:s6+$0x100] =	vst v3  }
0xf1: {  	s25 =	sor.u32 $0x7200, s23;
	s24 =	sor.u32 s31, s20;
	[tilespmem:s4+$0x100] =	vst v4;
	v3 =	vld.idx.msk [tilespmem:v5+s18+$0x0], $0xffff  }
0xf2: {  	s26 =	sor.u32 s21, s25;
	[tilespmem:s24+$0x0] =	vst v6;
	v5 =	vadd.s32 $0x4, v1;
	v4 =	vld.idx.msk [tilespmem:v8+s18+$0x0], $0xffff  }
0xf3: {  	v6 =	vld.idx.msk [tilespmem:v9+s18+$0x0], $0xffff;
	v8 =	vadd.s32 $0x4, v0;
	[tilespmem:s26+$0x0] =	vst v10  }
0xf4: {  	v9 =	vadd.s32 $0x16, v2;
	v10 =	vld.idx.msk [tilespmem:v11+s18+$0x0], $0xffff  }
0xf5: {  	v11 =	vadd.s32 $0x17, v7  }
0xf6: {  	[tilespmem:s6+$0x180] =	vst v3  }
0xf7: {  	s8 =	sor.u32 $0x7280, s23;
	s7 =	sor.u32 s31, s25;
	[tilespmem:s4+$0x180] =	vst v4;
	v3 =	vld.idx.msk [tilespmem:v5+s18+$0x0], $0xffff  }
0xf8: {  	s9 =	sor.u32 s21, s8;
	[tilespmem:s7+$0x0] =	vst v6;
	v5 =	vadd.s32 $0x5, v1;
	v4 =	vld.idx.msk [tilespmem:v8+s18+$0x0], $0xffff  }
0xf9: {  	v6 =	vld.idx.msk [tilespmem:v9+s18+$0x0], $0xffff;
	v8 =	vadd.s32 $0x5, v0;
	[tilespmem:s9+$0x0] =	vst v10  }
0xfa: {  	v9 =	vadd.s32 $0x17, v2;
	v10 =	vld.idx.msk [tilespmem:v11+s18+$0x0], $0xffff  }
0xfb: {  	v11 =	vadd.s32 $0x18, v7  }
0xfc: {  	[tilespmem:s6+$0x200] =	vst v3  }
0xfd: {  	s11 =	sor.u32 s31, s8;
	s13 =	sor.u32 $0x7300, s23;
	[tilespmem:s4+$0x200] =	vst v4;
	v3 =	vld.idx.msk [tilespmem:v5+s18+$0x0], $0xffff  }
0xfe: {  	s14 =	sor.u32 s21, s13;
	[tilespmem:s11+$0x0] =	vst v6;
	v5 =	vadd.s32 $0x6, v1;
	v4 =	vld.idx.msk [tilespmem:v8+s18+$0x0], $0xffff  }
0xff: {  	v6 =	vld.idx.msk [tilespmem:v9+s18+$0x0], $0xffff;
	v8 =	vadd.s32 $0x6, v0;
	[tilespmem:s14+$0x0] =	vst v10  }
0x100: {  	v9 =	vadd.s32 $0x18, v2;
	v10 =	vld.idx.msk [tilespmem:v11+s18+$0x0], $0xffff  }
0x101: {  	v11 =	vadd.s32 $0x19, v7  }
0x102: {  	s15 =	simm.s32 $0x1;
	[tilespmem:s6+$0x280] =	vst v3  }
0x103: {  	s16 =	sor.u32 s31, s13;
	s1 =	sand.u32 $0x3, s15;
	s17 =	sadd.s32 $0x7F80, s23;
	[tilespmem:s4+$0x280] =	vst v4;
	v3 =	vld.idx.msk [tilespmem:v5+s18+$0x0], $0xffff  }
0x104: {  	s1 =	sshll.u32 s1, $0x5;
	s19 =	sor.u32 s21, s17;
	[tilespmem:s16+$0x0] =	vst v6;
	v5 =	vadd.s32 $0x7, v1;
	v4 =	vld.idx.msk [tilespmem:v8+s18+$0x0], $0xffff  }
0x105: {  	s1 =	sadd.s32 $0x100, s1;
	v6 =	vld.idx.msk [tilespmem:v9+s18+$0x0], $0xffff;
	v8 =	vadd.s32 $0x7, v0;
	[tilespmem:s19+$0x0] =	vst v10  }
0x106: {  	s20 =	sadd.s32 $0x10, s1;
	v9 =	vadd.s32 $0x19, v2;
	v10 =	vld.idx.msk [tilespmem:v11+s18+$0x0], $0xffff  }
0x107: {  	s22 =	sor.u32 $0x300, s20;
	v11 =	vadd.s32 $0x1A, v7  }
0x108: {  	s1 =	sor.u32 $0x300, s1;
	[tilespmem:s22+$0x4F80] =	vst v3  }
0x109: {  	s24 =	sor.u32 $0x8000, s23;
	s4 =	sor.u32 s31, s17;
	[tilespmem:s1+$0x4F80] =	vst v4;
	v3 =	vld.idx.msk [tilespmem:v5+s18+$0x0], $0xffff  }
0x10a: {  	s25 =	sor.u32 s21, s24;
	[tilespmem:s4+$0x0] =	vst v6;
	v5 =	vadd.s32 $0x8, v1;
	v4 =	vld.idx.msk [tilespmem:v8+s18+$0x0], $0xffff  }
0x10b: {  	v6 =	vld.idx.msk [tilespmem:v9+s18+$0x0], $0xffff;
	v8 =	vadd.s32 $0x8, v0;
	[tilespmem:s25+$0x0] =	vst v10  }
0x10c: {  	v9 =	vadd.s32 $0x1A, v2;
	v10 =	vld.idx.msk [tilespmem:v11+s18+$0x0], $0xffff  }
0x10d: {  	s2 =	sor.u32 s3, s2;
	s26 =	sor.u32 $0x380, s20;
	v11 =	vadd.s32 $0x1B, v7  }
0x10e: {  	s2 =	sor.u32 $0x380, s2;
	[tilespmem:s26+$0x4F80] =	vst v3  }
0x10f: {  	s1 =	sor.u32 s31, s24;
	s4 =	sor.u32 $0x8080, s23;
	[tilespmem:s2+$0x4F80] =	vst v4;
	v3 =	vld.idx.msk [tilespmem:v5+s18+$0x0], $0xffff  }
0x110: {  	s6 =	sor.u32 s21, s4;
	[tilespmem:s1+$0x0] =	vst v6;
	v5 =	vadd.s32 $0x9, v1;
	v4 =	vld.idx.msk [tilespmem:v8+s18+$0x0], $0xffff  }
0x111: {  	v6 =	vld.idx.msk [tilespmem:v9+s18+$0x0], $0xffff;
	v8 =	vadd.s32 $0x9, v0;
	[tilespmem:s6+$0x0] =	vst v10  }
0x112: {  	s7 =	sadd.s32 $0x5F80, s5;
	v9 =	vadd.s32 $0x1B, v2;
	v10 =	vld.idx.msk [tilespmem:v11+s18+$0x0], $0xffff  }
0x113: {  	s8 =	sor.u32 s12, s7;
	v11 =	vadd.s32 $0x1C, v7  }
0x114: {  	s1 =	sor.u32 s0, s7;
	[tilespmem:s8+$0x0] =	vst v3  }
0x115: {  	s9 =	sor.u32 $0x8100, s23;
	s2 =	sor.u32 s31, s4;
	[tilespmem:s1+$0x0] =	vst v4;
	v3 =	vld.idx.msk [tilespmem:v5+s18+$0x0], $0xffff  }
0x116: {  	s11 =	sor.u32 s21, s9;
	[tilespmem:s2+$0x0] =	vst v6;
	v5 =	vadd.s32 $0xA, v1;
	v4 =	vld.idx.msk [tilespmem:v8+s18+$0x0], $0xffff  }
0x117: {  	v6 =	vld.idx.msk [tilespmem:v9+s18+$0x0], $0xffff;
	v8 =	vadd.s32 $0xA, v0;
	[tilespmem:s11+$0x0] =	vst v10  }
0x118: {  	s13 =	sor.u32 $0x6000, s5;
	v9 =	vadd.s32 $0x1C, v2;
	v10 =	vld.idx.msk [tilespmem:v11+s18+$0x0], $0xffff  }
0x119: {  	s14 =	sor.u32 s12, s13;
	v11 =	vadd.s32 $0x1D, v7  }
0x11a: {  	s2 =	sor.u32 s0, s13;
	[tilespmem:s14+$0x0] =	vst v3  }
0x11b: {  	s15 =	sor.u32 $0x8180, s23;
	s1 =	sor.u32 s31, s9;
	[tilespmem:s2+$0x0] =	vst v4;
	v3 =	vld.idx.msk [tilespmem:v5+s18+$0x0], $0xffff  }
0x11c: {  	s16 =	sor.u32 s21, s15;
	[tilespmem:s1+$0x0] =	vst v6;
	v5 =	vadd.s32 $0xB, v1;
	v4 =	vld.idx.msk [tilespmem:v8+s18+$0x0], $0xffff  }
0x11d: {  	v6 =	vld.idx.msk [tilespmem:v9+s18+$0x0], $0xffff;
	v8 =	vadd.s32 $0xB, v0;
	[tilespmem:s16+$0x0] =	vst v10  }
0x11e: {  	s17 =	sor.u32 $0x6080, s5;
	v9 =	vadd.s32 $0x1D, v2;
	v10 =	vld.idx.msk [tilespmem:v11+s18+$0x0], $0xffff  }
0x11f: {  	s19 =	sor.u32 s12, s17;
	v11 =	vadd.s32 $0x1E, v7  }
0x120: {  	s1 =	sor.u32 s0, s17;
	[tilespmem:s19+$0x0] =	vst v3  }
0x121: {  	s20 =	sor.u32 $0x8200, s23;
	s2 =	sor.u32 s31, s15;
	[tilespmem:s1+$0x0] =	vst v4;
	v3 =	vld.idx.msk [tilespmem:v5+s18+$0x0], $0xffff  }
0x122: {  	s22 =	sor.u32 s21, s20;
	[tilespmem:s2+$0x0] =	vst v6;
	v5 =	vadd.s32 $0xC, v1;
	v4 =	vld.idx.msk [tilespmem:v8+s18+$0x0], $0xffff  }
0x123: {  	v6 =	vld.idx.msk [tilespmem:v9+s18+$0x0], $0xffff;
	v8 =	vadd.s32 $0xC, v0;
	[tilespmem:s22+$0x0] =	vst v10  }
0x124: {  	s24 =	sor.u32 $0x6100, s5;
	v9 =	vadd.s32 $0x1E, v2;
	v10 =	vld.idx.msk [tilespmem:v11+s18+$0x0], $0xffff  }
0x125: {  	s25 =	sor.u32 s12, s24;
	v11 =	vadd.s32 $0x1F, v7  }
0x126: {  	s2 =	sor.u32 s0, s24;
	[tilespmem:s25+$0x0] =	vst v3  }
0x127: {  	s26 =	sor.u32 $0x8280, s23;
	s1 =	sor.u32 s31, s20;
	[tilespmem:s2+$0x0] =	vst v4;
	v3 =	vld.idx.msk [tilespmem:v5+s18+$0x0], $0xffff  }
0x128: {  	s3 =	sor.u32 s21, s26;
	[tilespmem:s1+$0x0] =	vst v6;
	v5 =	vadd.s32 $0xD, v1;
	v4 =	vld.idx.msk [tilespmem:v8+s18+$0x0], $0xffff  }
0x129: {  	v6 =	vld.idx.msk [tilespmem:v9+s18+$0x0], $0xffff;
	v8 =	vadd.s32 $0xD, v0;
	[tilespmem:s3+$0x0] =	vst v10  }
0x12a: {  	s4 =	sor.u32 $0x6180, s5;
	v9 =	vadd.s32 $0x1F, v2;
	v10 =	vld.idx.msk [tilespmem:v11+s18+$0x0], $0xffff  }
0x12b: {  	s6 =	sor.u32 s12, s4;
	v11 =	vadd.s32 $0x20, v7  }
0x12c: {  	s1 =	sor.u32 s0, s4;
	[tilespmem:s6+$0x0] =	vst v3  }
0x12d: {  	s7 =	sor.u32 $0x8300, s23;
	s2 =	sor.u32 s31, s26;
	[tilespmem:s1+$0x0] =	vst v4;
	v3 =	vld.idx.msk [tilespmem:v5+s18+$0x0], $0xffff  }
0x12e: {  	s8 =	sor.u32 s21, s7;
	[tilespmem:s2+$0x0] =	vst v6;
	v5 =	vadd.s32 $0xE, v1;
	v4 =	vld.idx.msk [tilespmem:v8+s18+$0x0], $0xffff  }
0x12f: {  	v6 =	vld.idx.msk [tilespmem:v9+s18+$0x0], $0xffff;
	v8 =	vadd.s32 $0xE, v0;
	[tilespmem:s8+$0x0] =	vst v10  }
0x130: {  	s9 =	sor.u32 $0x6200, s5;
	v9 =	vadd.s32 $0x20, v2;
	v10 =	vld.idx.msk [tilespmem:v11+s18+$0x0], $0xffff  }
0x131: {  	s11 =	sor.u32 s12, s9;
	v11 =	vadd.s32 $0x21, v7  }
0x132: {  	s2 =	sor.u32 s0, s9;
	[tilespmem:s11+$0x0] =	vst v3  }
0x133: {  	s13 =	sadd.s32 $0x8F80, s23;
	s1 =	sor.u32 s31, s7;
	[tilespmem:s2+$0x0] =	vst v4;
	v3 =	vld.idx.msk [tilespmem:v5+s18+$0x0], $0xffff  }
0x134: {  	s14 =	sor.u32 s21, s13;
	[tilespmem:s1+$0x0] =	vst v6;
	v5 =	vadd.s32 $0xF, v1;
	v4 =	vld.idx.msk [tilespmem:v8+s18+$0x0], $0xffff  }
0x135: {  	v6 =	vld.idx.msk [tilespmem:v9+s18+$0x0], $0xffff;
	v8 =	vadd.s32 $0xF, v0;
	[tilespmem:s14+$0x0] =	vst v10  }
0x136: {  	s15 =	sor.u32 $0x6280, s5;
	v9 =	vadd.s32 $0x21, v2;
	v10 =	vld.idx.msk [tilespmem:v11+s18+$0x0], $0xffff  }
0x137: {  	s16 =	sor.u32 s12, s15;
	v11 =	vadd.s32 $0x22, v7  }
0x138: {  	s1 =	sor.u32 s0, s15;
	[tilespmem:s16+$0x0] =	vst v3  }
0x139: {  	s17 =	sor.u32 $0x9000, s23;
	s2 =	sor.u32 s31, s13;
	[tilespmem:s1+$0x0] =	vst v4;
	v3 =	vld.idx.msk [tilespmem:v5+s18+$0x0], $0xffff  }
0x13a: {  	s19 =	sor.u32 s21, s17;
	[tilespmem:s2+$0x0] =	vst v6;
	v5 =	vadd.s32 $0x10, v1;
	v4 =	vld.idx.msk [tilespmem:v8+s18+$0x0], $0xffff  }
0x13b: {  	v6 =	vld.idx.msk [tilespmem:v9+s18+$0x0], $0xffff;
	v8 =	vadd.s32 $0x10, v0;
	[tilespmem:s19+$0x0] =	vst v10  }
0x13c: {  	s20 =	sor.u32 $0x6300, s5;
	v9 =	vadd.s32 $0x22, v2;
	v10 =	vld.idx.msk [tilespmem:v11+s18+$0x0], $0xffff  }
0x13d: {  	s22 =	sor.u32 s12, s20;
	v11 =	vadd.s32 $0x23, v7  }
0x13e: {  	s2 =	sor.u32 s0, s20;
	[tilespmem:s22+$0x0] =	vst v3  }
0x13f: {  	s24 =	sor.u32 $0x9080, s23;
	s1 =	sor.u32 s31, s17;
	[tilespmem:s2+$0x0] =	vst v4;
	v3 =	vld.idx.msk [tilespmem:v5+s18+$0x0], $0xffff  }
0x140: {  	s25 =	sor.u32 s21, s24;
	[tilespmem:s1+$0x0] =	vst v6;
	s2 =	simm.s32 $0x40;
	v5 =	vadd.s32 $0x11, v1;
	v4 =	vld.idx.msk [tilespmem:v8+s18+$0x0], $0xffff  }
0x141: {  	s26 =	simm.s32 $0x4BC0;
	v6 =	vld.idx.msk [tilespmem:v9+s18+$0x0], $0xffff;
	s6 =	sand.u32 $0x60, s2;
	v8 =	vadd.s32 $0x11, v0;
	[tilespmem:s25+$0x0] =	vst v10  }
0x142: {  	s8 =	sadd.s32 $0x6F80, s5;
	v9 =	vadd.s32 $0x23, v2;
	s9 =	sand.u32 $0x180, s2;
	s7 =	sor.u32 $0x10, s6;
	v10 =	vld.idx.msk [tilespmem:v11+s18+$0x0], $0xffff  }
0x143: {  	v12 =	vadd.s32 $0x24, v7;
	s11 =	sor.u32 s12, s8;
	v11 =	vld [tilespmem:s26+$0x0];
	s1 =	sor.u32 s7, s9  }
0x144: {  	s13 =	sor.u32 s0, s8;
	v13 =	vld [tilespmem:s1+$0x4B80];
	[tilespmem:s11+$0x0] =	vst v3  }
0x145: {  	s3 =	sor.u32 s31, s24;
	s14 =	sor.u32 $0x9100, s23;
	[tilespmem:s13+$0x0] =	vst v4;
	v5 =	vld.idx.msk [tilespmem:v5+s18+$0x0], $0xffff  }
0x146: {  	s15 =	sor.u32 s21, s14;
	[tilespmem:s3+$0x0] =	vst v6;
	v6 =	vld.idx.msk [tilespmem:v8+s18+$0x0], $0xffff;
	v8 =	vadd.s32 $0x12, v1  }
0x147: {  	v9 =	vld.idx.msk [tilespmem:v9+s18+$0x0], $0xffff;
	[tilespmem:s15+$0x0] =	vst v10;
	v10 =	vadd.s32 $0x12, v0  }
0x148: {  	v14 =	vadd.s32 $0x24, v2;
	s16 =	sor.u32 $0x7000, s5;
	v12 =	vld.idx.msk [tilespmem:v12+s18+$0x0], $0xffff  }
0x149: {  	s17 =	sor.u32 s12, s16;
	v4 =	vmul.u32 $0x41, v13;
	v13 =	vadd.s32 $0x25, v7  }
0x14a: {  	s3 =	sor.u32 s0, s16;
	v3 =	vmul.u32 $0x41, v11;
	[tilespmem:s17+$0x0] =	vst v5  }
0x14b: {  	s19 =	sor.u32 $0x9180, s23;
	s1 =	sor.u32 s31, s14;
	[tilespmem:s3+$0x0] =	vst v6;
	v5 =	vld.idx.msk [tilespmem:v8+s18+$0x0], $0xffff  }
0x14c: {  	s20 =	sor.u32 s21, s19;
	[tilespmem:s1+$0x0] =	vst v9;
	v8 =	vadd.s32 $0x13, v1;
	v6 =	vld.idx.msk [tilespmem:v10+s18+$0x0], $0xffff  }
0x14d: {  	v9 =	vld.idx.msk [tilespmem:v14+s18+$0x0], $0xffff;
	v10 =	vadd.s32 $0x13, v0;
	[tilespmem:s20+$0x0] =	vst v12  }
0x14e: {  	s22 =	sor.u32 $0x7080, s5;
	v11 =	vadd.s32 $0x25, v2;
	v12 =	vld.idx.msk [tilespmem:v13+s18+$0x0], $0xffff  }
0x14f: {  	s24 =	sor.u32 s12, s22;
	v14 =	vadd.s32 $0x26, v7;
	v13 =	vld.idx.msk [tilespmem:v4+s18+$0x0], $0xffff  }
0x150: {  	v16 =	vadd.s32 $0x1, v4;
	s1 =	sor.u32 s0, s22;
	s3 =	simm.s32 $0x200;
	v15 =	vld.idx.msk [tilespmem:v3+s18+$0x0], $0xffff;
	[tilespmem:s24+$0x0] =	vst v5  }
0x151: {  	s4 =	sor.u32 s31, s19;
	s25 =	sor.u32 $0x9200, s23;
	s8 =	sand.u32 $0xC00, s3;
	v5 =	vadd.s32 $0x1, v3;
	[tilespmem:s1+$0x0] =	vst v6;
	v6 =	vld.idx.msk [tilespmem:v8+s18+$0x0], $0xffff  }
0x152: {  	s11 =	sor.u32 s21, s25;
	s26 =	sadd.s32 $0x4F80, s8;
	[tilespmem:s4+$0x0] =	vst v9;
	v9 =	vadd.s32 $0x14, v1;
	v8 =	vld.idx.msk [tilespmem:v10+s18+$0x0], $0xffff  }
0x153: {  	s9 =	sor.u32 s7, s26;
	v10 =	vld.idx.msk [tilespmem:v11+s18+$0x0], $0xffff;
	v11 =	vadd.s32 $0x14, v0;
	[tilespmem:s11+$0x0] =	vst v12  }
0x154: {  	s13 =	sor.u32 $0x7100, s5;
	s4 =	sor.u32 s6, s26;
	[tilespmem:s9+$0x0] =	vst v13;
	v13 =	vadd.s32 $0x26, v2;
	v12 =	vld.idx.msk [tilespmem:v14+s18+$0x0], $0xffff  }
0x155: {  	s14 =	sor.u32 s12, s13;
	[tilespmem:s4+$0x0] =	vst v15;
	v15 =	vadd.s32 $0x27, v7;
	v14 =	vld.idx.msk [tilespmem:v16+s18+$0x0], $0xffff  }
0x156: {  	s11 =	sor.u32 s0, s13;
	v16 =	vadd.s32 $0x2, v4;
	v5 =	vld.idx.msk [tilespmem:v5+s18+$0x0], $0xffff;
	[tilespmem:s14+$0x0] =	vst v6  }
0x157: {  	s15 =	sor.u32 $0x9280, s23;
	s1 =	sor.u32 s31, s25;
	v6 =	vadd.s32 $0x2, v3;
	[tilespmem:s11+$0x0] =	vst v8;
	v8 =	vld.idx.msk [tilespmem:v9+s18+$0x0], $0xffff  }
0x158: {  	s16 =	sor.u32 s21, s15;
	[tilespmem:s1+$0x0] =	vst v10;
	v10 =	vadd.s32 $0x15, v1;
	v9 =	vld.idx.msk [tilespmem:v11+s18+$0x0], $0xffff  }
0x159: {  	v11 =	vld.idx.msk [tilespmem:v13+s18+$0x0], $0xffff;
	[tilespmem:s16+$0x0] =	vst v12;
	v12 =	vadd.s32 $0x15, v0  }
0x15a: {  	s17 =	sor.u32 $0x7180, s5;
	[tilespmem:s9+$0x80] =	vst v14;
	v14 =	vadd.s32 $0x27, v2;
	v13 =	vld.idx.msk [tilespmem:v15+s18+$0x0], $0xffff  }
0x15b: {  	s19 =	sor.u32 s12, s17;
	[tilespmem:s4+$0x80] =	vst v5;
	v5 =	vld.idx.msk [tilespmem:v16+s18+$0x0], $0xffff;
	v15 =	vadd.s32 $0x28, v7  }
0x15c: {  	s1 =	sor.u32 s0, s17;
	v16 =	vadd.s32 $0x3, v4;
	v6 =	vld.idx.msk [tilespmem:v6+s18+$0x0], $0xffff;
	[tilespmem:s19+$0x0] =	vst v8  }
0x15d: {  	s20 =	sor.u32 $0x9300, s23;
	s11 =	sor.u32 s31, s15;
	v8 =	vadd.s32 $0x3, v3;
	[tilespmem:s1+$0x0] =	vst v9;
	v9 =	vld.idx.msk [tilespmem:v10+s18+$0x0], $0xffff  }
0x15e: {  	s22 =	sor.u32 s21, s20;
	[tilespmem:s11+$0x0] =	vst v11;
	v11 =	vadd.s32 $0x16, v1;
	v10 =	vld.idx.msk [tilespmem:v12+s18+$0x0], $0xffff  }
0x15f: {  	v12 =	vld.idx.msk [tilespmem:v14+s18+$0x0], $0xffff;
	[tilespmem:s22+$0x0] =	vst v13;
	v13 =	vadd.s32 $0x16, v0  }
0x160: {  	s24 =	sor.u32 $0x7200, s5;
	v14 =	vadd.s32 $0x28, v2;
	[tilespmem:s9+$0x100] =	vst v5;
	v5 =	vld.idx.msk [tilespmem:v15+s18+$0x0], $0xffff  }
0x161: {  	s25 =	sor.u32 s12, s24;
	[tilespmem:s4+$0x100] =	vst v6;
	v6 =	vld.idx.msk [tilespmem:v16+s18+$0x0], $0xffff;
	v15 =	vadd.s32 $0x29, v7  }
0x162: {  	s11 =	sor.u32 s0, s24;
	v16 =	vadd.s32 $0x4, v4;
	v8 =	vld.idx.msk [tilespmem:v8+s18+$0x0], $0xffff;
	[tilespmem:s25+$0x0] =	vst v9  }
0x163: {  	s26 =	sadd.s32 $0x9F80, s23;
	s1 =	sor.u32 s31, s20;
	v9 =	vadd.s32 $0x4, v3;
	[tilespmem:s11+$0x0] =	vst v10;
	v10 =	vld.idx.msk [tilespmem:v11+s18+$0x0], $0xffff  }
0x164: {  	s13 =	sor.u32 s21, s26;
	[tilespmem:s1+$0x0] =	vst v12;
	v12 =	vadd.s32 $0x17, v1;
	v11 =	vld.idx.msk [tilespmem:v13+s18+$0x0], $0xffff  }
0x165: {  	v13 =	vld.idx.msk [tilespmem:v14+s18+$0x0], $0xffff;
	[tilespmem:s13+$0x0] =	vst v5;
	v5 =	vadd.s32 $0x17, v0  }
0x166: {  	s14 =	sor.u32 $0x7280, s5;
	v14 =	vadd.s32 $0x29, v2;
	[tilespmem:s9+$0x180] =	vst v6;
	v6 =	vld.idx.msk [tilespmem:v15+s18+$0x0], $0xffff  }
0x167: {  	s15 =	sor.u32 s12, s14;
	[tilespmem:s4+$0x180] =	vst v8;
	v8 =	vld.idx.msk [tilespmem:v16+s18+$0x0], $0xffff;
	v15 =	vadd.s32 $0x2A, v7  }
0x168: {  	s1 =	sor.u32 s0, s14;
	v16 =	vadd.s32 $0x5, v4;
	v9 =	vld.idx.msk [tilespmem:v9+s18+$0x0], $0xffff;
	[tilespmem:s15+$0x0] =	vst v10  }
0x169: {  	s16 =	sor.u32 $0xA000, s23;
	s11 =	sor.u32 s31, s26;
	v10 =	vadd.s32 $0x5, v3;
	[tilespmem:s1+$0x0] =	vst v11;
	v11 =	vld.idx.msk [tilespmem:v12+s18+$0x0], $0xffff  }
0x16a: {  	s17 =	sor.u32 s21, s16;
	[tilespmem:s11+$0x0] =	vst v13;
	v12 =	vadd.s32 $0x18, v1;
	v5 =	vld.idx.msk [tilespmem:v5+s18+$0x0], $0xffff  }
0x16b: {  	v13 =	vld.idx.msk [tilespmem:v14+s18+$0x0], $0xffff;
	[tilespmem:s17+$0x0] =	vst v6;
	v6 =	vadd.s32 $0x18, v0  }
0x16c: {  	s19 =	sor.u32 $0x7300, s5;
	v14 =	vadd.s32 $0x2A, v2;
	[tilespmem:s9+$0x200] =	vst v8;
	v8 =	vld.idx.msk [tilespmem:v15+s18+$0x0], $0xffff  }
0x16d: {  	s20 =	sor.u32 s12, s19;
	[tilespmem:s4+$0x200] =	vst v9;
	v9 =	vld.idx.msk [tilespmem:v16+s18+$0x0], $0xffff;
	v15 =	vadd.s32 $0x2B, v7  }
0x16e: {  	s11 =	sor.u32 s0, s19;
	v16 =	vadd.s32 $0x6, v4;
	v10 =	vld.idx.msk [tilespmem:v10+s18+$0x0], $0xffff;
	[tilespmem:s20+$0x0] =	vst v11  }
0x16f: {  	s22 =	sor.u32 $0xA080, s23;
	s1 =	sor.u32 s31, s16;
	v11 =	vadd.s32 $0x6, v3;
	[tilespmem:s11+$0x0] =	vst v5;
	v5 =	vld.idx.msk [tilespmem:v12+s18+$0x0], $0xffff  }
0x170: {  	s24 =	sor.u32 s21, s22;
	[tilespmem:s1+$0x0] =	vst v13;
	v12 =	vadd.s32 $0x19, v1;
	v6 =	vld.idx.msk [tilespmem:v6+s18+$0x0], $0xffff  }
0x171: {  	v13 =	vld.idx.msk [tilespmem:v14+s18+$0x0], $0xffff;
	[tilespmem:s24+$0x0] =	vst v8;
	v8 =	vadd.s32 $0x19, v0  }
0x172: {  	s25 =	sadd.s32 $0x7F80, s5;
	s26 =	simm.s32 $0x2;
	v14 =	vadd.s32 $0x2B, v2;
	[tilespmem:s9+$0x280] =	vst v9;
	v9 =	vld.idx.msk [tilespmem:v15+s18+$0x0], $0xffff  }
0x173: {  	s13 =	sor.u32 s12, s25;
	s9 =	sand.u32 $0x3, s26;
	[tilespmem:s4+$0x280] =	vst v10;
	v10 =	vld.idx.msk [tilespmem:v16+s18+$0x0], $0xffff;
	v15 =	vadd.s32 $0x2C, v7  }
0x174: {  	s1 =	sor.u32 s0, s25;
	s4 =	sshll.u32 s9, $0x5;
	v16 =	vadd.s32 $0x7, v4;
	v11 =	vld.idx.msk [tilespmem:v11+s18+$0x0], $0xffff;
	[tilespmem:s13+$0x0] =	vst v5  }
0x175: {  	s14 =	sor.u32 s31, s22;
	s15 =	sor.u32 $0xA100, s23;
	s4 =	sadd.s32 $0x200, s4;
	v5 =	vadd.s32 $0x7, v3;
	[tilespmem:s1+$0x0] =	vst v6;
	v6 =	vld.idx.msk [tilespmem:v12+s18+$0x0], $0xffff  }
0x176: {  	s17 =	sor.u32 s21, s15;
	s16 =	sadd.s32 $0x10, s4;
	[tilespmem:s14+$0x0] =	vst v13;
	v12 =	vadd.s32 $0x1A, v1;
	v8 =	vld.idx.msk [tilespmem:v8+s18+$0x0], $0xffff  }
0x177: {  	s19 =	sor.u32 $0x300, s16;
	v13 =	vld.idx.msk [tilespmem:v14+s18+$0x0], $0xffff;
	[tilespmem:s17+$0x0] =	vst v9;
	v9 =	vadd.s32 $0x1A, v0  }
0x178: {  	s20 =	sor.u32 $0x8000, s5;
	s4 =	sor.u32 $0x300, s4;
	v14 =	vadd.s32 $0x2C, v2;
	[tilespmem:s19+$0x4F80] =	vst v10;
	v10 =	vld.idx.msk [tilespmem:v15+s18+$0x0], $0xffff  }
0x179: {  	s22 =	sor.u32 s12, s20;
	[tilespmem:s4+$0x4F80] =	vst v11;
	v11 =	vld.idx.msk [tilespmem:v16+s18+$0x0], $0xffff;
	v15 =	vadd.s32 $0x2D, v7  }
0x17a: {  	s9 =	sor.u32 s0, s20;
	v16 =	vadd.s32 $0x8, v4;
	v5 =	vld.idx.msk [tilespmem:v5+s18+$0x0], $0xffff;
	[tilespmem:s22+$0x0] =	vst v6  }
0x17b: {  	s24 =	sor.u32 $0xA180, s23;
	s1 =	sor.u32 s31, s15;
	[tilespmem:s9+$0x0] =	vst v8;
	v8 =	vld.idx.msk [tilespmem:v12+s18+$0x0], $0xffff  }
0x17c: {  	s25 =	sor.u32 s21, s24;
	v6 =	vadd.s32 $0x8, v3;
	[tilespmem:s1+$0x0] =	vst v13;
	v9 =	vld.idx.msk [tilespmem:v9+s18+$0x0], $0xffff  }
0x17d: {  	s26 =	sor.u32 $0x380, s16;
	v12 =	vadd.s32 $0x1B, v1;
	v13 =	vld.idx.msk [tilespmem:v14+s18+$0x0], $0xffff;
	[tilespmem:s25+$0x0] =	vst v10  }
0x17e: {  	s2 =	sor.u32 s3, s2;
	[tilespmem:s26+$0x4F80] =	vst v11;
	v10 =	vadd.s32 $0x1B, v0;
	v11 =	vld.idx.msk [tilespmem:v15+s18+$0x0], $0xffff  }
0x17f: {  	s11 =	sor.u32 $0x8080, s5;
	s13 =	simm.s32 $0x4BE0;
	s9 =	sor.u32 $0x380, s2;
	v14 =	vld.idx.msk [tilespmem:v16+s18+$0x0], $0xffff;
	v15 =	vadd.s32 $0x2D, v2  }
0x180: {  	s14 =	sor.u32 s12, s11;
	[tilespmem:s9+$0x4F80] =	vst v5;
	v16 =	vadd.s32 $0x2E, v7;
	v5 =	vld [tilespmem:s13+$0x0]  }
0x181: {  	v17 =	vadd.s32 $0x9, v4;
	s1 =	sor.u32 s0, s11;
	v6 =	vld.idx.msk [tilespmem:v6+s18+$0x0], $0xffff;
	[tilespmem:s14+$0x0] =	vst v8  }
0x182: {  	s15 =	sor.u32 s31, s24;
	s16 =	sor.u32 $0xA200, s23;
	v8 =	vadd.s32 $0x9, v3;
	[tilespmem:s1+$0x0] =	vst v9;
	v9 =	vld.idx.msk [tilespmem:v12+s18+$0x0], $0xffff  }
0x183: {  	s17 =	sadd.s32 $0x5F80, s8;
	s19 =	sor.u32 s21, s16;
	[tilespmem:s15+$0x0] =	vst v13;
	v12 =	vadd.s32 $0x1C, v1;
	v10 =	vld.idx.msk [tilespmem:v10+s18+$0x0], $0xffff  }
0x184: {  	s20 =	sor.u32 s7, s17;
	v13 =	vld.idx.msk [tilespmem:v15+s18+$0x0], $0xffff;
	[tilespmem:s19+$0x0] =	vst v11;
	v11 =	vadd.s32 $0x1C, v0  }
0x185: {  	s24 =	sor.u32 $0x8100, s5;
	s22 =	sor.u32 s6, s17;
	[tilespmem:s20+$0x0] =	vst v14;
	v15 =	vadd.s32 $0x2E, v2;
	v14 =	vld.idx.msk [tilespmem:v16+s18+$0x0], $0xffff  }
0x186: {  	s25 =	sor.u32 s12, s24;
	[tilespmem:s22+$0x0] =	vst v6;
	v6 =	vld.idx.msk [tilespmem:v17+s18+$0x0], $0xffff;
	v16 =	vadd.s32 $0x2F, v7  }
0x187: {  	s3 =	sor.u32 s0, s24;
	v17 =	vadd.s32 $0xA, v4;
	v8 =	vld.idx.msk [tilespmem:v8+s18+$0x0], $0xffff;
	[tilespmem:s25+$0x0] =	vst v9  }
0x188: {  	s26 =	sor.u32 $0xA280, s23;
	s1 =	sor.u32 s31, s16;
	v9 =	vadd.s32 $0xA, v3;
	[tilespmem:s3+$0x0] =	vst v10;
	v10 =	vld.idx.msk [tilespmem:v12+s18+$0x0], $0xffff  }
0x189: {  	s9 =	sor.u32 $0x6000, s8;
	s11 =	sor.u32 s21, s26;
	v12 =	vadd.s32 $0x1D, v1;
	v11 =	vld.idx.msk [tilespmem:v11+s18+$0x0], $0xffff;
	[tilespmem:s1+$0x0] =	vst v13  }
0x18a: {  	s13 =	sor.u32 s7, s9;
	v13 =	vld.idx.msk [tilespmem:v15+s18+$0x0], $0xffff;
	[tilespmem:s11+$0x0] =	vst v14;
	v14 =	vadd.s32 $0x1D, v0  }
0x18b: {  	s14 =	sor.u32 s6, s9;
	s15 =	sor.u32 $0x8180, s5;
	[tilespmem:s13+$0x0] =	vst v6;
	v15 =	vadd.s32 $0x2F, v2;
	v6 =	vld.idx.msk [tilespmem:v16+s18+$0x0], $0xffff  }
0x18c: {  	s16 =	sor.u32 s12, s15;
	[tilespmem:s14+$0x0] =	vst v8;
	v8 =	vld.idx.msk [tilespmem:v17+s18+$0x0], $0xffff;
	v16 =	vadd.s32 $0x30, v7  }
0x18d: {  	s3 =	sor.u32 s0, s15;
	v17 =	vadd.s32 $0xB, v4;
	v9 =	vld.idx.msk [tilespmem:v9+s18+$0x0], $0xffff;
	[tilespmem:s16+$0x0] =	vst v10  }
0x18e: {  	s17 =	sor.u32 s31, s26;
	s19 =	sor.u32 $0xA300, s23;
	v10 =	vadd.s32 $0xB, v3;
	[tilespmem:s3+$0x0] =	vst v11;
	v11 =	vld.idx.msk [tilespmem:v12+s18+$0x0], $0xffff  }
0x18f: {  	s20 =	sor.u32 $0x6080, s8;
	s22 =	sor.u32 s21, s19;
	v12 =	vld.idx.msk [tilespmem:v14+s18+$0x0], $0xffff;
	[tilespmem:s17+$0x0] =	vst v13;
	v13 =	vadd.s32 $0x1E, v1  }
0x190: {  	s24 =	sor.u32 s7, s20;
	v14 =	vld.idx.msk [tilespmem:v15+s18+$0x0], $0xffff;
	[tilespmem:s22+$0x0] =	vst v6;
	v6 =	vadd.s32 $0x1E, v0  }
0x191: {  	s26 =	sor.u32 $0x8200, s5;
	s25 =	sor.u32 s6, s20;
	[tilespmem:s24+$0x0] =	vst v8;
	v15 =	vadd.s32 $0x30, v2;
	v8 =	vld.idx.msk [tilespmem:v16+s18+$0x0], $0xffff  }
0x192: {  	s4 =	sor.u32 s12, s26;
	[tilespmem:s25+$0x0] =	vst v9;
	v9 =	vld.idx.msk [tilespmem:v17+s18+$0x0], $0xffff;
	v16 =	vadd.s32 $0x31, v7  }
0x193: {  	s3 =	sor.u32 s0, s26;
	v17 =	vadd.s32 $0xC, v4;
	v10 =	vld.idx.msk [tilespmem:v10+s18+$0x0], $0xffff;
	[tilespmem:s4+$0x0] =	vst v11  }
0x194: {  	s9 =	sor.u32 s31, s19;
	s11 =	sadd.s32 $0xAF80, s23;
	v11 =	vadd.s32 $0xC, v3;
	[tilespmem:s3+$0x0] =	vst v12;
	v12 =	vld.idx.msk [tilespmem:v13+s18+$0x0], $0xffff  }
0x195: {  	s13 =	sor.u32 $0x6100, s8;
	s14 =	sor.u32 s21, s11;
	v13 =	vadd.s32 $0x1F, v1;
	v6 =	vld.idx.msk [tilespmem:v6+s18+$0x0], $0xffff;
	[tilespmem:s9+$0x0] =	vst v14  }
0x196: {  	s15 =	sor.u32 s7, s13;
	v14 =	vld.idx.msk [tilespmem:v15+s18+$0x0], $0xffff;
	[tilespmem:s14+$0x0] =	vst v8;
	v8 =	vadd.s32 $0x1F, v0  }
0x197: {  	s16 =	sor.u32 s6, s13;
	s17 =	sor.u32 $0x8280, s5;
	[tilespmem:s15+$0x0] =	vst v9;
	v15 =	vadd.s32 $0x31, v2;
	v9 =	vld.idx.msk [tilespmem:v16+s18+$0x0], $0xffff  }
0x198: {  	s19 =	sor.u32 s12, s17;
	[tilespmem:s16+$0x0] =	vst v10;
	v10 =	vld.idx.msk [tilespmem:v17+s18+$0x0], $0xffff;
	v16 =	vadd.s32 $0x32, v7  }
0x199: {  	s3 =	sor.u32 s0, s17;
	v17 =	vadd.s32 $0xD, v4;
	v11 =	vld.idx.msk [tilespmem:v11+s18+$0x0], $0xffff;
	[tilespmem:s19+$0x0] =	vst v12  }
0x19a: {  	s20 =	sor.u32 s31, s11;
	s22 =	sor.u32 $0xB000, s23;
	v12 =	vadd.s32 $0xD, v3;
	[tilespmem:s3+$0x0] =	vst v6;
	v6 =	vld.idx.msk [tilespmem:v13+s18+$0x0], $0xffff  }
0x19b: {  	s24 =	sor.u32 $0x6180, s8;
	s25 =	sor.u32 s21, s22;
	v13 =	vadd.s32 $0x20, v1;
	v8 =	vld.idx.msk [tilespmem:v8+s18+$0x0], $0xffff;
	[tilespmem:s20+$0x0] =	vst v14  }
0x19c: {  	s26 =	sor.u32 s7, s24;
	v14 =	vld.idx.msk [tilespmem:v15+s18+$0x0], $0xffff;
	[tilespmem:s25+$0x0] =	vst v9;
	v9 =	vadd.s32 $0x20, v0  }
0x19d: {  	s9 =	sor.u32 $0x8300, s5;
	s3 =	sor.u32 s6, s24;
	[tilespmem:s26+$0x0] =	vst v10;
	v15 =	vadd.s32 $0x32, v2;
	v10 =	vld.idx.msk [tilespmem:v16+s18+$0x0], $0xffff  }
0x19e: {  	s11 =	sor.u32 s12, s9;
	[tilespmem:s3+$0x0] =	vst v11;
	v11 =	vld.idx.msk [tilespmem:v17+s18+$0x0], $0xffff;
	v16 =	vadd.s32 $0x33, v7  }
0x19f: {  	s3 =	sor.u32 s0, s9;
	v17 =	vadd.s32 $0xE, v4;
	v12 =	vld.idx.msk [tilespmem:v12+s18+$0x0], $0xffff;
	[tilespmem:s11+$0x0] =	vst v6  }
0x1a0: {  	s13 =	sor.u32 s31, s22;
	s14 =	sor.u32 $0xB080, s23;
	v6 =	vadd.s32 $0xE, v3;
	[tilespmem:s3+$0x0] =	vst v8;
	v8 =	vld.idx.msk [tilespmem:v13+s18+$0x0], $0xffff  }
0x1a1: {  	s15 =	sor.u32 $0x6200, s8;
	s16 =	sor.u32 s21, s14;
	v13 =	vadd.s32 $0x21, v1;
	v9 =	vld.idx.msk [tilespmem:v9+s18+$0x0], $0xffff;
	[tilespmem:s13+$0x0] =	vst v14  }
0x1a2: {  	s17 =	sor.u32 s7, s15;
	v14 =	vld.idx.msk [tilespmem:v15+s18+$0x0], $0xffff;
	[tilespmem:s16+$0x0] =	vst v10;
	v10 =	vadd.s32 $0x21, v0  }
0x1a3: {  	s19 =	sor.u32 s6, s15;
	s20 =	sadd.s32 $0x8F80, s5;
	[tilespmem:s17+$0x0] =	vst v11;
	v15 =	vadd.s32 $0x33, v2;
	v11 =	vld.idx.msk [tilespmem:v16+s18+$0x0], $0xffff  }
0x1a4: {  	s22 =	sor.u32 s12, s20;
	[tilespmem:s19+$0x0] =	vst v12;
	v12 =	vld.idx.msk [tilespmem:v17+s18+$0x0], $0xffff;
	v16 =	vadd.s32 $0x34, v7  }
0x1a5: {  	s3 =	sor.u32 s0, s20;
	v17 =	vadd.s32 $0xF, v4;
	v6 =	vld.idx.msk [tilespmem:v6+s18+$0x0], $0xffff;
	[tilespmem:s22+$0x0] =	vst v8  }
0x1a6: {  	s24 =	sor.u32 s31, s14;
	s25 =	sor.u32 $0xB100, s23;
	v8 =	vadd.s32 $0xF, v3;
	[tilespmem:s3+$0x0] =	vst v9;
	v9 =	vld.idx.msk [tilespmem:v13+s18+$0x0], $0xffff  }
0x1a7: {  	s26 =	sor.u32 $0x6280, s8;
	s4 =	sor.u32 s21, s25;
	v13 =	vadd.s32 $0x22, v1;
	v10 =	vld.idx.msk [tilespmem:v10+s18+$0x0], $0xffff;
	[tilespmem:s24+$0x0] =	vst v14  }
0x1a8: {  	s9 =	sor.u32 s7, s26;
	v14 =	vld.idx.msk [tilespmem:v15+s18+$0x0], $0xffff;
	[tilespmem:s4+$0x0] =	vst v11;
	v11 =	vadd.s32 $0x22, v0  }
0x1a9: {  	s11 =	sor.u32 s6, s26;
	s13 =	sor.u32 $0x9000, s5;
	[tilespmem:s9+$0x0] =	vst v12;
	v15 =	vadd.s32 $0x34, v2;
	v12 =	vld.idx.msk [tilespmem:v16+s18+$0x0], $0xffff  }
0x1aa: {  	s14 =	sor.u32 s12, s13;
	[tilespmem:s11+$0x0] =	vst v6;
	v6 =	vld.idx.msk [tilespmem:v17+s18+$0x0], $0xffff;
	v16 =	vadd.s32 $0x35, v7  }
0x1ab: {  	s3 =	sor.u32 s0, s13;
	v17 =	vadd.s32 $0x10, v4;
	v8 =	vld.idx.msk [tilespmem:v8+s18+$0x0], $0xffff;
	[tilespmem:s14+$0x0] =	vst v9  }
0x1ac: {  	s15 =	sor.u32 s31, s25;
	v9 =	vadd.s32 $0x10, v3;
	[tilespmem:s3+$0x0] =	vst v10;
	v10 =	vld.idx.msk [tilespmem:v13+s18+$0x0], $0xffff;
	s3 =	sor.u32 $0xB180, s23  }
0x1ad: {  	s16 =	sor.u32 $0x6300, s8;
	v11 =	vld.idx.msk [tilespmem:v11+s18+$0x0], $0xffff;
	[tilespmem:s15+$0x0] =	vst v14;
	s17 =	sor.u32 s21, s3  }
0x1ae: {  	s2 =	simm.s32 $0x60;
	s19 =	sor.u32 s7, s16;
	v13 =	vadd.s32 $0x23, v1;
	v14 =	vld.idx.msk [tilespmem:v15+s18+$0x0], $0xffff;
	[tilespmem:s17+$0x0] =	vst v12  }
0x1af: {  	s20 =	sor.u32 s6, s16;
	s22 =	sor.u32 $0x9080, s5;
	s11 =	sand.u32 $0x60, s2;
	v12 =	vadd.s32 $0x23, v0;
	[tilespmem:s19+$0x0] =	vst v6;
	v6 =	vld.idx.msk [tilespmem:v16+s18+$0x0], $0xffff  }
0x1b0: {  	s25 =	sand.u32 $0x180, s2;
	s24 =	sor.u32 s12, s22;
	s14 =	sor.u32 $0x10, s11;
	v15 =	vadd.s32 $0x36, v7;
	[tilespmem:s20+$0x0] =	vst v8;
	v8 =	vld.idx.msk [tilespmem:v17+s18+$0x0], $0xffff  }
0x1b1: {  	s4 =	sor.u32 s0, s22;
	s1 =	sor.u32 s14, s25;
	v16 =	vadd.s32 $0x11, v4;
	v9 =	vld.idx.msk [tilespmem:v9+s18+$0x0], $0xffff;
	[tilespmem:s24+$0x0] =	vst v10  }
0x1b2: {  	v17 =	vld [tilespmem:s1+$0x4B80];
	v10 =	vadd.s32 $0x11, v3;
	[tilespmem:s4+$0x0] =	vst v11;
	s4 =	sor.u32 $0xB200, s23  }
0x1b3: {  	s26 =	sadd.s32 $0x6F80, s8;
	v11 =	vld.idx.msk [tilespmem:v13+s18+$0x0], $0xffff;
	v13 =	vadd.s32 $0x35, v2;
	s15 =	sor.u32 s21, s4  }
0x1b4: {  	v18 =	vadd.s32 $0x24, v1;
	s16 =	sor.u32 s7, s26;
	v12 =	vld.idx.msk [tilespmem:v12+s18+$0x0], $0xffff;
	[tilespmem:s15+$0x0] =	vst v6  }
0x1b5: {  	s9 =	sor.u32 s6, s26;
	v6 =	vmul.u32 $0x41, v5;
	[tilespmem:s16+$0x0] =	vst v8;
	v5 =	vadd.s32 $0x24, v0;
	v8 =	vld.idx.msk [tilespmem:v15+s18+$0x0], $0xffff  }
0x1b6: {  	s17 =	sor.u32 s31, s3;
	s19 =	sor.u32 $0x9100, s5;
	[tilespmem:s9+$0x0] =	vst v9;
	v9 =	vld.idx.msk [tilespmem:v16+s18+$0x0], $0xffff  }
0x1b7: {  	s20 =	sor.u32 s12, s19;
	[tilespmem:s17+$0x0] =	vst v14;
	v14 =	vadd.s32 $0x37, v7;
	v10 =	vld.idx.msk [tilespmem:v10+s18+$0x0], $0xffff  }
0x1b8: {  	s3 =	sor.u32 s0, s19;
	v15 =	vadd.s32 $0x12, v4;
	[tilespmem:s20+$0x0] =	vst v11;
	v11 =	vld.idx.msk [tilespmem:v13+s18+$0x0], $0xffff  }
0x1b9: {  	s22 =	sor.u32 $0xB280, s23;
	v13 =	vadd.s32 $0x12, v3;
	[tilespmem:s3+$0x0] =	vst v12;
	v12 =	vld.idx.msk [tilespmem:v18+s18+$0x0], $0xffff  }
0x1ba: {  	s25 =	sor.u32 s21, s22;
	s24 =	sor.u32 $0x7000, s8;
	v18 =	vadd.s32 $0x36, v2;
	v16 =	vld.idx.msk [tilespmem:v5+s18+$0x0], $0xffff  }
0x1bb: {  	s26 =	sor.u32 s7, s24;
	v5 =	vmul.u32 $0x41, v17;
	v17 =	vadd.s32 $0x25, v1;
	v19 =	vld.idx.msk [tilespmem:v6+s18+$0x0], $0xffff;
	[tilespmem:s25+$0x0] =	vst v8  }
0x1bc: {  	s3 =	sor.u32 s6, s24;
	[tilespmem:s26+$0x0] =	vst v9;
	v8 =	vld.idx.msk [tilespmem:v14+s18+$0x0], $0xffff  }
0x1bd: {  	s13 =	sor.u32 $0x9180, s5;
	s4 =	sor.u32 s31, s4;
	[tilespmem:s3+$0x0] =	vst v10;
	v9 =	vld.idx.msk [tilespmem:v15+s18+$0x0], $0xffff;
	v10 =	vadd.s32 $0x25, v0  }
0x1be: {  	s15 =	sor.u32 s12, s13;
	v13 =	vld.idx.msk [tilespmem:v13+s18+$0x0], $0xffff;
	[tilespmem:s4+$0x0] =	vst v11;
	v11 =	vadd.s32 $0x38, v7  }
0x1bf: {  	s16 =	sor.u32 s0, s13;
	v14 =	vadd.s32 $0x13, v4;
	s3 =	sor.u32 $0xB300, s23;
	[tilespmem:s15+$0x0] =	vst v12;
	v12 =	vld.idx.msk [tilespmem:v18+s18+$0x0], $0xffff  }
0x1c0: {  	s17 =	sor.u32 $0x7080, s8;
	v15 =	vadd.s32 $0x13, v3;
	s19 =	sor.u32 s21, s3;
	v17 =	vld.idx.msk [tilespmem:v17+s18+$0x0], $0xffff;
	[tilespmem:s16+$0x0] =	vst v16  }
0x1c1: {  	s20 =	sor.u32 s7, s17;
	v18 =	vadd.s32 $0x37, v2;
	v16 =	vld.idx.msk [tilespmem:v5+s18+$0x0], $0xffff;
	[tilespmem:s19+$0x0] =	vst v8  }
0x1c2: {  	v20 =	vadd.s32 $0x26, v1;
	s4 =	sor.u32 s6, s17;
	v10 =	vld.idx.msk [tilespmem:v10+s18+$0x0], $0xffff;
	[tilespmem:s20+$0x0] =	vst v9;
	s19 =	simm.s32 $0x300  }
0x1c3: {  	s1 =	sor.u32 s31, s22;
	s24 =	sor.u32 $0x9200, s5;
	v21 =	vadd.s32 $0x1, v5;
	v9 =	vld.idx.msk [tilespmem:v11+s18+$0x0], $0xffff;
	s22 =	sand.u32 $0xC00, s19;
	[tilespmem:s4+$0x0] =	vst v13  }
0x1c4: {  	s16 =	sor.u32 s12, s24;
	v11 =	vadd.s32 $0x1, v6;
	v13 =	vld.idx.msk [tilespmem:v14+s18+$0x0], $0xffff;
	s15 =	sadd.s32 $0x4F80, s22;
	[tilespmem:s1+$0x0] =	vst v12  }
0x1c5: {  	s17 =	smov.u32 s14;
	v14 =	vld.idx.msk [tilespmem:v15+s18+$0x0], $0xffff;
	v12 =	vadd.s32 $0x39, v7;
	s14 =	sor.u32 s14, s15;
	[tilespmem:s16+$0x0] =	vst v17  }
0x1c6: {  	s4 =	sadd.s32 $0xBF80, s23;
	v15 =	vadd.s32 $0x14, v4;
	v8 =	vld.idx.msk [tilespmem:v18+s18+$0x0], $0xffff;
	s13 =	sor.u32 s11, s15;
	[tilespmem:s14+$0x0] =	vst v16  }
0x1c7: {  	s20 =	sor.u32 $0x7100, s8;
	s15 =	sor.u32 s21, s4;
	v16 =	vadd.s32 $0x14, v3;
	v17 =	vld.idx.msk [tilespmem:v20+s18+$0x0], $0xffff;
	[tilespmem:s13+$0x0] =	vst v19  }
0x1c8: {  	s16 =	sor.u32 s7, s20;
	v19 =	vadd.s32 $0x26, v0;
	v18 =	vld.idx.msk [tilespmem:v21+s18+$0x0], $0xffff;
	[tilespmem:s15+$0x0] =	vst v9  }
0x1c9: {  	s1 =	sor.u32 s6, s20;
	v20 =	vadd.s32 $0x27, v1;
	v11 =	vld.idx.msk [tilespmem:v11+s18+$0x0], $0xffff;
	[tilespmem:s16+$0x0] =	vst v13  }
0x1ca: {  	s9 =	sor.u32 s0, s24;
	v9 =	vadd.s32 $0x2, v5;
	v12 =	vld.idx.msk [tilespmem:v12+s18+$0x0], $0xffff;
	[tilespmem:s1+$0x0] =	vst v14;
	s1 =	sor.u32 $0x9280, s5  }
0x1cb: {  	s25 =	smov.u32 s22;
	[tilespmem:s9+$0x0] =	vst v10;
	v13 =	vadd.s32 $0x2, v6;
	v14 =	vld.idx.msk [tilespmem:v15+s18+$0x0], $0xffff;
	s22 =	sor.u32 s12, s1  }
0x1cc: {  	v10 =	vadd.s32 $0x3A, v7;
	v15 =	vld.idx.msk [tilespmem:v16+s18+$0x0], $0xffff;
	[tilespmem:s22+$0x0] =	vst v17  }
0x1cd: {  	s9 =	sor.u32 $0xC000, s23;
	v16 =	vadd.s32 $0x15, v4;
	v19 =	vld.idx.msk [tilespmem:v19+s18+$0x0], $0xffff;
	[tilespmem:s14+$0x80] =	vst v18  }
0x1ce: {  	s26 =	smov.u32 s11;
	s24 =	sor.u32 $0x7180, s8;
	s11 =	sor.u32 s21, s9;
	v17 =	vadd.s32 $0x15, v3;
	v18 =	vld.idx.msk [tilespmem:v20+s18+$0x0], $0xffff;
	[tilespmem:s13+$0x80] =	vst v11  }
0x1cf: {  	s20 =	sor.u32 s7, s24;
	v9 =	vld.idx.msk [tilespmem:v9+s18+$0x0], $0xffff;
	v11 =	vadd.s32 $0x27, v0;
	[tilespmem:s11+$0x0] =	vst v12  }
0x1d0: {  	s15 =	sor.u32 s6, s24;
	v20 =	vadd.s32 $0x28, v1;
	v13 =	vld.idx.msk [tilespmem:v13+s18+$0x0], $0xffff;
	[tilespmem:s20+$0x0] =	vst v14  }
0x1d1: {  	s16 =	sor.u32 $0x9300, s5;
	s1 =	sor.u32 s0, s1;
	v12 =	vadd.s32 $0x3, v5;
	v10 =	vld.idx.msk [tilespmem:v10+s18+$0x0], $0xffff;
	[tilespmem:s15+$0x0] =	vst v15  }
0x1d2: {  	s22 =	sor.u32 s12, s16;
	v14 =	vadd.s32 $0x3, v6;
	v15 =	vld.idx.msk [tilespmem:v16+s18+$0x0], $0xffff;
	[tilespmem:s1+$0x0] =	vst v19  }
0x1d3: {  	v16 =	vld.idx.msk [tilespmem:v17+s18+$0x0], $0xffff;
	v17 =	vadd.s32 $0x3B, v7;
	[tilespmem:s22+$0x0] =	vst v18  }
0x1d4: {  	v19 =	vadd.s32 $0x16, v4;
	s15 =	sor.u32 $0xC080, s23;
	v11 =	vld.idx.msk [tilespmem:v11+s18+$0x0], $0xffff;
	[tilespmem:s14+$0x100] =	vst v9  }
0x1d5: {  	s24 =	sor.u32 $0x7200, s8;
	s11 =	sor.u32 s21, s15;
	v9 =	vadd.s32 $0x16, v3;
	v18 =	vld.idx.msk [tilespmem:v20+s18+$0x0], $0xffff;
	[tilespmem:s13+$0x100] =	vst v13  }
0x1d6: {  	s22 =	sor.u32 s7, s24;
	v12 =	vld.idx.msk [tilespmem:v12+s18+$0x0], $0xffff;
	v13 =	vadd.s32 $0x28, v0;
	[tilespmem:s11+$0x0] =	vst v10  }
0x1d7: {  	s1 =	sor.u32 s6, s24;
	v20 =	vadd.s32 $0x29, v1;
	v14 =	vld.idx.msk [tilespmem:v14+s18+$0x0], $0xffff;
	[tilespmem:s22+$0x0] =	vst v15  }
0x1d8: {  	s16 =	sor.u32 s0, s16;
	v10 =	vadd.s32 $0x4, v5;
	v15 =	vld.idx.msk [tilespmem:v17+s18+$0x0], $0xffff;
	[tilespmem:s1+$0x0] =	vst v16;
	s1 =	sadd.s32 $0x9F80, s5  }
0x1d9: {  	v17 =	vadd.s32 $0x4, v6;
	v16 =	vld.idx.msk [tilespmem:v19+s18+$0x0], $0xffff;
	[tilespmem:s16+$0x0] =	vst v11;
	s24 =	sor.u32 s12, s1  }
0x1da: {  	v9 =	vld.idx.msk [tilespmem:v9+s18+$0x0], $0xffff;
	v11 =	vadd.s32 $0x3C, v7;
	[tilespmem:s24+$0x0] =	vst v18  }
0x1db: {  	v19 =	vadd.s32 $0x17, v4;
	s16 =	sor.u32 $0xC100, s23;
	v13 =	vld.idx.msk [tilespmem:v13+s18+$0x0], $0xffff;
	[tilespmem:s14+$0x180] =	vst v12  }
0x1dc: {  	s20 =	sor.u32 $0x7280, s8;
	v12 =	vadd.s32 $0x17, v3;
	s11 =	sor.u32 s21, s16;
	v18 =	vld.idx.msk [tilespmem:v20+s18+$0x0], $0xffff;
	[tilespmem:s13+$0x180] =	vst v14  }
0x1dd: {  	s24 =	sor.u32 s7, s20;
	v10 =	vld.idx.msk [tilespmem:v10+s18+$0x0], $0xffff;
	v14 =	vadd.s32 $0x29, v0;
	[tilespmem:s11+$0x0] =	vst v15  }
0x1de: {  	s20 =	sor.u32 s6, s20;
	v20 =	vadd.s32 $0x2A, v1;
	v17 =	vld.idx.msk [tilespmem:v17+s18+$0x0], $0xffff;
	[tilespmem:s24+$0x0] =	vst v16  }
0x1df: {  	s1 =	sor.u32 s0, s1;
	v15 =	vadd.s32 $0x5, v5;
	v11 =	vld.idx.msk [tilespmem:v11+s18+$0x0], $0xffff;
	[tilespmem:s20+$0x0] =	vst v9;
	s20 =	sor.u32 $0xA000, s5  }
0x1e0: {  	v16 =	vadd.s32 $0x5, v6;
	v9 =	vld.idx.msk [tilespmem:v19+s18+$0x0], $0xffff;
	[tilespmem:s1+$0x0] =	vst v13;
	s24 =	sor.u32 s12, s20  }
0x1e1: {  	v12 =	vld.idx.msk [tilespmem:v12+s18+$0x0], $0xffff;
	v13 =	vadd.s32 $0x3D, v7;
	[tilespmem:s24+$0x0] =	vst v18  }
0x1e2: {  	s22 =	sor.u32 $0xC180, s23;
	v19 =	vadd.s32 $0x18, v4;
	v14 =	vld.idx.msk [tilespmem:v14+s18+$0x0], $0xffff;
	[tilespmem:s14+$0x200] =	vst v10  }
0x1e3: {  	s11 =	sor.u32 s21, s22;
	s1 =	sor.u32 $0x7300, s8;
	v10 =	vadd.s32 $0x18, v3;
	v18 =	vld.idx.msk [tilespmem:v20+s18+$0x0], $0xffff;
	[tilespmem:s13+$0x200] =	vst v17  }
0x1e4: {  	v15 =	vld.idx.msk [tilespmem:v15+s18+$0x0], $0xffff;
	v17 =	vadd.s32 $0x2A, v0;
	[tilespmem:s11+$0x0] =	vst v11;
	s11 =	sor.u32 s7, s1  }
0x1e5: {  	v16 =	vld.idx.msk [tilespmem:v16+s18+$0x0], $0xffff;
	v11 =	vadd.s32 $0x2B, v1;
	s1 =	sor.u32 s6, s1;
	[tilespmem:s11+$0x0] =	vst v9  }
0x1e6: {  	s20 =	sor.u32 s0, s20;
	s24 =	sor.u32 $0xA080, s5;
	v20 =	vadd.s32 $0x6, v5;
	v9 =	vld.idx.msk [tilespmem:v13+s18+$0x0], $0xffff;
	[tilespmem:s1+$0x0] =	vst v12  }
0x1e7: {  	v12 =	vld.idx.msk [tilespmem:v19+s18+$0x0], $0xffff;
	[tilespmem:s20+$0x0] =	vst v14;
	s20 =	sor.u32 s12, s24  }
0x1e8: {  	v13 =	vadd.s32 $0x6, v6;
	v10 =	vld.idx.msk [tilespmem:v10+s18+$0x0], $0xffff;
	[tilespmem:s20+$0x0] =	vst v18  }
0x1e9: {  	s1 =	sor.u32 $0xC200, s23;
	v14 =	vadd.s32 $0x3E, v7;
	v17 =	vld.idx.msk [tilespmem:v17+s18+$0x0], $0xffff;
	[tilespmem:s14+$0x280] =	vst v15  }
0x1ea: {  	v19 =	vadd.s32 $0x19, v4;
	s11 =	sor.u32 s21, s1;
	s14 =	simm.s32 $0x3;
	v11 =	vld.idx.msk [tilespmem:v11+s18+$0x0], $0xffff;
	[tilespmem:s13+$0x280] =	vst v16;
	s13 =	sadd.s32 $0x7F80, s8  }
0x1eb: {  	v15 =	vadd.s32 $0x19, v3;
	v16 =	vld.idx.msk [tilespmem:v20+s18+$0x0], $0xffff;
	[tilespmem:s11+$0x0] =	vst v9;
	s11 =	sand.u32 $0x3, s14;
	s29 =	sor.u32 s7, s13  }
0x1ec: {  	v18 =	vadd.s32 $0x2B, v0;
	s13 =	sor.u32 s6, s13;
	[tilespmem:s29+$0x0] =	vst v12;
	s20 =	sshll.u32 s11, $0x5  }
0x1ed: {  	s28 =	sor.u32 $0xA100, s5;
	s24 =	sor.u32 s0, s24;
	v9 =	vld.idx.msk [tilespmem:v13+s18+$0x0], $0xffff;
	v13 =	vadd.s32 $0x2C, v1;
	[tilespmem:s13+$0x0] =	vst v10;
	s20 =	sadd.s32 $0x300, s20  }
0x1ee: {  	v12 =	vadd.s32 $0x7, v5;
	v14 =	vld.idx.msk [tilespmem:v14+s18+$0x0], $0xffff;
	s11 =	sor.u32 s12, s28;
	[tilespmem:s24+$0x0] =	vst v17;
	s24 =	sadd.s32 $0x10, s20  }
0x1ef: {  	v20 =	vadd.s32 $0x7, v6;
	v10 =	vld.idx.msk [tilespmem:v19+s18+$0x0], $0xffff;
	[tilespmem:s11+$0x0] =	vst v11;
	s11 =	sor.u32 $0x300, s24  }
0x1f0: {  	s10 =	smin.u32 s10, $0x61;
	v7 =	vadd.s32 $0x3F, v7;
	v15 =	vld.idx.msk [tilespmem:v15+s18+$0x0], $0xffff;
	[tilespmem:s11+$0x4F80] =	vst v16  }
0x1f1: {  	v11 =	vadd.s32 $0x1A, v4;
	v17 =	vld.idx.msk [tilespmem:v18+s18+$0x0], $0xffff;
	[dreg:$0x12] =	wrdreg s10  }
0x1f2: {  	s20 =	sor.u32 $0x300, s20;
	v16 =	vadd.s32 $0x1A, v3;
	s10 =	sor.u32 $0xC280, s23;
	v13 =	vld.idx.msk [tilespmem:v13+s18+$0x0], $0xffff  }
0x1f3: {  	s30 =	sor.u32 s31, s3;
	v18 =	vadd.s32 $0x2C, v0;
	[tilespmem:s20+$0x4F80] =	vst v9;
	v9 =	vld.idx.msk [tilespmem:v12+s18+$0x0], $0xffff;
	s20 =	sor.u32 $0x8000, s8;
	s29 =	sor.u32 s21, s10  }
0x1f4: {  	s3 =	sor.u32 s31, s16;
	v19 =	vadd.s32 $0x2D, v1;
	s11 =	sor.u32 s19, s2;
	[tilespmem:s29+$0x0] =	vst v14;
	v14 =	vld.idx.msk [tilespmem:v20+s18+$0x0], $0xffff;
	s13 =	sor.u32 s7, s20  }
0x1f5: {  	s11 =	sor.u32 $0x380, s11;
	[tilespmem:s13+$0x0] =	vst v10;
	s13 =	sor.u32 s31, s9;
	s9 =	sor.u32 s6, s20;
	v10 =	vadd.s32 $0x8, v5;
	v7 =	vld.idx.msk [tilespmem:v7+s18+$0x0], $0xffff  }
0x1f6: {  	v20 =	vadd.s32 $0x8, v6;
	s20 =	sor.u32 s31, s15;
	s15 =	sor.u32 s0, s28;
	s28 =	sor.u32 $0xA180, s5;
	[tilespmem:s9+$0x0] =	vst v15;
	v11 =	vld.idx.msk [tilespmem:v11+s18+$0x0], $0xffff  }
0x1f7: {  	s29 =	sor.u32 s31, s4;
	s4 =	sor.u32 s31, s1;
	[tilespmem:s15+$0x0] =	vst v17;
	s16 =	sor.u32 s12, s28;
	v12 =	vld.idx.msk [tilespmem:v16+s18+$0x0], $0xffff  }
0x1f8: {  	s9 =	sor.u32 s31, s22;
	s15 =	sor.u32 s31, s10;
	s22 =	sor.u32 $0x380, s24;
	[tilespmem:s16+$0x0] =	vst v13;
	v13 =	vld.idx.msk [tilespmem:v18+s18+$0x0], $0xffff  }
0x1f9: {  	s1 =	sor.u32 s0, s28;
	s24 =	sor.u32 $0xC300, s23;
	s23 =	simm.s32 $0x6;
	[tilespmem:s22+$0x4F80] =	vst v9;
	v9 =	vld.idx.msk [tilespmem:v19+s18+$0x0], $0xffff  }
0x1fa: {  	v17 =	vadd.s32 $0x1B, v4;
	s28 =	sor.u32 s31, s24;
	s10 =	sor.u32 s21, s24;
	s31 =	sor.u32 $0x8080, s8;
	[tilespmem:s11+$0x4F80] =	vst v14;
	v10 =	vld.idx.msk [tilespmem:v10+s18+$0x0], $0xffff  }
0x1fb: {  	v15 =	vadd.s32 $0x2D, v0;
	v16 =	vadd.s32 $0x2E, v1;
	s21 =	simm.s32 $0x4C00;
	v18 =	vadd.s32 $0x1B, v3;
	s16 =	sor.u32 s6, s31;
	s22 =	sor.u32 s7, s31;
	v14 =	vld.idx.msk [tilespmem:v20+s18+$0x0], $0xffff;
	[tilespmem:s10+$0x0] =	vst v7  }
.LBB2_8:
0x1fc: {  	_ =	sdelay $0x1  }
0x1fd: {  	v7 =	vld [tilespmem:s21+$0x0];
	s24 =	smov.u32 s0;
	s0 =	smov.u32 s6;
	[tilespmem:s22+$0x0] =	vst v11  }
0x1fe: {  	v19 =	vadd.s32 $0x9, v5;
	s6 =	smov.u32 s26;
	s10 =	sor.u32 $0xA200, s5;
	[tilespmem:s16+$0x0] =	vst v12;
	s22 =	smov.u32 s12;
	v12 =	vld.idx.msk [tilespmem:v17+s18+$0x0], $0xffff  }
0x1ff: {  	s26 =	sadd.s32 $0x5F80, s25;
	v11 =	vadd.s32 $0x9, v6;
	v17 =	vld.idx.msk [tilespmem:v18+s18+$0x0], $0xffff;
	[tilespmem:s1+$0x0] =	vst v13;
	s1 =	sor.u32 s24, s10;
	s10 =	sor.u32 s22, s10  }
0x200: {  	s31 =	sor.u32 s17, s26;
	v13 =	vadd.s32 $0x38, v2;
	[tilespmem:s10+$0x0] =	vst v9  }
0x201: {  	v18 =	vadd.s32 $0x1C, v4;
	v15 =	vld.idx.msk [tilespmem:v15+s18+$0x0], $0xffff;
	[tilespmem:s31+$0x0] =	vst v10  }
0x202: {  	s11 =	sor.u32 s6, s26;
	v9 =	vadd.s32 $0x1C, v3;
	v10 =	vld.idx.msk [tilespmem:v16+s18+$0x0], $0xffff  }
0x203: {  	s12 =	smov.u32 s7;
	[tilespmem:s11+$0x0] =	vst v14;
	s11 =	sor.u32 $0x8100, s8;
	v14 =	vld.idx.msk [tilespmem:v19+s18+$0x0], $0xffff  }
0x204: {  	s10 =	sor.u32 s12, s11;
	v16 =	vadd.s32 $0x2E, v0;
	v11 =	vld.idx.msk [tilespmem:v11+s18+$0x0], $0xffff;
	[tilespmem:s30+$0x0] =	vst v8  }
0x205: {  	s7 =	smov.u32 s17;
	s17 =	sor.u32 s0, s11;
	v19 =	vadd.s32 $0x2F, v1;
	[tilespmem:s10+$0x0] =	vst v12;
	v12 =	vld.idx.msk [tilespmem:v13+s18+$0x0], $0xffff  }
0x206: {  	s16 =	smov.u32 s25;
	s25 =	sor.u32 $0xA280, s5;
	v13 =	vadd.s32 $0xA, v6;
	[tilespmem:s17+$0x0] =	vst v17;
	v17 =	vld.idx.msk [tilespmem:v18+s18+$0x0], $0xffff  }
0x207: {  	s26 =	sor.u32 $0x6000, s16;
	v8 =	vadd.s32 $0xA, v5;
	s10 =	sor.u32 s22, s25;
	v9 =	vld.idx.msk [tilespmem:v9+s18+$0x0], $0xffff;
	[tilespmem:s1+$0x0] =	vst v15  }
0x208: {  	s11 =	sor.u32 s7, s26;
	v15 =	vadd.s32 $0x39, v2;
	[tilespmem:s10+$0x0] =	vst v10  }
0x209: {  	s31 =	sor.u32 s6, s26;
	v16 =	vld.idx.msk [tilespmem:v16+s18+$0x0], $0xffff;
	v10 =	vadd.s32 $0x1D, v3;
	[tilespmem:s11+$0x0] =	vst v14  }
0x20a: {  	v18 =	vadd.s32 $0x1D, v4;
	[tilespmem:s31+$0x0] =	vst v11;
	s11 =	sor.u32 $0x8180, s8;
	v14 =	vld.idx.msk [tilespmem:v19+s18+$0x0], $0xffff  }
0x20b: {  	v11 =	vadd.s32 $0x2F, v0;
	v13 =	vld.idx.msk [tilespmem:v13+s18+$0x0], $0xffff;
	s10 =	sor.u32 s12, s11;
	[tilespmem:s29+$0x0] =	vst v12  }
0x20c: {  	v8 =	vld.idx.msk [tilespmem:v8+s18+$0x0], $0xffff;
	s17 =	sor.u32 s0, s11;
	[tilespmem:s10+$0x0] =	vst v17;
	v17 =	vadd.s32 $0xB, v6  }
0x20d: {  	s1 =	sor.u32 s24, s25;
	s25 =	sor.u32 $0xA300, s5;
	v19 =	vadd.s32 $0x30, v1;
	v15 =	vld.idx.msk [tilespmem:v15+s18+$0x0], $0xffff;
	[tilespmem:s17+$0x0] =	vst v9  }
0x20e: {  	s26 =	sor.u32 $0x6080, s16;
	v12 =	vadd.s32 $0xB, v5;
	s10 =	sor.u32 s22, s25;
	v10 =	vld.idx.msk [tilespmem:v10+s18+$0x0], $0xffff;
	[tilespmem:s1+$0x0] =	vst v16  }
0x20f: {  	s31 =	sor.u32 s6, s26;
	v9 =	vld.idx.msk [tilespmem:v18+s18+$0x0], $0xffff;
	v16 =	vadd.s32 $0x3A, v2;
	[tilespmem:s10+$0x0] =	vst v14  }
0x210: {  	s11 =	sor.u32 s7, s26;
	v11 =	vld.idx.msk [tilespmem:v11+s18+$0x0], $0xffff;
	[tilespmem:s31+$0x0] =	vst v13  }
0x211: {  	[tilespmem:s11+$0x0] =	vst v8;
	v8 =	vadd.s32 $0x1E, v3;
	v17 =	vld.idx.msk [tilespmem:v17+s18+$0x0], $0xffff  }
0x212: {  	v18 =	vadd.s32 $0x1E, v4;
	s11 =	sor.u32 $0x8200, s8;
	v14 =	vld.idx.msk [tilespmem:v19+s18+$0x0], $0xffff  }
0x213: {  	v13 =	vadd.s32 $0x30, v0;
	[tilespmem:s13+$0x0] =	vst v15;
	v12 =	vld.idx.msk [tilespmem:v12+s18+$0x0], $0xffff;
	s10 =	sor.u32 s12, s11  }
0x214: {  	s17 =	sor.u32 s0, s11;
	[tilespmem:s10+$0x0] =	vst v9;
	v9 =	vld.idx.msk [tilespmem:v16+s18+$0x0], $0xffff;
	v16 =	vadd.s32 $0xC, v6  }
0x215: {  	s1 =	sor.u32 s24, s25;
	s25 =	sadd.s32 $0xAF80, s5;
	v19 =	vadd.s32 $0x31, v1;
	[tilespmem:s17+$0x0] =	vst v10  }
0x216: {  	s26 =	sor.u32 $0x6100, s16;
	v15 =	vadd.s32 $0xC, v5;
	s10 =	sor.u32 s22, s25;
	v8 =	vld.idx.msk [tilespmem:v8+s18+$0x0], $0xffff;
	[tilespmem:s1+$0x0] =	vst v11  }
0x217: {  	s31 =	sor.u32 s6, s26;
	v10 =	vld.idx.msk [tilespmem:v18+s18+$0x0], $0xffff;
	[tilespmem:s10+$0x0] =	vst v14  }
0x218: {  	s11 =	sor.u32 s7, s26;
	v11 =	vadd.s32 $0x3B, v2;
	v13 =	vld.idx.msk [tilespmem:v13+s18+$0x0], $0xffff;
	[tilespmem:s31+$0x0] =	vst v17  }
0x219: {  	[tilespmem:s11+$0x0] =	vst v12;
	v12 =	vadd.s32 $0x1F, v3;
	v16 =	vld.idx.msk [tilespmem:v16+s18+$0x0], $0xffff  }
0x21a: {  	s13 =	sor.u32 $0x8280, s8;
	v18 =	vadd.s32 $0x1F, v4;
	v14 =	vld.idx.msk [tilespmem:v19+s18+$0x0], $0xffff  }
0x21b: {  	v17 =	vadd.s32 $0x31, v0;
	s10 =	sor.u32 s12, s13;
	[tilespmem:s20+$0x0] =	vst v9;
	v15 =	vld.idx.msk [tilespmem:v15+s18+$0x0], $0xffff  }
0x21c: {  	s17 =	sor.u32 s0, s13;
	v19 =	vadd.s32 $0x32, v1;
	[tilespmem:s10+$0x0] =	vst v10  }
0x21d: {  	s1 =	sor.u32 s24, s25;
	s25 =	sor.u32 $0xB000, s5;
	v9 =	vadd.s32 $0xD, v5;
	v10 =	vld.idx.msk [tilespmem:v11+s18+$0x0], $0xffff;
	[tilespmem:s17+$0x0] =	vst v8  }
0x21e: {  	s26 =	sor.u32 $0x6180, s16;
	s10 =	sor.u32 s22, s25;
	v11 =	vadd.s32 $0xD, v6;
	v12 =	vld.idx.msk [tilespmem:v12+s18+$0x0], $0xffff;
	[tilespmem:s1+$0x0] =	vst v13  }
0x21f: {  	s11 =	sor.u32 s7, s26;
	v8 =	vld.idx.msk [tilespmem:v18+s18+$0x0], $0xffff;
	[tilespmem:s10+$0x0] =	vst v14  }
0x220: {  	v13 =	vadd.s32 $0x3C, v2;
	v17 =	vld.idx.msk [tilespmem:v17+s18+$0x0], $0xffff;
	[tilespmem:s11+$0x0] =	vst v15  }
0x221: {  	s31 =	sor.u32 s6, s26;
	v14 =	vadd.s32 $0x20, v3;
	v15 =	vld.idx.msk [tilespmem:v19+s18+$0x0], $0xffff  }
0x222: {  	v18 =	vadd.s32 $0x20, v4;
	s17 =	sor.u32 $0x8300, s8;
	[tilespmem:s31+$0x0] =	vst v16;
	v9 =	vld.idx.msk [tilespmem:v9+s18+$0x0], $0xffff  }
0x223: {  	v16 =	vadd.s32 $0x32, v0;
	s10 =	sor.u32 s12, s17;
	v11 =	vld.idx.msk [tilespmem:v11+s18+$0x0], $0xffff;
	[tilespmem:s3+$0x0] =	vst v10  }
0x224: {  	s20 =	sor.u32 s0, s17;
	v19 =	vadd.s32 $0x33, v1;
	[tilespmem:s10+$0x0] =	vst v8  }
0x225: {  	s1 =	sor.u32 s24, s25;
	s25 =	sor.u32 $0xB080, s5;
	v10 =	vadd.s32 $0xE, v5;
	v8 =	vld.idx.msk [tilespmem:v13+s18+$0x0], $0xffff;
	[tilespmem:s20+$0x0] =	vst v12  }
0x226: {  	s26 =	sor.u32 $0x6200, s16;
	s3 =	sor.u32 s22, s25;
	v13 =	vadd.s32 $0xE, v6;
	v14 =	vld.idx.msk [tilespmem:v14+s18+$0x0], $0xffff;
	[tilespmem:s1+$0x0] =	vst v17  }
0x227: {  	s10 =	sor.u32 s7, s26;
	v12 =	vld.idx.msk [tilespmem:v18+s18+$0x0], $0xffff;
	v17 =	vadd.s32 $0x3D, v2;
	[tilespmem:s3+$0x0] =	vst v15  }
0x228: {  	v16 =	vld.idx.msk [tilespmem:v16+s18+$0x0], $0xffff;
	[tilespmem:s10+$0x0] =	vst v9  }
0x229: {  	s13 =	sor.u32 s6, s26;
	v9 =	vadd.s32 $0x21, v3;
	v15 =	vld.idx.msk [tilespmem:v19+s18+$0x0], $0xffff  }
0x22a: {  	s17 =	sadd.s32 $0x8F80, s8;
	v18 =	vadd.s32 $0x21, v4;
	[tilespmem:s13+$0x0] =	vst v11;
	v10 =	vld.idx.msk [tilespmem:v10+s18+$0x0], $0xffff  }
0x22b: {  	v11 =	vadd.s32 $0x33, v0;
	s3 =	sor.u32 s12, s17;
	v13 =	vld.idx.msk [tilespmem:v13+s18+$0x0], $0xffff;
	[tilespmem:s9+$0x0] =	vst v8  }
0x22c: {  	s20 =	sor.u32 s0, s17;
	[tilespmem:s3+$0x0] =	vst v12;
	v12 =	vld.idx.msk [tilespmem:v17+s18+$0x0], $0xffff;
	v17 =	vadd.s32 $0xF, v6  }
0x22d: {  	s31 =	sor.u32 s24, s25;
	s25 =	sor.u32 $0xB100, s5;
	v19 =	vadd.s32 $0x34, v1;
	[tilespmem:s20+$0x0] =	vst v14  }
0x22e: {  	s26 =	sor.u32 $0x6280, s16;
	v8 =	vadd.s32 $0xF, v5;
	s3 =	sor.u32 s22, s25;
	v9 =	vld.idx.msk [tilespmem:v9+s18+$0x0], $0xffff;
	[tilespmem:s31+$0x0] =	vst v16  }
0x22f: {  	s11 =	sor.u32 s6, s26;
	v14 =	vld.idx.msk [tilespmem:v18+s18+$0x0], $0xffff;
	v16 =	vadd.s32 $0x3E, v2;
	[tilespmem:s3+$0x0] =	vst v15  }
0x230: {  	s9 =	sor.u32 s7, s26;
	v18 =	vadd.s32 $0x22, v4;
	v11 =	vld.idx.msk [tilespmem:v11+s18+$0x0], $0xffff;
	[tilespmem:s11+$0x0] =	vst v13  }
0x231: {  	[tilespmem:s9+$0x0] =	vst v10;
	v10 =	vadd.s32 $0x22, v3;
	v17 =	vld.idx.msk [tilespmem:v17+s18+$0x0], $0xffff  }
0x232: {  	s13 =	sor.u32 $0x9000, s8;
	v15 =	vld.idx.msk [tilespmem:v19+s18+$0x0], $0xffff  }
0x233: {  	v13 =	vadd.s32 $0x34, v0;
	s3 =	sor.u32 s12, s13;
	[tilespmem:s4+$0x0] =	vst v12;
	v8 =	vld.idx.msk [tilespmem:v8+s18+$0x0], $0xffff  }
0x234: {  	s17 =	sor.u32 s0, s13;
	v19 =	vadd.s32 $0x35, v1;
	[tilespmem:s3+$0x0] =	vst v14;
	v14 =	vld.idx.msk [tilespmem:v16+s18+$0x0], $0xffff  }
0x235: {  	s20 =	sor.u32 $0xB180, s5;
	s31 =	sor.u32 s24, s25;
	v12 =	vadd.s32 $0x10, v5;
	[tilespmem:s17+$0x0] =	vst v9;
	v9 =	vld.idx.msk [tilespmem:v18+s18+$0x0], $0xffff  }
0x236: {  	s25 =	sor.u32 $0x6300, s16;
	s3 =	sor.u32 s22, s20;
	v16 =	vadd.s32 $0x10, v6;
	v10 =	vld.idx.msk [tilespmem:v10+s18+$0x0], $0xffff;
	[tilespmem:s31+$0x0] =	vst v11  }
0x237: {  	s4 =	sor.u32 s7, s25;
	[tilespmem:s3+$0x0] =	vst v15  }
0x238: {  	s2 =	sadd.s32 $0x20, s2;
	v11 =	vadd.s32 $0x3F, v2;
	v2 =	vmov v0;
	v0 =	vmov v3;
	v13 =	vld.idx.msk [tilespmem:v13+s18+$0x0], $0xffff;
	[tilespmem:s4+$0x0] =	vst v8  }
0x239: {  	s11 =	sand.u32 $0x60, s2;
	s9 =	sor.u32 $0x9080, s8;
	s31 =	sor.u32 s6, s25;
	v8 =	vadd.s32 $0x23, v0;
	v15 =	vld.idx.msk [tilespmem:v19+s18+$0x0], $0xffff  }
0x23a: {  	s13 =	sor.u32 $0x10, s11;
	s17 =	sand.u32 $0x180, s2;
	v3 =	vmov v6;
	v6 =	vadd.s32 $0x23, v4;
	[tilespmem:s31+$0x0] =	vst v17;
	s3 =	sor.u32 s12, s9;
	v12 =	vld.idx.msk [tilespmem:v12+s18+$0x0], $0xffff  }
0x23b: {  	s10 =	sor.u32 s0, s9;
	s9 =	sor.u32 s13, s17;
	v16 =	vld.idx.msk [tilespmem:v16+s18+$0x0], $0xffff;
	[tilespmem:s3+$0x0] =	vst v9  }
0x23c: {  	v17 =	vadd.s32 $0x36, v1;
	[tilespmem:s15+$0x0] =	vst v14;
	v18 =	vld [tilespmem:s9+$0x4B80]  }
0x23d: {  	s26 =	sor.u32 s24, s20;
	s25 =	sor.u32 $0xB200, s5;
	v14 =	vadd.s32 $0x11, v5;
	v9 =	vld.idx.msk [tilespmem:v11+s18+$0x0], $0xffff;
	[tilespmem:s10+$0x0] =	vst v10  }
0x23e: {  	s20 =	sadd.s32 $0x6F80, s16;
	v11 =	vadd.s32 $0x11, v3;
	v8 =	vld.idx.msk [tilespmem:v8+s18+$0x0], $0xffff;
	[tilespmem:s26+$0x0] =	vst v13;
	s26 =	sor.u32 s22, s25  }
0x23f: {  	s3 =	sor.u32 s7, s20;
	v10 =	vld.idx.msk [tilespmem:v6+s18+$0x0], $0xffff;
	v13 =	vadd.s32 $0x35, v2;
	[tilespmem:s26+$0x0] =	vst v15  }
0x240: {  	v19 =	vadd.s32 $0x24, v4;
	[tilespmem:s3+$0x0] =	vst v12  }
0x241: {  	s31 =	sor.u32 s6, s20;
	v6 =	vmul.u32 $0x41, v7;
	v7 =	vadd.s32 $0x24, v0;
	v12 =	vld.idx.msk [tilespmem:v17+s18+$0x0], $0xffff  }
0x242: {  	s10 =	sor.u32 $0x9100, s8;
	[tilespmem:s31+$0x0] =	vst v16;
	v14 =	vld.idx.msk [tilespmem:v14+s18+$0x0], $0xffff  }
0x243: {  	v15 =	vadd.s32 $0x37, v1;
	s3 =	sor.u32 s12, s10;
	v11 =	vld.idx.msk [tilespmem:v11+s18+$0x0], $0xffff;
	[tilespmem:s28+$0x0] =	vst v9  }
0x244: {  	s17 =	sor.u32 $0xB280, s5;
	s15 =	sor.u32 s0, s10;
	v9 =	vadd.s32 $0x12, v5;
	[tilespmem:s3+$0x0] =	vst v10;
	v10 =	vld.idx.msk [tilespmem:v13+s18+$0x0], $0xffff  }
0x245: {  	s20 =	sor.u32 $0x7000, s16;
	s3 =	sor.u32 s22, s17;
	v13 =	vadd.s32 $0x12, v3;
	[tilespmem:s15+$0x0] =	vst v8;
	v8 =	vld.idx.msk [tilespmem:v19+s18+$0x0], $0xffff  }
0x246: {  	s4 =	sor.u32 s7, s20;
	v17 =	vadd.s32 $0x36, v2;
	v16 =	vld.idx.msk [tilespmem:v7+s18+$0x0], $0xffff;
	[tilespmem:s3+$0x0] =	vst v12  }
0x247: {  	v19 =	vld.idx.msk [tilespmem:v6+s18+$0x0], $0xffff;
	v7 =	vmul.u32 $0x41, v18;
	v18 =	vadd.s32 $0x25, v4;
	[tilespmem:s4+$0x0] =	vst v14  }
0x248: {  	s1 =	sor.u32 s24, s25;
	s25 =	sor.u32 s6, s20;
	v12 =	vld.idx.msk [tilespmem:v15+s18+$0x0], $0xffff  }
0x249: {  	s26 =	sor.u32 $0x9180, s8;
	[tilespmem:s25+$0x0] =	vst v11;
	v11 =	vadd.s32 $0x25, v0;
	v9 =	vld.idx.msk [tilespmem:v9+s18+$0x0], $0xffff  }
0x24a: {  	s3 =	sor.u32 s12, s26;
	v13 =	vld.idx.msk [tilespmem:v13+s18+$0x0], $0xffff;
	[tilespmem:s1+$0x0] =	vst v10;
	v10 =	vadd.s32 $0x38, v1  }
0x24b: {  	s31 =	sor.u32 s0, s26;
	v14 =	vadd.s32 $0x13, v5;
	[tilespmem:s3+$0x0] =	vst v8;
	s3 =	sor.u32 $0xB300, s5;
	v8 =	vld.idx.msk [tilespmem:v17+s18+$0x0], $0xffff  }
0x24c: {  	s4 =	sor.u32 $0x7080, s16;
	v15 =	vadd.s32 $0x13, v3;
	[tilespmem:s31+$0x0] =	vst v16;
	v16 =	vld.idx.msk [tilespmem:v18+s18+$0x0], $0xffff;
	s1 =	sor.u32 s22, s3  }
0x24d: {  	s30 =	sor.u32 s24, s3;
	s3 =	sor.u32 s7, s4;
	v17 =	vld.idx.msk [tilespmem:v7+s18+$0x0], $0xffff;
	[tilespmem:s1+$0x0] =	vst v12  }
0x24e: {  	v18 =	vadd.s32 $0x37, v2;
	v11 =	vld.idx.msk [tilespmem:v11+s18+$0x0], $0xffff;
	[tilespmem:s3+$0x0] =	vst v9  }
0x24f: {  	v20 =	vadd.s32 $0x26, v4;
	s19 =	sadd.s32 $0x100, s19;
	s9 =	sor.u32 s24, s17;
	s10 =	sor.u32 s6, s4;
	v9 =	vld.idx.msk [tilespmem:v10+s18+$0x0], $0xffff  }
0x250: {  	s20 =	sor.u32 $0x9200, s8;
	s17 =	sor.u32 s19, s2;
	s15 =	sand.u32 $0xC00, s19;
	v12 =	vadd.s32 $0x1, v7;
	[tilespmem:s10+$0x0] =	vst v13;
	v13 =	vld.idx.msk [tilespmem:v14+s18+$0x0], $0xffff  }
0x251: {  	s25 =	smov.u32 s15;
	s31 =	sor.u32 s12, s20;
	s10 =	sadd.s32 $0x4F80, s15;
	v10 =	vadd.s32 $0x1, v6;
	v14 =	vld.idx.msk [tilespmem:v15+s18+$0x0], $0xffff;
	[tilespmem:s9+$0x0] =	vst v8  }
0x252: {  	s1 =	sor.u32 $0x380, s17;
	s17 =	smov.u32 s13;
	s15 =	sor.u32 s13, s10;
	[tilespmem:s31+$0x0] =	vst v16;
	v16 =	vadd.s32 $0x14, v3  }
0x253: {  	[dreg:$0x5] =	wrdreg s1;
	s4 =	sor.u32 s11, s10;
	s13 =	sadd.s32 $0xBF80, s5;
	v15 =	vadd.s32 $0x39, v1;
	v8 =	vld.idx.msk [tilespmem:v18+s18+$0x0], $0xffff;
	[tilespmem:s15+$0x0] =	vst v17  }
0x254: {  	v21 =	vadd.s32 $0x14, v5;
	s3 =	sor.u32 s0, s20;
	s20 =	sor.u32 $0x7100, s16;
	s1 =	sor.u32 s22, s13;
	[tilespmem:s4+$0x0] =	vst v19;
	v17 =	vld.idx.msk [tilespmem:v20+s18+$0x0], $0xffff  }
0x255: {  	s31 =	sor.u32 s6, s20;
	v12 =	vld.idx.msk [tilespmem:v12+s18+$0x0], $0xffff;
	[tilespmem:s1+$0x0] =	vst v9  }
0x256: {  	s9 =	sor.u32 s7, s20;
	v18 =	vadd.s32 $0x26, v0;
	v10 =	vld.idx.msk [tilespmem:v10+s18+$0x0], $0xffff;
	[tilespmem:s31+$0x0] =	vst v14  }
0x257: {  	s10 =	sor.u32 $0x9280, s8;
	v19 =	vadd.s32 $0x27, v4;
	[tilespmem:s9+$0x0] =	vst v13;
	v16 =	vld.idx.msk [tilespmem:v16+s18+$0x0], $0xffff  }
0x258: {  	v9 =	vadd.s32 $0x2, v7;
	s1 =	sor.u32 s12, s10;
	[tilespmem:s3+$0x0] =	vst v11;
	v13 =	vld.idx.msk [tilespmem:v15+s18+$0x0], $0xffff  }
0x259: {  	v15 =	vadd.s32 $0x2, v6;
	v14 =	vld.idx.msk [tilespmem:v21+s18+$0x0], $0xffff;
	[tilespmem:s1+$0x0] =	vst v17  }
0x25a: {  	[tilespmem:s15+$0x80] =	vst v12;
	v12 =	vadd.s32 $0x15, v3  }
0x25b: {  	s26 =	smov.u32 s11;
	s11 =	sor.u32 $0xC000, s5;
	v11 =	vadd.s32 $0x3A, v1;
	v18 =	vld.idx.msk [tilespmem:v18+s18+$0x0], $0xffff  }
0x25c: {  	s20 =	sor.u32 $0x7180, s16;
	v20 =	vadd.s32 $0x15, v5;
	s1 =	sor.u32 s22, s11;
	v17 =	vld.idx.msk [tilespmem:v19+s18+$0x0], $0xffff;
	[tilespmem:s4+$0x80] =	vst v10  }
0x25d: {  	s31 =	sor.u32 s6, s20;
	v9 =	vld.idx.msk [tilespmem:v9+s18+$0x0], $0xffff;
	[tilespmem:s1+$0x0] =	vst v13  }
0x25e: {  	s9 =	sor.u32 s7, s20;
	v10 =	vadd.s32 $0x27, v0;
	v15 =	vld.idx.msk [tilespmem:v15+s18+$0x0], $0xffff;
	[tilespmem:s31+$0x0] =	vst v16  }
0x25f: {  	v19 =	vadd.s32 $0x28, v4;
	[tilespmem:s9+$0x0] =	vst v14;
	v12 =	vld.idx.msk [tilespmem:v12+s18+$0x0], $0xffff  }
0x260: {  	s3 =	sor.u32 s0, s10;
	v13 =	vadd.s32 $0x3, v7;
	s9 =	sor.u32 $0x9300, s8;
	v11 =	vld.idx.msk [tilespmem:v11+s18+$0x0], $0xffff  }
0x261: {  	v14 =	vadd.s32 $0x3, v6;
	[tilespmem:s3+$0x0] =	vst v18;
	v16 =	vld.idx.msk [tilespmem:v20+s18+$0x0], $0xffff;
	s1 =	sor.u32 s12, s9  }
0x262: {  	v18 =	vadd.s32 $0x3B, v1;
	[tilespmem:s1+$0x0] =	vst v17  }
0x263: {  	s29 =	sor.u32 s24, s13;
	s10 =	sor.u32 $0xC080, s5;
	v20 =	vadd.s32 $0x16, v5;
	v10 =	vld.idx.msk [tilespmem:v10+s18+$0x0], $0xffff;
	[tilespmem:s15+$0x100] =	vst v9  }
0x264: {  	s13 =	sor.u32 s24, s11;
	s11 =	sor.u32 $0x7200, s16;
	s1 =	sor.u32 s22, s10;
	v9 =	vadd.s32 $0x16, v3;
	v17 =	vld.idx.msk [tilespmem:v19+s18+$0x0], $0xffff;
	[tilespmem:s4+$0x100] =	vst v15  }
0x265: {  	s3 =	sor.u32 s0, s9;
	s9 =	sor.u32 s7, s11;
	v13 =	vld.idx.msk [tilespmem:v13+s18+$0x0], $0xffff;
	[tilespmem:s1+$0x0] =	vst v11  }
0x266: {  	v15 =	vadd.s32 $0x28, v0;
	v14 =	vld.idx.msk [tilespmem:v14+s18+$0x0], $0xffff;
	[tilespmem:s9+$0x0] =	vst v16  }
0x267: {  	s31 =	sor.u32 s6, s11;
	v19 =	vadd.s32 $0x29, v4;
	v16 =	vld.idx.msk [tilespmem:v18+s18+$0x0], $0xffff  }
0x268: {  	s20 =	sor.u32 s24, s10;
	s10 =	sadd.s32 $0x9F80, s8;
	[tilespmem:s31+$0x0] =	vst v12;
	v11 =	vadd.s32 $0x4, v7;
	v12 =	vld.idx.msk [tilespmem:v20+s18+$0x0], $0xffff  }
0x269: {  	s1 =	sor.u32 s12, s10;
	v18 =	vadd.s32 $0x4, v6;
	v9 =	vld.idx.msk [tilespmem:v9+s18+$0x0], $0xffff;
	[tilespmem:s3+$0x0] =	vst v10  }
0x26a: {  	v10 =	vadd.s32 $0x3C, v1;
	[tilespmem:s1+$0x0] =	vst v17  }
0x26b: {  	s11 =	sor.u32 $0xC100, s5;
	v20 =	vadd.s32 $0x17, v5;
	v15 =	vld.idx.msk [tilespmem:v15+s18+$0x0], $0xffff;
	[tilespmem:s15+$0x180] =	vst v13  }
0x26c: {  	s31 =	sor.u32 $0x7280, s16;
	s1 =	sor.u32 s22, s11;
	v13 =	vadd.s32 $0x17, v3;
	[tilespmem:s4+$0x180] =	vst v14;
	v17 =	vld.idx.msk [tilespmem:v19+s18+$0x0], $0xffff  }
0x26d: {  	s9 =	sor.u32 s0, s10;
	s10 =	sor.u32 s7, s31;
	v11 =	vld.idx.msk [tilespmem:v11+s18+$0x0], $0xffff;
	[tilespmem:s1+$0x0] =	vst v16  }
0x26e: {  	v14 =	vadd.s32 $0x29, v0;
	v18 =	vld.idx.msk [tilespmem:v18+s18+$0x0], $0xffff;
	[tilespmem:s10+$0x0] =	vst v12  }
0x26f: {  	s28 =	sor.u32 s6, s31;
	v19 =	vadd.s32 $0x2A, v4;
	v10 =	vld.idx.msk [tilespmem:v10+s18+$0x0], $0xffff  }
0x270: {  	s3 =	sor.u32 s24, s11;
	s11 =	sor.u32 $0xA000, s8;
	v16 =	vadd.s32 $0x5, v7;
	[tilespmem:s28+$0x0] =	vst v9;
	v9 =	vld.idx.msk [tilespmem:v20+s18+$0x0], $0xffff  }
0x271: {  	s1 =	sor.u32 s12, s11;
	v12 =	vadd.s32 $0x5, v6;
	v13 =	vld.idx.msk [tilespmem:v13+s18+$0x0], $0xffff;
	[tilespmem:s9+$0x0] =	vst v15  }
0x272: {  	v15 =	vadd.s32 $0x3D, v1;
	[tilespmem:s1+$0x0] =	vst v17  }
0x273: {  	s31 =	sor.u32 $0xC180, s5;
	v20 =	vadd.s32 $0x18, v5;
	v14 =	vld.idx.msk [tilespmem:v14+s18+$0x0], $0xffff;
	[tilespmem:s15+$0x200] =	vst v11  }
0x274: {  	s28 =	sor.u32 $0x7300, s16;
	s1 =	sor.u32 s22, s31;
	v11 =	vadd.s32 $0x18, v3;
	v17 =	vld.idx.msk [tilespmem:v19+s18+$0x0], $0xffff;
	[tilespmem:s4+$0x200] =	vst v18  }
0x275: {  	s9 =	sor.u32 s24, s31;
	s31 =	sor.u32 s6, s28;
	s28 =	sor.u32 s7, s28;
	v16 =	vld.idx.msk [tilespmem:v16+s18+$0x0], $0xffff;
	[tilespmem:s1+$0x0] =	vst v10  }
0x276: {  	v18 =	vadd.s32 $0x2A, v0;
	v12 =	vld.idx.msk [tilespmem:v12+s18+$0x0], $0xffff;
	[tilespmem:s28+$0x0] =	vst v9  }
0x277: {  	v19 =	vadd.s32 $0x2B, v4;
	v9 =	vld.idx.msk [tilespmem:v15+s18+$0x0], $0xffff  }
0x278: {  	s10 =	sor.u32 s0, s11;
	s11 =	sor.u32 $0xA080, s8;
	v10 =	vadd.s32 $0x6, v7;
	[tilespmem:s31+$0x0] =	vst v13;
	v13 =	vld.idx.msk [tilespmem:v20+s18+$0x0], $0xffff  }
0x279: {  	s1 =	sor.u32 s12, s11;
	v15 =	vadd.s32 $0x6, v6;
	v11 =	vld.idx.msk [tilespmem:v11+s18+$0x0], $0xffff;
	[tilespmem:s10+$0x0] =	vst v14  }
0x27a: {  	v14 =	vadd.s32 $0x3E, v1;
	[tilespmem:s1+$0x0] =	vst v17  }
0x27b: {  	v20 =	vadd.s32 $0x19, v5;
	v18 =	vld.idx.msk [tilespmem:v18+s18+$0x0], $0xffff;
	s1 =	sor.u32 $0xC200, s5;
	[tilespmem:s15+$0x280] =	vst v16  }
0x27c: {  	s10 =	sor.u32 s0, s11;
	v16 =	vadd.s32 $0x19, v3;
	[tilespmem:s4+$0x280] =	vst v12;
	s15 =	sadd.s32 $0x7F80, s16;
	s11 =	sor.u32 s22, s1;
	v17 =	vld.idx.msk [tilespmem:v19+s18+$0x0], $0xffff  }
0x27d: {  	s14 =	sadd.s32 $0x1, s14;
	v10 =	vld.idx.msk [tilespmem:v10+s18+$0x0], $0xffff;
	s4 =	sor.u32 s7, s15;
	[tilespmem:s11+$0x0] =	vst v9  }
0x27e: {  	s28 =	sand.u32 $0x3, s14;
	v12 =	vadd.s32 $0x2B, v0;
	v15 =	vld.idx.msk [tilespmem:v15+s18+$0x0], $0xffff;
	[tilespmem:s4+$0x0] =	vst v13  }
0x27f: {  	s31 =	sor.u32 s6, s15;
	v19 =	vadd.s32 $0x2C, v4;
	s11 =	sshll.u32 s28, $0x5;
	v13 =	vld.idx.msk [tilespmem:v14+s18+$0x0], $0xffff  }
0x280: {  	v9 =	vadd.s32 $0x7, v7;
	[tilespmem:s31+$0x0] =	vst v11;
	s15 =	sadd.s32 s11, s19;
	s11 =	sor.u32 $0xA100, s8;
	v11 =	vld.idx.msk [tilespmem:v20+s18+$0x0], $0xffff  }
0x281: {  	s4 =	sor.u32 s24, s1;
	v14 =	vadd.s32 $0x7, v6;
	s31 =	sadd.s32 $0x10, s15;
	v16 =	vld.idx.msk [tilespmem:v16+s18+$0x0], $0xffff;
	[tilespmem:s10+$0x0] =	vst v18;
	s1 =	sor.u32 s12, s11  }
0x282: {  	v18 =	vadd.s32 $0x3F, v1;
	s10 =	sor.u32 $0x300, s31;
	[tilespmem:s1+$0x0] =	vst v17  }
0x283: {  	s28 =	sor.u32 $0x300, s15;
	v1 =	vmov v4;
	v4 =	vmov v5;
	v20 =	vld.idx.msk [tilespmem:v12+s18+$0x0], $0xffff;
	s1 =	sor.u32 $0xC280, s5;
	[tilespmem:s10+$0x4F80] =	vst v10;
	v10 =	vadd.s32 $0x1A, v3  }
0x284: {  	v5 =	vmov v7;
	v7 =	vadd.s32 $0x1A, v4;
	s10 =	sor.u32 $0x8000, s16;
	s15 =	sor.u32 s24, s1;
	s1 =	sor.u32 s22, s1;
	v19 =	vld.idx.msk [tilespmem:v19+s18+$0x0], $0xffff;
	[tilespmem:s28+$0x4F80] =	vst v15  }
0x285: {  	v9 =	vld.idx.msk [tilespmem:v9+s18+$0x0], $0xffff;
	v15 =	vadd.s32 $0x2C, v0;
	s28 =	sor.u32 s6, s10;
	s10 =	sor.u32 s7, s10;
	[tilespmem:s1+$0x0] =	vst v13  }
0x286: {  	v63 =	vadd.s32 $0x2D, v1;
	v14 =	vld.idx.msk [tilespmem:v14+s18+$0x0], $0xffff;
	[tilespmem:s10+$0x0] =	vst v11  }
0x287: {  	s23 =	sadd.s32 $0x2, s23;
	s11 =	sor.u32 s0, s11;
	v22 =	vadd.s32 $0x8, v5;
	[tilespmem:s28+$0x0] =	vst v16;
	s10 =	sor.u32 $0xA180, s8;
	v23 =	vld.idx.msk [tilespmem:v18+s18+$0x0], $0xffff  }
0x288: {  	p1 =	slt.u32 s23, $0x1E;
	v24 =	vadd.s32 $0x8, v6;
	v12 =	vld.idx.msk [tilespmem:v10+s18+$0x0], $0xffff;
	[tilespmem:s11+$0x0] =	vst v20;
	s1 =	sor.u32 s0, s10;
	s10 =	sor.u32 s12, s10  }
.Ltmp3:
0x289: {  	s31 =	sor.u32 $0x380, s31;
	v11 =	vld.idx.msk [tilespmem:v7+s18+$0x0], $0xffff;
	[tilespmem:s10+$0x0] =	vst v19;
	(pc) =	sbr.rel @p1 .LBB2_8-.Ltmp3, $4  }
0x28a: {  	v13 =	vld.idx.msk [tilespmem:v15+s18+$0x0], $0xffff;
	s10 =	sor.u32 $0xC300, s5;
	[tilespmem:s31+$0x4F80] =	vst v9  }
0x28b: {  	s5 =	smov.u32 s8;
	s8 =	smov.u32 s16;
	s16 =	rddreg [dreg:$0x5];
	v9 =	vld.idx.msk [tilespmem:v63+s18+$0x0], $0xffff  }
0x28c: {  	v17 =	vadd.s32 $0x1B, v4;
	s31 =	sor.u32 $0x8080, s8;
	s28 =	sor.u32 s24, s10;
	s10 =	sor.u32 s22, s10;
	[tilespmem:s16+$0x4F80] =	vst v14;
	v10 =	vld.idx.msk [tilespmem:v22+s18+$0x0], $0xffff  }
0x28d: {  	s21 =	sadd.s32 $0x20, s21;
	v16 =	vadd.s32 $0x2E, v1;
	v18 =	vadd.s32 $0x1B, v3;
	v15 =	vadd.s32 $0x2D, v0;
	s16 =	sor.u32 s6, s31;
	s22 =	sor.u32 s7, s31;
	v14 =	vld.idx.msk [tilespmem:v24+s18+$0x0], $0xffff;
	[tilespmem:s10+$0x0] =	vst v23  }
0x28e: {  	_ =	sdelay $0x2  }
0x28f: {  	[tilespmem:s22+$0x0] =	vst v11;
	v7 =	vadd.s32 $0x9, v5  }
0x290: {  	[tilespmem:s16+$0x0] =	vst v12;
	v11 =	vadd.s32 $0x9, v6;
	v12 =	vld.idx.msk [tilespmem:v17+s18+$0x0], $0xffff  }
0x291: {  	s10 =	sadd.s32 $0x5F80, s25;
	[tilespmem:s1+$0x0] =	vst v13;
	v13 =	vld.idx.msk [tilespmem:v18+s18+$0x0], $0xffff;
	v17 =	vadd.s32 $0x38, v2  }
0x292: {  	[tilespmem:s30+$0x0] =	vst v8;
	s11 =	sor.u32 s17, s10;
	v15 =	vld.idx.msk [tilespmem:v15+s18+$0x0], $0xffff  }
0x293: {  	s19 =	sor.u32 $0x8100, s8;
	s16 =	sor.u32 s26, s10;
	[tilespmem:s11+$0x0] =	vst v10  }
0x294: {  	s21 =	sor.u32 s7, s19;
	[tilespmem:s16+$0x0] =	vst v14;
	v14 =	vadd.s32 $0x2E, v0;
	v7 =	vld.idx.msk [tilespmem:v7+s18+$0x0], $0xffff  }
0x295: {  	s2 =	sor.u32 $0xA200, s5;
	s1 =	sor.u32 s6, s19;
	v8 =	vld.idx.msk [tilespmem:v11+s18+$0x0], $0xffff;
	[tilespmem:s21+$0x0] =	vst v12;
	v12 =	vadd.s32 $0xA, v5  }
0x296: {  	s14 =	sor.u32 s12, s2;
	s2 =	sor.u32 s0, s2;
	v17 =	vld.idx.msk [tilespmem:v17+s18+$0x0], $0xffff;
	[tilespmem:s1+$0x0] =	vst v13;
	v13 =	vadd.s32 $0xA, v6  }
0x297: {  	s23 =	sor.u32 $0x6000, s25;
	[tilespmem:s2+$0x0] =	vst v15;
	v15 =	vadd.s32 $0x39, v2  }
0x298: {  	s30 =	sor.u32 s17, s23  }
0x299: {  	s10 =	sor.u32 s26, s23;
	v14 =	vld.idx.msk [tilespmem:v14+s18+$0x0], $0xffff;
	[tilespmem:s30+$0x0] =	vst v7  }
0x29a: {  	[tilespmem:s10+$0x0] =	vst v8;
	v12 =	vld.idx.msk [tilespmem:v12+s18+$0x0], $0xffff  }
0x29b: {  	v20 =	vadd.s32 $0xB, v5;
	[tilespmem:s29+$0x0] =	vst v17;
	v13 =	vld.idx.msk [tilespmem:v13+s18+$0x0], $0xffff  }
0x29c: {  	v8 =	vld.idx.msk [tilespmem:v15+s18+$0x0], $0xffff;
	v15 =	vadd.s32 $0xB, v6  }
0x29d: {  	s22 =	sor.u32 $0xA280, s5;
	s19 =	sor.u32 $0x6080, s25;
	[tilespmem:s14+$0x0] =	vst v9;
	v9 =	vadd.s32 $0x1C, v4  }
0x29e: {  	s24 =	sor.u32 s12, s22;
	v10 =	vadd.s32 $0x1C, v3;
	v16 =	vld.idx.msk [tilespmem:v16+s18+$0x0], $0xffff;
	s1 =	sor.u32 s0, s22;
	s22 =	sor.u32 s17, s19  }
0x29f: {  	s23 =	sor.u32 s26, s19;
	[tilespmem:s22+$0x0] =	vst v12  }
0x2a0: {  	v11 =	vadd.s32 $0x2F, v1;
	[tilespmem:s23+$0x0] =	vst v13;
	v12 =	vld.idx.msk [tilespmem:v20+s18+$0x0], $0xffff  }
0x2a1: {  	[tilespmem:s1+$0x0] =	vst v14;
	v14 =	vadd.s32 $0xC, v5;
	v13 =	vld.idx.msk [tilespmem:v15+s18+$0x0], $0xffff  }
0x2a2: {  	v9 =	vld.idx.msk [tilespmem:v9+s18+$0x0], $0xffff;
	v15 =	vadd.s32 $0xC, v6  }
0x2a3: {  	v10 =	vld.idx.msk [tilespmem:v10+s18+$0x0], $0xffff;
	[tilespmem:s24+$0x0] =	vst v16;
	s24 =	sor.u32 $0x6100, s25  }
0x2a4: {  	v16 =	vadd.s32 $0x1D, v4;
	s30 =	sor.u32 s17, s24  }
0x2a5: {  	s14 =	sor.u32 $0x8180, s8;
	v7 =	vadd.s32 $0x1D, v3;
	v18 =	vld.idx.msk [tilespmem:v11+s18+$0x0], $0xffff;
	s1 =	sor.u32 s26, s24;
	[tilespmem:s30+$0x0] =	vst v12  }
0x2a6: {  	v19 =	vadd.s32 $0x2F, v0;
	s16 =	sor.u32 s7, s14;
	[tilespmem:s1+$0x0] =	vst v13;
	v12 =	vld.idx.msk [tilespmem:v14+s18+$0x0], $0xffff  }
0x2a7: {  	s2 =	sor.u32 s6, s14;
	v17 =	vadd.s32 $0x30, v1;
	[tilespmem:s16+$0x0] =	vst v9;
	v13 =	vld.idx.msk [tilespmem:v15+s18+$0x0], $0xffff  }
0x2a8: {  	[tilespmem:s2+$0x0] =	vst v10;
	s2 =	sor.u32 $0xA300, s5;
	v14 =	vadd.s32 $0xD, v5  }
0x2a9: {  	s10 =	sor.u32 $0x6180, s25;
	v10 =	vld.idx.msk [tilespmem:v16+s18+$0x0], $0xffff;
	s21 =	sor.u32 s12, s2;
	v15 =	vadd.s32 $0xD, v6  }
0x2aa: {  	s11 =	sor.u32 s17, s10;
	v11 =	vld.idx.msk [tilespmem:v7+s18+$0x0], $0xffff;
	[tilespmem:s21+$0x0] =	vst v18  }
0x2ab: {  	v9 =	vld.idx.msk [tilespmem:v19+s18+$0x0], $0xffff;
	s1 =	sor.u32 s26, s10;
	[tilespmem:s11+$0x0] =	vst v12  }
0x2ac: {  	v7 =	vld.idx.msk [tilespmem:v17+s18+$0x0], $0xffff;
	[tilespmem:s1+$0x0] =	vst v13  }
0x2ad: {  	v12 =	vld.idx.msk [tilespmem:v14+s18+$0x0], $0xffff  }
0x2ae: {  	v13 =	vld.idx.msk [tilespmem:v15+s18+$0x0], $0xffff;
	v14 =	vadd.s32 $0xE, v5  }
0x2af: {  	v15 =	vadd.s32 $0xE, v6  }
0x2b0: {  	s14 =	sor.u32 $0x6200, s25  }
0x2b1: {  	s16 =	sor.u32 s17, s14  }
0x2b2: {  	s1 =	sor.u32 s26, s14;
	[tilespmem:s16+$0x0] =	vst v12  }
0x2b3: {  	[tilespmem:s1+$0x0] =	vst v13;
	v12 =	vld.idx.msk [tilespmem:v14+s18+$0x0], $0xffff  }
0x2b4: {  	v13 =	vld.idx.msk [tilespmem:v15+s18+$0x0], $0xffff;
	v14 =	vadd.s32 $0xF, v5  }
0x2b5: {  	v15 =	vadd.s32 $0xF, v6  }
0x2b6: {  	s19 =	sor.u32 $0x6280, s25  }
0x2b7: {  	s21 =	sor.u32 s17, s19  }
0x2b8: {  	s1 =	sor.u32 s26, s19;
	[tilespmem:s21+$0x0] =	vst v12  }
0x2b9: {  	[tilespmem:s1+$0x0] =	vst v13;
	v12 =	vld.idx.msk [tilespmem:v14+s18+$0x0], $0xffff  }
0x2ba: {  	v13 =	vld.idx.msk [tilespmem:v15+s18+$0x0], $0xffff;
	v14 =	vadd.s32 $0x10, v5  }
0x2bb: {  	v15 =	vadd.s32 $0x10, v6  }
0x2bc: {  	s22 =	sor.u32 $0x6300, s25  }
0x2bd: {  	s23 =	sor.u32 s17, s22  }
0x2be: {  	s1 =	sor.u32 s26, s22;
	[tilespmem:s23+$0x0] =	vst v12  }
0x2bf: {  	[tilespmem:s1+$0x0] =	vst v13;
	v12 =	vld.idx.msk [tilespmem:v14+s18+$0x0], $0xffff  }
0x2c0: {  	v13 =	vld.idx.msk [tilespmem:v15+s18+$0x0], $0xffff;
	v14 =	vadd.s32 $0x11, v5  }
0x2c1: {  	v15 =	vadd.s32 $0x11, v6  }
0x2c2: {  	s24 =	sadd.s32 $0x6F80, s25  }
0x2c3: {  	s30 =	sor.u32 s17, s24  }
0x2c4: {  	s1 =	sor.u32 s26, s24;
	[tilespmem:s30+$0x0] =	vst v12  }
0x2c5: {  	[tilespmem:s1+$0x0] =	vst v13;
	v12 =	vld.idx.msk [tilespmem:v14+s18+$0x0], $0xffff  }
0x2c6: {  	v13 =	vld.idx.msk [tilespmem:v15+s18+$0x0], $0xffff;
	v14 =	vadd.s32 $0x12, v5  }
0x2c7: {  	v15 =	vadd.s32 $0x12, v6  }
0x2c8: {  	s10 =	sor.u32 $0x7000, s25  }
0x2c9: {  	s11 =	sor.u32 s17, s10  }
0x2ca: {  	s1 =	sor.u32 s26, s10;
	[tilespmem:s11+$0x0] =	vst v12  }
0x2cb: {  	[tilespmem:s1+$0x0] =	vst v13;
	v12 =	vld.idx.msk [tilespmem:v14+s18+$0x0], $0xffff  }
0x2cc: {  	v13 =	vld.idx.msk [tilespmem:v15+s18+$0x0], $0xffff;
	v14 =	vadd.s32 $0x13, v5  }
0x2cd: {  	v15 =	vadd.s32 $0x13, v6  }
0x2ce: {  	s14 =	sor.u32 $0x7080, s25  }
0x2cf: {  	s16 =	sor.u32 s17, s14  }
0x2d0: {  	s1 =	sor.u32 s26, s14;
	[tilespmem:s16+$0x0] =	vst v12  }
0x2d1: {  	[tilespmem:s1+$0x0] =	vst v13;
	v12 =	vld.idx.msk [tilespmem:v14+s18+$0x0], $0xffff  }
0x2d2: {  	v13 =	vld.idx.msk [tilespmem:v15+s18+$0x0], $0xffff;
	v14 =	vadd.s32 $0x14, v5  }
0x2d3: {  	v15 =	vadd.s32 $0x14, v6  }
0x2d4: {  	s19 =	sor.u32 $0x7100, s25  }
0x2d5: {  	s21 =	sor.u32 s17, s19  }
0x2d6: {  	s1 =	sor.u32 s26, s19;
	[tilespmem:s21+$0x0] =	vst v12  }
0x2d7: {  	[tilespmem:s1+$0x0] =	vst v13;
	v12 =	vld.idx.msk [tilespmem:v14+s18+$0x0], $0xffff  }
0x2d8: {  	v13 =	vld.idx.msk [tilespmem:v15+s18+$0x0], $0xffff;
	v14 =	vadd.s32 $0x15, v5  }
0x2d9: {  	v15 =	vadd.s32 $0x15, v6  }
0x2da: {  	s22 =	sor.u32 $0x7180, s25  }
0x2db: {  	s23 =	sor.u32 s17, s22  }
0x2dc: {  	s1 =	sor.u32 s26, s22;
	[tilespmem:s23+$0x0] =	vst v12  }
0x2dd: {  	[tilespmem:s1+$0x0] =	vst v13;
	v12 =	vld.idx.msk [tilespmem:v14+s18+$0x0], $0xffff  }
0x2de: {  	v13 =	vld.idx.msk [tilespmem:v15+s18+$0x0], $0xffff;
	v14 =	vadd.s32 $0x16, v5  }
0x2df: {  	v15 =	vadd.s32 $0x16, v6  }
0x2e0: {  	s24 =	sor.u32 $0x7200, s25  }
0x2e1: {  	s30 =	sor.u32 s17, s24  }
0x2e2: {  	s1 =	sor.u32 s26, s24;
	[tilespmem:s30+$0x0] =	vst v12  }
0x2e3: {  	[tilespmem:s1+$0x0] =	vst v13;
	v12 =	vld.idx.msk [tilespmem:v14+s18+$0x0], $0xffff  }
0x2e4: {  	v13 =	vld.idx.msk [tilespmem:v15+s18+$0x0], $0xffff;
	v14 =	vadd.s32 $0x17, v5  }
0x2e5: {  	v15 =	vadd.s32 $0x17, v6  }
0x2e6: {  	s10 =	sor.u32 $0x7280, s25  }
0x2e7: {  	s11 =	sor.u32 s17, s10  }
0x2e8: {  	s1 =	sor.u32 s26, s10;
	[tilespmem:s11+$0x0] =	vst v12  }
0x2e9: {  	[tilespmem:s1+$0x0] =	vst v13;
	v12 =	vld.idx.msk [tilespmem:v14+s18+$0x0], $0xffff  }
0x2ea: {  	v13 =	vld.idx.msk [tilespmem:v15+s18+$0x0], $0xffff;
	v14 =	vadd.s32 $0x18, v5  }
0x2eb: {  	v15 =	vadd.s32 $0x18, v6  }
0x2ec: {  	s14 =	sor.u32 $0x7300, s25  }
0x2ed: {  	s16 =	sor.u32 s17, s14  }
0x2ee: {  	s1 =	sor.u32 s26, s14;
	[tilespmem:s16+$0x0] =	vst v12  }
0x2ef: {  	[tilespmem:s1+$0x0] =	vst v13;
	v12 =	vld.idx.msk [tilespmem:v14+s18+$0x0], $0xffff  }
0x2f0: {  	v13 =	vld.idx.msk [tilespmem:v15+s18+$0x0], $0xffff;
	v14 =	vadd.s32 $0x19, v5  }
0x2f1: {  	v15 =	vadd.s32 $0x19, v6  }
0x2f2: {  	s19 =	sadd.s32 $0x7F80, s25  }
0x2f3: {  	s21 =	sor.u32 s17, s19  }
0x2f4: {  	s1 =	sor.u32 s26, s19;
	[tilespmem:s21+$0x0] =	vst v12  }
0x2f5: {  	[tilespmem:s1+$0x0] =	vst v13;
	v12 =	vld.idx.msk [tilespmem:v14+s18+$0x0], $0xffff  }
0x2f6: {  	v13 =	vld.idx.msk [tilespmem:v15+s18+$0x0], $0xffff;
	v14 =	vadd.s32 $0x1A, v5  }
0x2f7: {  	v15 =	vadd.s32 $0x1A, v6  }
0x2f8: {  	s22 =	sor.u32 $0x8000, s25  }
0x2f9: {  	s23 =	sor.u32 s17, s22  }
0x2fa: {  	s1 =	sor.u32 s26, s22;
	[tilespmem:s23+$0x0] =	vst v12  }
0x2fb: {  	[tilespmem:s1+$0x0] =	vst v13;
	v12 =	vld.idx.msk [tilespmem:v14+s18+$0x0], $0xffff  }
0x2fc: {  	v13 =	vld.idx.msk [tilespmem:v15+s18+$0x0], $0xffff;
	v14 =	vadd.s32 $0x1B, v5  }
0x2fd: {  	v15 =	vadd.s32 $0x1B, v6  }
0x2fe: {  	s24 =	sor.u32 $0x8080, s25  }
0x2ff: {  	s30 =	sor.u32 s17, s24  }
0x300: {  	s1 =	sor.u32 s26, s24;
	[tilespmem:s30+$0x0] =	vst v12  }
0x301: {  	[tilespmem:s1+$0x0] =	vst v13;
	v12 =	vld.idx.msk [tilespmem:v14+s18+$0x0], $0xffff  }
0x302: {  	v13 =	vld.idx.msk [tilespmem:v15+s18+$0x0], $0xffff;
	v14 =	vadd.s32 $0x1C, v5  }
0x303: {  	v15 =	vadd.s32 $0x1C, v6  }
0x304: {  	s10 =	sor.u32 $0x8100, s25  }
0x305: {  	s11 =	sor.u32 s17, s10  }
0x306: {  	s1 =	sor.u32 s26, s10;
	[tilespmem:s11+$0x0] =	vst v12  }
0x307: {  	[tilespmem:s1+$0x0] =	vst v13;
	v12 =	vld.idx.msk [tilespmem:v14+s18+$0x0], $0xffff  }
0x308: {  	v13 =	vld.idx.msk [tilespmem:v15+s18+$0x0], $0xffff;
	v14 =	vadd.s32 $0x1D, v5  }
0x309: {  	v15 =	vadd.s32 $0x1D, v6  }
0x30a: {  	s14 =	sor.u32 $0x8180, s25  }
0x30b: {  	s16 =	sor.u32 s17, s14  }
0x30c: {  	v16 =	vadd.s32 $0x1E, v4;
	s1 =	sor.u32 s26, s14;
	[tilespmem:s16+$0x0] =	vst v12  }
0x30d: {  	v12 =	vadd.s32 $0x1E, v3;
	[tilespmem:s1+$0x0] =	vst v13;
	v13 =	vld.idx.msk [tilespmem:v14+s18+$0x0], $0xffff  }
0x30e: {  	s19 =	sor.u32 $0x8200, s8;
	v14 =	vld.idx.msk [tilespmem:v15+s18+$0x0], $0xffff;
	v15 =	vadd.s32 $0x1E, v5  }
0x30f: {  	v17 =	vadd.s32 $0x1E, v6;
	s21 =	sor.u32 s7, s19  }
0x310: {  	s22 =	sor.u32 $0x8200, s25;
	[tilespmem:s21+$0x0] =	vst v10;
	s1 =	sor.u32 s6, s19  }
0x311: {  	v10 =	vld.idx.msk [tilespmem:v16+s18+$0x0], $0xffff;
	s23 =	sor.u32 s17, s22;
	[tilespmem:s1+$0x0] =	vst v11  }
0x312: {  	s10 =	sor.u32 s26, s22;
	v11 =	vld.idx.msk [tilespmem:v12+s18+$0x0], $0xffff;
	v12 =	vadd.s32 $0x1F, v4;
	[tilespmem:s23+$0x0] =	vst v13  }
0x313: {  	v13 =	vadd.s32 $0x1F, v3;
	[tilespmem:s10+$0x0] =	vst v14;
	v14 =	vld.idx.msk [tilespmem:v15+s18+$0x0], $0xffff  }
0x314: {  	v16 =	vadd.s32 $0x1F, v5;
	s24 =	sor.u32 $0x8280, s8;
	v15 =	vld.idx.msk [tilespmem:v17+s18+$0x0], $0xffff  }
0x315: {  	s30 =	sor.u32 s7, s24;
	v17 =	vadd.s32 $0x1F, v6  }
0x316: {  	[tilespmem:s30+$0x0] =	vst v10;
	s11 =	sor.u32 $0x8280, s25;
	s1 =	sor.u32 s6, s24  }
0x317: {  	s14 =	sor.u32 s17, s11;
	[tilespmem:s1+$0x0] =	vst v11;
	v10 =	vld.idx.msk [tilespmem:v12+s18+$0x0], $0xffff  }
0x318: {  	s10 =	sor.u32 s26, s11;
	v12 =	vadd.s32 $0x20, v4;
	v11 =	vld.idx.msk [tilespmem:v13+s18+$0x0], $0xffff;
	[tilespmem:s14+$0x0] =	vst v14  }
0x319: {  	v13 =	vadd.s32 $0x20, v3;
	[tilespmem:s10+$0x0] =	vst v15;
	v14 =	vld.idx.msk [tilespmem:v16+s18+$0x0], $0xffff  }
0x31a: {  	s16 =	sor.u32 $0x8300, s8;
	v15 =	vld.idx.msk [tilespmem:v17+s18+$0x0], $0xffff;
	v16 =	vadd.s32 $0x20, v5  }
0x31b: {  	s19 =	sor.u32 s7, s16;
	v17 =	vadd.s32 $0x20, v6  }
0x31c: {  	s21 =	sor.u32 $0x8300, s25;
	s1 =	sor.u32 s6, s16;
	[tilespmem:s19+$0x0] =	vst v10  }
0x31d: {  	s22 =	sor.u32 s17, s21;
	[tilespmem:s1+$0x0] =	vst v11;
	v10 =	vld.idx.msk [tilespmem:v12+s18+$0x0], $0xffff  }
0x31e: {  	s10 =	sor.u32 s26, s21;
	v12 =	vadd.s32 $0x21, v4;
	v11 =	vld.idx.msk [tilespmem:v13+s18+$0x0], $0xffff;
	[tilespmem:s22+$0x0] =	vst v14  }
0x31f: {  	v13 =	vadd.s32 $0x21, v3;
	[tilespmem:s10+$0x0] =	vst v15;
	v14 =	vld.idx.msk [tilespmem:v16+s18+$0x0], $0xffff  }
0x320: {  	s23 =	sadd.s32 $0x8F80, s8;
	v15 =	vld.idx.msk [tilespmem:v17+s18+$0x0], $0xffff;
	v16 =	vadd.s32 $0x21, v5  }
0x321: {  	s24 =	sor.u32 s7, s23;
	v17 =	vadd.s32 $0x21, v6  }
0x322: {  	s30 =	sadd.s32 $0x8F80, s25;
	s1 =	sor.u32 s6, s23;
	[tilespmem:s24+$0x0] =	vst v10  }
0x323: {  	s11 =	sor.u32 s17, s30;
	[tilespmem:s1+$0x0] =	vst v11;
	v10 =	vld.idx.msk [tilespmem:v12+s18+$0x0], $0xffff  }
0x324: {  	s10 =	sor.u32 s26, s30;
	v12 =	vadd.s32 $0x22, v4;
	v11 =	vld.idx.msk [tilespmem:v13+s18+$0x0], $0xffff;
	[tilespmem:s11+$0x0] =	vst v14  }
0x325: {  	v13 =	vadd.s32 $0x22, v3;
	[tilespmem:s10+$0x0] =	vst v15;
	v14 =	vld.idx.msk [tilespmem:v16+s18+$0x0], $0xffff  }
0x326: {  	s14 =	sor.u32 $0x9000, s8;
	v15 =	vld.idx.msk [tilespmem:v17+s18+$0x0], $0xffff;
	v16 =	vadd.s32 $0x22, v5  }
0x327: {  	s16 =	sor.u32 s7, s14;
	v17 =	vadd.s32 $0x22, v6  }
0x328: {  	s19 =	sor.u32 $0x9000, s25;
	s1 =	sor.u32 s6, s14;
	[tilespmem:s16+$0x0] =	vst v10  }
0x329: {  	s21 =	sor.u32 s17, s19;
	[tilespmem:s1+$0x0] =	vst v11;
	v10 =	vld.idx.msk [tilespmem:v12+s18+$0x0], $0xffff  }
0x32a: {  	s10 =	sor.u32 s26, s19;
	v12 =	vadd.s32 $0x23, v4;
	v11 =	vld.idx.msk [tilespmem:v13+s18+$0x0], $0xffff;
	[tilespmem:s21+$0x0] =	vst v14  }
0x32b: {  	v13 =	vadd.s32 $0x23, v3;
	[tilespmem:s10+$0x0] =	vst v15;
	v14 =	vld.idx.msk [tilespmem:v16+s18+$0x0], $0xffff  }
0x32c: {  	s22 =	sor.u32 $0x9080, s8;
	v15 =	vld.idx.msk [tilespmem:v17+s18+$0x0], $0xffff;
	v16 =	vadd.s32 $0x23, v5  }
0x32d: {  	s23 =	sor.u32 s7, s22;
	v17 =	vadd.s32 $0x23, v6  }
0x32e: {  	s24 =	sor.u32 $0x9080, s25;
	s1 =	sor.u32 s6, s22;
	[tilespmem:s23+$0x0] =	vst v10  }
0x32f: {  	s30 =	sor.u32 s17, s24;
	[tilespmem:s1+$0x0] =	vst v11;
	v10 =	vld.idx.msk [tilespmem:v12+s18+$0x0], $0xffff  }
0x330: {  	s10 =	sor.u32 s26, s24;
	v12 =	vadd.s32 $0x24, v4;
	v11 =	vld.idx.msk [tilespmem:v13+s18+$0x0], $0xffff;
	[tilespmem:s30+$0x0] =	vst v14  }
0x331: {  	v13 =	vadd.s32 $0x24, v3;
	[tilespmem:s10+$0x0] =	vst v15;
	v14 =	vld.idx.msk [tilespmem:v16+s18+$0x0], $0xffff  }
0x332: {  	s10 =	sor.u32 $0x9100, s8;
	v15 =	vld.idx.msk [tilespmem:v17+s18+$0x0], $0xffff;
	v16 =	vadd.s32 $0x24, v5  }
0x333: {  	s11 =	sor.u32 s7, s10;
	v17 =	vadd.s32 $0x24, v6  }
0x334: {  	s14 =	sor.u32 $0x9100, s25;
	s1 =	sor.u32 s6, s10;
	[tilespmem:s11+$0x0] =	vst v10  }
0x335: {  	s16 =	sor.u32 s17, s14;
	[tilespmem:s1+$0x0] =	vst v11;
	v10 =	vld.idx.msk [tilespmem:v12+s18+$0x0], $0xffff  }
0x336: {  	s10 =	sor.u32 s26, s14;
	v12 =	vadd.s32 $0x25, v4;
	v11 =	vld.idx.msk [tilespmem:v13+s18+$0x0], $0xffff;
	[tilespmem:s16+$0x0] =	vst v14  }
0x337: {  	v13 =	vadd.s32 $0x25, v3;
	[tilespmem:s10+$0x0] =	vst v15;
	v14 =	vld.idx.msk [tilespmem:v16+s18+$0x0], $0xffff  }
0x338: {  	s19 =	sor.u32 $0x9180, s8;
	v15 =	vld.idx.msk [tilespmem:v17+s18+$0x0], $0xffff;
	v16 =	vadd.s32 $0x25, v5  }
0x339: {  	s21 =	sor.u32 s7, s19;
	v17 =	vadd.s32 $0x25, v6  }
0x33a: {  	s22 =	sor.u32 $0x9180, s25;
	s1 =	sor.u32 s6, s19;
	[tilespmem:s21+$0x0] =	vst v10  }
0x33b: {  	s23 =	sor.u32 s17, s22;
	[tilespmem:s1+$0x0] =	vst v11;
	v10 =	vld.idx.msk [tilespmem:v12+s18+$0x0], $0xffff  }
0x33c: {  	s10 =	sor.u32 s26, s22;
	v12 =	vadd.s32 $0x26, v4;
	v11 =	vld.idx.msk [tilespmem:v13+s18+$0x0], $0xffff;
	[tilespmem:s23+$0x0] =	vst v14  }
0x33d: {  	v13 =	vadd.s32 $0x26, v3;
	[tilespmem:s10+$0x0] =	vst v15;
	v14 =	vld.idx.msk [tilespmem:v16+s18+$0x0], $0xffff  }
0x33e: {  	s24 =	sor.u32 $0x9200, s8;
	v15 =	vld.idx.msk [tilespmem:v17+s18+$0x0], $0xffff;
	v16 =	vadd.s32 $0x26, v5  }
0x33f: {  	s30 =	sor.u32 s7, s24;
	v17 =	vadd.s32 $0x26, v6  }
0x340: {  	s11 =	sor.u32 $0x9200, s25;
	s1 =	sor.u32 s6, s24;
	[tilespmem:s30+$0x0] =	vst v10  }
0x341: {  	s14 =	sor.u32 s17, s11;
	v10 =	vld.idx.msk [tilespmem:v12+s18+$0x0], $0xffff;
	[tilespmem:s1+$0x0] =	vst v11  }
0x342: {  	s10 =	sor.u32 s26, s11;
	v11 =	vadd.s32 $0x27, v4;
	v12 =	vld.idx.msk [tilespmem:v13+s18+$0x0], $0xffff;
	[tilespmem:s14+$0x0] =	vst v14  }
0x343: {  	v13 =	vadd.s32 $0x27, v3;
	[tilespmem:s10+$0x0] =	vst v15;
	v14 =	vld.idx.msk [tilespmem:v16+s18+$0x0], $0xffff  }
0x344: {  	s16 =	sor.u32 $0x9280, s8;
	v15 =	vadd.s32 $0x27, v5;
	v16 =	vld.idx.msk [tilespmem:v17+s18+$0x0], $0xffff  }
0x345: {  	s19 =	sor.u32 s7, s16;
	v17 =	vadd.s32 $0x27, v6  }
0x346: {  	s21 =	sor.u32 $0x9280, s25;
	s1 =	sor.u32 s6, s16;
	[tilespmem:s19+$0x0] =	vst v10  }
0x347: {  	s22 =	sor.u32 s17, s21;
	v10 =	vld.idx.msk [tilespmem:v11+s18+$0x0], $0xffff;
	[tilespmem:s1+$0x0] =	vst v12  }
0x348: {  	s10 =	sor.u32 s26, s21;
	v11 =	vadd.s32 $0x28, v4;
	v12 =	vld.idx.msk [tilespmem:v13+s18+$0x0], $0xffff;
	[tilespmem:s22+$0x0] =	vst v14  }
0x349: {  	v13 =	vadd.s32 $0x28, v3;
	[tilespmem:s10+$0x0] =	vst v16;
	v14 =	vld.idx.msk [tilespmem:v15+s18+$0x0], $0xffff  }
0x34a: {  	s23 =	sor.u32 $0x9300, s8;
	v15 =	vadd.s32 $0x28, v5;
	v16 =	vld.idx.msk [tilespmem:v17+s18+$0x0], $0xffff  }
0x34b: {  	s24 =	sor.u32 s7, s23;
	v17 =	vadd.s32 $0x28, v6  }
0x34c: {  	s30 =	sor.u32 $0x9300, s25;
	s1 =	sor.u32 s6, s23;
	[tilespmem:s24+$0x0] =	vst v10  }
0x34d: {  	s11 =	sor.u32 s17, s30;
	v10 =	vld.idx.msk [tilespmem:v11+s18+$0x0], $0xffff;
	[tilespmem:s1+$0x0] =	vst v12  }
0x34e: {  	s10 =	sor.u32 s26, s30;
	v11 =	vadd.s32 $0x29, v4;
	v12 =	vld.idx.msk [tilespmem:v13+s18+$0x0], $0xffff;
	[tilespmem:s11+$0x0] =	vst v14  }
0x34f: {  	v13 =	vadd.s32 $0x29, v3;
	[tilespmem:s10+$0x0] =	vst v16;
	v14 =	vld.idx.msk [tilespmem:v15+s18+$0x0], $0xffff  }
0x350: {  	s14 =	sadd.s32 $0x9F80, s8;
	v15 =	vadd.s32 $0x29, v5;
	v16 =	vld.idx.msk [tilespmem:v17+s18+$0x0], $0xffff  }
0x351: {  	s16 =	sor.u32 s7, s14;
	v17 =	vadd.s32 $0x29, v6  }
0x352: {  	s19 =	sadd.s32 $0x9F80, s25;
	s1 =	sor.u32 s6, s14;
	[tilespmem:s16+$0x0] =	vst v10  }
0x353: {  	s21 =	sor.u32 s17, s19;
	v10 =	vld.idx.msk [tilespmem:v11+s18+$0x0], $0xffff;
	[tilespmem:s1+$0x0] =	vst v12  }
0x354: {  	s10 =	sor.u32 s26, s19;
	v11 =	vadd.s32 $0x2A, v4;
	v12 =	vld.idx.msk [tilespmem:v13+s18+$0x0], $0xffff;
	[tilespmem:s21+$0x0] =	vst v14  }
0x355: {  	v13 =	vadd.s32 $0x2A, v3;
	[tilespmem:s10+$0x0] =	vst v16;
	v14 =	vld.idx.msk [tilespmem:v15+s18+$0x0], $0xffff  }
0x356: {  	s22 =	sor.u32 $0xA000, s8;
	v15 =	vadd.s32 $0x2A, v5;
	v16 =	vld.idx.msk [tilespmem:v17+s18+$0x0], $0xffff  }
0x357: {  	s23 =	sor.u32 s7, s22;
	v17 =	vadd.s32 $0x2A, v6  }
0x358: {  	s24 =	sor.u32 $0xA000, s25;
	s1 =	sor.u32 s6, s22;
	[tilespmem:s23+$0x0] =	vst v10  }
0x359: {  	s30 =	sor.u32 s17, s24;
	v10 =	vld.idx.msk [tilespmem:v11+s18+$0x0], $0xffff;
	[tilespmem:s1+$0x0] =	vst v12  }
0x35a: {  	s10 =	sor.u32 s26, s24;
	v11 =	vadd.s32 $0x2B, v4;
	v12 =	vld.idx.msk [tilespmem:v13+s18+$0x0], $0xffff;
	[tilespmem:s30+$0x0] =	vst v14  }
0x35b: {  	v13 =	vadd.s32 $0x2B, v3;
	[tilespmem:s10+$0x0] =	vst v16;
	v14 =	vld.idx.msk [tilespmem:v15+s18+$0x0], $0xffff  }
0x35c: {  	s10 =	sor.u32 $0xA080, s8;
	v15 =	vadd.s32 $0x2B, v5;
	v16 =	vld.idx.msk [tilespmem:v17+s18+$0x0], $0xffff  }
0x35d: {  	s11 =	sor.u32 s7, s10;
	v17 =	vadd.s32 $0x2B, v6  }
0x35e: {  	s14 =	sor.u32 $0xA080, s25;
	s1 =	sor.u32 s6, s10;
	[tilespmem:s11+$0x0] =	vst v10  }
0x35f: {  	s16 =	sor.u32 s17, s14;
	v10 =	vld.idx.msk [tilespmem:v11+s18+$0x0], $0xffff;
	[tilespmem:s1+$0x0] =	vst v12  }
0x360: {  	s10 =	sor.u32 s26, s14;
	v11 =	vadd.s32 $0x2C, v4;
	v12 =	vld.idx.msk [tilespmem:v13+s18+$0x0], $0xffff;
	[tilespmem:s16+$0x0] =	vst v14  }
0x361: {  	v13 =	vadd.s32 $0x2C, v3;
	[tilespmem:s10+$0x0] =	vst v16;
	v14 =	vld.idx.msk [tilespmem:v15+s18+$0x0], $0xffff  }
0x362: {  	s19 =	sor.u32 $0xA100, s8;
	v15 =	vadd.s32 $0x2C, v5;
	v16 =	vld.idx.msk [tilespmem:v17+s18+$0x0], $0xffff  }
0x363: {  	s21 =	sor.u32 s7, s19;
	v17 =	vadd.s32 $0x2C, v6  }
0x364: {  	s22 =	sor.u32 $0xA100, s25;
	s1 =	sor.u32 s6, s19;
	[tilespmem:s21+$0x0] =	vst v10  }
0x365: {  	s23 =	sor.u32 s17, s22;
	v10 =	vadd.s32 $0x3A, v2;
	v11 =	vld.idx.msk [tilespmem:v11+s18+$0x0], $0xffff;
	[tilespmem:s1+$0x0] =	vst v12  }
0x366: {  	s10 =	sor.u32 s26, s22;
	v12 =	vadd.s32 $0x2D, v4;
	v13 =	vld.idx.msk [tilespmem:v13+s18+$0x0], $0xffff;
	[tilespmem:s23+$0x0] =	vst v14  }
0x367: {  	v14 =	vadd.s32 $0x2D, v3;
	[tilespmem:s10+$0x0] =	vst v16;
	v15 =	vld.idx.msk [tilespmem:v15+s18+$0x0], $0xffff  }
0x368: {  	[tilespmem:s13+$0x0] =	vst v8;
	v8 =	vadd.s32 $0x2D, v5;
	s24 =	sor.u32 s0, s2;
	s30 =	sor.u32 $0xA180, s8;
	v16 =	vld.idx.msk [tilespmem:v17+s18+$0x0], $0xffff  }
0x369: {  	[tilespmem:s24+$0x0] =	vst v9;
	v9 =	vadd.s32 $0x2D, v6;
	s10 =	sor.u32 s7, s30  }
0x36a: {  	s2 =	sor.u32 s6, s30;
	s11 =	sor.u32 $0xA180, s25;
	v17 =	vadd.s32 $0x30, v0;
	v10 =	vld.idx.msk [tilespmem:v10+s18+$0x0], $0xffff;
	[tilespmem:s10+$0x0] =	vst v11  }
0x36b: {  	s13 =	sor.u32 s17, s11;
	v11 =	vadd.s32 $0x31, v1;
	v12 =	vld.idx.msk [tilespmem:v12+s18+$0x0], $0xffff;
	[tilespmem:s2+$0x0] =	vst v13  }
0x36c: {  	s14 =	sadd.s32 $0xAF80, s5;
	s1 =	sor.u32 s26, s11;
	v13 =	vadd.s32 $0x2E, v4;
	v14 =	vld.idx.msk [tilespmem:v14+s18+$0x0], $0xffff;
	[tilespmem:s13+$0x0] =	vst v15  }
0x36d: {  	s16 =	sor.u32 s12, s14;
	v15 =	vadd.s32 $0x2E, v3;
	[tilespmem:s1+$0x0] =	vst v16;
	v8 =	vld.idx.msk [tilespmem:v8+s18+$0x0], $0xffff  }
0x36e: {  	s19 =	sor.u32 $0xA200, s8;
	[tilespmem:s16+$0x0] =	vst v7;
	v7 =	vadd.s32 $0x2E, v5;
	v9 =	vld.idx.msk [tilespmem:v9+s18+$0x0], $0xffff  }
0x36f: {  	s21 =	sor.u32 s7, s19;
	v16 =	vld.idx.msk [tilespmem:v17+s18+$0x0], $0xffff;
	[tilespmem:s20+$0x0] =	vst v10;
	v10 =	vadd.s32 $0x2E, v6  }
0x370: {  	s22 =	sor.u32 $0xA200, s25;
	v17 =	vadd.s32 $0x3B, v2;
	s1 =	sor.u32 s6, s19;
	v11 =	vld.idx.msk [tilespmem:v11+s18+$0x0], $0xffff;
	[tilespmem:s21+$0x0] =	vst v12  }
0x371: {  	s23 =	sor.u32 s17, s22;
	v12 =	vadd.s32 $0x31, v0;
	v13 =	vld.idx.msk [tilespmem:v13+s18+$0x0], $0xffff;
	[tilespmem:s1+$0x0] =	vst v14  }
0x372: {  	s2 =	sor.u32 s26, s22;
	v14 =	vadd.s32 $0x2F, v4;
	v15 =	vld.idx.msk [tilespmem:v15+s18+$0x0], $0xffff;
	[tilespmem:s23+$0x0] =	vst v8  }
0x373: {  	s24 =	sor.u32 s0, s14;
	s30 =	sor.u32 $0xB000, s5;
	v8 =	vadd.s32 $0x2F, v3;
	[tilespmem:s2+$0x0] =	vst v9;
	v7 =	vld.idx.msk [tilespmem:v7+s18+$0x0], $0xffff  }
0x374: {  	s11 =	sor.u32 $0xA280, s8;
	[tilespmem:s24+$0x0] =	vst v16;
	s2 =	sor.u32 s12, s30;
	v9 =	vadd.s32 $0x2F, v5;
	v10 =	vld.idx.msk [tilespmem:v10+s18+$0x0], $0xffff  }
0x375: {  	s13 =	sor.u32 s7, s11;
	v16 =	vld.idx.msk [tilespmem:v17+s18+$0x0], $0xffff;
	[tilespmem:s2+$0x0] =	vst v11;
	v11 =	vadd.s32 $0x2F, v6  }
0x376: {  	s14 =	sor.u32 $0xA280, s25;
	v17 =	vadd.s32 $0x32, v1;
	s2 =	sor.u32 s6, s11;
	v12 =	vld.idx.msk [tilespmem:v12+s18+$0x0], $0xffff;
	[tilespmem:s13+$0x0] =	vst v13  }
0x377: {  	s16 =	sor.u32 s17, s14;
	v13 =	vadd.s32 $0x3C, v2;
	v14 =	vld.idx.msk [tilespmem:v14+s18+$0x0], $0xffff;
	[tilespmem:s2+$0x0] =	vst v15  }
0x378: {  	s1 =	sor.u32 s26, s14;
	v15 =	vadd.s32 $0x30, v4;
	v8 =	vld.idx.msk [tilespmem:v8+s18+$0x0], $0xffff;
	[tilespmem:s16+$0x0] =	vst v7  }
0x379: {  	v7 =	vadd.s32 $0x30, v3;
	[tilespmem:s1+$0x0] =	vst v10;
	v9 =	vld.idx.msk [tilespmem:v9+s18+$0x0], $0xffff  }
0x37a: {  	s19 =	sor.u32 s0, s30;
	s20 =	sor.u32 $0xA300, s8;
	[tilespmem:s3+$0x0] =	vst v16;
	v10 =	vadd.s32 $0x30, v5;
	v11 =	vld.idx.msk [tilespmem:v11+s18+$0x0], $0xffff  }
0x37b: {  	s21 =	sor.u32 s7, s20;
	v16 =	vld.idx.msk [tilespmem:v17+s18+$0x0], $0xffff;
	[tilespmem:s19+$0x0] =	vst v12;
	v12 =	vadd.s32 $0x30, v6  }
0x37c: {  	s22 =	sor.u32 $0xA300, s25;
	v17 =	vadd.s32 $0x32, v0;
	s2 =	sor.u32 s6, s20;
	v13 =	vld.idx.msk [tilespmem:v13+s18+$0x0], $0xffff;
	[tilespmem:s21+$0x0] =	vst v14  }
0x37d: {  	s23 =	sor.u32 s17, s22;
	v14 =	vadd.s32 $0x33, v1;
	v15 =	vld.idx.msk [tilespmem:v15+s18+$0x0], $0xffff;
	[tilespmem:s2+$0x0] =	vst v8  }
0x37e: {  	s24 =	sor.u32 $0xB080, s5;
	s1 =	sor.u32 s26, s22;
	v8 =	vadd.s32 $0x31, v4;
	v7 =	vld.idx.msk [tilespmem:v7+s18+$0x0], $0xffff;
	[tilespmem:s23+$0x0] =	vst v9  }
0x37f: {  	s30 =	sor.u32 s12, s24;
	v9 =	vadd.s32 $0x31, v3;
	[tilespmem:s1+$0x0] =	vst v11;
	v10 =	vld.idx.msk [tilespmem:v10+s18+$0x0], $0xffff  }
0x380: {  	[tilespmem:s30+$0x0] =	vst v16;
	s2 =	sadd.s32 $0xAF80, s8;
	v11 =	vadd.s32 $0x31, v5;
	v12 =	vld.idx.msk [tilespmem:v12+s18+$0x0], $0xffff  }
0x381: {  	v16 =	vld.idx.msk [tilespmem:v17+s18+$0x0], $0xffff;
	s10 =	sor.u32 s7, s2;
	[tilespmem:s9+$0x0] =	vst v13;
	v13 =	vadd.s32 $0x31, v6  }
0x382: {  	s11 =	sadd.s32 $0xAF80, s25;
	v17 =	vadd.s32 $0x3D, v2;
	s1 =	sor.u32 s6, s2;
	v14 =	vld.idx.msk [tilespmem:v14+s18+$0x0], $0xffff;
	[tilespmem:s10+$0x0] =	vst v15  }
0x383: {  	s13 =	sor.u32 s17, s11;
	v15 =	vadd.s32 $0x33, v0;
	v8 =	vld.idx.msk [tilespmem:v8+s18+$0x0], $0xffff;
	[tilespmem:s1+$0x0] =	vst v7  }
0x384: {  	s2 =	sor.u32 s26, s11;
	v7 =	vadd.s32 $0x32, v4;
	v9 =	vld.idx.msk [tilespmem:v9+s18+$0x0], $0xffff;
	[tilespmem:s13+$0x0] =	vst v10  }
0x385: {  	s14 =	sor.u32 s0, s24;
	s16 =	sor.u32 $0xB100, s5;
	v10 =	vadd.s32 $0x32, v3;
	[tilespmem:s2+$0x0] =	vst v12;
	v11 =	vld.idx.msk [tilespmem:v11+s18+$0x0], $0xffff  }
0x386: {  	s20 =	sor.u32 $0xB000, s8;
	s19 =	sor.u32 s12, s16;
	[tilespmem:s14+$0x0] =	vst v16;
	v12 =	vadd.s32 $0x32, v5;
	v13 =	vld.idx.msk [tilespmem:v13+s18+$0x0], $0xffff  }
0x387: {  	s21 =	sor.u32 s7, s20;
	v16 =	vld.idx.msk [tilespmem:v17+s18+$0x0], $0xffff;
	[tilespmem:s19+$0x0] =	vst v14;
	v14 =	vadd.s32 $0x32, v6  }
0x388: {  	s22 =	sor.u32 $0xB000, s25;
	v17 =	vadd.s32 $0x34, v1;
	s2 =	sor.u32 s6, s20;
	v15 =	vld.idx.msk [tilespmem:v15+s18+$0x0], $0xffff;
	[tilespmem:s21+$0x0] =	vst v8  }
0x389: {  	s23 =	sor.u32 s17, s22;
	v8 =	vadd.s32 $0x3E, v2;
	v7 =	vld.idx.msk [tilespmem:v7+s18+$0x0], $0xffff;
	[tilespmem:s2+$0x0] =	vst v9  }
0x38a: {  	s1 =	sor.u32 s26, s22;
	v9 =	vadd.s32 $0x33, v4;
	v10 =	vld.idx.msk [tilespmem:v10+s18+$0x0], $0xffff;
	[tilespmem:s23+$0x0] =	vst v11  }
0x38b: {  	v11 =	vadd.s32 $0x33, v3;
	[tilespmem:s1+$0x0] =	vst v13;
	v12 =	vld.idx.msk [tilespmem:v12+s18+$0x0], $0xffff  }
0x38c: {  	s24 =	sor.u32 s0, s16;
	s30 =	sor.u32 $0xB080, s8;
	[tilespmem:s4+$0x0] =	vst v16;
	v13 =	vadd.s32 $0x33, v5;
	v14 =	vld.idx.msk [tilespmem:v14+s18+$0x0], $0xffff  }
0x38d: {  	s3 =	sor.u32 s7, s30;
	v16 =	vld.idx.msk [tilespmem:v17+s18+$0x0], $0xffff;
	[tilespmem:s24+$0x0] =	vst v15;
	v15 =	vadd.s32 $0x33, v6  }
0x38e: {  	s4 =	sor.u32 $0xB080, s25;
	v17 =	vadd.s32 $0x34, v0;
	s2 =	sor.u32 s6, s30;
	v8 =	vld.idx.msk [tilespmem:v8+s18+$0x0], $0xffff;
	[tilespmem:s3+$0x0] =	vst v7  }
0x38f: {  	s9 =	sor.u32 s17, s4;
	v7 =	vadd.s32 $0x35, v1;
	v9 =	vld.idx.msk [tilespmem:v9+s18+$0x0], $0xffff;
	[tilespmem:s2+$0x0] =	vst v10  }
0x390: {  	s10 =	sor.u32 $0xB180, s5;
	s1 =	sor.u32 s26, s4;
	v10 =	vadd.s32 $0x34, v4;
	v11 =	vld.idx.msk [tilespmem:v11+s18+$0x0], $0xffff;
	[tilespmem:s9+$0x0] =	vst v12  }
0x391: {  	s11 =	sor.u32 s12, s10;
	v12 =	vadd.s32 $0x34, v3;
	[tilespmem:s1+$0x0] =	vst v14;
	v13 =	vld.idx.msk [tilespmem:v13+s18+$0x0], $0xffff  }
0x392: {  	s13 =	sor.u32 $0xB100, s8;
	[tilespmem:s11+$0x0] =	vst v16;
	v14 =	vadd.s32 $0x34, v5;
	v15 =	vld.idx.msk [tilespmem:v15+s18+$0x0], $0xffff  }
0x393: {  	s14 =	sor.u32 s7, s13;
	v16 =	vld.idx.msk [tilespmem:v17+s18+$0x0], $0xffff;
	[tilespmem:s15+$0x0] =	vst v8;
	v8 =	vadd.s32 $0x34, v6  }
0x394: {  	v2 =	vadd.s32 $0x3F, v2;
	s1 =	sor.u32 s6, s13;
	s15 =	sor.u32 $0xB100, s25;
	v7 =	vld.idx.msk [tilespmem:v7+s18+$0x0], $0xffff;
	[tilespmem:s14+$0x0] =	vst v9  }
0x395: {  	s16 =	sor.u32 s17, s15;
	v9 =	vadd.s32 $0x35, v0;
	v10 =	vld.idx.msk [tilespmem:v10+s18+$0x0], $0xffff;
	[tilespmem:s1+$0x0] =	vst v11  }
0x396: {  	s2 =	sor.u32 s26, s15;
	v11 =	vadd.s32 $0x35, v4;
	v12 =	vld.idx.msk [tilespmem:v12+s18+$0x0], $0xffff;
	[tilespmem:s16+$0x0] =	vst v13  }
0x397: {  	s20 =	sor.u32 $0xB200, s5;
	s19 =	sor.u32 s0, s10;
	v13 =	vadd.s32 $0x35, v3;
	[tilespmem:s2+$0x0] =	vst v15;
	v14 =	vld.idx.msk [tilespmem:v14+s18+$0x0], $0xffff  }
0x398: {  	s22 =	sor.u32 $0xB180, s8;
	s21 =	sor.u32 s12, s20;
	[tilespmem:s19+$0x0] =	vst v16;
	v15 =	vadd.s32 $0x35, v5;
	v8 =	vld.idx.msk [tilespmem:v8+s18+$0x0], $0xffff  }
0x399: {  	s23 =	sor.u32 s7, s22;
	v2 =	vld.idx.msk [tilespmem:v2+s18+$0x0], $0xffff;
	[tilespmem:s21+$0x0] =	vst v7;
	v7 =	vadd.s32 $0x35, v6  }
0x39a: {  	s24 =	sor.u32 $0xB180, s25;
	v16 =	vadd.s32 $0x36, v1;
	s2 =	sor.u32 s6, s22;
	v9 =	vld.idx.msk [tilespmem:v9+s18+$0x0], $0xffff;
	[tilespmem:s23+$0x0] =	vst v10  }
0x39b: {  	s30 =	sor.u32 s17, s24;
	v10 =	vadd.s32 $0x36, v0;
	v11 =	vld.idx.msk [tilespmem:v11+s18+$0x0], $0xffff;
	[tilespmem:s2+$0x0] =	vst v12  }
0x39c: {  	s1 =	sor.u32 s26, s24;
	v12 =	vadd.s32 $0x36, v4;
	v13 =	vld.idx.msk [tilespmem:v13+s18+$0x0], $0xffff;
	[tilespmem:s30+$0x0] =	vst v14  }
0x39d: {  	v14 =	vadd.s32 $0x36, v3;
	[tilespmem:s1+$0x0] =	vst v8;
	v15 =	vld.idx.msk [tilespmem:v15+s18+$0x0], $0xffff  }
0x39e: {  	s4 =	sor.u32 $0xB200, s8;
	s3 =	sor.u32 s0, s20;
	[tilespmem:s28+$0x0] =	vst v2;
	v2 =	vadd.s32 $0x36, v5;
	v7 =	vld.idx.msk [tilespmem:v7+s18+$0x0], $0xffff  }
0x39f: {  	s9 =	sor.u32 s7, s4;
	v8 =	vld.idx.msk [tilespmem:v16+s18+$0x0], $0xffff;
	[tilespmem:s3+$0x0] =	vst v9;
	v9 =	vadd.s32 $0x36, v6  }
0x3a0: {  	s10 =	sor.u32 s6, s4;
	s11 =	sor.u32 $0xB200, s25;
	v16 =	vadd.s32 $0x37, v1;
	v10 =	vld.idx.msk [tilespmem:v10+s18+$0x0], $0xffff;
	[tilespmem:s9+$0x0] =	vst v11  }
0x3a1: {  	s13 =	sor.u32 s17, s11;
	v11 =	vadd.s32 $0x37, v0;
	v12 =	vld.idx.msk [tilespmem:v12+s18+$0x0], $0xffff;
	[tilespmem:s10+$0x0] =	vst v13  }
0x3a2: {  	s15 =	sor.u32 s26, s11;
	s14 =	sor.u32 $0xB280, s5;
	v13 =	vadd.s32 $0x37, v4;
	v14 =	vld.idx.msk [tilespmem:v14+s18+$0x0], $0xffff;
	[tilespmem:s13+$0x0] =	vst v15  }
0x3a3: {  	s16 =	sor.u32 s12, s14;
	v15 =	vadd.s32 $0x37, v3;
	[tilespmem:s15+$0x0] =	vst v7;
	v2 =	vld.idx.msk [tilespmem:v2+s18+$0x0], $0xffff  }
0x3a4: {  	s20 =	sor.u32 $0xB280, s8;
	s19 =	sor.u32 s0, s14;
	[tilespmem:s16+$0x0] =	vst v8;
	v7 =	vadd.s32 $0x37, v5;
	v8 =	vld.idx.msk [tilespmem:v9+s18+$0x0], $0xffff  }
0x3a5: {  	s21 =	sor.u32 s7, s20;
	v9 =	vld.idx.msk [tilespmem:v16+s18+$0x0], $0xffff;
	[tilespmem:s19+$0x0] =	vst v10;
	v10 =	vadd.s32 $0x37, v6  }
0x3a6: {  	s22 =	sor.u32 $0xB280, s25;
	s2 =	sor.u32 s6, s20;
	v16 =	vadd.s32 $0x38, v1;
	v11 =	vld.idx.msk [tilespmem:v11+s18+$0x0], $0xffff;
	[tilespmem:s21+$0x0] =	vst v12  }
0x3a7: {  	s23 =	sor.u32 s17, s22;
	v12 =	vadd.s32 $0x38, v0;
	v13 =	vld.idx.msk [tilespmem:v13+s18+$0x0], $0xffff;
	[tilespmem:s2+$0x0] =	vst v14  }
0x3a8: {  	s24 =	sor.u32 $0xB300, s5;
	s1 =	sor.u32 s26, s22;
	v14 =	vadd.s32 $0x38, v4;
	v15 =	vld.idx.msk [tilespmem:v15+s18+$0x0], $0xffff;
	[tilespmem:s23+$0x0] =	vst v2  }
0x3a9: {  	s28 =	sor.u32 s12, s24;
	v2 =	vadd.s32 $0x38, v3;
	[tilespmem:s1+$0x0] =	vst v8;
	v7 =	vld.idx.msk [tilespmem:v7+s18+$0x0], $0xffff  }
0x3aa: {  	s30 =	sor.u32 s0, s24;
	s3 =	sor.u32 $0xB300, s8;
	[tilespmem:s28+$0x0] =	vst v9;
	v8 =	vadd.s32 $0x38, v5;
	v9 =	vld.idx.msk [tilespmem:v10+s18+$0x0], $0xffff  }
0x3ab: {  	s4 =	sor.u32 s7, s3;
	v10 =	vld.idx.msk [tilespmem:v16+s18+$0x0], $0xffff;
	[tilespmem:s30+$0x0] =	vst v11;
	v11 =	vadd.s32 $0x38, v6  }
0x3ac: {  	s9 =	sor.u32 $0xB300, s25;
	s2 =	sor.u32 s6, s3;
	v16 =	vadd.s32 $0x39, v1;
	v12 =	vld.idx.msk [tilespmem:v12+s18+$0x0], $0xffff;
	[tilespmem:s4+$0x0] =	vst v13  }
0x3ad: {  	s10 =	sor.u32 s17, s9;
	v13 =	vadd.s32 $0x39, v0;
	v14 =	vld.idx.msk [tilespmem:v14+s18+$0x0], $0xffff;
	[tilespmem:s2+$0x0] =	vst v15  }
0x3ae: {  	s11 =	sadd.s32 $0xBF80, s5;
	s1 =	sor.u32 s26, s9;
	v15 =	vadd.s32 $0x39, v4;
	v2 =	vld.idx.msk [tilespmem:v2+s18+$0x0], $0xffff;
	[tilespmem:s10+$0x0] =	vst v7  }
0x3af: {  	s13 =	sor.u32 s12, s11;
	v7 =	vadd.s32 $0x39, v3;
	[tilespmem:s1+$0x0] =	vst v9;
	v8 =	vld.idx.msk [tilespmem:v8+s18+$0x0], $0xffff  }
0x3b0: {  	s14 =	sor.u32 s0, s11;
	s15 =	sadd.s32 $0xBF80, s8;
	[tilespmem:s13+$0x0] =	vst v10;
	v9 =	vadd.s32 $0x39, v5;
	v10 =	vld.idx.msk [tilespmem:v11+s18+$0x0], $0xffff  }
0x3b1: {  	s16 =	sor.u32 s7, s15;
	v11 =	vld.idx.msk [tilespmem:v16+s18+$0x0], $0xffff;
	[tilespmem:s14+$0x0] =	vst v12;
	v12 =	vadd.s32 $0x39, v6  }
0x3b2: {  	s19 =	sadd.s32 $0xBF80, s25;
	s2 =	sor.u32 s6, s15;
	v16 =	vadd.s32 $0x3A, v1;
	v13 =	vld.idx.msk [tilespmem:v13+s18+$0x0], $0xffff;
	[tilespmem:s16+$0x0] =	vst v14  }
0x3b3: {  	s20 =	sor.u32 s17, s19;
	v14 =	vadd.s32 $0x3A, v0;
	v15 =	vld.idx.msk [tilespmem:v15+s18+$0x0], $0xffff;
	[tilespmem:s2+$0x0] =	vst v2  }
0x3b4: {  	s21 =	sor.u32 $0xC000, s5;
	s1 =	sor.u32 s26, s19;
	v2 =	vadd.s32 $0x3A, v4;
	v7 =	vld.idx.msk [tilespmem:v7+s18+$0x0], $0xffff;
	[tilespmem:s20+$0x0] =	vst v8  }
0x3b5: {  	s22 =	sor.u32 s12, s21;
	v8 =	vadd.s32 $0x3A, v3;
	[tilespmem:s1+$0x0] =	vst v10;
	v9 =	vld.idx.msk [tilespmem:v9+s18+$0x0], $0xffff  }
0x3b6: {  	s24 =	sor.u32 $0xC000, s8;
	s23 =	sor.u32 s0, s21;
	[tilespmem:s22+$0x0] =	vst v11;
	v10 =	vadd.s32 $0x3A, v5;
	v11 =	vld.idx.msk [tilespmem:v12+s18+$0x0], $0xffff  }
0x3b7: {  	s28 =	sor.u32 s7, s24;
	v12 =	vld.idx.msk [tilespmem:v16+s18+$0x0], $0xffff;
	[tilespmem:s23+$0x0] =	vst v13;
	v13 =	vadd.s32 $0x3A, v6  }
0x3b8: {  	s30 =	sor.u32 $0xC000, s25;
	s2 =	sor.u32 s6, s24;
	v16 =	vadd.s32 $0x3B, v1;
	v14 =	vld.idx.msk [tilespmem:v14+s18+$0x0], $0xffff;
	[tilespmem:s28+$0x0] =	vst v15  }
0x3b9: {  	s3 =	sor.u32 s17, s30;
	v15 =	vadd.s32 $0x3B, v0;
	v2 =	vld.idx.msk [tilespmem:v2+s18+$0x0], $0xffff;
	[tilespmem:s2+$0x0] =	vst v7  }
0x3ba: {  	s4 =	sor.u32 $0xC080, s5;
	s1 =	sor.u32 s26, s30;
	v7 =	vadd.s32 $0x3B, v4;
	v8 =	vld.idx.msk [tilespmem:v8+s18+$0x0], $0xffff;
	[tilespmem:s3+$0x0] =	vst v9  }
0x3bb: {  	s9 =	sor.u32 s12, s4;
	v9 =	vadd.s32 $0x3B, v3;
	[tilespmem:s1+$0x0] =	vst v11;
	v10 =	vld.idx.msk [tilespmem:v10+s18+$0x0], $0xffff  }
0x3bc: {  	s11 =	sor.u32 $0xC080, s8;
	s10 =	sor.u32 s0, s4;
	[tilespmem:s9+$0x0] =	vst v12;
	v11 =	vadd.s32 $0x3B, v5;
	v12 =	vld.idx.msk [tilespmem:v13+s18+$0x0], $0xffff  }
0x3bd: {  	s13 =	sor.u32 s7, s11;
	v13 =	vld.idx.msk [tilespmem:v16+s18+$0x0], $0xffff;
	[tilespmem:s10+$0x0] =	vst v14;
	v14 =	vadd.s32 $0x3B, v6  }
0x3be: {  	s14 =	sor.u32 $0xC080, s25;
	s2 =	sor.u32 s6, s11;
	v16 =	vadd.s32 $0x3C, v1;
	v15 =	vld.idx.msk [tilespmem:v15+s18+$0x0], $0xffff;
	[tilespmem:s13+$0x0] =	vst v2  }
0x3bf: {  	s15 =	sor.u32 s17, s14;
	v2 =	vadd.s32 $0x3C, v0;
	v7 =	vld.idx.msk [tilespmem:v7+s18+$0x0], $0xffff;
	[tilespmem:s2+$0x0] =	vst v8  }
0x3c0: {  	s16 =	sor.u32 $0xC100, s5;
	s1 =	sor.u32 s26, s14;
	v8 =	vadd.s32 $0x3C, v4;
	v9 =	vld.idx.msk [tilespmem:v9+s18+$0x0], $0xffff;
	[tilespmem:s15+$0x0] =	vst v10  }
0x3c1: {  	s19 =	sor.u32 s12, s16;
	v10 =	vadd.s32 $0x3C, v3;
	[tilespmem:s1+$0x0] =	vst v12;
	v11 =	vld.idx.msk [tilespmem:v11+s18+$0x0], $0xffff  }
0x3c2: {  	s21 =	sor.u32 $0xC100, s8;
	s20 =	sor.u32 s0, s16;
	[tilespmem:s19+$0x0] =	vst v13;
	v12 =	vadd.s32 $0x3C, v5;
	v13 =	vld.idx.msk [tilespmem:v14+s18+$0x0], $0xffff  }
0x3c3: {  	s22 =	sor.u32 s7, s21;
	v14 =	vld.idx.msk [tilespmem:v16+s18+$0x0], $0xffff;
	[tilespmem:s20+$0x0] =	vst v15;
	v15 =	vadd.s32 $0x3C, v6  }
0x3c4: {  	s23 =	sor.u32 $0xC100, s25;
	s2 =	sor.u32 s6, s21;
	v16 =	vadd.s32 $0x3D, v1;
	v2 =	vld.idx.msk [tilespmem:v2+s18+$0x0], $0xffff;
	[tilespmem:s22+$0x0] =	vst v7  }
0x3c5: {  	s24 =	sor.u32 s17, s23;
	v7 =	vadd.s32 $0x3D, v0;
	v8 =	vld.idx.msk [tilespmem:v8+s18+$0x0], $0xffff;
	[tilespmem:s2+$0x0] =	vst v9  }
0x3c6: {  	s28 =	sor.u32 $0xC180, s5;
	s1 =	sor.u32 s26, s23;
	v9 =	vadd.s32 $0x3D, v4;
	v10 =	vld.idx.msk [tilespmem:v10+s18+$0x0], $0xffff;
	[tilespmem:s24+$0x0] =	vst v11  }
0x3c7: {  	s30 =	sor.u32 s12, s28;
	v11 =	vadd.s32 $0x3D, v3;
	[tilespmem:s1+$0x0] =	vst v13;
	v12 =	vld.idx.msk [tilespmem:v12+s18+$0x0], $0xffff  }
0x3c8: {  	s4 =	sor.u32 $0xC180, s8;
	s3 =	sor.u32 s0, s28;
	[tilespmem:s30+$0x0] =	vst v14;
	v13 =	vadd.s32 $0x3D, v5;
	v14 =	vld.idx.msk [tilespmem:v15+s18+$0x0], $0xffff  }
0x3c9: {  	s9 =	sor.u32 s7, s4;
	v15 =	vld.idx.msk [tilespmem:v16+s18+$0x0], $0xffff;
	[tilespmem:s3+$0x0] =	vst v2;
	v2 =	vadd.s32 $0x3D, v6  }
0x3ca: {  	s10 =	sor.u32 $0xC180, s25;
	s2 =	sor.u32 s6, s4;
	v16 =	vadd.s32 $0x3E, v1;
	v7 =	vld.idx.msk [tilespmem:v7+s18+$0x0], $0xffff;
	[tilespmem:s9+$0x0] =	vst v8  }
0x3cb: {  	s11 =	sor.u32 s17, s10;
	v8 =	vadd.s32 $0x3E, v0;
	v9 =	vld.idx.msk [tilespmem:v9+s18+$0x0], $0xffff;
	[tilespmem:s2+$0x0] =	vst v10  }
0x3cc: {  	s13 =	sor.u32 $0xC200, s5;
	s1 =	sor.u32 s26, s10;
	v10 =	vadd.s32 $0x3E, v4;
	v11 =	vld.idx.msk [tilespmem:v11+s18+$0x0], $0xffff;
	[tilespmem:s11+$0x0] =	vst v12  }
0x3cd: {  	s14 =	sor.u32 s12, s13;
	v12 =	vadd.s32 $0x3E, v3;
	[tilespmem:s1+$0x0] =	vst v14;
	v13 =	vld.idx.msk [tilespmem:v13+s18+$0x0], $0xffff  }
0x3ce: {  	s16 =	sor.u32 $0xC200, s8;
	s15 =	sor.u32 s0, s13;
	[tilespmem:s14+$0x0] =	vst v15;
	v14 =	vadd.s32 $0x3E, v5;
	v2 =	vld.idx.msk [tilespmem:v2+s18+$0x0], $0xffff  }
0x3cf: {  	s19 =	sor.u32 s7, s16;
	v15 =	vld.idx.msk [tilespmem:v16+s18+$0x0], $0xffff;
	[tilespmem:s15+$0x0] =	vst v7;
	v7 =	vadd.s32 $0x3E, v6  }
0x3d0: {  	s21 =	sor.u32 $0xC200, s25;
	s20 =	sor.u32 s6, s16;
	v1 =	vadd.s32 $0x3F, v1;
	v8 =	vld.idx.msk [tilespmem:v8+s18+$0x0], $0xffff;
	[tilespmem:s19+$0x0] =	vst v9  }
0x3d1: {  	s22 =	sor.u32 s17, s21;
	v0 =	vadd.s32 $0x3F, v0;
	v9 =	vld.idx.msk [tilespmem:v10+s18+$0x0], $0xffff;
	[tilespmem:s20+$0x0] =	vst v11  }
0x3d2: {  	s23 =	sor.u32 $0xC280, s5;
	s24 =	sor.u32 s26, s21;
	v4 =	vadd.s32 $0x3F, v4;
	v10 =	vld.idx.msk [tilespmem:v12+s18+$0x0], $0xffff;
	[tilespmem:s22+$0x0] =	vst v13  }
0x3d3: {  	s28 =	sor.u32 s12, s23;
	v3 =	vadd.s32 $0x3F, v3;
	[tilespmem:s24+$0x0] =	vst v2;
	v11 =	vld.idx.msk [tilespmem:v14+s18+$0x0], $0xffff  }
0x3d4: {  	s30 =	sor.u32 s0, s23;
	s3 =	sor.u32 $0xC280, s8;
	[tilespmem:s28+$0x0] =	vst v15;
	v2 =	vadd.s32 $0x3F, v5;
	v5 =	vld.idx.msk [tilespmem:v7+s18+$0x0], $0xffff  }
0x3d5: {  	s4 =	sor.u32 s7, s3;
	v6 =	vadd.s32 $0x3F, v6;
	v1 =	vld.idx.msk [tilespmem:v1+s18+$0x0], $0xffff;
	[tilespmem:s30+$0x0] =	vst v8  }
0x3d6: {  	s9 =	sor.u32 $0xC280, s25;
	s2 =	sor.u32 s6, s3;
	v0 =	vld.idx.msk [tilespmem:v0+s18+$0x0], $0xffff;
	[tilespmem:s4+$0x0] =	vst v9  }
0x3d7: {  	s10 =	sor.u32 s17, s9;
	v4 =	vld.idx.msk [tilespmem:v4+s18+$0x0], $0xffff;
	[tilespmem:s2+$0x0] =	vst v10  }
0x3d8: {  	s11 =	sor.u32 $0xC300, s5;
	s1 =	sor.u32 s26, s9;
	v3 =	vld.idx.msk [tilespmem:v3+s18+$0x0], $0xffff;
	[tilespmem:s10+$0x0] =	vst v11  }
0x3d9: {  	s12 =	sor.u32 s12, s11;
	[tilespmem:s1+$0x0] =	vst v5;
	v2 =	vld.idx.msk [tilespmem:v2+s18+$0x0], $0xffff  }
0x3da: {  	s14 =	sor.u32 $0xC300, s8;
	s13 =	sor.u32 s0, s11;
	[tilespmem:s12+$0x0] =	vst v1;
	v1 =	vld.idx.msk [tilespmem:v6+s18+$0x0], $0xffff  }
0x3db: {  	s15 =	sor.u32 s7, s14;
	[tilespmem:s13+$0x0] =	vst v0  }
0x3dc: {  	s16 =	sor.u32 $0xC300, s25;
	s1 =	sor.u32 s6, s14;
	[tilespmem:s15+$0x0] =	vst v4  }
0x3dd: {  	s23 =	simm.s32 $0x20000;
	s19 =	sor.u32 s17, s16;
	s2 =	rddreg [dreg:$0x10];
	[tilespmem:s1+$0x0] =	vst v3  }
0x3de: {  	s5 =	simm.s32 $0x400;
	s0 =	sor.u32 s26, s16;
	s20 =	rddreg [dreg:$0x2];
	[tilespmem:s19+$0x0] =	vst v2  }
0x3df: {  	s22 =	simm.s32 $0x1000;
	s2 =	sshll.u32 s2, $0x9;
	s1 =	rddreg [dreg:$0x11];
	[tilespmem:s0+$0x0] =	vst v1  }
0x3e0: {  	s24 =	simm.s32 $0x4F80;
	s2 =	sand.u32 $0x3C00, s2;
	s25 =	rddreg [dreg:$0xa]  }
0x3e1: {  	s2 =	sadd.s32 s20, s2;
	s1 =	sshll.u32 s1, $0x11;
	s26 =	rddreg [dreg:$0x12]  }
0x3e2: {  	s30 =	simm.s32 $0x4;
	s21 =	sadd.s32 s1, s2;
	s0 =	sadd.s32 s26, s25  }
0x3e3: {  	[hbm4b:s21+s22] =	stream.strided.scatter [tilespmem:s24], [sflag:$0x1], $0x8000, s23, s22, $0x38;
	[tilespmem:$0x14F80] =	vst v63  }
0x3e4: {  	s1 =	sshll.u32 s0, $0x9;
	s28 =	sshll.u32 s0, $0xC;
	s0 =	sshll.u32 s0, $0x2  }
0x3e5: {  	s1 =	sand.u32 $0x3E0000, s1;
	s2 =	sand.u32 $0x1F000, s28;
	_ =	swait.ge [sflag:s30], $0x200  }
0x3e6: {  	s0 =	sand.u32 $0x380, s0;
	s1 =	sor.u32 s1, s2;
	[sflag:s30] =	ssyncset.done $0x0  }
0x3e7: {  	s7 =	simm.s32 $0x0;
	s0 =	sor.u32 s0, s1;
	[sflag:s30] =	ssyncadd.s32 $0xFFFFFE00  }
0x3e8: {  	s4 =	simm.s32 $0x80;
	s0 =	sshrl.u32 s0, $0x3;
	s3 =	rddreg [dreg:$0x0]  }
0x3e9: {  	s6 =	simm.s32 $0x4B80;
	s1 =	simm.s32 @!p0 $0x2;
	s0 =	sadd.s32 s3, s0  }
0x3ea: {  	[tilespmem:s6], [sflag:$0x3] =	stream.strided.gather [hbm4b:s0+s4], $0x200, s5, s4, $0x38;
	[tilespmem:$0x14F80] =	vst v63  }
0x3eb: {  	s25 =	sand.u32 $0x60, s7;
	_ =	swait.ge @!p0 [sflag:s1], $0x8000  }
0x3ec: {  	s8 =	sand.u32 $0x180, s7;
	s17 =	sor.u32 $0x10, s25;
	[sflag:s1] =	ssyncset.done @!p0 $0x0  }
0x3ed: {  	s9 =	sor.u32 s17, s8;
	[sflag:s1] =	ssyncadd.s32 @!p0 $0xFFFF8000  }
0x3ee: {  	s10 =	simm.s32 $0x4D80;
	v0 =	vld [tilespmem:s9+$0x4D80]  }
0x3ef: {  	v1 =	vld [tilespmem:s10+$0x0];
	_ =	sdelay $0x3  }
0x3f0: {  	v7 =	vmul.u32 $0x41, v0  }
0x3f1: {  	v2 =	vmul.u32 $0x41, v1;
	_ =	sdelay $0x4  }
0x3f2: {  	v0 =	vld.idx.msk [tilespmem:v7+s18+$0x0], $0xffff  }
0x3f3: {  	v3 =	vadd.s32 $0x1, v7;
	v1 =	vld.idx.msk [tilespmem:v2+s18+$0x0], $0xffff  }
0x3f4: {  	s21 =	sand.u32 $0xC00, s7;
	v4 =	vadd.s32 $0x1, v2  }
0x3f5: {  	s11 =	sadd.s32 $0xCF80, s21  }
0x3f6: {  	s12 =	sor.u32 s17, s11  }
0x3f7: {  	s1 =	sor.u32 s25, s11;
	[tilespmem:s12+$0x0] =	vst v0  }
0x3f8: {  	[tilespmem:s1+$0x0] =	vst v1;
	v0 =	vld.idx.msk [tilespmem:v3+s18+$0x0], $0xffff  }
0x3f9: {  	v1 =	vld.idx.msk [tilespmem:v4+s18+$0x0], $0xffff;
	v3 =	vadd.s32 $0x2, v7  }
0x3fa: {  	v4 =	vadd.s32 $0x2, v2;
	_ =	sdelay $0x2  }
0x3fb: {  	[tilespmem:s12+$0x80] =	vst v0  }
0x3fc: {  	[tilespmem:s1+$0x80] =	vst v1;
	v0 =	vld.idx.msk [tilespmem:v3+s18+$0x0], $0xffff  }
0x3fd: {  	v1 =	vld.idx.msk [tilespmem:v4+s18+$0x0], $0xffff;
	v3 =	vadd.s32 $0x3, v7  }
0x3fe: {  	v4 =	vadd.s32 $0x3, v2;
	_ =	sdelay $0x2  }
0x3ff: {  	[tilespmem:s12+$0x100] =	vst v0  }
0x400: {  	[tilespmem:s1+$0x100] =	vst v1;
	v0 =	vld.idx.msk [tilespmem:v3+s18+$0x0], $0xffff  }
0x401: {  	v1 =	vld.idx.msk [tilespmem:v4+s18+$0x0], $0xffff;
	v3 =	vadd.s32 $0x4, v7  }
0x402: {  	v4 =	vadd.s32 $0x4, v2;
	_ =	sdelay $0x2  }
0x403: {  	[tilespmem:s12+$0x180] =	vst v0  }
0x404: {  	[tilespmem:s1+$0x180] =	vst v1;
	v0 =	vld.idx.msk [tilespmem:v3+s18+$0x0], $0xffff  }
0x405: {  	v1 =	vld.idx.msk [tilespmem:v4+s18+$0x0], $0xffff;
	v3 =	vadd.s32 $0x5, v7  }
0x406: {  	v4 =	vadd.s32 $0x5, v2;
	_ =	sdelay $0x2  }
0x407: {  	[tilespmem:s12+$0x200] =	vst v0  }
0x408: {  	[tilespmem:s1+$0x200] =	vst v1;
	v0 =	vld.idx.msk [tilespmem:v3+s18+$0x0], $0xffff  }
0x409: {  	v1 =	vld.idx.msk [tilespmem:v4+s18+$0x0], $0xffff;
	v3 =	vadd.s32 $0x6, v7  }
0x40a: {  	v4 =	vadd.s32 $0x6, v2;
	_ =	sdelay $0x2  }
0x40b: {  	[tilespmem:s12+$0x280] =	vst v0  }
0x40c: {  	s13 =	sand.u32 $0x3, s7;
	[tilespmem:s1+$0x280] =	vst v1;
	v0 =	vld.idx.msk [tilespmem:v3+s18+$0x0], $0xffff  }
0x40d: {  	s1 =	sshll.u32 s13, $0x5;
	v1 =	vld.idx.msk [tilespmem:v4+s18+$0x0], $0xffff;
	v3 =	vadd.s32 $0x7, v7  }
0x40e: {  	s1 =	sadd.s32 $0x0, s1;
	v4 =	vadd.s32 $0x7, v2  }
0x40f: {  	s14 =	sadd.s32 $0x10, s1  }
0x410: {  	s15 =	sor.u32 $0x300, s14  }
0x411: {  	s1 =	sor.u32 $0x300, s1;
	[tilespmem:s15+$0xCF80] =	vst v0  }
0x412: {  	[tilespmem:s1+$0xCF80] =	vst v1;
	v0 =	vld.idx.msk [tilespmem:v3+s18+$0x0], $0xffff  }
0x413: {  	v1 =	vld.idx.msk [tilespmem:v4+s18+$0x0], $0xffff;
	v3 =	vadd.s32 $0x8, v7  }
0x414: {  	v4 =	vadd.s32 $0x8, v2;
	_ =	sdelay $0x1  }
0x415: {  	s0 =	sor.u32 s7, s7;
	s16 =	sor.u32 $0x380, s14  }
0x416: {  	s0 =	sor.u32 $0x380, s0;
	[tilespmem:s16+$0xCF80] =	vst v0  }
0x417: {  	[tilespmem:s0+$0xCF80] =	vst v1;
	v0 =	vld.idx.msk [tilespmem:v3+s18+$0x0], $0xffff  }
0x418: {  	v1 =	vld.idx.msk [tilespmem:v4+s18+$0x0], $0xffff;
	v3 =	vadd.s32 $0x9, v7  }
0x419: {  	v4 =	vadd.s32 $0x9, v2  }
0x41a: {  	s19 =	sadd.s32 $0xDF80, s21  }
0x41b: {  	s20 =	sor.u32 s17, s19  }
0x41c: {  	s0 =	sor.u32 s25, s19;
	[tilespmem:s20+$0x0] =	vst v0  }
0x41d: {  	[tilespmem:s0+$0x0] =	vst v1;
	v0 =	vld.idx.msk [tilespmem:v3+s18+$0x0], $0xffff  }
0x41e: {  	v1 =	vld.idx.msk [tilespmem:v4+s18+$0x0], $0xffff;
	v3 =	vadd.s32 $0xA, v7  }
0x41f: {  	v4 =	vadd.s32 $0xA, v2  }
0x420: {  	s22 =	sor.u32 $0xE000, s21  }
0x421: {  	s23 =	sor.u32 s17, s22  }
0x422: {  	s0 =	sor.u32 s25, s22;
	[tilespmem:s23+$0x0] =	vst v0  }
0x423: {  	[tilespmem:s0+$0x0] =	vst v1;
	v0 =	vld.idx.msk [tilespmem:v3+s18+$0x0], $0xffff  }
0x424: {  	v1 =	vld.idx.msk [tilespmem:v4+s18+$0x0], $0xffff;
	v3 =	vadd.s32 $0xB, v7  }
0x425: {  	v4 =	vadd.s32 $0xB, v2  }
0x426: {  	s24 =	sor.u32 $0xE080, s21  }
0x427: {  	s26 =	sor.u32 s17, s24  }
0x428: {  	s0 =	sor.u32 s25, s24;
	[tilespmem:s26+$0x0] =	vst v0  }
0x429: {  	[tilespmem:s0+$0x0] =	vst v1;
	v0 =	vld.idx.msk [tilespmem:v3+s18+$0x0], $0xffff  }
0x42a: {  	v1 =	vld.idx.msk [tilespmem:v4+s18+$0x0], $0xffff;
	v3 =	vadd.s32 $0xC, v7  }
0x42b: {  	v4 =	vadd.s32 $0xC, v2  }
0x42c: {  	s28 =	sor.u32 $0xE100, s21  }
0x42d: {  	s30 =	sor.u32 s17, s28  }
0x42e: {  	s0 =	sor.u32 s25, s28;
	[tilespmem:s30+$0x0] =	vst v0  }
0x42f: {  	[tilespmem:s0+$0x0] =	vst v1;
	v0 =	vld.idx.msk [tilespmem:v3+s18+$0x0], $0xffff  }
0x430: {  	v1 =	vld.idx.msk [tilespmem:v4+s18+$0x0], $0xffff;
	v3 =	vadd.s32 $0xD, v7  }
0x431: {  	v4 =	vadd.s32 $0xD, v2  }
0x432: {  	s1 =	sor.u32 $0xE180, s21  }
0x433: {  	s2 =	sor.u32 s17, s1  }
0x434: {  	s0 =	sor.u32 s25, s1;
	[tilespmem:s2+$0x0] =	vst v0  }
0x435: {  	[tilespmem:s0+$0x0] =	vst v1;
	v0 =	vld.idx.msk [tilespmem:v3+s18+$0x0], $0xffff  }
0x436: {  	v1 =	vld.idx.msk [tilespmem:v4+s18+$0x0], $0xffff;
	v3 =	vadd.s32 $0xE, v7  }
0x437: {  	v4 =	vadd.s32 $0xE, v2  }
0x438: {  	s3 =	sor.u32 $0xE200, s21  }
0x439: {  	s4 =	sor.u32 s17, s3  }
0x43a: {  	s0 =	sor.u32 s25, s3;
	[tilespmem:s4+$0x0] =	vst v0  }
0x43b: {  	[tilespmem:s0+$0x0] =	vst v1;
	v0 =	vld.idx.msk [tilespmem:v3+s18+$0x0], $0xffff  }
0x43c: {  	v1 =	vld.idx.msk [tilespmem:v4+s18+$0x0], $0xffff;
	v3 =	vadd.s32 $0xF, v7  }
0x43d: {  	v4 =	vadd.s32 $0xF, v2  }
0x43e: {  	s5 =	sor.u32 $0xE280, s21  }
0x43f: {  	s6 =	sor.u32 s17, s5  }
0x440: {  	s0 =	sor.u32 s25, s5;
	[tilespmem:s6+$0x0] =	vst v0  }
0x441: {  	[tilespmem:s0+$0x0] =	vst v1;
	v0 =	vld.idx.msk [tilespmem:v3+s18+$0x0], $0xffff  }
0x442: {  	v1 =	vld.idx.msk [tilespmem:v4+s18+$0x0], $0xffff;
	v3 =	vadd.s32 $0x10, v7;
	_ =	sdelay $0x1  }
0x443: {  	s7 =	sor.u32 $0xE300, s21  }
0x444: {  	s8 =	sor.u32 s17, s7  }
0x445: {  	s0 =	sor.u32 s25, s7;
	[tilespmem:s8+$0x0] =	vst v0  }
0x446: {  	s2 =	simm.s32 $0x20;
	[tilespmem:s0+$0x0] =	vst v1;
	v1 =	vadd.s32 $0x10, v2;
	v3 =	vld.idx.msk [tilespmem:v3+s18+$0x0], $0xffff  }
0x447: {  	v4 =	vadd.s32 $0x11, v7;
	s0 =	sand.u32 $0x60, s2  }
0x448: {  	s9 =	simm.s32 $0x4DA0;
	s10 =	sand.u32 $0x180, s2;
	s1 =	sor.u32 $0x10, s0  }
0x449: {  	s11 =	sadd.s32 $0xEF80, s21;
	v0 =	vld [tilespmem:s9+$0x0];
	s3 =	sor.u32 s1, s10  }
0x44a: {  	s12 =	sor.u32 s17, s11;
	v5 =	vld [tilespmem:s3+$0x4D80]  }
0x44b: {  	v6 =	vld.idx.msk [tilespmem:v1+s18+$0x0], $0xffff;
	[tilespmem:s12+$0x0] =	vst v3  }
0x44c: {  	v3 =	vadd.s32 $0x11, v2;
	v4 =	vld.idx.msk [tilespmem:v4+s18+$0x0], $0xffff  }
0x44d: {  	v8 =	vadd.s32 $0x12, v7;
	_ =	sdelay $0x1  }
0x44e: {  	s13 =	sor.u32 s25, s11;
	s14 =	sor.u32 $0xF000, s21;
	v1 =	vmul.u32 $0x41, v5  }
0x44f: {  	s15 =	sor.u32 s17, s14;
	v0 =	vmul.u32 $0x41, v0;
	[tilespmem:s13+$0x0] =	vst v6  }
0x450: {  	v3 =	vld.idx.msk [tilespmem:v3+s18+$0x0], $0xffff;
	[tilespmem:s15+$0x0] =	vst v4  }
0x451: {  	v4 =	vadd.s32 $0x12, v2;
	v5 =	vld.idx.msk [tilespmem:v8+s18+$0x0], $0xffff  }
0x452: {  	v6 =	vadd.s32 $0x13, v7;
	_ =	sdelay $0x1  }
0x453: {  	s16 =	sor.u32 s25, s14;
	s19 =	sor.u32 $0xF080, s21;
	v8 =	vld.idx.msk [tilespmem:v1+s18+$0x0], $0xffff  }
0x454: {  	s20 =	sor.u32 s17, s19;
	s3 =	simm.s32 $0x100;
	v9 =	vld.idx.msk [tilespmem:v0+s18+$0x0], $0xffff;
	[tilespmem:s16+$0x0] =	vst v3;
	v3 =	vadd.s32 $0x1, v1  }
0x455: {  	s5 =	sand.u32 $0xC00, s3;
	v4 =	vld.idx.msk [tilespmem:v4+s18+$0x0], $0xffff;
	[tilespmem:s20+$0x0] =	vst v5;
	v5 =	vadd.s32 $0x1, v0  }
0x456: {  	v10 =	vadd.s32 $0x13, v2;
	s22 =	sadd.s32 $0xCF80, s5;
	v6 =	vld.idx.msk [tilespmem:v6+s18+$0x0], $0xffff  }
0x457: {  	v11 =	vadd.s32 $0x14, v7;
	s23 =	sor.u32 s1, s22  }
0x458: {  	s4 =	sor.u32 s0, s22;
	[tilespmem:s23+$0x0] =	vst v8  }
0x459: {  	s24 =	sor.u32 $0xF100, s21;
	s7 =	sor.u32 s25, s19;
	[tilespmem:s4+$0x0] =	vst v9;
	v3 =	vld.idx.msk [tilespmem:v3+s18+$0x0], $0xffff  }
0x45a: {  	s26 =	sor.u32 s17, s24;
	[tilespmem:s7+$0x0] =	vst v4;
	v4 =	vld.idx.msk [tilespmem:v5+s18+$0x0], $0xffff;
	v5 =	vadd.s32 $0x2, v1  }
0x45b: {  	v8 =	vld.idx.msk [tilespmem:v10+s18+$0x0], $0xffff;
	[tilespmem:s26+$0x0] =	vst v6;
	v6 =	vadd.s32 $0x2, v0  }
0x45c: {  	v9 =	vadd.s32 $0x14, v2;
	v10 =	vld.idx.msk [tilespmem:v11+s18+$0x0], $0xffff  }
0x45d: {  	v11 =	vadd.s32 $0x15, v7  }
0x45e: {  	[tilespmem:s23+$0x80] =	vst v3  }
0x45f: {  	s28 =	sor.u32 s25, s24;
	s30 =	sor.u32 $0xF180, s21;
	[tilespmem:s4+$0x80] =	vst v4;
	v3 =	vld.idx.msk [tilespmem:v5+s18+$0x0], $0xffff  }
0x460: {  	s9 =	sor.u32 s17, s30;
	[tilespmem:s28+$0x0] =	vst v8;
	v5 =	vadd.s32 $0x3, v1;
	v4 =	vld.idx.msk [tilespmem:v6+s18+$0x0], $0xffff  }
0x461: {  	v8 =	vadd.s32 $0x3, v0;
	v6 =	vld.idx.msk [tilespmem:v9+s18+$0x0], $0xffff;
	[tilespmem:s9+$0x0] =	vst v10  }
0x462: {  	v9 =	vadd.s32 $0x15, v2;
	v10 =	vld.idx.msk [tilespmem:v11+s18+$0x0], $0xffff  }
0x463: {  	v11 =	vadd.s32 $0x16, v7  }
0x464: {  	[tilespmem:s23+$0x100] =	vst v3  }
0x465: {  	s11 =	sor.u32 $0xF200, s21;
	s10 =	sor.u32 s25, s30;
	[tilespmem:s4+$0x100] =	vst v4;
	v3 =	vld.idx.msk [tilespmem:v5+s18+$0x0], $0xffff  }
0x466: {  	s12 =	sor.u32 s17, s11;
	[tilespmem:s10+$0x0] =	vst v6;
	v5 =	vadd.s32 $0x4, v1;
	v4 =	vld.idx.msk [tilespmem:v8+s18+$0x0], $0xffff  }
0x467: {  	v6 =	vld.idx.msk [tilespmem:v9+s18+$0x0], $0xffff;
	v8 =	vadd.s32 $0x4, v0;
	[tilespmem:s12+$0x0] =	vst v10  }
0x468: {  	v9 =	vadd.s32 $0x16, v2;
	v10 =	vld.idx.msk [tilespmem:v11+s18+$0x0], $0xffff  }
0x469: {  	v11 =	vadd.s32 $0x17, v7  }
0x46a: {  	[tilespmem:s23+$0x180] =	vst v3  }
0x46b: {  	s14 =	sor.u32 $0xF280, s21;
	s13 =	sor.u32 s25, s11;
	[tilespmem:s4+$0x180] =	vst v4;
	v3 =	vld.idx.msk [tilespmem:v5+s18+$0x0], $0xffff  }
0x46c: {  	s15 =	sor.u32 s17, s14;
	[tilespmem:s13+$0x0] =	vst v6;
	v5 =	vadd.s32 $0x5, v1;
	v4 =	vld.idx.msk [tilespmem:v8+s18+$0x0], $0xffff  }
0x46d: {  	v6 =	vld.idx.msk [tilespmem:v9+s18+$0x0], $0xffff;
	v8 =	vadd.s32 $0x5, v0;
	[tilespmem:s15+$0x0] =	vst v10  }
0x46e: {  	v9 =	vadd.s32 $0x17, v2;
	v10 =	vld.idx.msk [tilespmem:v11+s18+$0x0], $0xffff  }
0x46f: {  	v11 =	vadd.s32 $0x18, v7  }
0x470: {  	[tilespmem:s23+$0x200] =	vst v3  }
0x471: {  	s19 =	sor.u32 $0xF300, s21;
	s16 =	sor.u32 s25, s14;
	[tilespmem:s4+$0x200] =	vst v4;
	v3 =	vld.idx.msk [tilespmem:v5+s18+$0x0], $0xffff  }
0x472: {  	s20 =	sor.u32 s17, s19;
	[tilespmem:s16+$0x0] =	vst v6;
	v5 =	vadd.s32 $0x6, v1;
	v4 =	vld.idx.msk [tilespmem:v8+s18+$0x0], $0xffff  }
0x473: {  	v6 =	vld.idx.msk [tilespmem:v9+s18+$0x0], $0xffff;
	v8 =	vadd.s32 $0x6, v0;
	[tilespmem:s20+$0x0] =	vst v10  }
0x474: {  	v9 =	vadd.s32 $0x18, v2;
	v10 =	vld.idx.msk [tilespmem:v11+s18+$0x0], $0xffff  }
0x475: {  	v11 =	vadd.s32 $0x19, v7  }
0x476: {  	s22 =	simm.s32 $0x1;
	[tilespmem:s23+$0x280] =	vst v3  }
0x477: {  	s24 =	sadd.s32 $0xFF80, s21;
	s6 =	sand.u32 $0x3, s22;
	s23 =	sor.u32 s25, s19;
	[tilespmem:s4+$0x280] =	vst v4;
	v3 =	vld.idx.msk [tilespmem:v5+s18+$0x0], $0xffff  }
0x478: {  	s6 =	sshll.u32 s6, $0x5;
	s26 =	sor.u32 s17, s24;
	[tilespmem:s23+$0x0] =	vst v6;
	v5 =	vadd.s32 $0x7, v1;
	v4 =	vld.idx.msk [tilespmem:v8+s18+$0x0], $0xffff  }
0x479: {  	s6 =	sadd.s32 $0x100, s6;
	v6 =	vld.idx.msk [tilespmem:v9+s18+$0x0], $0xffff;
	v8 =	vadd.s32 $0x7, v0;
	[tilespmem:s26+$0x0] =	vst v10  }
0x47a: {  	s28 =	sadd.s32 $0x10, s6;
	v9 =	vadd.s32 $0x19, v2;
	v10 =	vld.idx.msk [tilespmem:v11+s18+$0x0], $0xffff  }
0x47b: {  	s30 =	sor.u32 $0x300, s28;
	v11 =	vadd.s32 $0x1A, v7  }
0x47c: {  	s6 =	sor.u32 $0x300, s6;
	[tilespmem:s30+$0xCF80] =	vst v3  }
0x47d: {  	s8 =	sor.u32 $0x10000, s21;
	s4 =	sor.u32 s25, s24;
	[tilespmem:s6+$0xCF80] =	vst v4;
	v3 =	vld.idx.msk [tilespmem:v5+s18+$0x0], $0xffff  }
0x47e: {  	s9 =	sor.u32 s17, s8;
	[tilespmem:s4+$0x0] =	vst v6;
	v5 =	vadd.s32 $0x8, v1;
	v4 =	vld.idx.msk [tilespmem:v8+s18+$0x0], $0xffff  }
0x47f: {  	v6 =	vld.idx.msk [tilespmem:v9+s18+$0x0], $0xffff;
	v8 =	vadd.s32 $0x8, v0;
	[tilespmem:s9+$0x0] =	vst v10  }
0x480: {  	v9 =	vadd.s32 $0x1A, v2;
	v10 =	vld.idx.msk [tilespmem:v11+s18+$0x0], $0xffff  }
0x481: {  	s2 =	sor.u32 s3, s2;
	s10 =	sor.u32 $0x380, s28;
	v11 =	vadd.s32 $0x1B, v7  }
0x482: {  	s2 =	sor.u32 $0x380, s2;
	[tilespmem:s10+$0xCF80] =	vst v3  }
0x483: {  	s11 =	sor.u32 s25, s8;
	s12 =	sor.u32 $0x10080, s21;
	[tilespmem:s2+$0xCF80] =	vst v4;
	v3 =	vld.idx.msk [tilespmem:v5+s18+$0x0], $0xffff  }
0x484: {  	s13 =	sor.u32 s17, s12;
	[tilespmem:s11+$0x0] =	vst v6;
	v5 =	vadd.s32 $0x9, v1;
	v4 =	vld.idx.msk [tilespmem:v8+s18+$0x0], $0xffff  }
0x485: {  	v6 =	vld.idx.msk [tilespmem:v9+s18+$0x0], $0xffff;
	v8 =	vadd.s32 $0x9, v0;
	[tilespmem:s13+$0x0] =	vst v10  }
0x486: {  	s14 =	sadd.s32 $0xDF80, s5;
	v9 =	vadd.s32 $0x1B, v2;
	v10 =	vld.idx.msk [tilespmem:v11+s18+$0x0], $0xffff  }
0x487: {  	s15 =	sor.u32 s1, s14;
	v11 =	vadd.s32 $0x1C, v7  }
0x488: {  	s3 =	sor.u32 s0, s14;
	[tilespmem:s15+$0x0] =	vst v3  }
0x489: {  	s16 =	sor.u32 $0x10100, s21;
	s2 =	sor.u32 s25, s12;
	[tilespmem:s3+$0x0] =	vst v4;
	v3 =	vld.idx.msk [tilespmem:v5+s18+$0x0], $0xffff  }
0x48a: {  	s19 =	sor.u32 s17, s16;
	[tilespmem:s2+$0x0] =	vst v6;
	v5 =	vadd.s32 $0xA, v1;
	v4 =	vld.idx.msk [tilespmem:v8+s18+$0x0], $0xffff  }
0x48b: {  	v6 =	vld.idx.msk [tilespmem:v9+s18+$0x0], $0xffff;
	v8 =	vadd.s32 $0xA, v0;
	[tilespmem:s19+$0x0] =	vst v10  }
0x48c: {  	s20 =	sor.u32 $0xE000, s5;
	v9 =	vadd.s32 $0x1C, v2;
	v10 =	vld.idx.msk [tilespmem:v11+s18+$0x0], $0xffff  }
0x48d: {  	s22 =	sor.u32 s1, s20;
	v11 =	vadd.s32 $0x1D, v7  }
0x48e: {  	s2 =	sor.u32 s0, s20;
	[tilespmem:s22+$0x0] =	vst v3  }
0x48f: {  	s23 =	sor.u32 $0x10180, s21;
	s3 =	sor.u32 s25, s16;
	[tilespmem:s2+$0x0] =	vst v4;
	v3 =	vld.idx.msk [tilespmem:v5+s18+$0x0], $0xffff  }
0x490: {  	s24 =	sor.u32 s17, s23;
	[tilespmem:s3+$0x0] =	vst v6;
	v5 =	vadd.s32 $0xB, v1;
	v4 =	vld.idx.msk [tilespmem:v8+s18+$0x0], $0xffff  }
0x491: {  	v6 =	vld.idx.msk [tilespmem:v9+s18+$0x0], $0xffff;
	v8 =	vadd.s32 $0xB, v0;
	[tilespmem:s24+$0x0] =	vst v10  }
0x492: {  	s26 =	sor.u32 $0xE080, s5;
	v9 =	vadd.s32 $0x1D, v2;
	v10 =	vld.idx.msk [tilespmem:v11+s18+$0x0], $0xffff  }
0x493: {  	s28 =	sor.u32 s1, s26;
	v11 =	vadd.s32 $0x1E, v7  }
0x494: {  	s3 =	sor.u32 s0, s26;
	[tilespmem:s28+$0x0] =	vst v3  }
0x495: {  	s30 =	sor.u32 $0x10200, s21;
	s2 =	sor.u32 s25, s23;
	[tilespmem:s3+$0x0] =	vst v4;
	v3 =	vld.idx.msk [tilespmem:v5+s18+$0x0], $0xffff  }
0x496: {  	s4 =	sor.u32 s17, s30;
	[tilespmem:s2+$0x0] =	vst v6;
	v5 =	vadd.s32 $0xC, v1;
	v4 =	vld.idx.msk [tilespmem:v8+s18+$0x0], $0xffff  }
0x497: {  	v6 =	vld.idx.msk [tilespmem:v9+s18+$0x0], $0xffff;
	v8 =	vadd.s32 $0xC, v0;
	[tilespmem:s4+$0x0] =	vst v10  }
0x498: {  	s6 =	sor.u32 $0xE100, s5;
	v9 =	vadd.s32 $0x1E, v2;
	v10 =	vld.idx.msk [tilespmem:v11+s18+$0x0], $0xffff  }
0x499: {  	s7 =	sor.u32 s1, s6;
	v11 =	vadd.s32 $0x1F, v7  }
0x49a: {  	s2 =	sor.u32 s0, s6;
	[tilespmem:s7+$0x0] =	vst v3  }
0x49b: {  	s8 =	sor.u32 $0x10280, s21;
	s3 =	sor.u32 s25, s30;
	[tilespmem:s2+$0x0] =	vst v4;
	v3 =	vld.idx.msk [tilespmem:v5+s18+$0x0], $0xffff  }
0x49c: {  	s9 =	sor.u32 s17, s8;
	[tilespmem:s3+$0x0] =	vst v6;
	v5 =	vadd.s32 $0xD, v1;
	v4 =	vld.idx.msk [tilespmem:v8+s18+$0x0], $0xffff  }
0x49d: {  	v6 =	vld.idx.msk [tilespmem:v9+s18+$0x0], $0xffff;
	v8 =	vadd.s32 $0xD, v0;
	[tilespmem:s9+$0x0] =	vst v10  }
0x49e: {  	s10 =	sor.u32 $0xE180, s5;
	v9 =	vadd.s32 $0x1F, v2;
	v10 =	vld.idx.msk [tilespmem:v11+s18+$0x0], $0xffff  }
0x49f: {  	s11 =	sor.u32 s1, s10;
	v11 =	vadd.s32 $0x20, v7  }
0x4a0: {  	s3 =	sor.u32 s0, s10;
	[tilespmem:s11+$0x0] =	vst v3  }
0x4a1: {  	s12 =	sor.u32 $0x10300, s21;
	s2 =	sor.u32 s25, s8;
	[tilespmem:s3+$0x0] =	vst v4;
	v3 =	vld.idx.msk [tilespmem:v5+s18+$0x0], $0xffff  }
0x4a2: {  	s13 =	sor.u32 s17, s12;
	[tilespmem:s2+$0x0] =	vst v6;
	v5 =	vadd.s32 $0xE, v1;
	v4 =	vld.idx.msk [tilespmem:v8+s18+$0x0], $0xffff  }
0x4a3: {  	v6 =	vld.idx.msk [tilespmem:v9+s18+$0x0], $0xffff;
	v8 =	vadd.s32 $0xE, v0;
	[tilespmem:s13+$0x0] =	vst v10  }
0x4a4: {  	s14 =	sor.u32 $0xE200, s5;
	v9 =	vadd.s32 $0x20, v2;
	v10 =	vld.idx.msk [tilespmem:v11+s18+$0x0], $0xffff  }
0x4a5: {  	s15 =	sor.u32 s1, s14;
	v11 =	vadd.s32 $0x21, v7  }
0x4a6: {  	s2 =	sor.u32 s0, s14;
	[tilespmem:s15+$0x0] =	vst v3  }
0x4a7: {  	s16 =	sadd.s32 $0x10F80, s21;
	s3 =	sor.u32 s25, s12;
	[tilespmem:s2+$0x0] =	vst v4;
	v3 =	vld.idx.msk [tilespmem:v5+s18+$0x0], $0xffff  }
0x4a8: {  	s19 =	sor.u32 s17, s16;
	[tilespmem:s3+$0x0] =	vst v6;
	v5 =	vadd.s32 $0xF, v1;
	v4 =	vld.idx.msk [tilespmem:v8+s18+$0x0], $0xffff  }
0x4a9: {  	v6 =	vld.idx.msk [tilespmem:v9+s18+$0x0], $0xffff;
	v8 =	vadd.s32 $0xF, v0;
	[tilespmem:s19+$0x0] =	vst v10  }
0x4aa: {  	s20 =	sor.u32 $0xE280, s5;
	v9 =	vadd.s32 $0x21, v2;
	v10 =	vld.idx.msk [tilespmem:v11+s18+$0x0], $0xffff  }
0x4ab: {  	s22 =	sor.u32 s1, s20;
	v11 =	vadd.s32 $0x22, v7  }
0x4ac: {  	s3 =	sor.u32 s0, s20;
	[tilespmem:s22+$0x0] =	vst v3  }
0x4ad: {  	s23 =	sor.u32 $0x11000, s21;
	s2 =	sor.u32 s25, s16;
	[tilespmem:s3+$0x0] =	vst v4;
	v3 =	vld.idx.msk [tilespmem:v5+s18+$0x0], $0xffff  }
0x4ae: {  	s24 =	sor.u32 s17, s23;
	[tilespmem:s2+$0x0] =	vst v6;
	v5 =	vadd.s32 $0x10, v1;
	v4 =	vld.idx.msk [tilespmem:v8+s18+$0x0], $0xffff  }
0x4af: {  	v6 =	vld.idx.msk [tilespmem:v9+s18+$0x0], $0xffff;
	v8 =	vadd.s32 $0x10, v0;
	[tilespmem:s24+$0x0] =	vst v10  }
0x4b0: {  	s26 =	sor.u32 $0xE300, s5;
	v9 =	vadd.s32 $0x22, v2;
	v10 =	vld.idx.msk [tilespmem:v11+s18+$0x0], $0xffff  }
0x4b1: {  	s28 =	sor.u32 s1, s26;
	v11 =	vadd.s32 $0x23, v7  }
0x4b2: {  	s2 =	sor.u32 s0, s26;
	[tilespmem:s28+$0x0] =	vst v3  }
0x4b3: {  	s30 =	sor.u32 $0x11080, s21;
	s3 =	sor.u32 s25, s23;
	[tilespmem:s2+$0x0] =	vst v4;
	v3 =	vld.idx.msk [tilespmem:v5+s18+$0x0], $0xffff  }
0x4b4: {  	s8 =	sor.u32 s17, s30;
	[tilespmem:s3+$0x0] =	vst v6;
	s2 =	simm.s32 $0x40;
	v5 =	vadd.s32 $0x11, v1;
	v4 =	vld.idx.msk [tilespmem:v8+s18+$0x0], $0xffff  }
0x4b5: {  	s9 =	simm.s32 $0x4DC0;
	v6 =	vld.idx.msk [tilespmem:v9+s18+$0x0], $0xffff;
	s6 =	sand.u32 $0x60, s2;
	v8 =	vadd.s32 $0x11, v0;
	[tilespmem:s8+$0x0] =	vst v10  }
0x4b6: {  	s11 =	sadd.s32 $0xEF80, s5;
	v9 =	vadd.s32 $0x23, v2;
	s10 =	sand.u32 $0x180, s2;
	s7 =	sor.u32 $0x10, s6;
	v10 =	vld.idx.msk [tilespmem:v11+s18+$0x0], $0xffff  }
0x4b7: {  	v12 =	vadd.s32 $0x24, v7;
	s12 =	sor.u32 s1, s11;
	v11 =	vld [tilespmem:s9+$0x0];
	s3 =	sor.u32 s7, s10  }
0x4b8: {  	s13 =	sor.u32 s0, s11;
	v13 =	vld [tilespmem:s3+$0x4D80];
	[tilespmem:s12+$0x0] =	vst v3  }
0x4b9: {  	s4 =	sor.u32 s25, s30;
	s14 =	sor.u32 $0x11100, s21;
	[tilespmem:s13+$0x0] =	vst v4;
	v5 =	vld.idx.msk [tilespmem:v5+s18+$0x0], $0xffff  }
0x4ba: {  	s15 =	sor.u32 s17, s14;
	[tilespmem:s4+$0x0] =	vst v6;
	v6 =	vld.idx.msk [tilespmem:v8+s18+$0x0], $0xffff;
	v8 =	vadd.s32 $0x12, v1  }
0x4bb: {  	v9 =	vld.idx.msk [tilespmem:v9+s18+$0x0], $0xffff;
	[tilespmem:s15+$0x0] =	vst v10;
	v10 =	vadd.s32 $0x12, v0  }
0x4bc: {  	v14 =	vadd.s32 $0x24, v2;
	s16 =	sor.u32 $0xF000, s5;
	v12 =	vld.idx.msk [tilespmem:v12+s18+$0x0], $0xffff  }
0x4bd: {  	s19 =	sor.u32 s1, s16;
	v4 =	vmul.u32 $0x41, v13;
	v13 =	vadd.s32 $0x25, v7  }
0x4be: {  	s4 =	sor.u32 s0, s16;
	v3 =	vmul.u32 $0x41, v11;
	[tilespmem:s19+$0x0] =	vst v5  }
0x4bf: {  	s20 =	sor.u32 $0x11180, s21;
	s3 =	sor.u32 s25, s14;
	[tilespmem:s4+$0x0] =	vst v6;
	v5 =	vld.idx.msk [tilespmem:v8+s18+$0x0], $0xffff  }
0x4c0: {  	s22 =	sor.u32 s17, s20;
	[tilespmem:s3+$0x0] =	vst v9;
	v8 =	vadd.s32 $0x13, v1;
	v6 =	vld.idx.msk [tilespmem:v10+s18+$0x0], $0xffff  }
0x4c1: {  	v9 =	vld.idx.msk [tilespmem:v14+s18+$0x0], $0xffff;
	v10 =	vadd.s32 $0x13, v0;
	[tilespmem:s22+$0x0] =	vst v12  }
0x4c2: {  	s23 =	sor.u32 $0xF080, s5;
	v11 =	vadd.s32 $0x25, v2;
	v12 =	vld.idx.msk [tilespmem:v13+s18+$0x0], $0xffff  }
0x4c3: {  	s24 =	sor.u32 s1, s23;
	v14 =	vadd.s32 $0x26, v7;
	v13 =	vld.idx.msk [tilespmem:v4+s18+$0x0], $0xffff  }
0x4c4: {  	s26 =	sor.u32 s0, s23;
	v16 =	vadd.s32 $0x1, v4;
	s3 =	simm.s32 $0x200;
	v15 =	vld.idx.msk [tilespmem:v3+s18+$0x0], $0xffff;
	[tilespmem:s24+$0x0] =	vst v5  }
0x4c5: {  	s28 =	sor.u32 $0x11200, s21;
	s4 =	sor.u32 s25, s20;
	s8 =	sand.u32 $0xC00, s3;
	v5 =	vadd.s32 $0x1, v3;
	[tilespmem:s26+$0x0] =	vst v6;
	v6 =	vld.idx.msk [tilespmem:v8+s18+$0x0], $0xffff  }
0x4c6: {  	s12 =	sor.u32 s17, s28;
	s30 =	sadd.s32 $0xCF80, s8;
	[tilespmem:s4+$0x0] =	vst v9;
	v9 =	vadd.s32 $0x14, v1;
	v8 =	vld.idx.msk [tilespmem:v10+s18+$0x0], $0xffff  }
0x4c7: {  	s9 =	sor.u32 s7, s30;
	v10 =	vld.idx.msk [tilespmem:v11+s18+$0x0], $0xffff;
	v11 =	vadd.s32 $0x14, v0;
	[tilespmem:s12+$0x0] =	vst v12  }
0x4c8: {  	s13 =	sor.u32 $0xF100, s5;
	s4 =	sor.u32 s6, s30;
	[tilespmem:s9+$0x0] =	vst v13;
	v13 =	vadd.s32 $0x26, v2;
	v12 =	vld.idx.msk [tilespmem:v14+s18+$0x0], $0xffff  }
0x4c9: {  	s14 =	sor.u32 s1, s13;
	[tilespmem:s4+$0x0] =	vst v15;
	v15 =	vadd.s32 $0x27, v7;
	v14 =	vld.idx.msk [tilespmem:v16+s18+$0x0], $0xffff  }
0x4ca: {  	s11 =	sor.u32 s0, s13;
	v16 =	vadd.s32 $0x2, v4;
	v5 =	vld.idx.msk [tilespmem:v5+s18+$0x0], $0xffff;
	[tilespmem:s14+$0x0] =	vst v6  }
0x4cb: {  	s10 =	sor.u32 s25, s28;
	s15 =	sor.u32 $0x11280, s21;
	v6 =	vadd.s32 $0x2, v3;
	[tilespmem:s11+$0x0] =	vst v8;
	v8 =	vld.idx.msk [tilespmem:v9+s18+$0x0], $0xffff  }
0x4cc: {  	s16 =	sor.u32 s17, s15;
	[tilespmem:s10+$0x0] =	vst v10;
	v10 =	vadd.s32 $0x15, v1;
	v9 =	vld.idx.msk [tilespmem:v11+s18+$0x0], $0xffff  }
0x4cd: {  	v11 =	vld.idx.msk [tilespmem:v13+s18+$0x0], $0xffff;
	[tilespmem:s16+$0x0] =	vst v12;
	v12 =	vadd.s32 $0x15, v0  }
0x4ce: {  	s19 =	sor.u32 $0xF180, s5;
	[tilespmem:s9+$0x80] =	vst v14;
	v14 =	vadd.s32 $0x27, v2;
	v13 =	vld.idx.msk [tilespmem:v15+s18+$0x0], $0xffff  }
0x4cf: {  	s20 =	sor.u32 s1, s19;
	[tilespmem:s4+$0x80] =	vst v5;
	v5 =	vld.idx.msk [tilespmem:v16+s18+$0x0], $0xffff;
	v15 =	vadd.s32 $0x28, v7  }
0x4d0: {  	s10 =	sor.u32 s0, s19;
	v16 =	vadd.s32 $0x3, v4;
	v6 =	vld.idx.msk [tilespmem:v6+s18+$0x0], $0xffff;
	[tilespmem:s20+$0x0] =	vst v8  }
0x4d1: {  	s22 =	sor.u32 $0x11300, s21;
	s11 =	sor.u32 s25, s15;
	v8 =	vadd.s32 $0x3, v3;
	[tilespmem:s10+$0x0] =	vst v9;
	v9 =	vld.idx.msk [tilespmem:v10+s18+$0x0], $0xffff  }
0x4d2: {  	s23 =	sor.u32 s17, s22;
	[tilespmem:s11+$0x0] =	vst v11;
	v11 =	vadd.s32 $0x16, v1;
	v10 =	vld.idx.msk [tilespmem:v12+s18+$0x0], $0xffff  }
0x4d3: {  	v12 =	vld.idx.msk [tilespmem:v14+s18+$0x0], $0xffff;
	[tilespmem:s23+$0x0] =	vst v13;
	v13 =	vadd.s32 $0x16, v0  }
0x4d4: {  	s24 =	sor.u32 $0xF200, s5;
	v14 =	vadd.s32 $0x28, v2;
	[tilespmem:s9+$0x100] =	vst v5;
	v5 =	vld.idx.msk [tilespmem:v15+s18+$0x0], $0xffff  }
0x4d5: {  	s26 =	sor.u32 s1, s24;
	[tilespmem:s4+$0x100] =	vst v6;
	v6 =	vld.idx.msk [tilespmem:v16+s18+$0x0], $0xffff;
	v15 =	vadd.s32 $0x29, v7  }
0x4d6: {  	s11 =	sor.u32 s0, s24;
	v16 =	vadd.s32 $0x4, v4;
	v8 =	vld.idx.msk [tilespmem:v8+s18+$0x0], $0xffff;
	[tilespmem:s26+$0x0] =	vst v9  }
0x4d7: {  	s28 =	sadd.s32 $0x11F80, s21;
	s10 =	sor.u32 s25, s22;
	v9 =	vadd.s32 $0x4, v3;
	[tilespmem:s11+$0x0] =	vst v10;
	v10 =	vld.idx.msk [tilespmem:v11+s18+$0x0], $0xffff  }
0x4d8: {  	s30 =	sor.u32 s17, s28;
	[tilespmem:s10+$0x0] =	vst v12;
	v12 =	vadd.s32 $0x17, v1;
	v11 =	vld.idx.msk [tilespmem:v13+s18+$0x0], $0xffff  }
0x4d9: {  	v13 =	vld.idx.msk [tilespmem:v14+s18+$0x0], $0xffff;
	[tilespmem:s30+$0x0] =	vst v5;
	v5 =	vadd.s32 $0x17, v0  }
0x4da: {  	s12 =	sor.u32 $0xF280, s5;
	v14 =	vadd.s32 $0x29, v2;
	[tilespmem:s9+$0x180] =	vst v6;
	v6 =	vld.idx.msk [tilespmem:v15+s18+$0x0], $0xffff  }
0x4db: {  	s13 =	sor.u32 s1, s12;
	[tilespmem:s4+$0x180] =	vst v8;
	v8 =	vld.idx.msk [tilespmem:v16+s18+$0x0], $0xffff;
	v15 =	vadd.s32 $0x2A, v7  }
0x4dc: {  	s10 =	sor.u32 s0, s12;
	v16 =	vadd.s32 $0x5, v4;
	v9 =	vld.idx.msk [tilespmem:v9+s18+$0x0], $0xffff;
	[tilespmem:s13+$0x0] =	vst v10  }
0x4dd: {  	s14 =	sor.u32 $0x12000, s21;
	s11 =	sor.u32 s25, s28;
	v10 =	vadd.s32 $0x5, v3;
	[tilespmem:s10+$0x0] =	vst v11;
	v11 =	vld.idx.msk [tilespmem:v12+s18+$0x0], $0xffff  }
0x4de: {  	s15 =	sor.u32 s17, s14;
	[tilespmem:s11+$0x0] =	vst v13;
	v12 =	vadd.s32 $0x18, v1;
	v5 =	vld.idx.msk [tilespmem:v5+s18+$0x0], $0xffff  }
0x4df: {  	v13 =	vld.idx.msk [tilespmem:v14+s18+$0x0], $0xffff;
	[tilespmem:s15+$0x0] =	vst v6;
	v6 =	vadd.s32 $0x18, v0  }
0x4e0: {  	s16 =	sor.u32 $0xF300, s5;
	v14 =	vadd.s32 $0x2A, v2;
	[tilespmem:s9+$0x200] =	vst v8;
	v8 =	vld.idx.msk [tilespmem:v15+s18+$0x0], $0xffff  }
0x4e1: {  	s19 =	sor.u32 s1, s16;
	[tilespmem:s4+$0x200] =	vst v9;
	v9 =	vld.idx.msk [tilespmem:v16+s18+$0x0], $0xffff;
	v15 =	vadd.s32 $0x2B, v7  }
0x4e2: {  	s11 =	sor.u32 s0, s16;
	v16 =	vadd.s32 $0x6, v4;
	v10 =	vld.idx.msk [tilespmem:v10+s18+$0x0], $0xffff;
	[tilespmem:s19+$0x0] =	vst v11  }
0x4e3: {  	s20 =	sor.u32 $0x12080, s21;
	s10 =	sor.u32 s25, s14;
	v11 =	vadd.s32 $0x6, v3;
	[tilespmem:s11+$0x0] =	vst v5;
	v5 =	vld.idx.msk [tilespmem:v12+s18+$0x0], $0xffff  }
0x4e4: {  	s22 =	sor.u32 s17, s20;
	[tilespmem:s10+$0x0] =	vst v13;
	v12 =	vadd.s32 $0x19, v1;
	v6 =	vld.idx.msk [tilespmem:v6+s18+$0x0], $0xffff  }
0x4e5: {  	v13 =	vld.idx.msk [tilespmem:v14+s18+$0x0], $0xffff;
	[tilespmem:s22+$0x0] =	vst v8;
	v8 =	vadd.s32 $0x19, v0  }
0x4e6: {  	s24 =	simm.s32 $0x2;
	s23 =	sadd.s32 $0xFF80, s5;
	v14 =	vadd.s32 $0x2B, v2;
	[tilespmem:s9+$0x280] =	vst v9;
	v9 =	vld.idx.msk [tilespmem:v15+s18+$0x0], $0xffff  }
0x4e7: {  	s26 =	sand.u32 $0x3, s24;
	s28 =	sor.u32 s1, s23;
	[tilespmem:s4+$0x280] =	vst v10;
	v10 =	vld.idx.msk [tilespmem:v16+s18+$0x0], $0xffff;
	v15 =	vadd.s32 $0x2C, v7  }
0x4e8: {  	s9 =	sor.u32 s0, s23;
	s4 =	sshll.u32 s26, $0x5;
	v16 =	vadd.s32 $0x7, v4;
	v11 =	vld.idx.msk [tilespmem:v11+s18+$0x0], $0xffff;
	[tilespmem:s28+$0x0] =	vst v5  }
0x4e9: {  	s30 =	sor.u32 s25, s20;
	s11 =	sor.u32 $0x12100, s21;
	s4 =	sadd.s32 $0x200, s4;
	v5 =	vadd.s32 $0x7, v3;
	[tilespmem:s9+$0x0] =	vst v6;
	v6 =	vld.idx.msk [tilespmem:v12+s18+$0x0], $0xffff  }
0x4ea: {  	s14 =	sor.u32 s17, s11;
	s13 =	sadd.s32 $0x10, s4;
	[tilespmem:s30+$0x0] =	vst v13;
	v12 =	vadd.s32 $0x1A, v1;
	v8 =	vld.idx.msk [tilespmem:v8+s18+$0x0], $0xffff  }
0x4eb: {  	s15 =	sor.u32 $0x300, s13;
	v13 =	vld.idx.msk [tilespmem:v14+s18+$0x0], $0xffff;
	[tilespmem:s14+$0x0] =	vst v9;
	v9 =	vadd.s32 $0x1A, v0  }
0x4ec: {  	s16 =	sor.u32 $0x10000, s5;
	s4 =	sor.u32 $0x300, s4;
	v14 =	vadd.s32 $0x2C, v2;
	[tilespmem:s15+$0xCF80] =	vst v10;
	v10 =	vld.idx.msk [tilespmem:v15+s18+$0x0], $0xffff  }
0x4ed: {  	s19 =	sor.u32 s1, s16;
	[tilespmem:s4+$0xCF80] =	vst v11;
	v11 =	vld.idx.msk [tilespmem:v16+s18+$0x0], $0xffff;
	v15 =	vadd.s32 $0x2D, v7  }
0x4ee: {  	s10 =	sor.u32 s0, s16;
	v16 =	vadd.s32 $0x8, v4;
	v5 =	vld.idx.msk [tilespmem:v5+s18+$0x0], $0xffff;
	[tilespmem:s19+$0x0] =	vst v6  }
0x4ef: {  	s20 =	sor.u32 s25, s11;
	s22 =	sor.u32 $0x12180, s21;
	[tilespmem:s10+$0x0] =	vst v8;
	v8 =	vld.idx.msk [tilespmem:v12+s18+$0x0], $0xffff  }
0x4f0: {  	s23 =	sor.u32 s17, s22;
	v6 =	vadd.s32 $0x8, v3;
	[tilespmem:s20+$0x0] =	vst v13;
	v9 =	vld.idx.msk [tilespmem:v9+s18+$0x0], $0xffff  }
0x4f1: {  	s24 =	sor.u32 $0x380, s13;
	v12 =	vadd.s32 $0x1B, v1;
	v13 =	vld.idx.msk [tilespmem:v14+s18+$0x0], $0xffff;
	[tilespmem:s23+$0x0] =	vst v10  }
0x4f2: {  	s2 =	sor.u32 s3, s2;
	[tilespmem:s24+$0xCF80] =	vst v11;
	v10 =	vadd.s32 $0x1B, v0;
	v11 =	vld.idx.msk [tilespmem:v15+s18+$0x0], $0xffff  }
0x4f3: {  	s2 =	sor.u32 $0x380, s2;
	s26 =	sor.u32 $0x10080, s5;
	s28 =	simm.s32 $0x4DE0;
	v14 =	vld.idx.msk [tilespmem:v16+s18+$0x0], $0xffff;
	v15 =	vadd.s32 $0x2D, v2  }
0x4f4: {  	s30 =	sor.u32 s1, s26;
	[tilespmem:s2+$0xCF80] =	vst v5;
	v16 =	vadd.s32 $0x2E, v7;
	v5 =	vld [tilespmem:s28+$0x0]  }
0x4f5: {  	v17 =	vadd.s32 $0x9, v4;
	s2 =	sor.u32 s0, s26;
	v6 =	vld.idx.msk [tilespmem:v6+s18+$0x0], $0xffff;
	[tilespmem:s30+$0x0] =	vst v8  }
0x4f6: {  	s11 =	sor.u32 $0x12200, s21;
	s10 =	sor.u32 s25, s22;
	v8 =	vadd.s32 $0x9, v3;
	[tilespmem:s2+$0x0] =	vst v9;
	v9 =	vld.idx.msk [tilespmem:v12+s18+$0x0], $0xffff  }
0x4f7: {  	s12 =	sadd.s32 $0xDF80, s8;
	s13 =	sor.u32 s17, s11;
	[tilespmem:s10+$0x0] =	vst v13;
	v12 =	vadd.s32 $0x1C, v1;
	v10 =	vld.idx.msk [tilespmem:v10+s18+$0x0], $0xffff  }
0x4f8: {  	s14 =	sor.u32 s7, s12;
	v13 =	vld.idx.msk [tilespmem:v15+s18+$0x0], $0xffff;
	[tilespmem:s13+$0x0] =	vst v11;
	v11 =	vadd.s32 $0x1C, v0  }
0x4f9: {  	s16 =	sor.u32 $0x10100, s5;
	s15 =	sor.u32 s6, s12;
	[tilespmem:s14+$0x0] =	vst v14;
	v15 =	vadd.s32 $0x2E, v2;
	v14 =	vld.idx.msk [tilespmem:v16+s18+$0x0], $0xffff  }
0x4fa: {  	s19 =	sor.u32 s1, s16;
	[tilespmem:s15+$0x0] =	vst v6;
	v6 =	vld.idx.msk [tilespmem:v17+s18+$0x0], $0xffff;
	v16 =	vadd.s32 $0x2F, v7  }
0x4fb: {  	s4 =	sor.u32 s0, s16;
	v17 =	vadd.s32 $0xA, v4;
	v8 =	vld.idx.msk [tilespmem:v8+s18+$0x0], $0xffff;
	[tilespmem:s19+$0x0] =	vst v9  }
0x4fc: {  	s20 =	sor.u32 $0x12280, s21;
	s2 =	sor.u32 s25, s11;
	v9 =	vadd.s32 $0xA, v3;
	[tilespmem:s4+$0x0] =	vst v10;
	v10 =	vld.idx.msk [tilespmem:v12+s18+$0x0], $0xffff  }
0x4fd: {  	s22 =	sor.u32 $0xE000, s8;
	s23 =	sor.u32 s17, s20;
	v12 =	vadd.s32 $0x1D, v1;
	v11 =	vld.idx.msk [tilespmem:v11+s18+$0x0], $0xffff;
	[tilespmem:s2+$0x0] =	vst v13  }
0x4fe: {  	s24 =	sor.u32 s7, s22;
	v13 =	vld.idx.msk [tilespmem:v15+s18+$0x0], $0xffff;
	[tilespmem:s23+$0x0] =	vst v14;
	v14 =	vadd.s32 $0x1D, v0  }
0x4ff: {  	s26 =	sor.u32 s6, s22;
	s28 =	sor.u32 $0x10180, s5;
	[tilespmem:s24+$0x0] =	vst v6;
	v15 =	vadd.s32 $0x2F, v2;
	v6 =	vld.idx.msk [tilespmem:v16+s18+$0x0], $0xffff  }
0x500: {  	s30 =	sor.u32 s1, s28;
	[tilespmem:s26+$0x0] =	vst v8;
	v8 =	vld.idx.msk [tilespmem:v17+s18+$0x0], $0xffff;
	v16 =	vadd.s32 $0x30, v7  }
0x501: {  	s4 =	sor.u32 s0, s28;
	v17 =	vadd.s32 $0xB, v4;
	v9 =	vld.idx.msk [tilespmem:v9+s18+$0x0], $0xffff;
	[tilespmem:s30+$0x0] =	vst v10  }
0x502: {  	s9 =	sor.u32 s25, s20;
	s10 =	sor.u32 $0x12300, s21;
	v10 =	vadd.s32 $0xB, v3;
	[tilespmem:s4+$0x0] =	vst v11;
	v11 =	vld.idx.msk [tilespmem:v12+s18+$0x0], $0xffff  }
0x503: {  	s11 =	sor.u32 $0xE080, s8;
	s12 =	sor.u32 s17, s10;
	v12 =	vld.idx.msk [tilespmem:v14+s18+$0x0], $0xffff;
	[tilespmem:s9+$0x0] =	vst v13;
	v13 =	vadd.s32 $0x1E, v1  }
0x504: {  	s13 =	sor.u32 s7, s11;
	v14 =	vld.idx.msk [tilespmem:v15+s18+$0x0], $0xffff;
	[tilespmem:s12+$0x0] =	vst v6;
	v6 =	vadd.s32 $0x1E, v0  }
0x505: {  	s14 =	sor.u32 s6, s11;
	s15 =	sor.u32 $0x10200, s5;
	[tilespmem:s13+$0x0] =	vst v8;
	v15 =	vadd.s32 $0x30, v2;
	v8 =	vld.idx.msk [tilespmem:v16+s18+$0x0], $0xffff  }
0x506: {  	s16 =	sor.u32 s1, s15;
	[tilespmem:s14+$0x0] =	vst v9;
	v9 =	vld.idx.msk [tilespmem:v17+s18+$0x0], $0xffff;
	v16 =	vadd.s32 $0x31, v7  }
0x507: {  	s4 =	sor.u32 s0, s15;
	v17 =	vadd.s32 $0xC, v4;
	v10 =	vld.idx.msk [tilespmem:v10+s18+$0x0], $0xffff;
	[tilespmem:s16+$0x0] =	vst v11  }
0x508: {  	s20 =	sadd.s32 $0x12F80, s21;
	s19 =	sor.u32 s25, s10;
	v11 =	vadd.s32 $0xC, v3;
	[tilespmem:s4+$0x0] =	vst v12;
	v12 =	vld.idx.msk [tilespmem:v13+s18+$0x0], $0xffff  }
0x509: {  	s22 =	sor.u32 $0xE100, s8;
	s23 =	sor.u32 s17, s20;
	v13 =	vadd.s32 $0x1F, v1;
	v6 =	vld.idx.msk [tilespmem:v6+s18+$0x0], $0xffff;
	[tilespmem:s19+$0x0] =	vst v14  }
0x50a: {  	s24 =	sor.u32 s7, s22;
	v14 =	vld.idx.msk [tilespmem:v15+s18+$0x0], $0xffff;
	[tilespmem:s23+$0x0] =	vst v8;
	v8 =	vadd.s32 $0x1F, v0  }
0x50b: {  	s28 =	sor.u32 $0x10280, s5;
	s26 =	sor.u32 s6, s22;
	[tilespmem:s24+$0x0] =	vst v9;
	v15 =	vadd.s32 $0x31, v2;
	v9 =	vld.idx.msk [tilespmem:v16+s18+$0x0], $0xffff  }
0x50c: {  	s30 =	sor.u32 s1, s28;
	[tilespmem:s26+$0x0] =	vst v10;
	v10 =	vld.idx.msk [tilespmem:v17+s18+$0x0], $0xffff;
	v16 =	vadd.s32 $0x32, v7  }
0x50d: {  	s4 =	sor.u32 s0, s28;
	v17 =	vadd.s32 $0xD, v4;
	v11 =	vld.idx.msk [tilespmem:v11+s18+$0x0], $0xffff;
	[tilespmem:s30+$0x0] =	vst v12  }
0x50e: {  	s10 =	sor.u32 $0x13000, s21;
	s9 =	sor.u32 s25, s20;
	v12 =	vadd.s32 $0xD, v3;
	[tilespmem:s4+$0x0] =	vst v6;
	v6 =	vld.idx.msk [tilespmem:v13+s18+$0x0], $0xffff  }
0x50f: {  	s11 =	sor.u32 $0xE180, s8;
	s12 =	sor.u32 s17, s10;
	v13 =	vadd.s32 $0x20, v1;
	v8 =	vld.idx.msk [tilespmem:v8+s18+$0x0], $0xffff;
	[tilespmem:s9+$0x0] =	vst v14  }
0x510: {  	s13 =	sor.u32 s7, s11;
	v14 =	vld.idx.msk [tilespmem:v15+s18+$0x0], $0xffff;
	[tilespmem:s12+$0x0] =	vst v9;
	v9 =	vadd.s32 $0x20, v0  }
0x511: {  	s15 =	sor.u32 $0x10300, s5;
	s14 =	sor.u32 s6, s11;
	[tilespmem:s13+$0x0] =	vst v10;
	v15 =	vadd.s32 $0x32, v2;
	v10 =	vld.idx.msk [tilespmem:v16+s18+$0x0], $0xffff  }
0x512: {  	s16 =	sor.u32 s1, s15;
	[tilespmem:s14+$0x0] =	vst v11;
	v11 =	vld.idx.msk [tilespmem:v17+s18+$0x0], $0xffff;
	v16 =	vadd.s32 $0x33, v7  }
0x513: {  	s4 =	sor.u32 s0, s15;
	v17 =	vadd.s32 $0xE, v4;
	v12 =	vld.idx.msk [tilespmem:v12+s18+$0x0], $0xffff;
	[tilespmem:s16+$0x0] =	vst v6  }
0x514: {  	s20 =	sor.u32 $0x13080, s21;
	s19 =	sor.u32 s25, s10;
	v6 =	vadd.s32 $0xE, v3;
	[tilespmem:s4+$0x0] =	vst v8;
	v8 =	vld.idx.msk [tilespmem:v13+s18+$0x0], $0xffff  }
0x515: {  	s22 =	sor.u32 $0xE200, s8;
	s23 =	sor.u32 s17, s20;
	v13 =	vadd.s32 $0x21, v1;
	v9 =	vld.idx.msk [tilespmem:v9+s18+$0x0], $0xffff;
	[tilespmem:s19+$0x0] =	vst v14  }
0x516: {  	s24 =	sor.u32 s7, s22;
	v14 =	vld.idx.msk [tilespmem:v15+s18+$0x0], $0xffff;
	[tilespmem:s23+$0x0] =	vst v10;
	v10 =	vadd.s32 $0x21, v0  }
0x517: {  	s28 =	sadd.s32 $0x10F80, s5;
	s26 =	sor.u32 s6, s22;
	[tilespmem:s24+$0x0] =	vst v11;
	v15 =	vadd.s32 $0x33, v2;
	v11 =	vld.idx.msk [tilespmem:v16+s18+$0x0], $0xffff  }
0x518: {  	s30 =	sor.u32 s1, s28;
	[tilespmem:s26+$0x0] =	vst v12;
	v12 =	vld.idx.msk [tilespmem:v17+s18+$0x0], $0xffff;
	v16 =	vadd.s32 $0x34, v7  }
0x519: {  	s4 =	sor.u32 s0, s28;
	v17 =	vadd.s32 $0xF, v4;
	v6 =	vld.idx.msk [tilespmem:v6+s18+$0x0], $0xffff;
	[tilespmem:s30+$0x0] =	vst v8  }
0x51a: {  	s10 =	sor.u32 $0x13100, s21;
	s9 =	sor.u32 s25, s20;
	v8 =	vadd.s32 $0xF, v3;
	[tilespmem:s4+$0x0] =	vst v9;
	v9 =	vld.idx.msk [tilespmem:v13+s18+$0x0], $0xffff  }
0x51b: {  	s11 =	sor.u32 $0xE280, s8;
	s12 =	sor.u32 s17, s10;
	v13 =	vadd.s32 $0x22, v1;
	v10 =	vld.idx.msk [tilespmem:v10+s18+$0x0], $0xffff;
	[tilespmem:s9+$0x0] =	vst v14  }
0x51c: {  	s13 =	sor.u32 s7, s11;
	v14 =	vld.idx.msk [tilespmem:v15+s18+$0x0], $0xffff;
	[tilespmem:s12+$0x0] =	vst v11;
	v11 =	vadd.s32 $0x22, v0  }
0x51d: {  	s15 =	sor.u32 $0x11000, s5;
	s14 =	sor.u32 s6, s11;
	[tilespmem:s13+$0x0] =	vst v12;
	v15 =	vadd.s32 $0x34, v2;
	v12 =	vld.idx.msk [tilespmem:v16+s18+$0x0], $0xffff  }
0x51e: {  	s16 =	sor.u32 s1, s15;
	[tilespmem:s14+$0x0] =	vst v6;
	v6 =	vld.idx.msk [tilespmem:v17+s18+$0x0], $0xffff;
	v16 =	vadd.s32 $0x35, v7  }
0x51f: {  	s4 =	sor.u32 s0, s15;
	v17 =	vadd.s32 $0x10, v4;
	v8 =	vld.idx.msk [tilespmem:v8+s18+$0x0], $0xffff;
	[tilespmem:s16+$0x0] =	vst v9  }
0x520: {  	s3 =	sor.u32 $0x13180, s21;
	s19 =	sor.u32 s25, s10;
	v9 =	vadd.s32 $0x10, v3;
	[tilespmem:s4+$0x0] =	vst v10;
	v10 =	vld.idx.msk [tilespmem:v13+s18+$0x0], $0xffff  }
0x521: {  	s22 =	sor.u32 s17, s3;
	s20 =	sor.u32 $0xE300, s8;
	v11 =	vld.idx.msk [tilespmem:v11+s18+$0x0], $0xffff;
	[tilespmem:s19+$0x0] =	vst v14  }
0x522: {  	s2 =	simm.s32 $0x60;
	s23 =	sor.u32 s7, s20;
	v13 =	vadd.s32 $0x23, v1;
	v14 =	vld.idx.msk [tilespmem:v15+s18+$0x0], $0xffff;
	[tilespmem:s22+$0x0] =	vst v12  }
0x523: {  	s11 =	sand.u32 $0x60, s2;
	s24 =	sor.u32 s6, s20;
	v12 =	vadd.s32 $0x23, v0;
	[tilespmem:s23+$0x0] =	vst v6;
	v6 =	vld.idx.msk [tilespmem:v16+s18+$0x0], $0xffff  }
0x524: {  	s26 =	sor.u32 $0x11080, s5;
	s30 =	sand.u32 $0x180, s2;
	s14 =	sor.u32 $0x10, s11;
	v15 =	vadd.s32 $0x36, v7;
	[tilespmem:s24+$0x0] =	vst v8;
	v8 =	vld.idx.msk [tilespmem:v17+s18+$0x0], $0xffff  }
0x525: {  	s28 =	sor.u32 s1, s26;
	s9 =	sor.u32 s14, s30;
	v16 =	vadd.s32 $0x11, v4;
	v9 =	vld.idx.msk [tilespmem:v9+s18+$0x0], $0xffff  }
0x526: {  	s10 =	sor.u32 $0x13200, s21;
	s4 =	sor.u32 s0, s26;
	v17 =	vld [tilespmem:s9+$0x4D80];
	[tilespmem:s28+$0x0] =	vst v10;
	v10 =	vadd.s32 $0x11, v3  }
0x527: {  	s15 =	sadd.s32 $0xEF80, s8;
	s16 =	sor.u32 s17, s10;
	[tilespmem:s4+$0x0] =	vst v11;
	v11 =	vld.idx.msk [tilespmem:v13+s18+$0x0], $0xffff;
	v13 =	vadd.s32 $0x35, v2  }
0x528: {  	v18 =	vadd.s32 $0x24, v1;
	s19 =	sor.u32 s7, s15;
	v12 =	vld.idx.msk [tilespmem:v12+s18+$0x0], $0xffff;
	[tilespmem:s16+$0x0] =	vst v6  }
0x529: {  	s12 =	sor.u32 s6, s15;
	v6 =	vmul.u32 $0x41, v5;
	[tilespmem:s19+$0x0] =	vst v8;
	v5 =	vadd.s32 $0x24, v0;
	v8 =	vld.idx.msk [tilespmem:v15+s18+$0x0], $0xffff  }
0x52a: {  	s3 =	sor.u32 s25, s3;
	s20 =	sor.u32 $0x11100, s5;
	[tilespmem:s12+$0x0] =	vst v9;
	v9 =	vld.idx.msk [tilespmem:v16+s18+$0x0], $0xffff  }
0x52b: {  	s22 =	sor.u32 s1, s20;
	[tilespmem:s3+$0x0] =	vst v14;
	v14 =	vadd.s32 $0x37, v7;
	v10 =	vld.idx.msk [tilespmem:v10+s18+$0x0], $0xffff  }
0x52c: {  	s9 =	sor.u32 s0, s20;
	v15 =	vadd.s32 $0x12, v4;
	[tilespmem:s22+$0x0] =	vst v11;
	v11 =	vld.idx.msk [tilespmem:v13+s18+$0x0], $0xffff  }
0x52d: {  	s23 =	sor.u32 $0x13280, s21;
	v13 =	vadd.s32 $0x12, v3;
	[tilespmem:s9+$0x0] =	vst v12;
	v12 =	vld.idx.msk [tilespmem:v18+s18+$0x0], $0xffff  }
0x52e: {  	s24 =	sor.u32 $0xF000, s8;
	s26 =	sor.u32 s17, s23;
	v18 =	vadd.s32 $0x36, v2;
	v16 =	vld.idx.msk [tilespmem:v5+s18+$0x0], $0xffff  }
0x52f: {  	s28 =	sor.u32 s7, s24;
	v5 =	vmul.u32 $0x41, v17;
	v17 =	vadd.s32 $0x25, v1;
	v19 =	vld.idx.msk [tilespmem:v6+s18+$0x0], $0xffff;
	[tilespmem:s26+$0x0] =	vst v8  }
0x530: {  	s3 =	sor.u32 s6, s24;
	[tilespmem:s28+$0x0] =	vst v9;
	v8 =	vld.idx.msk [tilespmem:v14+s18+$0x0], $0xffff  }
0x531: {  	s30 =	sor.u32 $0x11180, s5;
	s4 =	sor.u32 s25, s10;
	[tilespmem:s3+$0x0] =	vst v10;
	v9 =	vld.idx.msk [tilespmem:v15+s18+$0x0], $0xffff;
	v10 =	vadd.s32 $0x25, v0  }
0x532: {  	s10 =	sor.u32 s1, s30;
	v13 =	vld.idx.msk [tilespmem:v13+s18+$0x0], $0xffff;
	[tilespmem:s4+$0x0] =	vst v11;
	v11 =	vadd.s32 $0x38, v7  }
0x533: {  	s13 =	sor.u32 s0, s30;
	v14 =	vadd.s32 $0x13, v4;
	s3 =	sor.u32 $0x13300, s21;
	[tilespmem:s10+$0x0] =	vst v12;
	v12 =	vld.idx.msk [tilespmem:v18+s18+$0x0], $0xffff  }
0x534: {  	s15 =	sor.u32 $0xF080, s8;
	v15 =	vadd.s32 $0x13, v3;
	s16 =	sor.u32 s17, s3;
	v17 =	vld.idx.msk [tilespmem:v17+s18+$0x0], $0xffff;
	[tilespmem:s13+$0x0] =	vst v16  }
0x535: {  	s19 =	sor.u32 s7, s15;
	v18 =	vadd.s32 $0x37, v2;
	v16 =	vld.idx.msk [tilespmem:v5+s18+$0x0], $0xffff;
	[tilespmem:s16+$0x0] =	vst v8  }
0x536: {  	v20 =	vadd.s32 $0x26, v1;
	s4 =	sor.u32 s6, s15;
	v10 =	vld.idx.msk [tilespmem:v10+s18+$0x0], $0xffff;
	[tilespmem:s19+$0x0] =	vst v9;
	s19 =	simm.s32 $0x300  }
0x537: {  	s9 =	sor.u32 s25, s23;
	v21 =	vadd.s32 $0x1, v5;
	s15 =	sor.u32 $0x11200, s5;
	v9 =	vld.idx.msk [tilespmem:v11+s18+$0x0], $0xffff;
	s20 =	sand.u32 $0xC00, s19;
	[tilespmem:s4+$0x0] =	vst v13  }
0x538: {  	s23 =	sor.u32 s1, s15;
	v11 =	vadd.s32 $0x1, v6;
	v13 =	vld.idx.msk [tilespmem:v14+s18+$0x0], $0xffff;
	s22 =	sadd.s32 $0xCF80, s20;
	[tilespmem:s9+$0x0] =	vst v12  }
0x539: {  	s26 =	smov.u32 s14;
	v14 =	vld.idx.msk [tilespmem:v15+s18+$0x0], $0xffff;
	v12 =	vadd.s32 $0x39, v7;
	s14 =	sor.u32 s14, s22;
	[tilespmem:s23+$0x0] =	vst v17  }
0x53a: {  	v15 =	vadd.s32 $0x14, v4;
	v8 =	vld.idx.msk [tilespmem:v18+s18+$0x0], $0xffff;
	s13 =	sor.u32 s11, s22;
	[tilespmem:s14+$0x0] =	vst v16  }
0x53b: {  	s15 =	sor.u32 s0, s15;
	s4 =	sadd.s32 $0x13F80, s21;
	v16 =	vadd.s32 $0x14, v3;
	v17 =	vld.idx.msk [tilespmem:v20+s18+$0x0], $0xffff;
	[tilespmem:s13+$0x0] =	vst v19  }
0x53c: {  	s24 =	sor.u32 $0xF100, s8;
	s28 =	sor.u32 s17, s4;
	v19 =	vadd.s32 $0x26, v0;
	v18 =	vld.idx.msk [tilespmem:v21+s18+$0x0], $0xffff;
	[tilespmem:s15+$0x0] =	vst v10  }
0x53d: {  	s30 =	sor.u32 s7, s24;
	v20 =	vadd.s32 $0x27, v1;
	v11 =	vld.idx.msk [tilespmem:v11+s18+$0x0], $0xffff;
	[tilespmem:s28+$0x0] =	vst v9  }
0x53e: {  	s12 =	smov.u32 s11;
	s9 =	sor.u32 s6, s24;
	s11 =	sor.u32 $0x11280, s5;
	v9 =	vadd.s32 $0x2, v5;
	[tilespmem:s30+$0x0] =	vst v13;
	v12 =	vld.idx.msk [tilespmem:v12+s18+$0x0], $0xffff  }
0x53f: {  	s10 =	smov.u32 s20;
	s20 =	sor.u32 s1, s11;
	v13 =	vadd.s32 $0x2, v6;
	[tilespmem:s9+$0x0] =	vst v14;
	v14 =	vld.idx.msk [tilespmem:v15+s18+$0x0], $0xffff  }
0x540: {  	v10 =	vadd.s32 $0x3A, v7;
	v15 =	vld.idx.msk [tilespmem:v16+s18+$0x0], $0xffff;
	[tilespmem:s20+$0x0] =	vst v17  }
0x541: {  	s9 =	sor.u32 $0x14000, s21;
	v16 =	vadd.s32 $0x15, v4;
	v19 =	vld.idx.msk [tilespmem:v19+s18+$0x0], $0xffff;
	[tilespmem:s14+$0x80] =	vst v18  }
0x542: {  	s22 =	sor.u32 $0xF180, s8;
	s23 =	sor.u32 s17, s9;
	v17 =	vadd.s32 $0x15, v3;
	v18 =	vld.idx.msk [tilespmem:v20+s18+$0x0], $0xffff;
	[tilespmem:s13+$0x80] =	vst v11  }
0x543: {  	s24 =	sor.u32 s7, s22;
	v9 =	vld.idx.msk [tilespmem:v9+s18+$0x0], $0xffff;
	v11 =	vadd.s32 $0x27, v0;
	[tilespmem:s23+$0x0] =	vst v12  }
0x544: {  	s15 =	sor.u32 s6, s22;
	v20 =	vadd.s32 $0x28, v1;
	v13 =	vld.idx.msk [tilespmem:v13+s18+$0x0], $0xffff;
	[tilespmem:s24+$0x0] =	vst v14  }
0x545: {  	s16 =	sor.u32 s0, s11;
	s28 =	sor.u32 $0x11300, s5;
	v12 =	vadd.s32 $0x3, v5;
	v10 =	vld.idx.msk [tilespmem:v10+s18+$0x0], $0xffff;
	[tilespmem:s15+$0x0] =	vst v15  }
0x546: {  	s30 =	sor.u32 s1, s28;
	v14 =	vadd.s32 $0x3, v6;
	v15 =	vld.idx.msk [tilespmem:v16+s18+$0x0], $0xffff;
	[tilespmem:s16+$0x0] =	vst v19  }
0x547: {  	v16 =	vld.idx.msk [tilespmem:v17+s18+$0x0], $0xffff;
	v17 =	vadd.s32 $0x3B, v7;
	[tilespmem:s30+$0x0] =	vst v18  }
0x548: {  	v19 =	vadd.s32 $0x16, v4;
	s15 =	sor.u32 $0x14080, s21;
	v11 =	vld.idx.msk [tilespmem:v11+s18+$0x0], $0xffff;
	[tilespmem:s14+$0x100] =	vst v9  }
0x549: {  	s11 =	sor.u32 $0xF200, s8;
	s24 =	sor.u32 s17, s15;
	v9 =	vadd.s32 $0x16, v3;
	v18 =	vld.idx.msk [tilespmem:v20+s18+$0x0], $0xffff;
	[tilespmem:s13+$0x100] =	vst v13  }
0x54a: {  	s23 =	sor.u32 s7, s11;
	v12 =	vld.idx.msk [tilespmem:v12+s18+$0x0], $0xffff;
	v13 =	vadd.s32 $0x28, v0;
	[tilespmem:s24+$0x0] =	vst v10  }
0x54b: {  	s16 =	sor.u32 s6, s11;
	v20 =	vadd.s32 $0x29, v1;
	v14 =	vld.idx.msk [tilespmem:v14+s18+$0x0], $0xffff;
	[tilespmem:s23+$0x0] =	vst v15  }
0x54c: {  	s20 =	sor.u32 s0, s28;
	s28 =	sadd.s32 $0x11F80, s5;
	v10 =	vadd.s32 $0x4, v5;
	v15 =	vld.idx.msk [tilespmem:v17+s18+$0x0], $0xffff;
	[tilespmem:s16+$0x0] =	vst v16  }
0x54d: {  	s30 =	sor.u32 s1, s28;
	v17 =	vadd.s32 $0x4, v6;
	v16 =	vld.idx.msk [tilespmem:v19+s18+$0x0], $0xffff;
	[tilespmem:s20+$0x0] =	vst v11  }
0x54e: {  	v9 =	vld.idx.msk [tilespmem:v9+s18+$0x0], $0xffff;
	v11 =	vadd.s32 $0x3C, v7;
	[tilespmem:s30+$0x0] =	vst v18  }
0x54f: {  	s31 =	sor.u32 $0x14100, s21;
	v19 =	vadd.s32 $0x17, v4;
	v13 =	vld.idx.msk [tilespmem:v13+s18+$0x0], $0xffff;
	[tilespmem:s14+$0x180] =	vst v12  }
0x550: {  	s11 =	sor.u32 $0xF280, s8;
	s16 =	sor.u32 s17, s31;
	v12 =	vadd.s32 $0x17, v3;
	v18 =	vld.idx.msk [tilespmem:v20+s18+$0x0], $0xffff;
	[tilespmem:s13+$0x180] =	vst v14  }
0x551: {  	s24 =	sor.u32 s7, s11;
	v10 =	vld.idx.msk [tilespmem:v10+s18+$0x0], $0xffff;
	v14 =	vadd.s32 $0x29, v0;
	[tilespmem:s16+$0x0] =	vst v15  }
0x552: {  	s20 =	sor.u32 s6, s11;
	v20 =	vadd.s32 $0x2A, v1;
	v17 =	vld.idx.msk [tilespmem:v17+s18+$0x0], $0xffff;
	[tilespmem:s24+$0x0] =	vst v16  }
0x553: {  	s22 =	sor.u32 s0, s28;
	v15 =	vadd.s32 $0x5, v5;
	v11 =	vld.idx.msk [tilespmem:v11+s18+$0x0], $0xffff;
	[tilespmem:s20+$0x0] =	vst v9;
	s20 =	sor.u32 $0x12000, s5  }
0x554: {  	v16 =	vadd.s32 $0x5, v6;
	v9 =	vld.idx.msk [tilespmem:v19+s18+$0x0], $0xffff;
	[tilespmem:s22+$0x0] =	vst v13;
	s28 =	sor.u32 s1, s20  }
0x555: {  	v12 =	vld.idx.msk [tilespmem:v12+s18+$0x0], $0xffff;
	v13 =	vadd.s32 $0x3D, v7;
	[tilespmem:s28+$0x0] =	vst v18  }
0x556: {  	v19 =	vadd.s32 $0x18, v4;
	s22 =	sor.u32 $0x14180, s21;
	v14 =	vld.idx.msk [tilespmem:v14+s18+$0x0], $0xffff;
	[tilespmem:s14+$0x200] =	vst v10  }
0x557: {  	s30 =	sor.u32 $0xF300, s8;
	v10 =	vadd.s32 $0x18, v3;
	s11 =	sor.u32 s17, s22;
	v18 =	vld.idx.msk [tilespmem:v20+s18+$0x0], $0xffff;
	[tilespmem:s13+$0x200] =	vst v17  }
0x558: {  	s16 =	sor.u32 s7, s30;
	v15 =	vld.idx.msk [tilespmem:v15+s18+$0x0], $0xffff;
	v17 =	vadd.s32 $0x2A, v0;
	[tilespmem:s11+$0x0] =	vst v11  }
0x559: {  	s23 =	sor.u32 s6, s30;
	v20 =	vadd.s32 $0x2B, v1;
	v16 =	vld.idx.msk [tilespmem:v16+s18+$0x0], $0xffff;
	[tilespmem:s16+$0x0] =	vst v9  }
0x55a: {  	s20 =	sor.u32 s0, s20;
	v11 =	vadd.s32 $0x6, v5;
	v9 =	vld.idx.msk [tilespmem:v13+s18+$0x0], $0xffff;
	[tilespmem:s23+$0x0] =	vst v12;
	s23 =	sor.u32 $0x12080, s5  }
0x55b: {  	v13 =	vadd.s32 $0x6, v6;
	v12 =	vld.idx.msk [tilespmem:v19+s18+$0x0], $0xffff;
	[tilespmem:s20+$0x0] =	vst v14;
	s28 =	sor.u32 s1, s23  }
0x55c: {  	v10 =	vld.idx.msk [tilespmem:v10+s18+$0x0], $0xffff;
	v14 =	vadd.s32 $0x3E, v7;
	[tilespmem:s28+$0x0] =	vst v18  }
0x55d: {  	s24 =	sor.u32 $0x14200, s21;
	v19 =	vadd.s32 $0x19, v4;
	v17 =	vld.idx.msk [tilespmem:v17+s18+$0x0], $0xffff;
	[tilespmem:s14+$0x280] =	vst v15  }
0x55e: {  	s30 =	sadd.s32 $0xFF80, s8;
	s11 =	sor.u32 s17, s24;
	v18 =	vld.idx.msk [tilespmem:v20+s18+$0x0], $0xffff;
	s14 =	simm.s32 $0x3;
	[tilespmem:s13+$0x280] =	vst v16  }
0x55f: {  	s28 =	sor.u32 s7, s30;
	v15 =	vadd.s32 $0x19, v3;
	v11 =	vld.idx.msk [tilespmem:v11+s18+$0x0], $0xffff;
	s16 =	sand.u32 $0x3, s14;
	[tilespmem:s11+$0x0] =	vst v9  }
0x560: {  	v16 =	vadd.s32 $0x2B, v0;
	s13 =	sor.u32 s6, s30;
	v13 =	vld.idx.msk [tilespmem:v13+s18+$0x0], $0xffff;
	s11 =	sshll.u32 s16, $0x5;
	[tilespmem:s28+$0x0] =	vst v12  }
0x561: {  	s30 =	sor.u32 s0, s23;
	v9 =	vadd.s32 $0x2C, v1;
	s28 =	sor.u32 $0x12100, s5;
	v12 =	vld.idx.msk [tilespmem:v14+s18+$0x0], $0xffff;
	s11 =	sadd.s32 $0x300, s11;
	[tilespmem:s13+$0x0] =	vst v10  }
0x562: {  	v20 =	vadd.s32 $0x7, v5;
	v10 =	vld.idx.msk [tilespmem:v19+s18+$0x0], $0xffff;
	s16 =	sor.u32 s1, s28;
	s29 =	sadd.s32 $0x10, s11;
	[tilespmem:s30+$0x0] =	vst v17  }
0x563: {  	v14 =	vadd.s32 $0x7, v6;
	[tilespmem:s16+$0x0] =	vst v18;
	s20 =	sor.u32 $0x300, s29  }
0x564: {  	v7 =	vadd.s32 $0x3F, v7;
	s23 =	sor.u32 $0x300, s11;
	v15 =	vld.idx.msk [tilespmem:v15+s18+$0x0], $0xffff;
	s30 =	sor.u32 $0x14280, s21;
	[tilespmem:s20+$0xCF80] =	vst v11  }
0x565: {  	s11 =	sor.u32 s19, s2;
	v17 =	vadd.s32 $0x1A, v4;
	v16 =	vld.idx.msk [tilespmem:v16+s18+$0x0], $0xffff;
	s20 =	sor.u32 $0x10000, s8;
	s16 =	sor.u32 s17, s30;
	[tilespmem:s23+$0xCF80] =	vst v13  }
0x566: {  	v11 =	vadd.s32 $0x1A, v3;
	v9 =	vld.idx.msk [tilespmem:v9+s18+$0x0], $0xffff;
	[tilespmem:s16+$0x0] =	vst v12;
	s16 =	sor.u32 $0x380, s11;
	s11 =	sor.u32 s7, s20  }
0x567: {  	v19 =	vadd.s32 $0x2C, v0;
	s13 =	sor.u32 s25, s4;
	v18 =	vld.idx.msk [tilespmem:v20+s18+$0x0], $0xffff;
	[tilespmem:s11+$0x0] =	vst v10  }
0x568: {  	v20 =	vadd.s32 $0x2D, v1;
	v12 =	vld.idx.msk [tilespmem:v14+s18+$0x0], $0xffff;
	[dreg:$0x4] =	wrdreg s13  }
0x569: {  	v63 =	vadd.s32 $0x8, v5;
	s23 =	sor.u32 s25, s3;
	s4 =	sor.u32 s6, s20;
	s3 =	sor.u32 s25, s31;
	v22 =	vld.idx.msk [tilespmem:v7+s18+$0x0], $0xffff  }
0x56a: {  	v23 =	vadd.s32 $0x8, v6;
	s11 =	sor.u32 $0x12180, s5;
	s13 =	sor.u32 s25, s9;
	s9 =	sor.u32 s0, s28;
	[tilespmem:s4+$0x0] =	vst v15;
	v13 =	vld.idx.msk [tilespmem:v17+s18+$0x0], $0xffff  }
0x56b: {  	s31 =	simm.s32 $0x6;
	s20 =	sor.u32 s25, s15;
	s15 =	sor.u32 s1, s11;
	[tilespmem:s9+$0x0] =	vst v16;
	v14 =	vld.idx.msk [tilespmem:v11+s18+$0x0], $0xffff  }
0x56c: {  	s28 =	sor.u32 $0x10080, s8;
	s9 =	sor.u32 s25, s22;
	s22 =	sor.u32 $0x380, s29;
	[tilespmem:s15+$0x0] =	vst v9;
	v10 =	vld.idx.msk [tilespmem:v19+s18+$0x0], $0xffff  }
0x56d: {  	s4 =	sor.u32 s25, s24;
	s29 =	sor.u32 s0, s11;
	s24 =	sor.u32 $0x14300, s21;
	[tilespmem:s22+$0xCF80] =	vst v18;
	v7 =	vld.idx.msk [tilespmem:v20+s18+$0x0], $0xffff  }
0x56e: {  	v15 =	vadd.s32 $0x1B, v4;
	s15 =	sor.u32 s25, s30;
	s21 =	sor.u32 s25, s24;
	s30 =	sor.u32 s17, s24;
	[tilespmem:s16+$0xCF80] =	vst v12;
	v17 =	vld.idx.msk [tilespmem:v63+s18+$0x0], $0xffff  }
0x56f: {  	v16 =	vadd.s32 $0x1B, v3;
	v11 =	vadd.s32 $0x2D, v0;
	s17 =	simm.s32 $0x4E00;
	s22 =	sor.u32 s7, s28;
	v9 =	vadd.s32 $0x2E, v1;
	s16 =	sor.u32 s6, s28;
	v18 =	vld.idx.msk [tilespmem:v23+s18+$0x0], $0xffff;
	[tilespmem:s30+$0x0] =	vst v22  }
.LBB2_10:
0x570: {  	_ =	sdelay $0x1  }
0x571: {  	v12 =	vld [tilespmem:s17+$0x0];
	[tilespmem:s22+$0x0] =	vst v13  }
0x572: {  	v19 =	vadd.s32 $0x9, v5;
	s24 =	smov.u32 s0;
	s11 =	sor.u32 $0x12200, s5;
	[tilespmem:s16+$0x0] =	vst v14;
	s22 =	smov.u32 s1;
	v14 =	vld.idx.msk [tilespmem:v15+s18+$0x0], $0xffff  }
0x573: {  	s25 =	sor.u32 s24, s11;
	v13 =	vadd.s32 $0x9, v6;
	s16 =	sadd.s32 $0xDF80, s10;
	v15 =	vld.idx.msk [tilespmem:v16+s18+$0x0], $0xffff;
	[tilespmem:s29+$0x0] =	vst v10;
	s11 =	sor.u32 s22, s11  }
0x574: {  	v10 =	vadd.s32 $0x38, v2;
	s30 =	sor.u32 s26, s16;
	[tilespmem:s11+$0x0] =	vst v7  }
0x575: {  	s0 =	smov.u32 s6;
	s6 =	smov.u32 s12;
	v16 =	vadd.s32 $0x1C, v4;
	v11 =	vld.idx.msk [tilespmem:v11+s18+$0x0], $0xffff;
	[tilespmem:s30+$0x0] =	vst v17  }
0x576: {  	s28 =	sor.u32 s6, s16;
	v7 =	vadd.s32 $0x1C, v3;
	v9 =	vld.idx.msk [tilespmem:v9+s18+$0x0], $0xffff  }
0x577: {  	s12 =	sor.u32 $0x10100, s8;
	s1 =	smov.u32 s7;
	[tilespmem:s28+$0x0] =	vst v18;
	v17 =	vld.idx.msk [tilespmem:v19+s18+$0x0], $0xffff  }
0x578: {  	s16 =	smov.u32 s10;
	s10 =	sor.u32 s1, s12;
	v18 =	vadd.s32 $0x2E, v0;
	v13 =	vld.idx.msk [tilespmem:v13+s18+$0x0], $0xffff;
	[tilespmem:s23+$0x0] =	vst v8  }
0x579: {  	s7 =	smov.u32 s26;
	s26 =	sor.u32 s0, s12;
	v19 =	vadd.s32 $0x2F, v1;
	[tilespmem:s10+$0x0] =	vst v14;
	v10 =	vld.idx.msk [tilespmem:v10+s18+$0x0], $0xffff  }
0x57a: {  	s28 =	sor.u32 $0x12280, s5;
	v14 =	vadd.s32 $0xA, v6;
	[tilespmem:s26+$0x0] =	vst v15;
	v15 =	vld.idx.msk [tilespmem:v16+s18+$0x0], $0xffff  }
0x57b: {  	s30 =	sor.u32 $0xE000, s16;
	v8 =	vadd.s32 $0xA, v5;
	s10 =	sor.u32 s22, s28;
	v7 =	vld.idx.msk [tilespmem:v7+s18+$0x0], $0xffff;
	[tilespmem:s25+$0x0] =	vst v11  }
0x57c: {  	s11 =	sor.u32 s7, s30;
	v11 =	vadd.s32 $0x39, v2;
	[tilespmem:s10+$0x0] =	vst v9  }
0x57d: {  	s23 =	sor.u32 s6, s30;
	v18 =	vld.idx.msk [tilespmem:v18+s18+$0x0], $0xffff;
	v9 =	vadd.s32 $0x1D, v3;
	[tilespmem:s11+$0x0] =	vst v17  }
0x57e: {  	s30 =	rddreg [dreg:$0x4];
	s26 =	sor.u32 $0x10180, s8;
	v16 =	vadd.s32 $0x1D, v4;
	[tilespmem:s23+$0x0] =	vst v13;
	v17 =	vld.idx.msk [tilespmem:v19+s18+$0x0], $0xffff  }
0x57f: {  	s10 =	sor.u32 s1, s26;
	v13 =	vadd.s32 $0x2F, v0;
	v14 =	vld.idx.msk [tilespmem:v14+s18+$0x0], $0xffff;
	[tilespmem:s30+$0x0] =	vst v10  }
0x580: {  	s12 =	sor.u32 s24, s28;
	s28 =	sor.u32 s0, s26;
	v8 =	vld.idx.msk [tilespmem:v8+s18+$0x0], $0xffff;
	[tilespmem:s10+$0x0] =	vst v15;
	v15 =	vadd.s32 $0xB, v6  }
0x581: {  	s25 =	sor.u32 $0x12300, s5;
	v19 =	vadd.s32 $0x30, v1;
	v11 =	vld.idx.msk [tilespmem:v11+s18+$0x0], $0xffff;
	[tilespmem:s28+$0x0] =	vst v7  }
0x582: {  	s26 =	sor.u32 $0xE080, s16;
	v10 =	vadd.s32 $0xB, v5;
	s10 =	sor.u32 s22, s25;
	v9 =	vld.idx.msk [tilespmem:v9+s18+$0x0], $0xffff;
	[tilespmem:s12+$0x0] =	vst v18  }
0x583: {  	s30 =	sor.u32 s6, s26;
	v7 =	vld.idx.msk [tilespmem:v16+s18+$0x0], $0xffff;
	v16 =	vadd.s32 $0x3A, v2;
	[tilespmem:s10+$0x0] =	vst v17  }
0x584: {  	s11 =	sor.u32 s7, s26;
	v13 =	vld.idx.msk [tilespmem:v13+s18+$0x0], $0xffff;
	[tilespmem:s30+$0x0] =	vst v14  }
0x585: {  	[tilespmem:s11+$0x0] =	vst v8;
	v8 =	vadd.s32 $0x1E, v3;
	v15 =	vld.idx.msk [tilespmem:v15+s18+$0x0], $0xffff  }
0x586: {  	v18 =	vadd.s32 $0x1E, v4;
	s11 =	sor.u32 $0x10200, s8;
	v17 =	vld.idx.msk [tilespmem:v19+s18+$0x0], $0xffff  }
0x587: {  	v14 =	vadd.s32 $0x30, v0;
	[tilespmem:s13+$0x0] =	vst v11;
	v10 =	vld.idx.msk [tilespmem:v10+s18+$0x0], $0xffff;
	s10 =	sor.u32 s1, s11  }
0x588: {  	s23 =	sor.u32 s0, s11;
	[tilespmem:s10+$0x0] =	vst v7;
	v7 =	vld.idx.msk [tilespmem:v16+s18+$0x0], $0xffff;
	v16 =	vadd.s32 $0xC, v6  }
0x589: {  	s28 =	sor.u32 s24, s25;
	s25 =	sadd.s32 $0x12F80, s5;
	v19 =	vadd.s32 $0x31, v1;
	[tilespmem:s23+$0x0] =	vst v9  }
0x58a: {  	s26 =	sor.u32 $0xE100, s16;
	v11 =	vadd.s32 $0xC, v5;
	s10 =	sor.u32 s22, s25;
	v8 =	vld.idx.msk [tilespmem:v8+s18+$0x0], $0xffff;
	[tilespmem:s28+$0x0] =	vst v13  }
0x58b: {  	s30 =	sor.u32 s6, s26;
	v9 =	vld.idx.msk [tilespmem:v18+s18+$0x0], $0xffff;
	[tilespmem:s10+$0x0] =	vst v17  }
0x58c: {  	s11 =	sor.u32 s7, s26;
	v13 =	vadd.s32 $0x3B, v2;
	v14 =	vld.idx.msk [tilespmem:v14+s18+$0x0], $0xffff;
	[tilespmem:s30+$0x0] =	vst v15  }
0x58d: {  	[tilespmem:s11+$0x0] =	vst v10;
	v10 =	vadd.s32 $0x1F, v3;
	v16 =	vld.idx.msk [tilespmem:v16+s18+$0x0], $0xffff  }
0x58e: {  	s13 =	sor.u32 $0x10280, s8;
	v18 =	vadd.s32 $0x1F, v4;
	v17 =	vld.idx.msk [tilespmem:v19+s18+$0x0], $0xffff  }
0x58f: {  	v15 =	vadd.s32 $0x31, v0;
	s10 =	sor.u32 s1, s13;
	[tilespmem:s20+$0x0] =	vst v7;
	v11 =	vld.idx.msk [tilespmem:v11+s18+$0x0], $0xffff  }
0x590: {  	s23 =	sor.u32 s0, s13;
	v19 =	vadd.s32 $0x32, v1;
	[tilespmem:s10+$0x0] =	vst v9  }
0x591: {  	s28 =	sor.u32 s24, s25;
	s25 =	sor.u32 $0x13000, s5;
	v7 =	vadd.s32 $0xD, v5;
	v9 =	vld.idx.msk [tilespmem:v13+s18+$0x0], $0xffff;
	[tilespmem:s23+$0x0] =	vst v8  }
0x592: {  	s26 =	sor.u32 $0xE180, s16;
	s10 =	sor.u32 s22, s25;
	v13 =	vadd.s32 $0xD, v6;
	v10 =	vld.idx.msk [tilespmem:v10+s18+$0x0], $0xffff;
	[tilespmem:s28+$0x0] =	vst v14  }
0x593: {  	s11 =	sor.u32 s7, s26;
	v8 =	vld.idx.msk [tilespmem:v18+s18+$0x0], $0xffff;
	[tilespmem:s10+$0x0] =	vst v17  }
0x594: {  	v14 =	vadd.s32 $0x3C, v2;
	v15 =	vld.idx.msk [tilespmem:v15+s18+$0x0], $0xffff;
	[tilespmem:s11+$0x0] =	vst v11  }
0x595: {  	s30 =	sor.u32 s6, s26;
	v11 =	vadd.s32 $0x20, v3;
	v17 =	vld.idx.msk [tilespmem:v19+s18+$0x0], $0xffff  }
0x596: {  	v18 =	vadd.s32 $0x20, v4;
	[tilespmem:s30+$0x0] =	vst v16;
	s11 =	sor.u32 $0x10300, s8;
	v7 =	vld.idx.msk [tilespmem:v7+s18+$0x0], $0xffff  }
0x597: {  	v16 =	vadd.s32 $0x32, v0;
	v13 =	vld.idx.msk [tilespmem:v13+s18+$0x0], $0xffff;
	s10 =	sor.u32 s1, s11;
	[tilespmem:s3+$0x0] =	vst v9  }
0x598: {  	s13 =	sor.u32 s0, s11;
	v19 =	vadd.s32 $0x33, v1;
	[tilespmem:s10+$0x0] =	vst v8  }
0x599: {  	s20 =	sor.u32 $0x13080, s5;
	s28 =	sor.u32 s24, s25;
	v9 =	vadd.s32 $0xE, v5;
	v8 =	vld.idx.msk [tilespmem:v14+s18+$0x0], $0xffff;
	[tilespmem:s13+$0x0] =	vst v10  }
0x59a: {  	s23 =	sor.u32 $0xE200, s16;
	s3 =	sor.u32 s22, s20;
	v14 =	vadd.s32 $0xE, v6;
	v11 =	vld.idx.msk [tilespmem:v11+s18+$0x0], $0xffff;
	[tilespmem:s28+$0x0] =	vst v15  }
0x59b: {  	s10 =	sor.u32 s7, s23;
	v10 =	vld.idx.msk [tilespmem:v18+s18+$0x0], $0xffff;
	[tilespmem:s3+$0x0] =	vst v17  }
0x59c: {  	v15 =	vadd.s32 $0x3D, v2;
	v16 =	vld.idx.msk [tilespmem:v16+s18+$0x0], $0xffff;
	[tilespmem:s10+$0x0] =	vst v7  }
0x59d: {  	s26 =	sor.u32 s6, s23;
	v7 =	vadd.s32 $0x21, v3;
	v17 =	vld.idx.msk [tilespmem:v19+s18+$0x0], $0xffff  }
0x59e: {  	v18 =	vadd.s32 $0x21, v4;
	s28 =	sadd.s32 $0x10F80, s8;
	[tilespmem:s26+$0x0] =	vst v13;
	v9 =	vld.idx.msk [tilespmem:v9+s18+$0x0], $0xffff  }
0x59f: {  	v13 =	vadd.s32 $0x33, v0;
	s3 =	sor.u32 s1, s28;
	v14 =	vld.idx.msk [tilespmem:v14+s18+$0x0], $0xffff;
	[tilespmem:s9+$0x0] =	vst v8  }
0x5a0: {  	s30 =	sor.u32 s0, s28;
	v19 =	vadd.s32 $0x34, v1;
	[tilespmem:s3+$0x0] =	vst v10  }
0x5a1: {  	s25 =	sor.u32 s24, s20;
	s10 =	sor.u32 $0x13100, s5;
	v8 =	vadd.s32 $0xF, v5;
	v10 =	vld.idx.msk [tilespmem:v15+s18+$0x0], $0xffff;
	[tilespmem:s30+$0x0] =	vst v11  }
0x5a2: {  	s12 =	sor.u32 $0xE280, s16;
	s3 =	sor.u32 s22, s10;
	v15 =	vadd.s32 $0xF, v6;
	v7 =	vld.idx.msk [tilespmem:v7+s18+$0x0], $0xffff;
	[tilespmem:s25+$0x0] =	vst v16  }
0x5a3: {  	s9 =	sor.u32 s7, s12;
	v11 =	vld.idx.msk [tilespmem:v18+s18+$0x0], $0xffff;
	v16 =	vadd.s32 $0x3E, v2;
	[tilespmem:s3+$0x0] =	vst v17  }
0x5a4: {  	v18 =	vadd.s32 $0x22, v4;
	v13 =	vld.idx.msk [tilespmem:v13+s18+$0x0], $0xffff;
	[tilespmem:s9+$0x0] =	vst v9  }
0x5a5: {  	s20 =	sor.u32 s6, s12;
	v9 =	vadd.s32 $0x22, v3;
	v17 =	vld.idx.msk [tilespmem:v19+s18+$0x0], $0xffff  }
0x5a6: {  	s23 =	sor.u32 $0x11000, s8;
	[tilespmem:s20+$0x0] =	vst v14;
	v8 =	vld.idx.msk [tilespmem:v8+s18+$0x0], $0xffff  }
0x5a7: {  	v14 =	vadd.s32 $0x34, v0;
	s3 =	sor.u32 s1, s23;
	v15 =	vld.idx.msk [tilespmem:v15+s18+$0x0], $0xffff;
	[tilespmem:s4+$0x0] =	vst v10  }
0x5a8: {  	s25 =	sor.u32 s0, s23;
	v19 =	vadd.s32 $0x35, v1;
	[tilespmem:s3+$0x0] =	vst v11;
	v11 =	vld.idx.msk [tilespmem:v16+s18+$0x0], $0xffff  }
0x5a9: {  	s26 =	sor.u32 $0x13180, s5;
	s13 =	sor.u32 s24, s10;
	v10 =	vadd.s32 $0x10, v5;
	[tilespmem:s25+$0x0] =	vst v7;
	v7 =	vld.idx.msk [tilespmem:v18+s18+$0x0], $0xffff  }
0x5aa: {  	s28 =	sor.u32 $0xE300, s16;
	s3 =	sor.u32 s22, s26;
	v16 =	vadd.s32 $0x10, v6;
	v9 =	vld.idx.msk [tilespmem:v9+s18+$0x0], $0xffff;
	[tilespmem:s13+$0x0] =	vst v13  }
0x5ab: {  	s4 =	sor.u32 s7, s28;
	[tilespmem:s3+$0x0] =	vst v17  }
0x5ac: {  	s2 =	sadd.s32 $0x20, s2;
	s11 =	sor.u32 s6, s28;
	v13 =	vadd.s32 $0x3F, v2;
	v2 =	vmov v0;
	v0 =	vmov v3;
	v14 =	vld.idx.msk [tilespmem:v14+s18+$0x0], $0xffff;
	[tilespmem:s4+$0x0] =	vst v8  }
0x5ad: {  	s12 =	sor.u32 $0x11080, s8;
	[tilespmem:s11+$0x0] =	vst v15;
	s11 =	sand.u32 $0x60, s2;
	v8 =	vadd.s32 $0x23, v0;
	v17 =	vld.idx.msk [tilespmem:v19+s18+$0x0], $0xffff  }
0x5ae: {  	s23 =	sand.u32 $0x180, s2;
	v3 =	vmov v6;
	v6 =	vadd.s32 $0x23, v4;
	s3 =	sor.u32 s1, s12;
	s20 =	sor.u32 $0x10, s11;
	v10 =	vld.idx.msk [tilespmem:v10+s18+$0x0], $0xffff  }
0x5af: {  	s13 =	sor.u32 s0, s12;
	v15 =	vld.idx.msk [tilespmem:v16+s18+$0x0], $0xffff;
	[tilespmem:s3+$0x0] =	vst v7;
	s12 =	sor.u32 s20, s23  }
0x5b0: {  	v16 =	vadd.s32 $0x36, v1;
	[tilespmem:s15+$0x0] =	vst v11;
	v18 =	vld [tilespmem:s12+$0x4D80]  }
0x5b1: {  	s30 =	sor.u32 s24, s26;
	s26 =	sor.u32 $0x13200, s5;
	v11 =	vadd.s32 $0x11, v5;
	v7 =	vld.idx.msk [tilespmem:v13+s18+$0x0], $0xffff;
	[tilespmem:s13+$0x0] =	vst v9  }
0x5b2: {  	s28 =	sor.u32 s22, s26;
	s25 =	sadd.s32 $0xEF80, s16;
	v13 =	vadd.s32 $0x11, v3;
	v8 =	vld.idx.msk [tilespmem:v8+s18+$0x0], $0xffff;
	[tilespmem:s30+$0x0] =	vst v14  }
0x5b3: {  	s3 =	sor.u32 s7, s25;
	v9 =	vld.idx.msk [tilespmem:v6+s18+$0x0], $0xffff;
	v14 =	vadd.s32 $0x35, v2;
	[tilespmem:s28+$0x0] =	vst v17  }
0x5b4: {  	v19 =	vadd.s32 $0x24, v4;
	v6 =	vmul.u32 $0x41, v12;
	[tilespmem:s3+$0x0] =	vst v10  }
0x5b5: {  	s30 =	sor.u32 s6, s25;
	v12 =	vld.idx.msk [tilespmem:v16+s18+$0x0], $0xffff  }
0x5b6: {  	s13 =	sor.u32 $0x11100, s8;
	[tilespmem:s30+$0x0] =	vst v15;
	v10 =	vadd.s32 $0x24, v0;
	v11 =	vld.idx.msk [tilespmem:v11+s18+$0x0], $0xffff  }
0x5b7: {  	s4 =	sor.u32 s1, s13;
	v15 =	vadd.s32 $0x37, v1;
	v13 =	vld.idx.msk [tilespmem:v13+s18+$0x0], $0xffff;
	[tilespmem:s21+$0x0] =	vst v7  }
0x5b8: {  	s23 =	sor.u32 $0x13280, s5;
	s15 =	sor.u32 s0, s13;
	v16 =	vadd.s32 $0x12, v5;
	[tilespmem:s4+$0x0] =	vst v9;
	v9 =	vld.idx.msk [tilespmem:v14+s18+$0x0], $0xffff  }
0x5b9: {  	s25 =	sor.u32 $0xF000, s16;
	s4 =	sor.u32 s22, s23;
	v14 =	vadd.s32 $0x12, v3;
	[tilespmem:s15+$0x0] =	vst v8;
	v8 =	vld.idx.msk [tilespmem:v19+s18+$0x0], $0xffff  }
0x5ba: {  	v17 =	vadd.s32 $0x36, v2;
	s9 =	sor.u32 s7, s25;
	v7 =	vmul.u32 $0x41, v18;
	v19 =	vld.idx.msk [tilespmem:v6+s18+$0x0], $0xffff;
	[tilespmem:s4+$0x0] =	vst v12  }
0x5bb: {  	v10 =	vld.idx.msk [tilespmem:v10+s18+$0x0], $0xffff;
	[tilespmem:s9+$0x0] =	vst v11  }
0x5bc: {  	s10 =	sor.u32 s24, s26;
	s26 =	sor.u32 s6, s25;
	v18 =	vadd.s32 $0x25, v4;
	v11 =	vld.idx.msk [tilespmem:v15+s18+$0x0], $0xffff  }
0x5bd: {  	s28 =	sor.u32 $0x11180, s8;
	[tilespmem:s26+$0x0] =	vst v13;
	v13 =	vadd.s32 $0x25, v0;
	v12 =	vld.idx.msk [tilespmem:v16+s18+$0x0], $0xffff  }
0x5be: {  	s4 =	sor.u32 s1, s28;
	v14 =	vld.idx.msk [tilespmem:v14+s18+$0x0], $0xffff;
	[tilespmem:s10+$0x0] =	vst v9;
	v9 =	vadd.s32 $0x38, v1  }
0x5bf: {  	s30 =	sor.u32 s0, s28;
	s9 =	sor.u32 $0x13300, s5;
	v15 =	vadd.s32 $0x13, v5;
	[tilespmem:s4+$0x0] =	vst v8;
	v8 =	vld.idx.msk [tilespmem:v17+s18+$0x0], $0xffff  }
0x5c0: {  	v16 =	vadd.s32 $0x13, v3;
	s10 =	sor.u32 $0xF080, s16;
	s3 =	sor.u32 s22, s9;
	v17 =	vld.idx.msk [tilespmem:v7+s18+$0x0], $0xffff;
	[tilespmem:s30+$0x0] =	vst v10  }
0x5c1: {  	s4 =	sor.u32 s7, s10;
	v10 =	vld.idx.msk [tilespmem:v18+s18+$0x0], $0xffff;
	[tilespmem:s3+$0x0] =	vst v11  }
0x5c2: {  	v18 =	vadd.s32 $0x37, v2;
	v13 =	vld.idx.msk [tilespmem:v13+s18+$0x0], $0xffff;
	[tilespmem:s4+$0x0] =	vst v12  }
0x5c3: {  	v20 =	vadd.s32 $0x26, v4;
	s19 =	sadd.s32 $0x100, s19;
	s12 =	sor.u32 s6, s10;
	v9 =	vld.idx.msk [tilespmem:v9+s18+$0x0], $0xffff  }
0x5c4: {  	s13 =	sor.u32 s24, s23;
	s25 =	sor.u32 $0x11200, s8;
	s15 =	sand.u32 $0xC00, s19;
	v11 =	vadd.s32 $0x1, v7;
	[tilespmem:s12+$0x0] =	vst v14;
	v14 =	vld.idx.msk [tilespmem:v15+s18+$0x0], $0xffff  }
0x5c5: {  	s28 =	sadd.s32 $0xCF80, s15;
	s30 =	sor.u32 s1, s25;
	v12 =	vadd.s32 $0x1, v6;
	v15 =	vld.idx.msk [tilespmem:v16+s18+$0x0], $0xffff;
	[tilespmem:s13+$0x0] =	vst v8  }
0x5c6: {  	s23 =	sor.u32 s24, s9;
	s10 =	smov.u32 s15;
	s15 =	sor.u32 s20, s28;
	[tilespmem:s30+$0x0] =	vst v10;
	v10 =	vadd.s32 $0x14, v3  }
0x5c7: {  	s9 =	sor.u32 s0, s25;
	s25 =	sadd.s32 $0x13F80, s5;
	s4 =	sor.u32 s11, s28;
	v16 =	vadd.s32 $0x39, v1;
	v8 =	vld.idx.msk [tilespmem:v18+s18+$0x0], $0xffff;
	[tilespmem:s15+$0x0] =	vst v17  }
0x5c8: {  	v21 =	vadd.s32 $0x14, v5;
	s3 =	sor.u32 s22, s25;
	s28 =	sor.u32 $0xF100, s16;
	[tilespmem:s4+$0x0] =	vst v19;
	v17 =	vld.idx.msk [tilespmem:v20+s18+$0x0], $0xffff  }
0x5c9: {  	s12 =	smov.u32 s11;
	s11 =	sor.u32 s6, s28;
	v11 =	vld.idx.msk [tilespmem:v11+s18+$0x0], $0xffff;
	[tilespmem:s3+$0x0] =	vst v9  }
0x5ca: {  	s13 =	sor.u32 s7, s28;
	v18 =	vadd.s32 $0x26, v0;
	v12 =	vld.idx.msk [tilespmem:v12+s18+$0x0], $0xffff;
	[tilespmem:s11+$0x0] =	vst v15  }
0x5cb: {  	s30 =	sor.u32 s24, s25;
	s25 =	sor.u32 $0x11280, s8;
	v19 =	vadd.s32 $0x27, v4;
	[tilespmem:s13+$0x0] =	vst v14;
	v10 =	vld.idx.msk [tilespmem:v10+s18+$0x0], $0xffff  }
0x5cc: {  	v9 =	vadd.s32 $0x2, v7;
	s3 =	sor.u32 s1, s25;
	[tilespmem:s9+$0x0] =	vst v13;
	v14 =	vld.idx.msk [tilespmem:v16+s18+$0x0], $0xffff  }
0x5cd: {  	v16 =	vadd.s32 $0x2, v6;
	v15 =	vld.idx.msk [tilespmem:v21+s18+$0x0], $0xffff;
	[tilespmem:s3+$0x0] =	vst v17  }
0x5ce: {  	[tilespmem:s15+$0x80] =	vst v11;
	v11 =	vadd.s32 $0x15, v3  }
0x5cf: {  	s28 =	sor.u32 $0x14000, s5;
	v13 =	vadd.s32 $0x3A, v1;
	v18 =	vld.idx.msk [tilespmem:v18+s18+$0x0], $0xffff  }
0x5d0: {  	[dreg:$0x4] =	wrdreg s30;
	s30 =	sor.u32 $0xF180, s16;
	v20 =	vadd.s32 $0x15, v5;
	s3 =	sor.u32 s22, s28;
	v17 =	vld.idx.msk [tilespmem:v19+s18+$0x0], $0xffff;
	[tilespmem:s4+$0x80] =	vst v12  }
0x5d1: {  	s11 =	sor.u32 s6, s30;
	v12 =	vadd.s32 $0x27, v0;
	v9 =	vld.idx.msk [tilespmem:v9+s18+$0x0], $0xffff;
	[tilespmem:s3+$0x0] =	vst v14  }
0x5d2: {  	s26 =	smov.u32 s20;
	s20 =	sor.u32 s7, s30;
	v19 =	vadd.s32 $0x28, v4;
	v16 =	vld.idx.msk [tilespmem:v16+s18+$0x0], $0xffff;
	[tilespmem:s11+$0x0] =	vst v10  }
0x5d3: {  	s9 =	sor.u32 s0, s25;
	s25 =	sor.u32 $0x11300, s8;
	v14 =	vadd.s32 $0x3, v7;
	[tilespmem:s20+$0x0] =	vst v15;
	v11 =	vld.idx.msk [tilespmem:v11+s18+$0x0], $0xffff  }
0x5d4: {  	s3 =	sor.u32 s1, s25;
	v15 =	vadd.s32 $0x3, v6;
	[tilespmem:s9+$0x0] =	vst v18;
	v13 =	vld.idx.msk [tilespmem:v13+s18+$0x0], $0xffff  }
0x5d5: {  	v10 =	vld.idx.msk [tilespmem:v20+s18+$0x0], $0xffff;
	[tilespmem:s3+$0x0] =	vst v17  }
0x5d6: {  	v12 =	vld.idx.msk [tilespmem:v12+s18+$0x0], $0xffff;
	[tilespmem:s15+$0x100] =	vst v9;
	v9 =	vadd.s32 $0x16, v3  }
0x5d7: {  	s30 =	sor.u32 $0xF200, s16;
	v18 =	vadd.s32 $0x3B, v1;
	v17 =	vld.idx.msk [tilespmem:v19+s18+$0x0], $0xffff  }
0x5d8: {  	s13 =	sor.u32 s24, s28;
	s28 =	sor.u32 $0x14080, s5;
	s11 =	sor.u32 s6, s30;
	v20 =	vadd.s32 $0x16, v5;
	[tilespmem:s4+$0x100] =	vst v16;
	v14 =	vld.idx.msk [tilespmem:v14+s18+$0x0], $0xffff  }
0x5d9: {  	s3 =	sor.u32 s22, s28;
	v15 =	vld.idx.msk [tilespmem:v15+s18+$0x0], $0xffff;
	[tilespmem:s11+$0x0] =	vst v11  }
0x5da: {  	s9 =	sor.u32 s0, s25;
	s25 =	sor.u32 s7, s30;
	v16 =	vadd.s32 $0x28, v0;
	[tilespmem:s3+$0x0] =	vst v13  }
0x5db: {  	s30 =	sadd.s32 $0x11F80, s8;
	v19 =	vadd.s32 $0x29, v4;
	[tilespmem:s25+$0x0] =	vst v10;
	v9 =	vld.idx.msk [tilespmem:v9+s18+$0x0], $0xffff  }
0x5dc: {  	v13 =	vadd.s32 $0x4, v7;
	s3 =	sor.u32 s1, s30;
	[tilespmem:s9+$0x0] =	vst v12;
	v10 =	vld.idx.msk [tilespmem:v18+s18+$0x0], $0xffff  }
0x5dd: {  	v18 =	vadd.s32 $0x4, v6;
	v11 =	vld.idx.msk [tilespmem:v20+s18+$0x0], $0xffff;
	[tilespmem:s3+$0x0] =	vst v17  }
0x5de: {  	[tilespmem:s15+$0x180] =	vst v14;
	v14 =	vadd.s32 $0x17, v3  }
0x5df: {  	s11 =	sor.u32 $0x14100, s5;
	v12 =	vadd.s32 $0x3C, v1;
	v16 =	vld.idx.msk [tilespmem:v16+s18+$0x0], $0xffff  }
0x5e0: {  	s9 =	sor.u32 s0, s30;
	s30 =	sor.u32 $0xF280, s16;
	s25 =	sor.u32 s22, s11;
	v20 =	vadd.s32 $0x17, v5;
	v17 =	vld.idx.msk [tilespmem:v19+s18+$0x0], $0xffff;
	[tilespmem:s4+$0x180] =	vst v15  }
0x5e1: {  	s29 =	sor.u32 s6, s30;
	v13 =	vld.idx.msk [tilespmem:v13+s18+$0x0], $0xffff;
	[tilespmem:s25+$0x0] =	vst v10  }
0x5e2: {  	s20 =	sor.u32 s24, s28;
	s28 =	sor.u32 s7, s30;
	v15 =	vadd.s32 $0x29, v0;
	v18 =	vld.idx.msk [tilespmem:v18+s18+$0x0], $0xffff;
	[tilespmem:s29+$0x0] =	vst v9  }
0x5e3: {  	s3 =	sor.u32 s24, s11;
	s11 =	sor.u32 $0x12000, s8;
	v19 =	vadd.s32 $0x2A, v4;
	[tilespmem:s28+$0x0] =	vst v11;
	v14 =	vld.idx.msk [tilespmem:v14+s18+$0x0], $0xffff  }
0x5e4: {  	v10 =	vadd.s32 $0x5, v7;
	s25 =	sor.u32 s1, s11;
	[tilespmem:s9+$0x0] =	vst v16;
	v11 =	vld.idx.msk [tilespmem:v12+s18+$0x0], $0xffff  }
0x5e5: {  	v12 =	vadd.s32 $0x5, v6;
	v9 =	vld.idx.msk [tilespmem:v20+s18+$0x0], $0xffff;
	[tilespmem:s25+$0x0] =	vst v17  }
0x5e6: {  	[tilespmem:s15+$0x200] =	vst v13;
	v13 =	vadd.s32 $0x18, v3  }
0x5e7: {  	s30 =	sor.u32 $0x14180, s5;
	v16 =	vadd.s32 $0x3D, v1;
	v15 =	vld.idx.msk [tilespmem:v15+s18+$0x0], $0xffff  }
0x5e8: {  	s29 =	sor.u32 $0xF300, s16;
	v20 =	vadd.s32 $0x18, v5;
	s25 =	sor.u32 s22, s30;
	v17 =	vld.idx.msk [tilespmem:v19+s18+$0x0], $0xffff;
	[tilespmem:s4+$0x200] =	vst v18  }
0x5e9: {  	s9 =	sor.u32 s24, s30;
	s30 =	sor.u32 s6, s29;
	v10 =	vld.idx.msk [tilespmem:v10+s18+$0x0], $0xffff;
	[tilespmem:s25+$0x0] =	vst v11  }
0x5ea: {  	s29 =	sor.u32 s7, s29;
	v18 =	vadd.s32 $0x2A, v0;
	v12 =	vld.idx.msk [tilespmem:v12+s18+$0x0], $0xffff;
	[tilespmem:s30+$0x0] =	vst v14  }
0x5eb: {  	s28 =	sor.u32 s0, s11;
	s11 =	sor.u32 $0x12080, s8;
	v19 =	vadd.s32 $0x2B, v4;
	[tilespmem:s29+$0x0] =	vst v9;
	v13 =	vld.idx.msk [tilespmem:v13+s18+$0x0], $0xffff  }
0x5ec: {  	v11 =	vadd.s32 $0x6, v7;
	s25 =	sor.u32 s1, s11;
	[tilespmem:s28+$0x0] =	vst v15;
	v9 =	vld.idx.msk [tilespmem:v16+s18+$0x0], $0xffff  }
0x5ed: {  	v16 =	vadd.s32 $0x6, v6;
	v14 =	vld.idx.msk [tilespmem:v20+s18+$0x0], $0xffff;
	[tilespmem:s25+$0x0] =	vst v17  }
0x5ee: {  	[tilespmem:s15+$0x280] =	vst v10;
	v10 =	vadd.s32 $0x19, v3  }
0x5ef: {  	v15 =	vadd.s32 $0x3E, v1;
	v18 =	vld.idx.msk [tilespmem:v18+s18+$0x0], $0xffff;
	s15 =	sor.u32 $0x14200, s5  }
0x5f0: {  	s28 =	sor.u32 s0, s11;
	v20 =	vadd.s32 $0x19, v5;
	s25 =	sadd.s32 $0xFF80, s16;
	v17 =	vld.idx.msk [tilespmem:v19+s18+$0x0], $0xffff;
	s11 =	sor.u32 s22, s15;
	[tilespmem:s4+$0x280] =	vst v12  }
0x5f1: {  	s14 =	sadd.s32 $0x1, s14;
	s30 =	sor.u32 s6, s25;
	v11 =	vld.idx.msk [tilespmem:v11+s18+$0x0], $0xffff;
	[tilespmem:s11+$0x0] =	vst v9  }
0x5f2: {  	s29 =	sand.u32 $0x3, s14;
	v12 =	vadd.s32 $0x2B, v0;
	s4 =	sor.u32 s7, s25;
	v16 =	vld.idx.msk [tilespmem:v16+s18+$0x0], $0xffff;
	[tilespmem:s30+$0x0] =	vst v13  }
0x5f3: {  	v19 =	vadd.s32 $0x2C, v4;
	s11 =	sshll.u32 s29, $0x5;
	[tilespmem:s4+$0x0] =	vst v14;
	v10 =	vld.idx.msk [tilespmem:v10+s18+$0x0], $0xffff  }
0x5f4: {  	s25 =	sor.u32 $0x12100, s8;
	v9 =	vadd.s32 $0x7, v7;
	s11 =	sadd.s32 s11, s19;
	v14 =	vld.idx.msk [tilespmem:v15+s18+$0x0], $0xffff  }
0x5f5: {  	s4 =	sor.u32 s24, s15;
	[tilespmem:s28+$0x0] =	vst v18;
	s15 =	sor.u32 s1, s25;
	v15 =	vadd.s32 $0x7, v6;
	v13 =	vld.idx.msk [tilespmem:v20+s18+$0x0], $0xffff;
	s30 =	sadd.s32 $0x10, s11  }
0x5f6: {  	v18 =	vadd.s32 $0x3F, v1;
	s29 =	sor.u32 $0x300, s11;
	[tilespmem:s15+$0x0] =	vst v17;
	s11 =	sor.u32 $0x300, s30  }
0x5f7: {  	v1 =	vmov v4;
	v4 =	vmov v5;
	v12 =	vld.idx.msk [tilespmem:v12+s18+$0x0], $0xffff;
	[tilespmem:s11+$0xCF80] =	vst v11;
	v11 =	vadd.s32 $0x1A, v3;
	s11 =	sor.u32 $0x14280, s5  }
0x5f8: {  	v5 =	vmov v7;
	v7 =	vadd.s32 $0x1A, v4;
	v17 =	vld.idx.msk [tilespmem:v19+s18+$0x0], $0xffff;
	[tilespmem:s29+$0xCF80] =	vst v16;
	s29 =	sor.u32 $0x10000, s16;
	s28 =	sor.u32 s22, s11  }
0x5f9: {  	v9 =	vld.idx.msk [tilespmem:v9+s18+$0x0], $0xffff;
	v16 =	vadd.s32 $0x2C, v0;
	s15 =	sor.u32 s24, s11;
	s11 =	sor.u32 s6, s29;
	s29 =	sor.u32 s7, s29;
	[tilespmem:s28+$0x0] =	vst v14  }
0x5fa: {  	v20 =	vadd.s32 $0x2D, v1;
	v19 =	vld.idx.msk [tilespmem:v15+s18+$0x0], $0xffff;
	[tilespmem:s29+$0x0] =	vst v13  }
0x5fb: {  	s31 =	sadd.s32 $0x2, s31;
	s25 =	sor.u32 s0, s25;
	v63 =	vadd.s32 $0x8, v5;
	[tilespmem:s11+$0x0] =	vst v10;
	s28 =	sor.u32 $0x12180, s8;
	v22 =	vld.idx.msk [tilespmem:v18+s18+$0x0], $0xffff  }
0x5fc: {  	p0 =	slt.u32 s31, $0x1E;
	s11 =	sor.u32 s1, s28;
	v18 =	vadd.s32 $0x8, v6;
	v14 =	vld.idx.msk [tilespmem:v11+s18+$0x0], $0xffff;
	[tilespmem:s25+$0x0] =	vst v12  }
.Ltmp4:
0x5fd: {  	s21 =	sor.u32 s19, s2;
	s30 =	sor.u32 $0x380, s30;
	v13 =	vld.idx.msk [tilespmem:v7+s18+$0x0], $0xffff;
	[tilespmem:s11+$0x0] =	vst v17;
	(pc) =	sbr.rel @p0 .LBB2_10-.Ltmp4, $4  }
0x5fe: {  	s21 =	sor.u32 $0x380, s21;
	s29 =	sor.u32 s0, s28;
	v10 =	vld.idx.msk [tilespmem:v16+s18+$0x0], $0xffff;
	[tilespmem:s30+$0xCF80] =	vst v9  }
0x5ff: {  	s28 =	sor.u32 $0x14300, s5;
	s5 =	smov.u32 s8;
	s8 =	smov.u32 s16;
	v7 =	vld.idx.msk [tilespmem:v20+s18+$0x0], $0xffff  }
0x600: {  	s17 =	sadd.s32 $0x20, s17;
	v15 =	vadd.s32 $0x1B, v4;
	s11 =	sor.u32 s22, s28;
	s30 =	sor.u32 $0x10080, s8;
	[tilespmem:s21+$0xCF80] =	vst v19;
	v17 =	vld.idx.msk [tilespmem:v63+s18+$0x0], $0xffff  }
0x601: {  	v11 =	vadd.s32 $0x2D, v0;
	v16 =	vadd.s32 $0x1B, v3;
	v9 =	vadd.s32 $0x2E, v1;
	s21 =	sor.u32 s24, s28;
	s16 =	sor.u32 s6, s30;
	s22 =	sor.u32 s7, s30;
	v18 =	vld.idx.msk [tilespmem:v18+s18+$0x0], $0xffff;
	[tilespmem:s11+$0x0] =	vst v22  }
0x602: {  	v12 =	vadd.s32 $0x9, v5  }
0x603: {  	v19 =	vadd.s32 $0x9, v6  }
0x604: {  	s2 =	sadd.s32 $0xDF80, s10  }
0x605: {  	s11 =	sor.u32 s26, s2  }
0x606: {  	s2 =	sor.u32 s12, s2;
	[tilespmem:s11+$0x0] =	vst v17  }
0x607: {  	[tilespmem:s2+$0x0] =	vst v18;
	v12 =	vld.idx.msk [tilespmem:v12+s18+$0x0], $0xffff  }
0x608: {  	v36 =	vadd.s32 $0xA, v5;
	v35 =	vld.idx.msk [tilespmem:v19+s18+$0x0], $0xffff  }
0x609: {  	v37 =	vadd.s32 $0xA, v6  }
0x60a: {  	s30 =	sor.u32 $0xE000, s10  }
0x60b: {  	s31 =	sor.u32 s26, s30  }
0x60c: {  	s2 =	sor.u32 s12, s30;
	[tilespmem:s31+$0x0] =	vst v12  }
0x60d: {  	[tilespmem:s2+$0x0] =	vst v35;
	v12 =	vld.idx.msk [tilespmem:v36+s18+$0x0], $0xffff  }
0x60e: {  	v38 =	vadd.s32 $0xB, v5;
	v17 =	vld.idx.msk [tilespmem:v37+s18+$0x0], $0xffff  }
0x60f: {  	v39 =	vadd.s32 $0xB, v6  }
0x610: {  	s11 =	sor.u32 $0xE080, s10  }
0x611: {  	s14 =	sor.u32 s26, s11  }
0x612: {  	s2 =	sor.u32 s12, s11;
	[tilespmem:s14+$0x0] =	vst v12  }
0x613: {  	[tilespmem:s2+$0x0] =	vst v17;
	v12 =	vld.idx.msk [tilespmem:v38+s18+$0x0], $0xffff  }
0x614: {  	v40 =	vadd.s32 $0xC, v5;
	v17 =	vld.idx.msk [tilespmem:v39+s18+$0x0], $0xffff  }
0x615: {  	v41 =	vadd.s32 $0xC, v6  }
0x616: {  	s19 =	sor.u32 $0xE100, s10  }
0x617: {  	s24 =	sor.u32 s26, s19  }
0x618: {  	s2 =	sor.u32 s12, s19;
	[tilespmem:s24+$0x0] =	vst v12  }
0x619: {  	[tilespmem:s2+$0x0] =	vst v17;
	v12 =	vld.idx.msk [tilespmem:v40+s18+$0x0], $0xffff  }
0x61a: {  	v42 =	vadd.s32 $0xD, v5;
	v17 =	vld.idx.msk [tilespmem:v41+s18+$0x0], $0xffff  }
0x61b: {  	v43 =	vadd.s32 $0xD, v6  }
0x61c: {  	s25 =	sor.u32 $0xE180, s10  }
0x61d: {  	s28 =	sor.u32 s26, s25  }
0x61e: {  	s2 =	sor.u32 s12, s25;
	[tilespmem:s28+$0x0] =	vst v12  }
0x61f: {  	[tilespmem:s2+$0x0] =	vst v17;
	v12 =	vld.idx.msk [tilespmem:v42+s18+$0x0], $0xffff  }
0x620: {  	v44 =	vadd.s32 $0xE, v5;
	v17 =	vld.idx.msk [tilespmem:v43+s18+$0x0], $0xffff  }
0x621: {  	v45 =	vadd.s32 $0xE, v6  }
0x622: {  	s30 =	sor.u32 $0xE200, s10  }
0x623: {  	s31 =	sor.u32 s26, s30  }
0x624: {  	s2 =	sor.u32 s12, s30;
	[tilespmem:s31+$0x0] =	vst v12  }
0x625: {  	[tilespmem:s2+$0x0] =	vst v17;
	v12 =	vld.idx.msk [tilespmem:v44+s18+$0x0], $0xffff  }
0x626: {  	v46 =	vadd.s32 $0xF, v5;
	v17 =	vld.idx.msk [tilespmem:v45+s18+$0x0], $0xffff  }
0x627: {  	v47 =	vadd.s32 $0xF, v6  }
0x628: {  	s11 =	sor.u32 $0xE280, s10  }
0x629: {  	s14 =	sor.u32 s26, s11  }
0x62a: {  	s2 =	sor.u32 s12, s11;
	[tilespmem:s14+$0x0] =	vst v12  }
0x62b: {  	[tilespmem:s2+$0x0] =	vst v17;
	v12 =	vld.idx.msk [tilespmem:v46+s18+$0x0], $0xffff  }
0x62c: {  	v48 =	vadd.s32 $0x10, v5;
	v17 =	vld.idx.msk [tilespmem:v47+s18+$0x0], $0xffff  }
0x62d: {  	v49 =	vadd.s32 $0x10, v6  }
0x62e: {  	s19 =	sor.u32 $0xE300, s10  }
0x62f: {  	s24 =	sor.u32 s26, s19  }
0x630: {  	s2 =	sor.u32 s12, s19;
	[tilespmem:s24+$0x0] =	vst v12  }
0x631: {  	[tilespmem:s2+$0x0] =	vst v17;
	v12 =	vld.idx.msk [tilespmem:v48+s18+$0x0], $0xffff  }
0x632: {  	v50 =	vadd.s32 $0x11, v5;
	v17 =	vld.idx.msk [tilespmem:v49+s18+$0x0], $0xffff  }
0x633: {  	v51 =	vadd.s32 $0x11, v6  }
0x634: {  	s25 =	sadd.s32 $0xEF80, s10  }
0x635: {  	s28 =	sor.u32 s26, s25  }
0x636: {  	s2 =	sor.u32 s12, s25;
	[tilespmem:s28+$0x0] =	vst v12  }
0x637: {  	[tilespmem:s2+$0x0] =	vst v17;
	v12 =	vld.idx.msk [tilespmem:v50+s18+$0x0], $0xffff  }
0x638: {  	v52 =	vadd.s32 $0x12, v5;
	v17 =	vld.idx.msk [tilespmem:v51+s18+$0x0], $0xffff  }
0x639: {  	v53 =	vadd.s32 $0x12, v6  }
0x63a: {  	s30 =	sor.u32 $0xF000, s10  }
0x63b: {  	s31 =	sor.u32 s26, s30  }
0x63c: {  	s2 =	sor.u32 s12, s30;
	[tilespmem:s31+$0x0] =	vst v12  }
0x63d: {  	[tilespmem:s2+$0x0] =	vst v17;
	v12 =	vld.idx.msk [tilespmem:v52+s18+$0x0], $0xffff  }
0x63e: {  	v54 =	vadd.s32 $0x13, v5;
	v17 =	vld.idx.msk [tilespmem:v53+s18+$0x0], $0xffff  }
0x63f: {  	v55 =	vadd.s32 $0x13, v6  }
0x640: {  	s11 =	sor.u32 $0xF080, s10  }
0x641: {  	s14 =	sor.u32 s26, s11  }
0x642: {  	s2 =	sor.u32 s12, s11;
	[tilespmem:s14+$0x0] =	vst v12  }
0x643: {  	[tilespmem:s2+$0x0] =	vst v17;
	v12 =	vld.idx.msk [tilespmem:v54+s18+$0x0], $0xffff  }
0x644: {  	v56 =	vadd.s32 $0x14, v5;
	v17 =	vld.idx.msk [tilespmem:v55+s18+$0x0], $0xffff  }
0x645: {  	v57 =	vadd.s32 $0x14, v6  }
0x646: {  	s19 =	sor.u32 $0xF100, s10  }
0x647: {  	s24 =	sor.u32 s26, s19  }
0x648: {  	s2 =	sor.u32 s12, s19;
	[tilespmem:s24+$0x0] =	vst v12  }
0x649: {  	[tilespmem:s2+$0x0] =	vst v17;
	v12 =	vld.idx.msk [tilespmem:v56+s18+$0x0], $0xffff  }
0x64a: {  	v58 =	vadd.s32 $0x15, v5;
	v17 =	vld.idx.msk [tilespmem:v57+s18+$0x0], $0xffff  }
0x64b: {  	v59 =	vadd.s32 $0x15, v6  }
0x64c: {  	s25 =	sor.u32 $0xF180, s10  }
0x64d: {  	s28 =	sor.u32 s26, s25  }
0x64e: {  	s2 =	sor.u32 s12, s25;
	[tilespmem:s28+$0x0] =	vst v12  }
0x64f: {  	[tilespmem:s2+$0x0] =	vst v17;
	v12 =	vld.idx.msk [tilespmem:v58+s18+$0x0], $0xffff  }
0x650: {  	v60 =	vadd.s32 $0x16, v5;
	v17 =	vld.idx.msk [tilespmem:v59+s18+$0x0], $0xffff  }
0x651: {  	v61 =	vadd.s32 $0x16, v6  }
0x652: {  	s30 =	sor.u32 $0xF200, s10  }
0x653: {  	s31 =	sor.u32 s26, s30  }
0x654: {  	s2 =	sor.u32 s12, s30;
	[tilespmem:s31+$0x0] =	vst v12  }
0x655: {  	[tilespmem:s2+$0x0] =	vst v17;
	v12 =	vld.idx.msk [tilespmem:v60+s18+$0x0], $0xffff  }
0x656: {  	v62 =	vadd.s32 $0x17, v5;
	v17 =	vld.idx.msk [tilespmem:v61+s18+$0x0], $0xffff  }
0x657: {  	v63 =	vadd.s32 $0x17, v6  }
0x658: {  	s11 =	sor.u32 $0xF280, s10  }
0x659: {  	s14 =	sor.u32 s26, s11  }
0x65a: {  	s2 =	sor.u32 s12, s11;
	[tilespmem:s14+$0x0] =	vst v12  }
0x65b: {  	[tilespmem:s2+$0x0] =	vst v17;
	v12 =	vld.idx.msk [tilespmem:v62+s18+$0x0], $0xffff  }
0x65c: {  	v21 =	vadd.s32 $0x18, v5;
	v17 =	vld.idx.msk [tilespmem:v63+s18+$0x0], $0xffff  }
0x65d: {  	v22 =	vadd.s32 $0x18, v6  }
0x65e: {  	s19 =	sor.u32 $0xF300, s10  }
0x65f: {  	s24 =	sor.u32 s26, s19  }
0x660: {  	s2 =	sor.u32 s12, s19;
	[tilespmem:s24+$0x0] =	vst v12  }
0x661: {  	[tilespmem:s2+$0x0] =	vst v17;
	v12 =	vld.idx.msk [tilespmem:v21+s18+$0x0], $0xffff  }
0x662: {  	v23 =	vadd.s32 $0x19, v5;
	v17 =	vld.idx.msk [tilespmem:v22+s18+$0x0], $0xffff  }
0x663: {  	v24 =	vadd.s32 $0x19, v6  }
0x664: {  	s25 =	sadd.s32 $0xFF80, s10  }
0x665: {  	s28 =	sor.u32 s26, s25  }
0x666: {  	s2 =	sor.u32 s12, s25;
	[tilespmem:s28+$0x0] =	vst v12  }
0x667: {  	[tilespmem:s2+$0x0] =	vst v17;
	v12 =	vld.idx.msk [tilespmem:v23+s18+$0x0], $0xffff  }
0x668: {  	v25 =	vadd.s32 $0x1A, v5;
	v17 =	vld.idx.msk [tilespmem:v24+s18+$0x0], $0xffff  }
0x669: {  	v26 =	vadd.s32 $0x1A, v6  }
0x66a: {  	s30 =	sor.u32 $0x10000, s10  }
0x66b: {  	s31 =	sor.u32 s26, s30  }
0x66c: {  	s2 =	sor.u32 s12, s30;
	[tilespmem:s31+$0x0] =	vst v12  }
0x66d: {  	[tilespmem:s2+$0x0] =	vst v17;
	v12 =	vld.idx.msk [tilespmem:v25+s18+$0x0], $0xffff  }
0x66e: {  	v27 =	vadd.s32 $0x1B, v5;
	v17 =	vld.idx.msk [tilespmem:v26+s18+$0x0], $0xffff  }
0x66f: {  	v28 =	vadd.s32 $0x1B, v6  }
0x670: {  	[tilespmem:s22+$0x0] =	vst v13;
	s14 =	sor.u32 $0x10080, s10  }
0x671: {  	[tilespmem:s16+$0x0] =	vst v14;
	v13 =	vld.idx.msk [tilespmem:v15+s18+$0x0], $0xffff;
	s16 =	sor.u32 s26, s14  }
0x672: {  	v29 =	vadd.s32 $0x1C, v4;
	v14 =	vld.idx.msk [tilespmem:v16+s18+$0x0], $0xffff;
	s2 =	sor.u32 s12, s14;
	[tilespmem:s16+$0x0] =	vst v12  }
0x673: {  	v30 =	vadd.s32 $0x1C, v3;
	[tilespmem:s2+$0x0] =	vst v17;
	v31 =	vld.idx.msk [tilespmem:v27+s18+$0x0], $0xffff  }
0x674: {  	v32 =	vadd.s32 $0x1C, v5;
	s19 =	sor.u32 $0x10100, s8;
	v17 =	vld.idx.msk [tilespmem:v28+s18+$0x0], $0xffff  }
0x675: {  	v33 =	vadd.s32 $0x1C, v6;
	s22 =	sor.u32 s7, s19  }
0x676: {  	[tilespmem:s22+$0x0] =	vst v13;
	s24 =	sor.u32 $0x10100, s10;
	s2 =	sor.u32 s6, s19  }
0x677: {  	v13 =	vld.idx.msk [tilespmem:v29+s18+$0x0], $0xffff;
	s25 =	sor.u32 s26, s24;
	[tilespmem:s2+$0x0] =	vst v14  }
0x678: {  	v34 =	vadd.s32 $0x1D, v4;
	s11 =	sor.u32 s12, s24;
	v12 =	vld.idx.msk [tilespmem:v30+s18+$0x0], $0xffff;
	[tilespmem:s25+$0x0] =	vst v31  }
0x679: {  	v35 =	vadd.s32 $0x1D, v3;
	[tilespmem:s11+$0x0] =	vst v17;
	v16 =	vld.idx.msk [tilespmem:v32+s18+$0x0], $0xffff  }
0x67a: {  	v36 =	vadd.s32 $0x1D, v5;
	s28 =	sor.u32 $0x10180, s8;
	v17 =	vld.idx.msk [tilespmem:v33+s18+$0x0], $0xffff  }
0x67b: {  	v37 =	vadd.s32 $0x1D, v6;
	s30 =	sor.u32 s7, s28  }
0x67c: {  	[tilespmem:s30+$0x0] =	vst v13;
	s31 =	sor.u32 $0x10180, s10;
	s2 =	sor.u32 s6, s28  }
0x67d: {  	v38 =	vld.idx.msk [tilespmem:v34+s18+$0x0], $0xffff;
	s14 =	sor.u32 s26, s31;
	[tilespmem:s2+$0x0] =	vst v12  }
0x67e: {  	v40 =	vadd.s32 $0x1E, v4;
	s11 =	sor.u32 s12, s31;
	v39 =	vld.idx.msk [tilespmem:v35+s18+$0x0], $0xffff;
	[tilespmem:s14+$0x0] =	vst v16  }
0x67f: {  	v41 =	vadd.s32 $0x1E, v3;
	[tilespmem:s11+$0x0] =	vst v17;
	v16 =	vld.idx.msk [tilespmem:v36+s18+$0x0], $0xffff  }
0x680: {  	v42 =	vadd.s32 $0x1E, v5;
	s16 =	sor.u32 $0x10200, s8;
	v17 =	vld.idx.msk [tilespmem:v37+s18+$0x0], $0xffff  }
0x681: {  	v43 =	vadd.s32 $0x1E, v6;
	s19 =	sor.u32 s7, s16  }
0x682: {  	s22 =	sor.u32 $0x10200, s10;
	[tilespmem:s19+$0x0] =	vst v38;
	s2 =	sor.u32 s6, s16  }
0x683: {  	s24 =	sor.u32 s26, s22;
	v12 =	vld.idx.msk [tilespmem:v40+s18+$0x0], $0xffff;
	[tilespmem:s2+$0x0] =	vst v39  }
0x684: {  	v44 =	vadd.s32 $0x1F, v4;
	s11 =	sor.u32 s12, s22;
	v13 =	vld.idx.msk [tilespmem:v41+s18+$0x0], $0xffff;
	[tilespmem:s24+$0x0] =	vst v16  }
0x685: {  	v45 =	vadd.s32 $0x1F, v3;
	[tilespmem:s11+$0x0] =	vst v17;
	v16 =	vld.idx.msk [tilespmem:v42+s18+$0x0], $0xffff  }
0x686: {  	v46 =	vadd.s32 $0x1F, v5;
	s25 =	sor.u32 $0x10280, s8;
	v17 =	vld.idx.msk [tilespmem:v43+s18+$0x0], $0xffff  }
0x687: {  	v47 =	vadd.s32 $0x1F, v6;
	s28 =	sor.u32 s7, s25  }
0x688: {  	s30 =	sor.u32 $0x10280, s10;
	[tilespmem:s28+$0x0] =	vst v12;
	s2 =	sor.u32 s6, s25  }
0x689: {  	s31 =	sor.u32 s26, s30;
	v12 =	vld.idx.msk [tilespmem:v44+s18+$0x0], $0xffff;
	[tilespmem:s2+$0x0] =	vst v13  }
0x68a: {  	v48 =	vadd.s32 $0x20, v4;
	s11 =	sor.u32 s12, s30;
	v13 =	vld.idx.msk [tilespmem:v45+s18+$0x0], $0xffff;
	[tilespmem:s31+$0x0] =	vst v16  }
0x68b: {  	v49 =	vadd.s32 $0x20, v3;
	[tilespmem:s11+$0x0] =	vst v17;
	v16 =	vld.idx.msk [tilespmem:v46+s18+$0x0], $0xffff  }
0x68c: {  	v50 =	vadd.s32 $0x20, v5;
	s11 =	sor.u32 $0x10300, s8;
	v17 =	vld.idx.msk [tilespmem:v47+s18+$0x0], $0xffff  }
0x68d: {  	v51 =	vadd.s32 $0x20, v6;
	s14 =	sor.u32 s7, s11  }
0x68e: {  	s16 =	sor.u32 $0x10300, s10;
	s2 =	sor.u32 s6, s11;
	[tilespmem:s14+$0x0] =	vst v12  }
0x68f: {  	s19 =	sor.u32 s26, s16;
	[tilespmem:s2+$0x0] =	vst v13;
	v12 =	vld.idx.msk [tilespmem:v48+s18+$0x0], $0xffff  }
0x690: {  	v52 =	vadd.s32 $0x21, v4;
	s11 =	sor.u32 s12, s16;
	v13 =	vld.idx.msk [tilespmem:v49+s18+$0x0], $0xffff;
	[tilespmem:s19+$0x0] =	vst v16  }
0x691: {  	v53 =	vadd.s32 $0x21, v3;
	[tilespmem:s11+$0x0] =	vst v17;
	v16 =	vld.idx.msk [tilespmem:v50+s18+$0x0], $0xffff  }
0x692: {  	v54 =	vadd.s32 $0x21, v5;
	s22 =	sadd.s32 $0x10F80, s8;
	v17 =	vld.idx.msk [tilespmem:v51+s18+$0x0], $0xffff  }
0x693: {  	v55 =	vadd.s32 $0x21, v6;
	s24 =	sor.u32 s7, s22  }
0x694: {  	s25 =	sadd.s32 $0x10F80, s10;
	s2 =	sor.u32 s6, s22;
	[tilespmem:s24+$0x0] =	vst v12  }
0x695: {  	s28 =	sor.u32 s26, s25;
	[tilespmem:s2+$0x0] =	vst v13;
	v12 =	vld.idx.msk [tilespmem:v52+s18+$0x0], $0xffff  }
0x696: {  	v56 =	vadd.s32 $0x22, v4;
	s11 =	sor.u32 s12, s25;
	v13 =	vld.idx.msk [tilespmem:v53+s18+$0x0], $0xffff;
	[tilespmem:s28+$0x0] =	vst v16  }
0x697: {  	v57 =	vadd.s32 $0x22, v3;
	[tilespmem:s11+$0x0] =	vst v17;
	v16 =	vld.idx.msk [tilespmem:v54+s18+$0x0], $0xffff  }
0x698: {  	v58 =	vadd.s32 $0x22, v5;
	s30 =	sor.u32 $0x11000, s8;
	v17 =	vld.idx.msk [tilespmem:v55+s18+$0x0], $0xffff  }
0x699: {  	v59 =	vadd.s32 $0x22, v6;
	s31 =	sor.u32 s7, s30  }
0x69a: {  	s14 =	sor.u32 $0x11000, s10;
	s2 =	sor.u32 s6, s30;
	[tilespmem:s31+$0x0] =	vst v12  }
0x69b: {  	s16 =	sor.u32 s26, s14;
	[tilespmem:s2+$0x0] =	vst v13;
	v12 =	vld.idx.msk [tilespmem:v56+s18+$0x0], $0xffff  }
0x69c: {  	v60 =	vadd.s32 $0x23, v4;
	s11 =	sor.u32 s12, s14;
	v13 =	vld.idx.msk [tilespmem:v57+s18+$0x0], $0xffff;
	[tilespmem:s16+$0x0] =	vst v16  }
0x69d: {  	v61 =	vadd.s32 $0x23, v3;
	[tilespmem:s11+$0x0] =	vst v17;
	v16 =	vld.idx.msk [tilespmem:v58+s18+$0x0], $0xffff  }
0x69e: {  	v62 =	vadd.s32 $0x23, v5;
	s19 =	sor.u32 $0x11080, s8;
	v17 =	vld.idx.msk [tilespmem:v59+s18+$0x0], $0xffff  }
0x69f: {  	v63 =	vadd.s32 $0x23, v6;
	s22 =	sor.u32 s7, s19  }
0x6a0: {  	s24 =	sor.u32 $0x11080, s10;
	s2 =	sor.u32 s6, s19;
	[tilespmem:s22+$0x0] =	vst v12  }
0x6a1: {  	s25 =	sor.u32 s26, s24;
	[tilespmem:s2+$0x0] =	vst v13;
	v12 =	vld.idx.msk [tilespmem:v60+s18+$0x0], $0xffff  }
0x6a2: {  	v21 =	vadd.s32 $0x24, v4;
	s11 =	sor.u32 s12, s24;
	v13 =	vld.idx.msk [tilespmem:v61+s18+$0x0], $0xffff;
	[tilespmem:s25+$0x0] =	vst v16  }
0x6a3: {  	v22 =	vadd.s32 $0x24, v3;
	[tilespmem:s11+$0x0] =	vst v17;
	v16 =	vld.idx.msk [tilespmem:v62+s18+$0x0], $0xffff  }
0x6a4: {  	v23 =	vadd.s32 $0x24, v5;
	s28 =	sor.u32 $0x11100, s8;
	v17 =	vld.idx.msk [tilespmem:v63+s18+$0x0], $0xffff  }
0x6a5: {  	v24 =	vadd.s32 $0x24, v6;
	s30 =	sor.u32 s7, s28  }
0x6a6: {  	s31 =	sor.u32 $0x11100, s10;
	s2 =	sor.u32 s6, s28;
	[tilespmem:s30+$0x0] =	vst v12  }
0x6a7: {  	s14 =	sor.u32 s26, s31;
	[tilespmem:s2+$0x0] =	vst v13;
	v12 =	vld.idx.msk [tilespmem:v21+s18+$0x0], $0xffff  }
0x6a8: {  	v25 =	vadd.s32 $0x25, v4;
	s11 =	sor.u32 s12, s31;
	v13 =	vld.idx.msk [tilespmem:v22+s18+$0x0], $0xffff;
	[tilespmem:s14+$0x0] =	vst v16  }
0x6a9: {  	v26 =	vadd.s32 $0x25, v3;
	[tilespmem:s11+$0x0] =	vst v17;
	v16 =	vld.idx.msk [tilespmem:v23+s18+$0x0], $0xffff  }
0x6aa: {  	v27 =	vadd.s32 $0x25, v5;
	s16 =	sor.u32 $0x11180, s8;
	v17 =	vld.idx.msk [tilespmem:v24+s18+$0x0], $0xffff  }
0x6ab: {  	v28 =	vadd.s32 $0x25, v6;
	s19 =	sor.u32 s7, s16  }
0x6ac: {  	s22 =	sor.u32 $0x11180, s10;
	s2 =	sor.u32 s6, s16;
	[tilespmem:s19+$0x0] =	vst v12  }
0x6ad: {  	s24 =	sor.u32 s26, s22;
	[tilespmem:s2+$0x0] =	vst v13;
	v12 =	vld.idx.msk [tilespmem:v25+s18+$0x0], $0xffff  }
0x6ae: {  	v29 =	vadd.s32 $0x26, v4;
	s11 =	sor.u32 s12, s22;
	v13 =	vld.idx.msk [tilespmem:v26+s18+$0x0], $0xffff;
	[tilespmem:s24+$0x0] =	vst v16  }
0x6af: {  	v30 =	vadd.s32 $0x26, v3;
	[tilespmem:s11+$0x0] =	vst v17;
	v16 =	vld.idx.msk [tilespmem:v27+s18+$0x0], $0xffff  }
0x6b0: {  	v31 =	vadd.s32 $0x26, v5;
	s25 =	sor.u32 $0x11200, s8;
	v17 =	vld.idx.msk [tilespmem:v28+s18+$0x0], $0xffff  }
0x6b1: {  	v32 =	vadd.s32 $0x26, v6;
	s28 =	sor.u32 s7, s25  }
0x6b2: {  	s30 =	sor.u32 $0x11200, s10;
	s2 =	sor.u32 s6, s25;
	[tilespmem:s28+$0x0] =	vst v12  }
0x6b3: {  	s31 =	sor.u32 s26, s30;
	[tilespmem:s2+$0x0] =	vst v13;
	v12 =	vld.idx.msk [tilespmem:v29+s18+$0x0], $0xffff  }
0x6b4: {  	v33 =	vadd.s32 $0x27, v4;
	s11 =	sor.u32 s12, s30;
	v34 =	vld.idx.msk [tilespmem:v30+s18+$0x0], $0xffff;
	[tilespmem:s31+$0x0] =	vst v16  }
0x6b5: {  	v35 =	vadd.s32 $0x27, v3;
	[tilespmem:s11+$0x0] =	vst v17;
	v16 =	vld.idx.msk [tilespmem:v31+s18+$0x0], $0xffff  }
0x6b6: {  	v36 =	vadd.s32 $0x27, v5;
	s14 =	sor.u32 $0x11280, s8;
	v37 =	vld.idx.msk [tilespmem:v32+s18+$0x0], $0xffff  }
0x6b7: {  	v38 =	vadd.s32 $0x27, v6;
	s16 =	sor.u32 s7, s14  }
0x6b8: {  	s19 =	sor.u32 $0x11280, s10;
	s2 =	sor.u32 s6, s14;
	[tilespmem:s16+$0x0] =	vst v12  }
0x6b9: {  	s22 =	sor.u32 s26, s19;
	[tilespmem:s2+$0x0] =	vst v34;
	v12 =	vld.idx.msk [tilespmem:v33+s18+$0x0], $0xffff  }
0x6ba: {  	v39 =	vadd.s32 $0x28, v4;
	s11 =	sor.u32 s12, s19;
	v14 =	vld.idx.msk [tilespmem:v35+s18+$0x0], $0xffff;
	[tilespmem:s22+$0x0] =	vst v16  }
0x6bb: {  	v40 =	vadd.s32 $0x28, v3;
	[tilespmem:s11+$0x0] =	vst v37;
	v16 =	vld.idx.msk [tilespmem:v36+s18+$0x0], $0xffff  }
0x6bc: {  	v41 =	vadd.s32 $0x28, v5;
	s24 =	sor.u32 $0x11300, s8;
	v18 =	vld.idx.msk [tilespmem:v38+s18+$0x0], $0xffff  }
0x6bd: {  	v42 =	vadd.s32 $0x28, v6;
	s25 =	sor.u32 s7, s24  }
0x6be: {  	s28 =	sor.u32 $0x11300, s10;
	s2 =	sor.u32 s6, s24;
	[tilespmem:s25+$0x0] =	vst v12  }
0x6bf: {  	s30 =	sor.u32 s26, s28;
	[tilespmem:s2+$0x0] =	vst v14;
	v12 =	vld.idx.msk [tilespmem:v39+s18+$0x0], $0xffff  }
0x6c0: {  	v43 =	vadd.s32 $0x29, v4;
	s11 =	sor.u32 s12, s28;
	v14 =	vld.idx.msk [tilespmem:v40+s18+$0x0], $0xffff;
	[tilespmem:s30+$0x0] =	vst v16  }
0x6c1: {  	v44 =	vadd.s32 $0x29, v3;
	[tilespmem:s11+$0x0] =	vst v18;
	v16 =	vld.idx.msk [tilespmem:v41+s18+$0x0], $0xffff  }
0x6c2: {  	[tilespmem:s23+$0x0] =	vst v8;
	v45 =	vadd.s32 $0x29, v5;
	s14 =	sadd.s32 $0x11F80, s8;
	v46 =	vld.idx.msk [tilespmem:v42+s18+$0x0], $0xffff  }
0x6c3: {  	[tilespmem:s29+$0x0] =	vst v10;
	v47 =	vadd.s32 $0x29, v6;
	s19 =	sor.u32 s7, s14  }
0x6c4: {  	v11 =	vld.idx.msk [tilespmem:v11+s18+$0x0], $0xffff;
	s14 =	sor.u32 s6, s14;
	s22 =	sadd.s32 $0x11F80, s10;
	[tilespmem:s19+$0x0] =	vst v12  }
0x6c5: {  	v53 =	vadd.s32 $0x2E, v0;
	s24 =	sor.u32 s26, s22;
	[tilespmem:s14+$0x0] =	vst v14;
	v13 =	vld.idx.msk [tilespmem:v43+s18+$0x0], $0xffff  }
0x6c6: {  	v49 =	vadd.s32 $0x2A, v4;
	s31 =	sor.u32 $0x12200, s5;
	s11 =	sor.u32 s12, s22;
	v15 =	vld.idx.msk [tilespmem:v44+s18+$0x0], $0xffff;
	[tilespmem:s24+$0x0] =	vst v16  }
0x6c7: {  	v50 =	vadd.s32 $0x2A, v3;
	s16 =	sor.u32 s1, s31;
	[tilespmem:s11+$0x0] =	vst v46;
	v10 =	vld.idx.msk [tilespmem:v45+s18+$0x0], $0xffff  }
0x6c8: {  	v51 =	vadd.s32 $0x2A, v5;
	[tilespmem:s16+$0x0] =	vst v7;
	s2 =	sor.u32 s0, s31;
	s25 =	sor.u32 $0x12000, s8;
	v7 =	vld.idx.msk [tilespmem:v47+s18+$0x0], $0xffff  }
0x6c9: {  	v52 =	vadd.s32 $0x2A, v6;
	v9 =	vld.idx.msk [tilespmem:v9+s18+$0x0], $0xffff;
	[tilespmem:s2+$0x0] =	vst v11;
	s28 =	sor.u32 s7, s25  }
0x6ca: {  	s29 =	sor.u32 $0x12000, s10;
	v48 =	vadd.s32 $0x38, v2;
	v58 =	vld.idx.msk [tilespmem:v53+s18+$0x0], $0xffff;
	s11 =	sor.u32 s6, s25;
	[tilespmem:s28+$0x0] =	vst v13  }
0x6cb: {  	v54 =	vadd.s32 $0x2F, v1;
	s30 =	sor.u32 s26, s29;
	[tilespmem:s11+$0x0] =	vst v15;
	v14 =	vld.idx.msk [tilespmem:v49+s18+$0x0], $0xffff  }
0x6cc: {  	v55 =	vadd.s32 $0x2B, v4;
	s31 =	sor.u32 $0x12280, s5;
	s2 =	sor.u32 s12, s29;
	v15 =	vld.idx.msk [tilespmem:v50+s18+$0x0], $0xffff;
	[tilespmem:s30+$0x0] =	vst v10  }
0x6cd: {  	v56 =	vadd.s32 $0x2B, v3;
	s16 =	sor.u32 s1, s31;
	[tilespmem:s2+$0x0] =	vst v7;
	v8 =	vld.idx.msk [tilespmem:v51+s18+$0x0], $0xffff  }
0x6ce: {  	v57 =	vadd.s32 $0x2B, v5;
	[tilespmem:s16+$0x0] =	vst v9;
	s19 =	sor.u32 $0x12080, s8;
	s28 =	sor.u32 s0, s31;
	v11 =	vld.idx.msk [tilespmem:v52+s18+$0x0], $0xffff  }
0x6cf: {  	v59 =	vadd.s32 $0x2B, v6;
	v12 =	vld.idx.msk [tilespmem:v48+s18+$0x0], $0xffff;
	s23 =	sor.u32 s7, s19;
	s22 =	rddreg [dreg:$0x4];
	[tilespmem:s28+$0x0] =	vst v58  }
0x6d0: {  	v61 =	vadd.s32 $0x2F, v0;
	s24 =	sor.u32 $0x12080, s10;
	v13 =	vld.idx.msk [tilespmem:v54+s18+$0x0], $0xffff;
	s2 =	sor.u32 s6, s19;
	[tilespmem:s23+$0x0] =	vst v14  }
0x6d1: {  	s17 =	smov.u32 s12;
	v60 =	vadd.s32 $0x39, v2;
	s25 =	sor.u32 s26, s24;
	[tilespmem:s2+$0x0] =	vst v15;
	v10 =	vld.idx.msk [tilespmem:v55+s18+$0x0], $0xffff  }
0x6d2: {  	v62 =	vadd.s32 $0x2C, v4;
	s14 =	sor.u32 s17, s24;
	v7 =	vld.idx.msk [tilespmem:v56+s18+$0x0], $0xffff;
	[tilespmem:s25+$0x0] =	vst v8  }
0x6d3: {  	v63 =	vadd.s32 $0x2C, v3;
	s29 =	sor.u32 $0x12300, s5;
	[tilespmem:s14+$0x0] =	vst v11;
	v9 =	vld.idx.msk [tilespmem:v57+s18+$0x0], $0xffff  }
0x6d4: {  	v20 =	vadd.s32 $0x2C, v5;
	s31 =	sor.u32 $0x12100, s8;
	s30 =	sor.u32 s1, s29;
	[tilespmem:s22+$0x0] =	vst v12;
	v12 =	vld.idx.msk [tilespmem:v59+s18+$0x0], $0xffff  }
0x6d5: {  	v22 =	vadd.s32 $0x2C, v6;
	s12 =	sor.u32 s7, s31;
	[tilespmem:s30+$0x0] =	vst v13;
	v14 =	vld.idx.msk [tilespmem:v61+s18+$0x0], $0xffff  }
0x6d6: {  	v23 =	vadd.s32 $0x30, v1;
	s16 =	sor.u32 $0x12100, s10;
	v21 =	vld.idx.msk [tilespmem:v60+s18+$0x0], $0xffff;
	s14 =	sor.u32 s6, s31;
	[tilespmem:s12+$0x0] =	vst v10  }
0x6d7: {  	v24 =	vadd.s32 $0x3A, v2;
	s19 =	sor.u32 s26, s16;
	[tilespmem:s14+$0x0] =	vst v7;
	v15 =	vld.idx.msk [tilespmem:v62+s18+$0x0], $0xffff  }
0x6d8: {  	v25 =	vadd.s32 $0x2D, v4;
	s2 =	sor.u32 s17, s16;
	v8 =	vld.idx.msk [tilespmem:v63+s18+$0x0], $0xffff;
	[tilespmem:s19+$0x0] =	vst v9  }
0x6d9: {  	v26 =	vadd.s32 $0x2D, v3;
	s22 =	sor.u32 s0, s29;
	[tilespmem:s2+$0x0] =	vst v12;
	v11 =	vld.idx.msk [tilespmem:v20+s18+$0x0], $0xffff  }
0x6da: {  	v27 =	vadd.s32 $0x2D, v5;
	s23 =	sor.u32 $0x12180, s8;
	[tilespmem:s22+$0x0] =	vst v14;
	v13 =	vld.idx.msk [tilespmem:v22+s18+$0x0], $0xffff  }
0x6db: {  	v29 =	vadd.s32 $0x2D, v6;
	v28 =	vld.idx.msk [tilespmem:v23+s18+$0x0], $0xffff;
	s24 =	sor.u32 s7, s23;
	[tilespmem:s13+$0x0] =	vst v21  }
0x6dc: {  	v30 =	vadd.s32 $0x30, v0;
	s11 =	sor.u32 s6, s23;
	s25 =	sor.u32 $0x12180, s10;
	v10 =	vld.idx.msk [tilespmem:v24+s18+$0x0], $0xffff;
	[tilespmem:s24+$0x0] =	vst v15  }
0x6dd: {  	v31 =	vadd.s32 $0x31, v1;
	s28 =	sor.u32 s26, s25;
	[tilespmem:s11+$0x0] =	vst v8;
	v7 =	vld.idx.msk [tilespmem:v25+s18+$0x0], $0xffff  }
0x6de: {  	v32 =	vadd.s32 $0x2E, v4;
	s29 =	sadd.s32 $0x12F80, s5;
	s2 =	sor.u32 s17, s25;
	v9 =	vld.idx.msk [tilespmem:v26+s18+$0x0], $0xffff;
	[tilespmem:s28+$0x0] =	vst v11  }
0x6df: {  	v33 =	vadd.s32 $0x2E, v3;
	s30 =	sor.u32 s1, s29;
	[tilespmem:s2+$0x0] =	vst v13;
	v12 =	vld.idx.msk [tilespmem:v27+s18+$0x0], $0xffff  }
0x6e0: {  	v34 =	vadd.s32 $0x2E, v5;
	s31 =	sor.u32 $0x12200, s8;
	[tilespmem:s30+$0x0] =	vst v28;
	v14 =	vld.idx.msk [tilespmem:v29+s18+$0x0], $0xffff  }
0x6e1: {  	v36 =	vadd.s32 $0x2E, v6;
	v35 =	vld.idx.msk [tilespmem:v30+s18+$0x0], $0xffff;
	s12 =	sor.u32 s7, s31;
	[tilespmem:s20+$0x0] =	vst v10  }
0x6e2: {  	v37 =	vadd.s32 $0x3B, v2;
	s14 =	sor.u32 $0x12200, s10;
	v15 =	vld.idx.msk [tilespmem:v31+s18+$0x0], $0xffff;
	s2 =	sor.u32 s6, s31;
	[tilespmem:s12+$0x0] =	vst v7  }
0x6e3: {  	v38 =	vadd.s32 $0x31, v0;
	s16 =	sor.u32 s26, s14;
	[tilespmem:s2+$0x0] =	vst v9;
	v8 =	vld.idx.msk [tilespmem:v32+s18+$0x0], $0xffff  }
0x6e4: {  	v39 =	vadd.s32 $0x2F, v4;
	s13 =	sor.u32 s17, s14;
	v11 =	vld.idx.msk [tilespmem:v33+s18+$0x0], $0xffff;
	[tilespmem:s16+$0x0] =	vst v12  }
0x6e5: {  	v40 =	vadd.s32 $0x2F, v3;
	s19 =	sor.u32 s0, s29;
	s20 =	sor.u32 $0x13000, s5;
	[tilespmem:s13+$0x0] =	vst v14;
	v13 =	vld.idx.msk [tilespmem:v34+s18+$0x0], $0xffff  }
0x6e6: {  	v41 =	vadd.s32 $0x2F, v5;
	s23 =	sor.u32 $0x12280, s8;
	[tilespmem:s19+$0x0] =	vst v35;
	s22 =	sor.u32 s1, s20;
	v10 =	vld.idx.msk [tilespmem:v36+s18+$0x0], $0xffff  }
0x6e7: {  	v43 =	vadd.s32 $0x2F, v6;
	s24 =	sor.u32 s7, s23;
	v42 =	vld.idx.msk [tilespmem:v37+s18+$0x0], $0xffff;
	[tilespmem:s22+$0x0] =	vst v15  }
0x6e8: {  	v44 =	vadd.s32 $0x32, v1;
	s25 =	sor.u32 $0x12280, s10;
	v7 =	vld.idx.msk [tilespmem:v38+s18+$0x0], $0xffff;
	s13 =	sor.u32 s6, s23;
	[tilespmem:s24+$0x0] =	vst v8  }
0x6e9: {  	v45 =	vadd.s32 $0x3C, v2;
	s28 =	sor.u32 s26, s25;
	[tilespmem:s13+$0x0] =	vst v11;
	v9 =	vld.idx.msk [tilespmem:v39+s18+$0x0], $0xffff  }
0x6ea: {  	v46 =	vadd.s32 $0x30, v4;
	s2 =	sor.u32 s17, s25;
	v12 =	vld.idx.msk [tilespmem:v40+s18+$0x0], $0xffff;
	[tilespmem:s28+$0x0] =	vst v13  }
0x6eb: {  	v47 =	vadd.s32 $0x30, v3;
	[tilespmem:s2+$0x0] =	vst v10;
	v13 =	vld.idx.msk [tilespmem:v41+s18+$0x0], $0xffff  }
0x6ec: {  	v48 =	vadd.s32 $0x30, v5;
	s30 =	sor.u32 $0x12300, s8;
	s29 =	sor.u32 s0, s20;
	[tilespmem:s3+$0x0] =	vst v42;
	v15 =	vld.idx.msk [tilespmem:v43+s18+$0x0], $0xffff  }
0x6ed: {  	v50 =	vadd.s32 $0x30, v6;
	s31 =	sor.u32 s7, s30;
	v49 =	vld.idx.msk [tilespmem:v44+s18+$0x0], $0xffff;
	[tilespmem:s29+$0x0] =	vst v7  }
0x6ee: {  	v51 =	vadd.s32 $0x32, v0;
	s11 =	sor.u32 $0x12300, s10;
	s3 =	sor.u32 s6, s30;
	v8 =	vld.idx.msk [tilespmem:v45+s18+$0x0], $0xffff;
	[tilespmem:s31+$0x0] =	vst v9  }
0x6ef: {  	v52 =	vadd.s32 $0x33, v1;
	s12 =	sor.u32 s26, s11;
	[tilespmem:s3+$0x0] =	vst v12;
	v11 =	vld.idx.msk [tilespmem:v46+s18+$0x0], $0xffff  }
0x6f0: {  	v53 =	vadd.s32 $0x31, v4;
	s13 =	sor.u32 $0x13080, s5;
	s2 =	sor.u32 s17, s11;
	v10 =	vld.idx.msk [tilespmem:v47+s18+$0x0], $0xffff;
	[tilespmem:s12+$0x0] =	vst v13  }
0x6f1: {  	v54 =	vadd.s32 $0x31, v3;
	s14 =	sor.u32 s1, s13;
	[tilespmem:s2+$0x0] =	vst v15;
	v14 =	vld.idx.msk [tilespmem:v48+s18+$0x0], $0xffff  }
0x6f2: {  	v55 =	vadd.s32 $0x31, v5;
	s16 =	sadd.s32 $0x12F80, s8;
	[tilespmem:s14+$0x0] =	vst v49;
	v7 =	vld.idx.msk [tilespmem:v50+s18+$0x0], $0xffff  }
0x6f3: {  	v57 =	vadd.s32 $0x31, v6;
	s19 =	sor.u32 s7, s16;
	v56 =	vld.idx.msk [tilespmem:v51+s18+$0x0], $0xffff;
	[tilespmem:s9+$0x0] =	vst v8  }
0x6f4: {  	v58 =	vadd.s32 $0x3D, v2;
	s20 =	sadd.s32 $0x12F80, s10;
	v9 =	vld.idx.msk [tilespmem:v52+s18+$0x0], $0xffff;
	s2 =	sor.u32 s6, s16;
	[tilespmem:s19+$0x0] =	vst v11  }
0x6f5: {  	v59 =	vadd.s32 $0x33, v0;
	s22 =	sor.u32 s26, s20;
	[tilespmem:s2+$0x0] =	vst v10;
	v12 =	vld.idx.msk [tilespmem:v53+s18+$0x0], $0xffff  }
0x6f6: {  	v60 =	vadd.s32 $0x32, v4;
	s9 =	sor.u32 s17, s20;
	v13 =	vld.idx.msk [tilespmem:v54+s18+$0x0], $0xffff;
	[tilespmem:s22+$0x0] =	vst v14  }
0x6f7: {  	v61 =	vadd.s32 $0x32, v3;
	s24 =	sor.u32 $0x13100, s5;
	s23 =	sor.u32 s0, s13;
	[tilespmem:s9+$0x0] =	vst v7;
	v15 =	vld.idx.msk [tilespmem:v55+s18+$0x0], $0xffff  }
0x6f8: {  	v62 =	vadd.s32 $0x32, v5;
	s25 =	sor.u32 s1, s24;
	s28 =	sor.u32 $0x13000, s8;
	[tilespmem:s23+$0x0] =	vst v56;
	v8 =	vld.idx.msk [tilespmem:v57+s18+$0x0], $0xffff  }
0x6f9: {  	v20 =	vadd.s32 $0x32, v6;
	s29 =	sor.u32 s7, s28;
	v63 =	vld.idx.msk [tilespmem:v58+s18+$0x0], $0xffff;
	[tilespmem:s25+$0x0] =	vst v9  }
0x6fa: {  	v21 =	vadd.s32 $0x34, v1;
	s30 =	sor.u32 $0x13000, s10;
	v11 =	vld.idx.msk [tilespmem:v59+s18+$0x0], $0xffff;
	s9 =	sor.u32 s6, s28;
	[tilespmem:s29+$0x0] =	vst v12  }
0x6fb: {  	v22 =	vadd.s32 $0x3E, v2;
	s31 =	sor.u32 s26, s30;
	[tilespmem:s9+$0x0] =	vst v13;
	v10 =	vld.idx.msk [tilespmem:v60+s18+$0x0], $0xffff  }
0x6fc: {  	v23 =	vadd.s32 $0x33, v4;
	s2 =	sor.u32 s17, s30;
	v14 =	vld.idx.msk [tilespmem:v61+s18+$0x0], $0xffff;
	[tilespmem:s31+$0x0] =	vst v15  }
0x6fd: {  	v24 =	vadd.s32 $0x33, v3;
	[tilespmem:s2+$0x0] =	vst v8;
	v7 =	vld.idx.msk [tilespmem:v62+s18+$0x0], $0xffff  }
0x6fe: {  	v25 =	vadd.s32 $0x33, v5;
	s11 =	sor.u32 s0, s24;
	s12 =	sor.u32 $0x13080, s8;
	[tilespmem:s4+$0x0] =	vst v63;
	v9 =	vld.idx.msk [tilespmem:v20+s18+$0x0], $0xffff  }
0x6ff: {  	v27 =	vadd.s32 $0x33, v6;
	s13 =	sor.u32 s7, s12;
	v26 =	vld.idx.msk [tilespmem:v21+s18+$0x0], $0xffff;
	[tilespmem:s11+$0x0] =	vst v11  }
0x700: {  	v28 =	vadd.s32 $0x34, v0;
	s14 =	sor.u32 $0x13080, s10;
	s3 =	sor.u32 s6, s12;
	v12 =	vld.idx.msk [tilespmem:v22+s18+$0x0], $0xffff;
	[tilespmem:s13+$0x0] =	vst v10  }
0x701: {  	v29 =	vadd.s32 $0x35, v1;
	s16 =	sor.u32 s26, s14;
	[tilespmem:s3+$0x0] =	vst v14;
	v13 =	vld.idx.msk [tilespmem:v23+s18+$0x0], $0xffff  }
0x702: {  	v30 =	vadd.s32 $0x34, v4;
	s19 =	sor.u32 $0x13180, s5;
	s2 =	sor.u32 s17, s14;
	v8 =	vld.idx.msk [tilespmem:v24+s18+$0x0], $0xffff;
	[tilespmem:s16+$0x0] =	vst v7  }
0x703: {  	v31 =	vadd.s32 $0x34, v3;
	s20 =	sor.u32 s1, s19;
	[tilespmem:s2+$0x0] =	vst v9;
	v32 =	vld.idx.msk [tilespmem:v25+s18+$0x0], $0xffff  }
0x704: {  	v33 =	vadd.s32 $0x34, v5;
	s22 =	sor.u32 $0x13100, s8;
	[tilespmem:s20+$0x0] =	vst v26;
	v11 =	vld.idx.msk [tilespmem:v27+s18+$0x0], $0xffff  }
0x705: {  	v35 =	vadd.s32 $0x34, v6;
	s23 =	sor.u32 s7, s22;
	v34 =	vld.idx.msk [tilespmem:v28+s18+$0x0], $0xffff;
	[tilespmem:s15+$0x0] =	vst v12  }
0x706: {  	v36 =	vadd.s32 $0x3F, v2;
	s24 =	sor.u32 $0x13100, s10;
	v10 =	vld.idx.msk [tilespmem:v29+s18+$0x0], $0xffff;
	s2 =	sor.u32 s6, s22;
	[tilespmem:s23+$0x0] =	vst v13  }
0x707: {  	v37 =	vadd.s32 $0x35, v0;
	s25 =	sor.u32 s26, s24;
	[tilespmem:s2+$0x0] =	vst v8;
	v7 =	vld.idx.msk [tilespmem:v30+s18+$0x0], $0xffff  }
0x708: {  	v38 =	vadd.s32 $0x35, v4;
	s4 =	sor.u32 s17, s24;
	v9 =	vld.idx.msk [tilespmem:v31+s18+$0x0], $0xffff;
	[tilespmem:s25+$0x0] =	vst v32  }
0x709: {  	v39 =	vadd.s32 $0x35, v3;
	s28 =	sor.u32 s0, s19;
	s29 =	sor.u32 $0x13200, s5;
	[tilespmem:s4+$0x0] =	vst v11;
	v15 =	vld.idx.msk [tilespmem:v33+s18+$0x0], $0xffff  }
0x70a: {  	v40 =	vadd.s32 $0x35, v5;
	s30 =	sor.u32 s1, s29;
	s31 =	sor.u32 $0x13180, s8;
	[tilespmem:s28+$0x0] =	vst v34;
	v12 =	vld.idx.msk [tilespmem:v35+s18+$0x0], $0xffff  }
0x70b: {  	v41 =	vadd.s32 $0x35, v6;
	s9 =	sor.u32 s7, s31;
	v2 =	vld.idx.msk [tilespmem:v36+s18+$0x0], $0xffff;
	[tilespmem:s30+$0x0] =	vst v10  }
0x70c: {  	v42 =	vadd.s32 $0x36, v1;
	s11 =	sor.u32 $0x13180, s10;
	v13 =	vld.idx.msk [tilespmem:v37+s18+$0x0], $0xffff;
	s4 =	sor.u32 s6, s31;
	[tilespmem:s9+$0x0] =	vst v7  }
0x70d: {  	v43 =	vadd.s32 $0x36, v0;
	s12 =	sor.u32 s26, s11;
	[tilespmem:s4+$0x0] =	vst v9;
	v8 =	vld.idx.msk [tilespmem:v38+s18+$0x0], $0xffff  }
0x70e: {  	v44 =	vadd.s32 $0x36, v4;
	s2 =	sor.u32 s17, s11;
	v14 =	vld.idx.msk [tilespmem:v39+s18+$0x0], $0xffff;
	[tilespmem:s12+$0x0] =	vst v15  }
0x70f: {  	v45 =	vadd.s32 $0x36, v3;
	[tilespmem:s2+$0x0] =	vst v12;
	v11 =	vld.idx.msk [tilespmem:v40+s18+$0x0], $0xffff  }
0x710: {  	v46 =	vadd.s32 $0x36, v5;
	s14 =	sor.u32 $0x13200, s8;
	s13 =	sor.u32 s0, s29;
	[tilespmem:s21+$0x0] =	vst v2;
	v10 =	vld.idx.msk [tilespmem:v41+s18+$0x0], $0xffff  }
0x711: {  	v48 =	vadd.s32 $0x36, v6;
	s15 =	sor.u32 s7, s14;
	v47 =	vld.idx.msk [tilespmem:v42+s18+$0x0], $0xffff;
	[tilespmem:s13+$0x0] =	vst v13  }
0x712: {  	v49 =	vadd.s32 $0x37, v1;
	s19 =	sor.u32 $0x13200, s10;
	s16 =	sor.u32 s6, s14;
	v7 =	vld.idx.msk [tilespmem:v43+s18+$0x0], $0xffff;
	[tilespmem:s15+$0x0] =	vst v8  }
0x713: {  	v50 =	vadd.s32 $0x37, v0;
	s20 =	sor.u32 s26, s19;
	[tilespmem:s16+$0x0] =	vst v14;
	v9 =	vld.idx.msk [tilespmem:v44+s18+$0x0], $0xffff  }
0x714: {  	v51 =	vadd.s32 $0x37, v4;
	s3 =	sor.u32 s17, s19;
	s21 =	sor.u32 $0x13280, s5;
	v12 =	vld.idx.msk [tilespmem:v45+s18+$0x0], $0xffff;
	[tilespmem:s20+$0x0] =	vst v11  }
0x715: {  	v52 =	vadd.s32 $0x37, v3;
	s22 =	sor.u32 s1, s21;
	[tilespmem:s3+$0x0] =	vst v10;
	v2 =	vld.idx.msk [tilespmem:v46+s18+$0x0], $0xffff  }
0x716: {  	v53 =	vadd.s32 $0x37, v5;
	s23 =	sor.u32 $0x13280, s8;
	[tilespmem:s22+$0x0] =	vst v47;
	s2 =	sor.u32 s0, s21;
	v13 =	vld.idx.msk [tilespmem:v48+s18+$0x0], $0xffff  }
0x717: {  	v54 =	vadd.s32 $0x37, v6;
	s24 =	sor.u32 s7, s23;
	v15 =	vld.idx.msk [tilespmem:v49+s18+$0x0], $0xffff;
	[tilespmem:s2+$0x0] =	vst v7  }
0x718: {  	v55 =	vadd.s32 $0x38, v1;
	s25 =	sor.u32 $0x13280, s10;
	v8 =	vld.idx.msk [tilespmem:v50+s18+$0x0], $0xffff;
	s3 =	sor.u32 s6, s23;
	[tilespmem:s24+$0x0] =	vst v9  }
0x719: {  	v56 =	vadd.s32 $0x38, v0;
	s28 =	sor.u32 s26, s25;
	[tilespmem:s3+$0x0] =	vst v12;
	v11 =	vld.idx.msk [tilespmem:v51+s18+$0x0], $0xffff  }
0x71a: {  	v57 =	vadd.s32 $0x38, v4;
	s29 =	sor.u32 $0x13300, s5;
	s2 =	sor.u32 s17, s25;
	v10 =	vld.idx.msk [tilespmem:v52+s18+$0x0], $0xffff;
	[tilespmem:s28+$0x0] =	vst v2  }
0x71b: {  	v58 =	vadd.s32 $0x38, v3;
	s30 =	sor.u32 s1, s29;
	[tilespmem:s2+$0x0] =	vst v13;
	v59 =	vld.idx.msk [tilespmem:v53+s18+$0x0], $0xffff  }
0x71c: {  	v60 =	vadd.s32 $0x38, v5;
	s31 =	sor.u32 $0x13300, s8;
	[tilespmem:s30+$0x0] =	vst v15;
	s3 =	sor.u32 s0, s29;
	v7 =	vld.idx.msk [tilespmem:v54+s18+$0x0], $0xffff  }
0x71d: {  	v61 =	vadd.s32 $0x38, v6;
	s4 =	sor.u32 s7, s31;
	v15 =	vld.idx.msk [tilespmem:v55+s18+$0x0], $0xffff;
	[tilespmem:s3+$0x0] =	vst v8  }
0x71e: {  	v62 =	vadd.s32 $0x39, v1;
	s9 =	sor.u32 $0x13300, s10;
	v9 =	vld.idx.msk [tilespmem:v56+s18+$0x0], $0xffff;
	s2 =	sor.u32 s6, s31;
	[tilespmem:s4+$0x0] =	vst v11  }
0x71f: {  	v63 =	vadd.s32 $0x39, v0;
	s11 =	sor.u32 s26, s9;
	[tilespmem:s2+$0x0] =	vst v10;
	v2 =	vld.idx.msk [tilespmem:v57+s18+$0x0], $0xffff  }
0x720: {  	v20 =	vadd.s32 $0x39, v4;
	s12 =	sadd.s32 $0x13F80, s5;
	s3 =	sor.u32 s17, s9;
	v12 =	vld.idx.msk [tilespmem:v58+s18+$0x0], $0xffff;
	[tilespmem:s11+$0x0] =	vst v59  }
0x721: {  	v21 =	vadd.s32 $0x39, v3;
	s13 =	sor.u32 s1, s12;
	[tilespmem:s3+$0x0] =	vst v7;
	v13 =	vld.idx.msk [tilespmem:v60+s18+$0x0], $0xffff  }
0x722: {  	v22 =	vadd.s32 $0x39, v5;
	s14 =	sadd.s32 $0x13F80, s8;
	[tilespmem:s13+$0x0] =	vst v15;
	s2 =	sor.u32 s0, s12;
	v8 =	vld.idx.msk [tilespmem:v61+s18+$0x0], $0xffff  }
0x723: {  	v23 =	vadd.s32 $0x39, v6;
	s15 =	sor.u32 s7, s14;
	v15 =	vld.idx.msk [tilespmem:v62+s18+$0x0], $0xffff;
	[tilespmem:s2+$0x0] =	vst v9  }
0x724: {  	v24 =	vadd.s32 $0x3A, v1;
	s16 =	sadd.s32 $0x13F80, s10;
	v11 =	vld.idx.msk [tilespmem:v63+s18+$0x0], $0xffff;
	s3 =	sor.u32 s6, s14;
	[tilespmem:s15+$0x0] =	vst v2  }
0x725: {  	v25 =	vadd.s32 $0x3A, v0;
	s19 =	sor.u32 s26, s16;
	[tilespmem:s3+$0x0] =	vst v12;
	v10 =	vld.idx.msk [tilespmem:v20+s18+$0x0], $0xffff  }
0x726: {  	v26 =	vadd.s32 $0x3A, v4;
	s20 =	sor.u32 $0x14000, s5;
	s2 =	sor.u32 s17, s16;
	v7 =	vld.idx.msk [tilespmem:v21+s18+$0x0], $0xffff;
	[tilespmem:s19+$0x0] =	vst v13  }
0x727: {  	v27 =	vadd.s32 $0x3A, v3;
	s21 =	sor.u32 s1, s20;
	[tilespmem:s2+$0x0] =	vst v8;
	v13 =	vld.idx.msk [tilespmem:v22+s18+$0x0], $0xffff  }
0x728: {  	v28 =	vadd.s32 $0x3A, v5;
	s22 =	sor.u32 $0x14000, s8;
	[tilespmem:s21+$0x0] =	vst v15;
	s3 =	sor.u32 s0, s20;
	v9 =	vld.idx.msk [tilespmem:v23+s18+$0x0], $0xffff  }
0x729: {  	v29 =	vadd.s32 $0x3A, v6;
	s23 =	sor.u32 s7, s22;
	v15 =	vld.idx.msk [tilespmem:v24+s18+$0x0], $0xffff;
	[tilespmem:s3+$0x0] =	vst v11  }
0x72a: {  	v30 =	vadd.s32 $0x3B, v1;
	s24 =	sor.u32 $0x14000, s10;
	v2 =	vld.idx.msk [tilespmem:v25+s18+$0x0], $0xffff;
	s2 =	sor.u32 s6, s22;
	[tilespmem:s23+$0x0] =	vst v10  }
0x72b: {  	v31 =	vadd.s32 $0x3B, v0;
	s25 =	sor.u32 s26, s24;
	[tilespmem:s2+$0x0] =	vst v7;
	v12 =	vld.idx.msk [tilespmem:v26+s18+$0x0], $0xffff  }
0x72c: {  	v32 =	vadd.s32 $0x3B, v4;
	s28 =	sor.u32 $0x14080, s5;
	s3 =	sor.u32 s17, s24;
	v8 =	vld.idx.msk [tilespmem:v27+s18+$0x0], $0xffff;
	[tilespmem:s25+$0x0] =	vst v13  }
0x72d: {  	v33 =	vadd.s32 $0x3B, v3;
	s29 =	sor.u32 s1, s28;
	[tilespmem:s3+$0x0] =	vst v9;
	v13 =	vld.idx.msk [tilespmem:v28+s18+$0x0], $0xffff  }
0x72e: {  	v34 =	vadd.s32 $0x3B, v5;
	s30 =	sor.u32 $0x14080, s8;
	[tilespmem:s29+$0x0] =	vst v15;
	s2 =	sor.u32 s0, s28;
	v11 =	vld.idx.msk [tilespmem:v29+s18+$0x0], $0xffff  }
0x72f: {  	v35 =	vadd.s32 $0x3B, v6;
	s31 =	sor.u32 s7, s30;
	v15 =	vld.idx.msk [tilespmem:v30+s18+$0x0], $0xffff;
	[tilespmem:s2+$0x0] =	vst v2  }
0x730: {  	v36 =	vadd.s32 $0x3C, v1;
	s4 =	sor.u32 $0x14080, s10;
	v10 =	vld.idx.msk [tilespmem:v31+s18+$0x0], $0xffff;
	s3 =	sor.u32 s6, s30;
	[tilespmem:s31+$0x0] =	vst v12  }
0x731: {  	v37 =	vadd.s32 $0x3C, v0;
	s9 =	sor.u32 s26, s4;
	[tilespmem:s3+$0x0] =	vst v8;
	v7 =	vld.idx.msk [tilespmem:v32+s18+$0x0], $0xffff  }
0x732: {  	v38 =	vadd.s32 $0x3C, v4;
	s11 =	sor.u32 $0x14100, s5;
	s2 =	sor.u32 s17, s4;
	v9 =	vld.idx.msk [tilespmem:v33+s18+$0x0], $0xffff;
	[tilespmem:s9+$0x0] =	vst v13  }
0x733: {  	v39 =	vadd.s32 $0x3C, v3;
	s12 =	sor.u32 s1, s11;
	[tilespmem:s2+$0x0] =	vst v11;
	v13 =	vld.idx.msk [tilespmem:v34+s18+$0x0], $0xffff  }
0x734: {  	v40 =	vadd.s32 $0x3C, v5;
	s13 =	sor.u32 $0x14100, s8;
	[tilespmem:s12+$0x0] =	vst v15;
	s3 =	sor.u32 s0, s11;
	v2 =	vld.idx.msk [tilespmem:v35+s18+$0x0], $0xffff  }
0x735: {  	v41 =	vadd.s32 $0x3C, v6;
	s14 =	sor.u32 s7, s13;
	v15 =	vld.idx.msk [tilespmem:v36+s18+$0x0], $0xffff;
	[tilespmem:s3+$0x0] =	vst v10  }
0x736: {  	v42 =	vadd.s32 $0x3D, v1;
	s15 =	sor.u32 $0x14100, s10;
	v12 =	vld.idx.msk [tilespmem:v37+s18+$0x0], $0xffff;
	s2 =	sor.u32 s6, s13;
	[tilespmem:s14+$0x0] =	vst v7  }
0x737: {  	v43 =	vadd.s32 $0x3D, v0;
	s16 =	sor.u32 s26, s15;
	[tilespmem:s2+$0x0] =	vst v9;
	v8 =	vld.idx.msk [tilespmem:v38+s18+$0x0], $0xffff  }
0x738: {  	v44 =	vadd.s32 $0x3D, v4;
	s19 =	sor.u32 $0x14180, s5;
	s3 =	sor.u32 s17, s15;
	v11 =	vld.idx.msk [tilespmem:v39+s18+$0x0], $0xffff;
	[tilespmem:s16+$0x0] =	vst v13  }
0x739: {  	v45 =	vadd.s32 $0x3D, v3;
	s20 =	sor.u32 s1, s19;
	[tilespmem:s3+$0x0] =	vst v2;
	v13 =	vld.idx.msk [tilespmem:v40+s18+$0x0], $0xffff  }
0x73a: {  	v46 =	vadd.s32 $0x3D, v5;
	s21 =	sor.u32 $0x14180, s8;
	[tilespmem:s20+$0x0] =	vst v15;
	s2 =	sor.u32 s0, s19;
	v10 =	vld.idx.msk [tilespmem:v41+s18+$0x0], $0xffff  }
0x73b: {  	v47 =	vadd.s32 $0x3D, v6;
	s22 =	sor.u32 s7, s21;
	v15 =	vld.idx.msk [tilespmem:v42+s18+$0x0], $0xffff;
	[tilespmem:s2+$0x0] =	vst v12  }
0x73c: {  	v48 =	vadd.s32 $0x3E, v1;
	s23 =	sor.u32 $0x14180, s10;
	v7 =	vld.idx.msk [tilespmem:v43+s18+$0x0], $0xffff;
	s3 =	sor.u32 s6, s21;
	[tilespmem:s22+$0x0] =	vst v8  }
0x73d: {  	v49 =	vadd.s32 $0x3E, v0;
	s24 =	sor.u32 s26, s23;
	[tilespmem:s3+$0x0] =	vst v11;
	v9 =	vld.idx.msk [tilespmem:v44+s18+$0x0], $0xffff  }
0x73e: {  	v50 =	vadd.s32 $0x3E, v4;
	s25 =	sor.u32 $0x14200, s5;
	s2 =	sor.u32 s17, s23;
	v2 =	vld.idx.msk [tilespmem:v45+s18+$0x0], $0xffff;
	[tilespmem:s24+$0x0] =	vst v13  }
0x73f: {  	v51 =	vadd.s32 $0x3E, v3;
	s28 =	sor.u32 s1, s25;
	[tilespmem:s2+$0x0] =	vst v10;
	v13 =	vld.idx.msk [tilespmem:v46+s18+$0x0], $0xffff  }
0x740: {  	v52 =	vadd.s32 $0x3E, v5;
	s30 =	sor.u32 $0x14200, s8;
	s29 =	sor.u32 s0, s25;
	[tilespmem:s28+$0x0] =	vst v15;
	v12 =	vld.idx.msk [tilespmem:v47+s18+$0x0], $0xffff  }
0x741: {  	v53 =	vadd.s32 $0x3E, v6;
	s31 =	sor.u32 s7, s30;
	v15 =	vld.idx.msk [tilespmem:v48+s18+$0x0], $0xffff;
	[tilespmem:s29+$0x0] =	vst v7  }
0x742: {  	v54 =	vadd.s32 $0x3F, v1;
	s4 =	sor.u32 s6, s30;
	s9 =	sor.u32 $0x14200, s10;
	v8 =	vld.idx.msk [tilespmem:v49+s18+$0x0], $0xffff;
	[tilespmem:s31+$0x0] =	vst v9  }
0x743: {  	v55 =	vadd.s32 $0x3F, v0;
	s11 =	sor.u32 s26, s9;
	[tilespmem:s4+$0x0] =	vst v2;
	v9 =	vld.idx.msk [tilespmem:v50+s18+$0x0], $0xffff  }
0x744: {  	v56 =	vadd.s32 $0x3F, v4;
	s12 =	sor.u32 $0x14280, s5;
	s3 =	sor.u32 s17, s9;
	v57 =	vld.idx.msk [tilespmem:v51+s18+$0x0], $0xffff;
	[tilespmem:s11+$0x0] =	vst v13  }
0x745: {  	v58 =	vadd.s32 $0x3F, v3;
	s13 =	sor.u32 s1, s12;
	[tilespmem:s3+$0x0] =	vst v12;
	v59 =	vld.idx.msk [tilespmem:v52+s18+$0x0], $0xffff  }
0x746: {  	v60 =	vadd.s32 $0x3F, v5;
	s14 =	sor.u32 $0x14280, s8;
	[tilespmem:s13+$0x0] =	vst v15;
	s2 =	sor.u32 s0, s12;
	v7 =	vld.idx.msk [tilespmem:v53+s18+$0x0], $0xffff  }
0x747: {  	v61 =	vadd.s32 $0x3F, v6;
	s15 =	sor.u32 s7, s14;
	v1 =	vld.idx.msk [tilespmem:v54+s18+$0x0], $0xffff;
	[tilespmem:s2+$0x0] =	vst v8  }
0x748: {  	s16 =	sor.u32 $0x14280, s10;
	v0 =	vld.idx.msk [tilespmem:v55+s18+$0x0], $0xffff;
	s3 =	sor.u32 s6, s14;
	[tilespmem:s15+$0x0] =	vst v9  }
0x749: {  	s19 =	sor.u32 s26, s16;
	[tilespmem:s3+$0x0] =	vst v57;
	v2 =	vld.idx.msk [tilespmem:v56+s18+$0x0], $0xffff  }
0x74a: {  	s20 =	sor.u32 $0x14300, s5;
	s2 =	sor.u32 s17, s16;
	v3 =	vld.idx.msk [tilespmem:v58+s18+$0x0], $0xffff;
	[tilespmem:s19+$0x0] =	vst v59  }
0x74b: {  	s21 =	sor.u32 s1, s20;
	[tilespmem:s2+$0x0] =	vst v7;
	v62 =	vld.idx.msk [tilespmem:v60+s18+$0x0], $0xffff  }
0x74c: {  	s23 =	sor.u32 $0x14300, s8;
	s22 =	sor.u32 s0, s20;
	[tilespmem:s21+$0x0] =	vst v1;
	v63 =	vld.idx.msk [tilespmem:v61+s18+$0x0], $0xffff  }
0x74d: {  	s24 =	sor.u32 s7, s23;
	[tilespmem:s22+$0x0] =	vst v0  }
0x74e: {  	s25 =	sor.u32 $0x14300, s10;
	s1 =	sor.u32 s6, s23;
	[tilespmem:s24+$0x0] =	vst v2  }
0x74f: {  	s26 =	sor.u32 s26, s25;
	s2 =	rddreg [dreg:$0xe];
	[tilespmem:s1+$0x0] =	vst v3  }
0x750: {  	s0 =	sor.u32 s17, s25;
	s1 =	rddreg [dreg:$0xf];
	[tilespmem:s26+$0x0] =	vst v62  }
0x751: {  	[tilespmem:s0+$0x0] =	vst v63  }
0x752: {  	s4 =	rddreg [dreg:$0xd]  }
0x753: {  	s4 =	sadd.s32 $0x1, s4  }
0x754: {  	p0 =	sne.s32 s4, $0x32  }
.Ltmp5:
0x755: {  	s2 =	sshll.u32 s2, $0x14;
	(pc) =	sbr.rel @p0 .LBB2_2-.Ltmp5, $4  }
0x756: {  	s1 =	sadd.s32 s2, s1  }
0x757: {  	s30 =	simm.s32 $0x20000;
	s28 =	rddreg [dreg:$0x2];
	s1 =	sshrl.u32 s1, $0x3  }
0x758: {  	s29 =	simm.s32 $0x1000;
	s31 =	simm.s32 $0xCF80;
	s0 =	sadd.s32 s28, s1  }
0x759: {  	[hbm4b:s0+s29] =	stream.strided.scatter [tilespmem:s31], [sflag:$0x2], $0x8000, s30, s29, $0x38;
	[tilespmem:$0x14F80] =	vst v63  }
0x75a: {  	s0 =	simm.s32 $0x3  }
0x75b: {  	_ =	swait.ge [sflag:s0], $0x200  }
0x75c: {  	[sflag:s0] =	ssyncset.done $0x0  }
0x75d: {  	s30 =	simm.s32 $0x1;
	[sflag:s0] =	ssyncadd.s32 $0xFFFFFE00  }
0x75e: {  	_ =	swait.ge [sflag:s30], $0x8000  }
0x75f: {  	[sflag:s30] =	ssyncset.done $0x0  }
0x760: {  	s1 =	simm.s32 $0x2;
	[sflag:s30] =	ssyncadd.s32 $0xFFFF8000  }
0x761: {  	_ =	swait.ge [sflag:s1], $0x8000  }
0x762: {  	s2 =	rddreg [dreg:$0xc]  }
0x763: {  	s31 =	rddreg [dreg:$0xb];
	s2 =	sadd.s32 $0x1, s2  }
0x764: {  	p0 =	sne.s32 s2, s31  }
.Ltmp6:
0x765: {  	_ = 	snop;
	(pc) =	sbr.rel @p0 .LBB2_1-.Ltmp6, $3  }
0x766: {  	_ =	sdelay $0x1  }
0x767: {  	[sflag:s1] =	ssyncset.done $0x0  }
0x768: {  	[sflag:s1] =	ssyncadd.s32 $0xFFFF8000  }
0x769: {  	_ =	sfence.sel $0x180000  }
0x76a: {  	[bflag:$0x0] =	sbarrier.arrive $0xFFFF  }
0x76b: {  	_ =	strace $0x90000047  }
0x76c: {  	s0 =	stileid.u32;
	[bflag:$0x2] =	sbarrier.arrive $0xFFFF  }
0x76d: {  	p0 =	sne.s32 s0, $0x0;
	s0 =	rddreg [dreg:$0x3]  }
0x76e: {  	s0 =	sadd.s32 @!p0 $0x100000, s0  }
0x76f: {  	[sflag:s0] =	ssyncadd.tile.s32 @!p0 $0x1;
	_ =	shalt  }
.Lfunc_end2:
_tile_overlayer_lowered:
.L_overlay_start_2:
0x770: {  	(tag) =	ssettag $0x2  }
0x771: {  	s0 =	rddreg [dreg:$0x0];
	s2 =	stileid.u32  }
0x772: {  	s1 =	rddreg [dreg:$0x1];
	p0 =	sne.s32 s2, $0x0  }
0x773: {  	s3 =	rddreg [dreg:$0x2];
	[bflag:$0x3] =	sbarrier.arrive $0xFFFF;
	s2 =	simm.s32 @!p0 $0x1C05  }
0x774: {  	[timem:s3], [sflag:s2] =	dma.local @!p0 [hbm:s0], s1  }
0x775: {  	s0 =	simm.s32 @!p0 $0x5  }
0x776: {  	_ =	swait.ge @!p0 [sflag:s0], s1  }
0x777: {  	s1 =	ssub.s32 @!p0 $0x0, s1;
	[sflag:s0] =	ssyncset.done @!p0 $0x0  }
0x778: {  	[sflag:s0] =	ssyncadd.s32 @!p0 s1  }
0x779: {  	[bflag:$0x3] =	sbarrier.arrive $0xFFFF  }
0x77a: {  	_ =	shalt  }

</sc_bundles>
